<compile_context>
chip_gen: v7x
topology: tpu7x:2x2x1
jax: 0.10.2.dev20260603
libtpu: 0.0.44.dev20260713+nightly
codegen_flags: <defaults>
</compile_context>

<pallas_src>
import functools

import jax
import jax.numpy as jnp
from jax import lax
from jax.experimental import pallas as pl
from jax.experimental.pallas import tpu as pltpu
from jax.experimental.pallas import tpu_sc as plsc

N = 10000
E = 160000
N_PAD = 10240
NUM_CORES = 2
NUM_SUBCORES = 16
NW = NUM_CORES * NUM_SUBCORES
CHUNK = 80
NCHUNK = 64
EPW = NCHUNK * CHUNK
E_PAD = NW * EPW
NPAIR = NCHUNK // 2
GC = 8
NGROUP = NCHUNK // GC
ROWS_PER_TILE = N_PAD // NUM_SUBCORES


@functools.cache
def _make_agg(H: int):
    mesh = plsc.VectorSubcoreMesh(core_axis_name="c", subcore_axis_name="s")

    @functools.partial(
        pl.kernel,
        out_type=jax.ShapeDtypeStruct((NUM_CORES, N_PAD, H), jnp.float32),
        mesh=mesh,
        compiler_params=pltpu.CompilerParams(use_tc_tiling_on_sc=True),
        scratch_types=[
            [pltpu.VMEM((GC, CHUNK), jnp.int32)] * 2,
            [pltpu.VMEM((GC, CHUNK), jnp.int32)] * 2,
            [pltpu.VMEM((CHUNK, H), jnp.float32)] * 4,
            [pltpu.SemaphoreType.DMA] * 4,
            [pltpu.SemaphoreType.DMA] * 4,
            [pltpu.SemaphoreType.DMA] * 4,
            pltpu.VMEM_SHARED((N_PAD, H), jnp.float32),
        ],
    )
    def agg(hw_hbm, edges_hbm, zeros_hbm, out_hbm,
            isrc, idst, gb, gsem, ssem, isem, acc):
        cid = lax.axis_index("c")
        sid = lax.axis_index("s")
        wid = cid * NUM_SUBCORES + sid
        base = sid * ROWS_PER_TILE
        pltpu.sync_copy(zeros_hbm, acc.at[pl.ds(base, ROWS_PER_TILE)])

        def idx_fetch(g, b):
            return (
                pltpu.make_async_copy(
                    edges_hbm.at[0, wid, pl.ds(g * GC, GC)],
                    isrc[b], isem[2 * b]),
                pltpu.make_async_copy(
                    edges_hbm.at[1, wid, pl.ds(g * GC, GC)],
                    idst[b], isem[2 * b + 1]),
            )

        def gather(b, row, s):
            return pltpu.make_async_copy(hw_hbm.at[idst[b].at[row]], gb[s],
                                         gsem[s])

        def scatter(b, row, s):
            return pltpu.make_async_copy(gb[s], acc.at[isrc[b].at[row]],
                                         ssem[s])

        plsc.subcore_barrier()

        for d in idx_fetch(0, 0):
            d.start()

        def round_(r, t, gg):
            p = t % 2
            g0, g1 = 2 * p, 2 * p + 1
            s0, s1 = 2 - 2 * p, 3 - 2 * p
            b = 0 if t < 4 else 1
            rows = (2 * (t % 4), 2 * (t % 4) + 1)
            pb = 0 if (t - 1) % 8 < 4 else 1
            prows = (2 * ((t - 1) % 4), 2 * ((t - 1) % 4) + 1)
            db = 0 if (t - 2) % 8 < 4 else 1
            drows = (2 * ((t - 2) % 4), 2 * ((t - 2) % 4) + 1)

            @pl.when(r >= 2)
            def _():
                scatter(db, drows[0], g0).wait()
                scatter(db, drows[1], g1).wait()

            if t == 0:
                idx_fetch(2 * gg, 0)[0].wait()
                idx_fetch(2 * gg, 0)[1].wait()
            if t == 4:
                idx_fetch(2 * gg + 1, 1)[0].wait()
                idx_fetch(2 * gg + 1, 1)[1].wait()

            if t == 2:
                for d in idx_fetch(2 * gg + 1, 1):
                    d.start()
            if t == 6:
                @pl.when(2 * gg + 2 < NGROUP)
                def _():
                    for d in idx_fetch(2 * gg + 2, 0):
                        d.start()

            gather(b, rows[0], g0).start()
            gather(b, rows[1], g1).start()

            @pl.when(r >= 1)
            def _():
                gather(pb, prows[0], s0).wait()
                scatter(pb, prows[0], s0).start(add=True)
                gather(pb, prows[1], s1).wait()
                scatter(pb, prows[1], s1).start(add=True)

        def body(gg, carry):
            for t in range(8):
                round_(8 * gg + t, t, gg)
            return carry

        lax.fori_loop(0, NPAIR // 8, body, 0)
        scatter(1, 4, 0).wait()
        scatter(1, 5, 1).wait()
        gather(1, 6, 2).wait()
        scatter(1, 6, 2).start(add=True)
        gather(1, 7, 3).wait()
        scatter(1, 7, 3).start(add=True)
        scatter(1, 6, 2).wait()
        scatter(1, 7, 3).wait()

        plsc.subcore_barrier()
        pltpu.sync_copy(acc.at[pl.ds(base, ROWS_PER_TILE)],
                        out_hbm.at[cid, pl.ds(base, ROWS_PER_TILE)])

    return agg


_BM = 2000


def _mm_body(x_ref, w_ref, o_ref):
    o_ref[...] = jnp.dot(x_ref[...], w_ref[...],
                         preferred_element_type=jnp.float32)


def _mm(x, W):
    M, K = x.shape
    H = W.shape[1]
    return pl.pallas_call(
        _mm_body,
        grid=(M // _BM,),
        in_specs=[pl.BlockSpec((_BM, K), lambda i: (i, 0)),
                  pl.BlockSpec((K, H), lambda i: (0, 0))],
        out_specs=pl.BlockSpec((_BM, H), lambda i: (i, 0)),
        out_shape=jax.ShapeDtypeStruct((M, H), jnp.float32),
    )(x, W)


def _elu(z):
    return jnp.where(z > 0, z, jnp.exp(z) - 1.0)


def _elu_mm_body(zp_ref, w_ref, o_ref):
    h = _elu(zp_ref[0] + zp_ref[1])
    o_ref[...] = jnp.dot(h, w_ref[...], preferred_element_type=jnp.float32)


def _elu_mm(zp, W):
    K = zp.shape[2]
    H = W.shape[1]
    return pl.pallas_call(
        _elu_mm_body,
        grid=(N // _BM,),
        in_specs=[pl.BlockSpec((NUM_CORES, _BM, K), lambda i: (0, i, 0)),
                  pl.BlockSpec((K, H), lambda i: (0, 0))],
        out_specs=pl.BlockSpec((_BM, H), lambda i: (i, 0)),
        out_shape=jax.ShapeDtypeStruct((N, H), jnp.float32),
    )(zp, W)


def _final_body(zp_ref, o_ref):
    nc = o_ref.shape[1]
    h = _elu(zp_ref[0, :, :nc] + zp_ref[1, :, :nc])
    m = jnp.max(h, axis=1, keepdims=True)
    lse = m + jnp.log(jnp.sum(jnp.exp(h - m), axis=1, keepdims=True))
    o_ref[...] = h - lse


def _final(zp, nc):
    C = zp.shape[2]
    return pl.pallas_call(
        _final_body,
        grid=(N // _BM,),
        in_specs=[pl.BlockSpec((NUM_CORES, _BM, C), lambda i: (0, i, 0))],
        out_specs=pl.BlockSpec((_BM, nc), lambda i: (i, 0)),
        out_shape=jax.ShapeDtypeStruct((N, nc), jnp.float32),
    )(zp)


def kernel(features, edge_index, W0, W1, W2):
    npad = E_PAD - E
    ar = jnp.arange(npad, dtype=jnp.int32)
    dummies = jnp.stack([N + ar % (N_PAD - N), ar % N])
    edges = jnp.concatenate(
        [edge_index.astype(jnp.int32), dummies], axis=1
    ).reshape(2, NW, NCHUNK, CHUNK)
    z128 = jnp.zeros((ROWS_PER_TILE, 128), jnp.float32)
    W2p = jnp.pad(W2, ((0, 0), (0, 128 - W2.shape[1])))

    hw = _mm(features, W0)
    zp = _make_agg(128)(hw, edges, z128)
    hw = _elu_mm(zp, W1)
    zp = _make_agg(128)(hw, edges, z128)
    hw = _elu_mm(zp, W2p)
    zp = _make_agg(128)(hw, edges, z128)
    return _final(zp, W2.shape[1])

# --- scband reference (transcript-rebuilt; emitter-appended) ---
"""Pipeline reference for scband-tensplit-gat-26061861552525 (READ-ONLY COPY).

The authoritative reference and input builder live on the scoring server;
editing this copy changes nothing except your own understanding.
"""

import jax, jax.numpy as jnp
import numpy as np

N = 10000
E = 160000
IN_DIM = 256
HIDDEN = 128
NUM_CLASSES = 64


def setup_inputs(seed: int = 0) -> dict:
    key = jax.random.key(seed)
    k1, k2, k3, k4, k5 = jax.random.split(key, 5)
    features = jax.random.normal(k1, (N, IN_DIM), dtype=jnp.float32)
    edge_index = jax.random.randint(k2, (2, E), 0, N, dtype=jnp.int64)
    # weights match torch.rand init (uniform [0,1)) of the original module
    W0 = jax.random.uniform(k3, (IN_DIM, HIDDEN), dtype=jnp.float32)
    W1 = jax.random.uniform(k4, (HIDDEN, HIDDEN), dtype=jnp.float32)
    W2 = jax.random.uniform(k5, (HIDDEN, NUM_CLASSES), dtype=jnp.float32)
    return {"features": features, "edge_index": edge_index, "W0": W0, "W1": W1, "W2": W2}


def reference(features, edge_index, W0, W1, W2):
    # Single-device (world_size=1) semantics: split()/gather() are identity.
    # First forward pass: hidden_features is None, so attention is the raw
    # adjacency with all-ones values (no softmax, attention weights unused).
    # spmm(A, X): out[row] += X[col] for each edge (row, col).
    src = edge_index[0]
    dst = edge_index[1]
    h = features
    for W in (W0, W1, W2):
        hw = jnp.dot(h, W)  # DistNNLayer: mm
        z = jnp.zeros_like(hw).at[src].add(jnp.take(hw, dst, axis=0))  # DistGraphLayer: spmm
        h = jax.nn.elu(z)
    return jax.nn.log_softmax(h, axis=1)

if __name__ == "__main__":
    import jax
    _d = setup_inputs()
    print(jax.jit(kernel)(*tuple(_d.values())))

</pallas_src>

<mosaic_0001>
#map = affine_map<(d0, d1) -> (0, 0)>
#map1 = affine_map<(d0, d1) -> (0, 0, 0, 0)>
#map2 = affine_map<(d0, d1) -> (0, 0, 0)>
module attributes {stable_mosaic.version = 14 : i64} {
  func.func @agg(%arg0: i32, %arg1: i32, %arg2: memref<10000x128xf32, #tpu.memory_space<hbm>>, %arg3: memref<2x32x64x80xi32, #tpu.memory_space<hbm>>, %arg4: memref<640x128xf32, #tpu.memory_space<hbm>>, %arg5: memref<2x10240x128xf32, #tpu.memory_space<hbm>>, %arg6: memref<8x80xi32, #tpu.memory_space<vmem>>, %arg7: memref<8x80xi32, #tpu.memory_space<vmem>>, %arg8: memref<8x80xi32, #tpu.memory_space<vmem>>, %arg9: memref<8x80xi32, #tpu.memory_space<vmem>>, %arg10: memref<80x128xf32, #tpu.memory_space<vmem>>, %arg11: memref<80x128xf32, #tpu.memory_space<vmem>>, %arg12: memref<80x128xf32, #tpu.memory_space<vmem>>, %arg13: memref<80x128xf32, #tpu.memory_space<vmem>>, %arg14: memref<!tpu.dma_semaphore, #tpu.memory_space<semaphore_mem>>, %arg15: memref<!tpu.dma_semaphore, #tpu.memory_space<semaphore_mem>>, %arg16: memref<!tpu.dma_semaphore, #tpu.memory_space<semaphore_mem>>, %arg17: memref<!tpu.dma_semaphore, #tpu.memory_space<semaphore_mem>>, %arg18: memref<!tpu.dma_semaphore, #tpu.memory_space<semaphore_mem>>, %arg19: memref<!tpu.dma_semaphore, #tpu.memory_space<semaphore_mem>>, %arg20: memref<!tpu.dma_semaphore, #tpu.memory_space<semaphore_mem>>, %arg21: memref<!tpu.dma_semaphore, #tpu.memory_space<semaphore_mem>>, %arg22: memref<!tpu.dma_semaphore, #tpu.memory_space<semaphore_mem>>, %arg23: memref<!tpu.dma_semaphore, #tpu.memory_space<semaphore_mem>>, %arg24: memref<!tpu.dma_semaphore, #tpu.memory_space<semaphore_mem>>, %arg25: memref<!tpu.dma_semaphore, #tpu.memory_space<semaphore_mem>>, %arg26: memref<10240x128xf32, #tpu.memory_space<vmem_shared>>) attributes {dimension_semantics = [#tpu.dimension_semantics<core_parallel>, #tpu.dimension_semantics<subcore_parallel>], iteration_bounds = array<i64: 2, 16>, scalar_prefetch = 0 : i64, scratch_operands = 21 : i64, tpu.core_type = #tpu.core_type<sc_vector_subcore>, window_params = [{transform_indices = #map}, {transform_indices = #map1}, {transform_indices = #map}, {transform_indices = #map2}]} {
    %mul3A = arith.constant 16 : i32
    %mul3A_0 = arith.muli %arg0, %mul3A : i32
    %add3A = arith.addi %mul3A_0, %arg1 : i32
    %mul3A_1 = arith.constant 640 : i32
    %mul3A_2 = arith.muli %arg1, %mul3A_1 : i32
    "tpu.region"() ({
      %run_scoped3A = tpu.sem_alloc : memref<!tpu.dma_semaphore, #tpu.memory_space<semaphore_mem>>
      %dma_start3A_81 = arith.constant 0 : i32
      %dma_start3A_82 = tpu.memref_slice %arg26[%mul3A_2, %dma_start3A_81] : memref<10240x128xf32, #tpu.memory_space<vmem_shared>> -> memref<640x128xf32, #tpu.memory_space<vmem_shared>>
      tpu.enqueue_dma source(%arg4 : memref<640x128xf32, #tpu.memory_space<hbm>>) target(%dma_start3A_82 : memref<640x128xf32, #tpu.memory_space<vmem_shared>>) target_semaphore(%run_scoped3A : memref<!tpu.dma_semaphore, #tpu.memory_space<semaphore_mem>>)
      %dma_wait3A_83 = arith.constant 0 : i32
      %dma_wait3A_84 = tpu.memref_slice %arg26[%mul3A_2, %dma_wait3A_83] : memref<10240x128xf32, #tpu.memory_space<vmem_shared>> -> memref<640x128xf32, #tpu.memory_space<vmem_shared>>
      tpu.wait_dma2 semaphore(%run_scoped3A : memref<!tpu.dma_semaphore, #tpu.memory_space<semaphore_mem>>) src(%arg4 : memref<640x128xf32, #tpu.memory_space<hbm>>) dst(%dma_wait3A_84 : memref<640x128xf32, #tpu.memory_space<vmem_shared>>)
      tpu.yield
    }) : () -> ()
    %barrier3A = arith.constant 0 : index
    tpu.barrier barrier_id(%barrier3A)
    %dma_start3A = arith.constant 0 : i32
    %dma_start3A_3 = arith.constant 0 : i32
    %dma_start3A_4 = arith.constant 0 : i32
    %dma_start3A_5 = tpu.memref_slice %arg3[%dma_start3A, %add3A, %dma_start3A_3, %dma_start3A_4] : memref<2x32x64x80xi32, #tpu.memory_space<hbm>> -> memref<1x1x8x80xi32, #tpu.memory_space<hbm>>
    %dma_start3A_6 = tpu.memref_squeeze %dma_start3A_5 : memref<1x1x8x80xi32, #tpu.memory_space<hbm>> -> memref<8x80xi32, #tpu.memory_space<hbm>>
    %dma_start3A_7 = arith.constant 0 : i32
    %dma_start3A_8 = arith.constant 0 : i32
    %dma_start3A_9 = tpu.memref_slice %arg3[%dma_start3A, %add3A, %dma_start3A_7, %dma_start3A_8] : memref<2x32x64x80xi32, #tpu.memory_space<hbm>> -> memref<1x1x8x80xi32, #tpu.memory_space<hbm>>
    %dma_start3A_10 = tpu.memref_squeeze %dma_start3A_9 : memref<1x1x8x80xi32, #tpu.memory_space<hbm>> -> memref<8x80xi32, #tpu.memory_space<hbm>>
    tpu.enqueue_dma source(%dma_start3A_10 : memref<8x80xi32, #tpu.memory_space<hbm>>) target(%arg6 : memref<8x80xi32, #tpu.memory_space<vmem>>) target_semaphore(%arg22 : memref<!tpu.dma_semaphore, #tpu.memory_space<semaphore_mem>>)
    %dma_start3A_11 = arith.constant 1 : i32
    %dma_start3A_12 = arith.constant 0 : i32
    %dma_start3A_13 = arith.constant 0 : i32
    %dma_start3A_14 = tpu.memref_slice %arg3[%dma_start3A_11, %add3A, %dma_start3A_12, %dma_start3A_13] : memref<2x32x64x80xi32, #tpu.memory_space<hbm>> -> memref<1x1x8x80xi32, #tpu.memory_space<hbm>>
    %dma_start3A_15 = tpu.memref_squeeze %dma_start3A_14 : memref<1x1x8x80xi32, #tpu.memory_space<hbm>> -> memref<8x80xi32, #tpu.memory_space<hbm>>
    %dma_start3A_16 = arith.constant 0 : i32
    %dma_start3A_17 = arith.constant 0 : i32
    %dma_start3A_18 = tpu.memref_slice %arg3[%dma_start3A_11, %add3A, %dma_start3A_16, %dma_start3A_17] : memref<2x32x64x80xi32, #tpu.memory_space<hbm>> -> memref<1x1x8x80xi32, #tpu.memory_space<hbm>>
    %dma_start3A_19 = tpu.memref_squeeze %dma_start3A_18 : memref<1x1x8x80xi32, #tpu.memory_space<hbm>> -> memref<8x80xi32, #tpu.memory_space<hbm>>
    tpu.enqueue_dma source(%dma_start3A_19 : memref<8x80xi32, #tpu.memory_space<hbm>>) target(%arg8 : memref<8x80xi32, #tpu.memory_space<vmem>>) target_semaphore(%arg23 : memref<!tpu.dma_semaphore, #tpu.memory_space<semaphore_mem>>)
    %scan3A = arith.constant 0 : i32
    %scan3A_20 = arith.constant 0 : i32
    %scan3A_21 = arith.constant 4 : i32
    %scan3A_22 = arith.addi %scan3A_20, %scan3A_21 : i32
    %scan3A_23 = arith.constant 1 : i32
    scf.for %scan3A_81 = %scan3A_20 to %scan3A_22 step %scan3A_23  : i32 {
      %mul3A_82 = arith.constant 8 : i32
      %mul3A_83 = arith.muli %mul3A_82, %scan3A_81 : i32
      %add3A_84 = arith.constant 0 : i32
      %add3A_85 = arith.addi %mul3A_83, %add3A_84 : i32
      %ge3A = arith.constant 2 : i32
      %ge3A_86 = arith.cmpi sge, %add3A_85, %ge3A : i32
      %convert_element_type3A = arith.extui %ge3A_86 : i1 to i32
      %cond3A = arith.constant 0 : i32
      %cond3A_87 = arith.cmpi ne, %convert_element_type3A, %cond3A : i32
      scf.if %cond3A_87 {
        %dma_wait3A_389 = arith.constant 4 : i32
        %dma_wait3A_390 = arith.constant 0 : i32
        %dma_wait3A_391 = tpu.memref_slice %arg7[%dma_wait3A_389, %dma_wait3A_390] : memref<8x80xi32, #tpu.memory_space<vmem>> -> memref<1x80xi32, #tpu.memory_space<vmem>>
        %dma_wait3A_392 = tpu.memref_squeeze %dma_wait3A_391 : memref<1x80xi32, #tpu.memory_space<vmem>> -> memref<80xi32, #tpu.memory_space<vmem>>
        %dma_wait3A_393 = arith.constant 0 : i32
        %dma_wait3A_394 = arith.constant 0 : i32
        %dma_wait3A_395 = tpu.memref_slice %arg26[%dma_wait3A_393, %dma_wait3A_394] : memref<10240x128xf32, #tpu.memory_space<vmem_shared>> -> memref<10240x128xf32, #tpu.memory_space<vmem_shared>>
        tpu.wait_indirect_dma semaphore(%arg18 : memref<!tpu.dma_semaphore, #tpu.memory_space<semaphore_mem>>) src(%arg10 : memref<80x128xf32, #tpu.memory_space<vmem>>) dst(%dma_wait3A_395 : memref<10240x128xf32, #tpu.memory_space<vmem_shared>>)
        %dma_wait3A_396 = arith.constant 5 : i32
        %dma_wait3A_397 = arith.constant 0 : i32
        %dma_wait3A_398 = tpu.memref_slice %arg7[%dma_wait3A_396, %dma_wait3A_397] : memref<8x80xi32, #tpu.memory_space<vmem>> -> memref<1x80xi32, #tpu.memory_space<vmem>>
        %dma_wait3A_399 = tpu.memref_squeeze %dma_wait3A_398 : memref<1x80xi32, #tpu.memory_space<vmem>> -> memref<80xi32, #tpu.memory_space<vmem>>
        %dma_wait3A_400 = arith.constant 0 : i32
        %dma_wait3A_401 = arith.constant 0 : i32
        %dma_wait3A_402 = tpu.memref_slice %arg26[%dma_wait3A_400, %dma_wait3A_401] : memref<10240x128xf32, #tpu.memory_space<vmem_shared>> -> memref<10240x128xf32, #tpu.memory_space<vmem_shared>>
        tpu.wait_indirect_dma semaphore(%arg19 : memref<!tpu.dma_semaphore, #tpu.memory_space<semaphore_mem>>) src(%arg11 : memref<80x128xf32, #tpu.memory_space<vmem>>) dst(%dma_wait3A_402 : memref<10240x128xf32, #tpu.memory_space<vmem_shared>>)
      } else {
      }
      %mul3A_88 = arith.constant 2 : i32
      %mul3A_89 = arith.muli %mul3A_88, %scan3A_81 : i32
      %mul3A_90 = arith.constant 8 : i32
      %mul3A_91 = arith.muli %mul3A_89, %mul3A_90 : i32
      %mul3A_92 = arith.constant 8 : i32
      %mul3A_93 = arith.muli %mul3A_89, %mul3A_92 : i32
      %dma_wait3A_94 = arith.constant 0 : i32
      %dma_wait3A_95 = arith.constant 0 : i32
      %dma_wait3A_96 = tpu.memref_slice %arg3[%dma_wait3A_94, %add3A, %mul3A_91, %dma_wait3A_95] : memref<2x32x64x80xi32, #tpu.memory_space<hbm>> -> memref<1x1x8x80xi32, #tpu.memory_space<hbm>>
      %dma_wait3A_97 = tpu.memref_squeeze %dma_wait3A_96 : memref<1x1x8x80xi32, #tpu.memory_space<hbm>> -> memref<8x80xi32, #tpu.memory_space<hbm>>
      %dma_wait3A_98 = arith.constant 0 : i32
      %dma_wait3A_99 = tpu.memref_slice %arg3[%dma_wait3A_94, %add3A, %mul3A_91, %dma_wait3A_98] : memref<2x32x64x80xi32, #tpu.memory_space<hbm>> -> memref<1x1x8x80xi32, #tpu.memory_space<hbm>>
      %dma_wait3A_100 = tpu.memref_squeeze %dma_wait3A_99 : memref<1x1x8x80xi32, #tpu.memory_space<hbm>> -> memref<8x80xi32, #tpu.memory_space<hbm>>
      tpu.wait_dma2 semaphore(%arg22 : memref<!tpu.dma_semaphore, #tpu.memory_space<semaphore_mem>>) src(%dma_wait3A_100 : memref<8x80xi32, #tpu.memory_space<hbm>>) dst(%arg6 : memref<8x80xi32, #tpu.memory_space<vmem>>)
      %mul3A_101 = arith.constant 2 : i32
      %mul3A_102 = arith.muli %mul3A_101, %scan3A_81 : i32
      %mul3A_103 = arith.constant 8 : i32
      %mul3A_104 = arith.muli %mul3A_102, %mul3A_103 : i32
      %mul3A_105 = arith.constant 8 : i32
      %mul3A_106 = arith.muli %mul3A_102, %mul3A_105 : i32
      %dma_wait3A_107 = arith.constant 1 : i32
      %dma_wait3A_108 = arith.constant 0 : i32
      %dma_wait3A_109 = tpu.memref_slice %arg3[%dma_wait3A_107, %add3A, %mul3A_106, %dma_wait3A_108] : memref<2x32x64x80xi32, #tpu.memory_space<hbm>> -> memref<1x1x8x80xi32, #tpu.memory_space<hbm>>
      %dma_wait3A_110 = tpu.memref_squeeze %dma_wait3A_109 : memref<1x1x8x80xi32, #tpu.memory_space<hbm>> -> memref<8x80xi32, #tpu.memory_space<hbm>>
      %dma_wait3A_111 = arith.constant 0 : i32
      %dma_wait3A_112 = tpu.memref_slice %arg3[%dma_wait3A_107, %add3A, %mul3A_106, %dma_wait3A_111] : memref<2x32x64x80xi32, #tpu.memory_space<hbm>> -> memref<1x1x8x80xi32, #tpu.memory_space<hbm>>
      %dma_wait3A_113 = tpu.memref_squeeze %dma_wait3A_112 : memref<1x1x8x80xi32, #tpu.memory_space<hbm>> -> memref<8x80xi32, #tpu.memory_space<hbm>>
      tpu.wait_dma2 semaphore(%arg23 : memref<!tpu.dma_semaphore, #tpu.memory_space<semaphore_mem>>) src(%dma_wait3A_113 : memref<8x80xi32, #tpu.memory_space<hbm>>) dst(%arg8 : memref<8x80xi32, #tpu.memory_space<vmem>>)
      %dma_start3A_114 = arith.constant 0 : i32
      %dma_start3A_115 = arith.constant 0 : i32
      %dma_start3A_116 = tpu.memref_slice %arg8[%dma_start3A_114, %dma_start3A_115] : memref<8x80xi32, #tpu.memory_space<vmem>> -> memref<1x80xi32, #tpu.memory_space<vmem>>
      %dma_start3A_117 = tpu.memref_squeeze %dma_start3A_116 : memref<1x80xi32, #tpu.memory_space<vmem>> -> memref<80xi32, #tpu.memory_space<vmem>>
      %dma_start3A_118 = arith.constant 0 : i32
      %dma_start3A_119 = arith.constant 0 : i32
      %dma_start3A_120 = tpu.memref_slice %arg2[%dma_start3A_118, %dma_start3A_119] : memref<10000x128xf32, #tpu.memory_space<hbm>> -> memref<10000x128xf32, #tpu.memory_space<hbm>>
      tpu.enqueue_indirect_dma source(%dma_start3A_120 : memref<10000x128xf32, #tpu.memory_space<hbm>>) target(%arg10 : memref<80x128xf32, #tpu.memory_space<vmem>>) offsets(%dma_start3A_117 : memref<80xi32, #tpu.memory_space<vmem>>) semaphore(%arg14 : memref<!tpu.dma_semaphore, #tpu.memory_space<semaphore_mem>>)
      %dma_start3A_121 = arith.constant 1 : i32
      %dma_start3A_122 = arith.constant 0 : i32
      %dma_start3A_123 = tpu.memref_slice %arg8[%dma_start3A_121, %dma_start3A_122] : memref<8x80xi32, #tpu.memory_space<vmem>> -> memref<1x80xi32, #tpu.memory_space<vmem>>
      %dma_start3A_124 = tpu.memref_squeeze %dma_start3A_123 : memref<1x80xi32, #tpu.memory_space<vmem>> -> memref<80xi32, #tpu.memory_space<vmem>>
      %dma_start3A_125 = arith.constant 0 : i32
      %dma_start3A_126 = arith.constant 0 : i32
      %dma_start3A_127 = tpu.memref_slice %arg2[%dma_start3A_125, %dma_start3A_126] : memref<10000x128xf32, #tpu.memory_space<hbm>> -> memref<10000x128xf32, #tpu.memory_space<hbm>>
      tpu.enqueue_indirect_dma source(%dma_start3A_127 : memref<10000x128xf32, #tpu.memory_space<hbm>>) target(%arg11 : memref<80x128xf32, #tpu.memory_space<vmem>>) offsets(%dma_start3A_124 : memref<80xi32, #tpu.memory_space<vmem>>) semaphore(%arg15 : memref<!tpu.dma_semaphore, #tpu.memory_space<semaphore_mem>>)
      %ge3A_128 = arith.constant 1 : i32
      %ge3A_129 = arith.cmpi sge, %add3A_85, %ge3A_128 : i32
      %convert_element_type3A_130 = arith.extui %ge3A_129 : i1 to i32
      %cond3A_131 = arith.constant 0 : i32
      %cond3A_132 = arith.cmpi ne, %convert_element_type3A_130, %cond3A_131 : i32
      scf.if %cond3A_132 {
        %dma_wait3A_389 = arith.constant 6 : i32
        %dma_wait3A_390 = arith.constant 0 : i32
        %dma_wait3A_391 = tpu.memref_slice %arg9[%dma_wait3A_389, %dma_wait3A_390] : memref<8x80xi32, #tpu.memory_space<vmem>> -> memref<1x80xi32, #tpu.memory_space<vmem>>
        %dma_wait3A_392 = tpu.memref_squeeze %dma_wait3A_391 : memref<1x80xi32, #tpu.memory_space<vmem>> -> memref<80xi32, #tpu.memory_space<vmem>>
        %dma_wait3A_393 = arith.constant 0 : i32
        %dma_wait3A_394 = arith.constant 0 : i32
        %dma_wait3A_395 = tpu.memref_slice %arg2[%dma_wait3A_393, %dma_wait3A_394] : memref<10000x128xf32, #tpu.memory_space<hbm>> -> memref<10000x128xf32, #tpu.memory_space<hbm>>
        tpu.wait_indirect_dma semaphore(%arg16 : memref<!tpu.dma_semaphore, #tpu.memory_space<semaphore_mem>>) src(%dma_wait3A_395 : memref<10000x128xf32, #tpu.memory_space<hbm>>) dst(%arg12 : memref<80x128xf32, #tpu.memory_space<vmem>>)
        %dma_start3A_396 = arith.constant 6 : i32
        %dma_start3A_397 = arith.constant 0 : i32
        %dma_start3A_398 = tpu.memref_slice %arg7[%dma_start3A_396, %dma_start3A_397] : memref<8x80xi32, #tpu.memory_space<vmem>> -> memref<1x80xi32, #tpu.memory_space<vmem>>
        %dma_start3A_399 = tpu.memref_squeeze %dma_start3A_398 : memref<1x80xi32, #tpu.memory_space<vmem>> -> memref<80xi32, #tpu.memory_space<vmem>>
        %dma_start3A_400 = arith.constant 0 : i32
        %dma_start3A_401 = arith.constant 0 : i32
        %dma_start3A_402 = tpu.memref_slice %arg26[%dma_start3A_400, %dma_start3A_401] : memref<10240x128xf32, #tpu.memory_space<vmem_shared>> -> memref<10240x128xf32, #tpu.memory_space<vmem_shared>>
        tpu.enqueue_indirect_dma source(%arg12 : memref<80x128xf32, #tpu.memory_space<vmem>>) target(%dma_start3A_402 : memref<10240x128xf32, #tpu.memory_space<vmem_shared>>) offsets(%dma_start3A_399 : memref<80xi32, #tpu.memory_space<vmem>>) semaphore(%arg20 : memref<!tpu.dma_semaphore, #tpu.memory_space<semaphore_mem>>) {add = true}
        %dma_wait3A_403 = arith.constant 7 : i32
        %dma_wait3A_404 = arith.constant 0 : i32
        %dma_wait3A_405 = tpu.memref_slice %arg9[%dma_wait3A_403, %dma_wait3A_404] : memref<8x80xi32, #tpu.memory_space<vmem>> -> memref<1x80xi32, #tpu.memory_space<vmem>>
        %dma_wait3A_406 = tpu.memref_squeeze %dma_wait3A_405 : memref<1x80xi32, #tpu.memory_space<vmem>> -> memref<80xi32, #tpu.memory_space<vmem>>
        %dma_wait3A_407 = arith.constant 0 : i32
        %dma_wait3A_408 = arith.constant 0 : i32
        %dma_wait3A_409 = tpu.memref_slice %arg2[%dma_wait3A_407, %dma_wait3A_408] : memref<10000x128xf32, #tpu.memory_space<hbm>> -> memref<10000x128xf32, #tpu.memory_space<hbm>>
        tpu.wait_indirect_dma semaphore(%arg17 : memref<!tpu.dma_semaphore, #tpu.memory_space<semaphore_mem>>) src(%dma_wait3A_409 : memref<10000x128xf32, #tpu.memory_space<hbm>>) dst(%arg13 : memref<80x128xf32, #tpu.memory_space<vmem>>)
        %dma_start3A_410 = arith.constant 7 : i32
        %dma_start3A_411 = arith.constant 0 : i32
        %dma_start3A_412 = tpu.memref_slice %arg7[%dma_start3A_410, %dma_start3A_411] : memref<8x80xi32, #tpu.memory_space<vmem>> -> memref<1x80xi32, #tpu.memory_space<vmem>>
        %dma_start3A_413 = tpu.memref_squeeze %dma_start3A_412 : memref<1x80xi32, #tpu.memory_space<vmem>> -> memref<80xi32, #tpu.memory_space<vmem>>
        %dma_start3A_414 = arith.constant 0 : i32
        %dma_start3A_415 = arith.constant 0 : i32
        %dma_start3A_416 = tpu.memref_slice %arg26[%dma_start3A_414, %dma_start3A_415] : memref<10240x128xf32, #tpu.memory_space<vmem_shared>> -> memref<10240x128xf32, #tpu.memory_space<vmem_shared>>
        tpu.enqueue_indirect_dma source(%arg13 : memref<80x128xf32, #tpu.memory_space<vmem>>) target(%dma_start3A_416 : memref<10240x128xf32, #tpu.memory_space<vmem_shared>>) offsets(%dma_start3A_413 : memref<80xi32, #tpu.memory_space<vmem>>) semaphore(%arg21 : memref<!tpu.dma_semaphore, #tpu.memory_space<semaphore_mem>>) {add = true}
      } else {
      }
      %mul3A_133 = arith.constant 8 : i32
      %mul3A_134 = arith.muli %mul3A_133, %scan3A_81 : i32
      %add3A_135 = arith.constant 1 : i32
      %add3A_136 = arith.addi %mul3A_134, %add3A_135 : i32
      %ge3A_137 = arith.constant 2 : i32
      %ge3A_138 = arith.cmpi sge, %add3A_136, %ge3A_137 : i32
      %convert_element_type3A_139 = arith.extui %ge3A_138 : i1 to i32
      %cond3A_140 = arith.constant 0 : i32
      %cond3A_141 = arith.cmpi ne, %convert_element_type3A_139, %cond3A_140 : i32
      scf.if %cond3A_141 {
        %dma_wait3A_389 = arith.constant 6 : i32
        %dma_wait3A_390 = arith.constant 0 : i32
        %dma_wait3A_391 = tpu.memref_slice %arg7[%dma_wait3A_389, %dma_wait3A_390] : memref<8x80xi32, #tpu.memory_space<vmem>> -> memref<1x80xi32, #tpu.memory_space<vmem>>
        %dma_wait3A_392 = tpu.memref_squeeze %dma_wait3A_391 : memref<1x80xi32, #tpu.memory_space<vmem>> -> memref<80xi32, #tpu.memory_space<vmem>>
        %dma_wait3A_393 = arith.constant 0 : i32
        %dma_wait3A_394 = arith.constant 0 : i32
        %dma_wait3A_395 = tpu.memref_slice %arg26[%dma_wait3A_393, %dma_wait3A_394] : memref<10240x128xf32, #tpu.memory_space<vmem_shared>> -> memref<10240x128xf32, #tpu.memory_space<vmem_shared>>
        tpu.wait_indirect_dma semaphore(%arg20 : memref<!tpu.dma_semaphore, #tpu.memory_space<semaphore_mem>>) src(%arg12 : memref<80x128xf32, #tpu.memory_space<vmem>>) dst(%dma_wait3A_395 : memref<10240x128xf32, #tpu.memory_space<vmem_shared>>)
        %dma_wait3A_396 = arith.constant 7 : i32
        %dma_wait3A_397 = arith.constant 0 : i32
        %dma_wait3A_398 = tpu.memref_slice %arg7[%dma_wait3A_396, %dma_wait3A_397] : memref<8x80xi32, #tpu.memory_space<vmem>> -> memref<1x80xi32, #tpu.memory_space<vmem>>
        %dma_wait3A_399 = tpu.memref_squeeze %dma_wait3A_398 : memref<1x80xi32, #tpu.memory_space<vmem>> -> memref<80xi32, #tpu.memory_space<vmem>>
        %dma_wait3A_400 = arith.constant 0 : i32
        %dma_wait3A_401 = arith.constant 0 : i32
        %dma_wait3A_402 = tpu.memref_slice %arg26[%dma_wait3A_400, %dma_wait3A_401] : memref<10240x128xf32, #tpu.memory_space<vmem_shared>> -> memref<10240x128xf32, #tpu.memory_space<vmem_shared>>
        tpu.wait_indirect_dma semaphore(%arg21 : memref<!tpu.dma_semaphore, #tpu.memory_space<semaphore_mem>>) src(%arg13 : memref<80x128xf32, #tpu.memory_space<vmem>>) dst(%dma_wait3A_402 : memref<10240x128xf32, #tpu.memory_space<vmem_shared>>)
      } else {
      }
      %dma_start3A_142 = arith.constant 2 : i32
      %dma_start3A_143 = arith.constant 0 : i32
      %dma_start3A_144 = tpu.memref_slice %arg8[%dma_start3A_142, %dma_start3A_143] : memref<8x80xi32, #tpu.memory_space<vmem>> -> memref<1x80xi32, #tpu.memory_space<vmem>>
      %dma_start3A_145 = tpu.memref_squeeze %dma_start3A_144 : memref<1x80xi32, #tpu.memory_space<vmem>> -> memref<80xi32, #tpu.memory_space<vmem>>
      %dma_start3A_146 = arith.constant 0 : i32
      %dma_start3A_147 = arith.constant 0 : i32
      %dma_start3A_148 = tpu.memref_slice %arg2[%dma_start3A_146, %dma_start3A_147] : memref<10000x128xf32, #tpu.memory_space<hbm>> -> memref<10000x128xf32, #tpu.memory_space<hbm>>
      tpu.enqueue_indirect_dma source(%dma_start3A_148 : memref<10000x128xf32, #tpu.memory_space<hbm>>) target(%arg12 : memref<80x128xf32, #tpu.memory_space<vmem>>) offsets(%dma_start3A_145 : memref<80xi32, #tpu.memory_space<vmem>>) semaphore(%arg16 : memref<!tpu.dma_semaphore, #tpu.memory_space<semaphore_mem>>)
      %dma_start3A_149 = arith.constant 3 : i32
      %dma_start3A_150 = arith.constant 0 : i32
      %dma_start3A_151 = tpu.memref_slice %arg8[%dma_start3A_149, %dma_start3A_150] : memref<8x80xi32, #tpu.memory_space<vmem>> -> memref<1x80xi32, #tpu.memory_space<vmem>>
      %dma_start3A_152 = tpu.memref_squeeze %dma_start3A_151 : memref<1x80xi32, #tpu.memory_space<vmem>> -> memref<80xi32, #tpu.memory_space<vmem>>
      %dma_start3A_153 = arith.constant 0 : i32
      %dma_start3A_154 = arith.constant 0 : i32
      %dma_start3A_155 = tpu.memref_slice %arg2[%dma_start3A_153, %dma_start3A_154] : memref<10000x128xf32, #tpu.memory_space<hbm>> -> memref<10000x128xf32, #tpu.memory_space<hbm>>
      tpu.enqueue_indirect_dma source(%dma_start3A_155 : memref<10000x128xf32, #tpu.memory_space<hbm>>) target(%arg13 : memref<80x128xf32, #tpu.memory_space<vmem>>) offsets(%dma_start3A_152 : memref<80xi32, #tpu.memory_space<vmem>>) semaphore(%arg17 : memref<!tpu.dma_semaphore, #tpu.memory_space<semaphore_mem>>)
      %ge3A_156 = arith.constant 1 : i32
      %ge3A_157 = arith.cmpi sge, %add3A_136, %ge3A_156 : i32
      %convert_element_type3A_158 = arith.extui %ge3A_157 : i1 to i32
      %cond3A_159 = arith.constant 0 : i32
      %cond3A_160 = arith.cmpi ne, %convert_element_type3A_158, %cond3A_159 : i32
      scf.if %cond3A_160 {
        %dma_wait3A_389 = arith.constant 0 : i32
        %dma_wait3A_390 = arith.constant 0 : i32
        %dma_wait3A_391 = tpu.memref_slice %arg8[%dma_wait3A_389, %dma_wait3A_390] : memref<8x80xi32, #tpu.memory_space<vmem>> -> memref<1x80xi32, #tpu.memory_space<vmem>>
        %dma_wait3A_392 = tpu.memref_squeeze %dma_wait3A_391 : memref<1x80xi32, #tpu.memory_space<vmem>> -> memref<80xi32, #tpu.memory_space<vmem>>
        %dma_wait3A_393 = arith.constant 0 : i32
        %dma_wait3A_394 = arith.constant 0 : i32
        %dma_wait3A_395 = tpu.memref_slice %arg2[%dma_wait3A_393, %dma_wait3A_394] : memref<10000x128xf32, #tpu.memory_space<hbm>> -> memref<10000x128xf32, #tpu.memory_space<hbm>>
        tpu.wait_indirect_dma semaphore(%arg14 : memref<!tpu.dma_semaphore, #tpu.memory_space<semaphore_mem>>) src(%dma_wait3A_395 : memref<10000x128xf32, #tpu.memory_space<hbm>>) dst(%arg10 : memref<80x128xf32, #tpu.memory_space<vmem>>)
        %dma_start3A_396 = arith.constant 0 : i32
        %dma_start3A_397 = arith.constant 0 : i32
        %dma_start3A_398 = tpu.memref_slice %arg6[%dma_start3A_396, %dma_start3A_397] : memref<8x80xi32, #tpu.memory_space<vmem>> -> memref<1x80xi32, #tpu.memory_space<vmem>>
        %dma_start3A_399 = tpu.memref_squeeze %dma_start3A_398 : memref<1x80xi32, #tpu.memory_space<vmem>> -> memref<80xi32, #tpu.memory_space<vmem>>
        %dma_start3A_400 = arith.constant 0 : i32
        %dma_start3A_401 = arith.constant 0 : i32
        %dma_start3A_402 = tpu.memref_slice %arg26[%dma_start3A_400, %dma_start3A_401] : memref<10240x128xf32, #tpu.memory_space<vmem_shared>> -> memref<10240x128xf32, #tpu.memory_space<vmem_shared>>
        tpu.enqueue_indirect_dma source(%arg10 : memref<80x128xf32, #tpu.memory_space<vmem>>) target(%dma_start3A_402 : memref<10240x128xf32, #tpu.memory_space<vmem_shared>>) offsets(%dma_start3A_399 : memref<80xi32, #tpu.memory_space<vmem>>) semaphore(%arg18 : memref<!tpu.dma_semaphore, #tpu.memory_space<semaphore_mem>>) {add = true}
        %dma_wait3A_403 = arith.constant 1 : i32
        %dma_wait3A_404 = arith.constant 0 : i32
        %dma_wait3A_405 = tpu.memref_slice %arg8[%dma_wait3A_403, %dma_wait3A_404] : memref<8x80xi32, #tpu.memory_space<vmem>> -> memref<1x80xi32, #tpu.memory_space<vmem>>
        %dma_wait3A_406 = tpu.memref_squeeze %dma_wait3A_405 : memref<1x80xi32, #tpu.memory_space<vmem>> -> memref<80xi32, #tpu.memory_space<vmem>>
        %dma_wait3A_407 = arith.constant 0 : i32
        %dma_wait3A_408 = arith.constant 0 : i32
        %dma_wait3A_409 = tpu.memref_slice %arg2[%dma_wait3A_407, %dma_wait3A_408] : memref<10000x128xf32, #tpu.memory_space<hbm>> -> memref<10000x128xf32, #tpu.memory_space<hbm>>
        tpu.wait_indirect_dma semaphore(%arg15 : memref<!tpu.dma_semaphore, #tpu.memory_space<semaphore_mem>>) src(%dma_wait3A_409 : memref<10000x128xf32, #tpu.memory_space<hbm>>) dst(%arg11 : memref<80x128xf32, #tpu.memory_space<vmem>>)
        %dma_start3A_410 = arith.constant 1 : i32
        %dma_start3A_411 = arith.constant 0 : i32
        %dma_start3A_412 = tpu.memref_slice %arg6[%dma_start3A_410, %dma_start3A_411] : memref<8x80xi32, #tpu.memory_space<vmem>> -> memref<1x80xi32, #tpu.memory_space<vmem>>
        %dma_start3A_413 = tpu.memref_squeeze %dma_start3A_412 : memref<1x80xi32, #tpu.memory_space<vmem>> -> memref<80xi32, #tpu.memory_space<vmem>>
        %dma_start3A_414 = arith.constant 0 : i32
        %dma_start3A_415 = arith.constant 0 : i32
        %dma_start3A_416 = tpu.memref_slice %arg26[%dma_start3A_414, %dma_start3A_415] : memref<10240x128xf32, #tpu.memory_space<vmem_shared>> -> memref<10240x128xf32, #tpu.memory_space<vmem_shared>>
        tpu.enqueue_indirect_dma source(%arg11 : memref<80x128xf32, #tpu.memory_space<vmem>>) target(%dma_start3A_416 : memref<10240x128xf32, #tpu.memory_space<vmem_shared>>) offsets(%dma_start3A_413 : memref<80xi32, #tpu.memory_space<vmem>>) semaphore(%arg19 : memref<!tpu.dma_semaphore, #tpu.memory_space<semaphore_mem>>) {add = true}
      } else {
      }
      %mul3A_161 = arith.constant 8 : i32
      %mul3A_162 = arith.muli %mul3A_161, %scan3A_81 : i32
      %add3A_163 = arith.constant 2 : i32
      %add3A_164 = arith.addi %mul3A_162, %add3A_163 : i32
      %ge3A_165 = arith.constant 2 : i32
      %ge3A_166 = arith.cmpi sge, %add3A_164, %ge3A_165 : i32
      %convert_element_type3A_167 = arith.extui %ge3A_166 : i1 to i32
      %cond3A_168 = arith.constant 0 : i32
      %cond3A_169 = arith.cmpi ne, %convert_element_type3A_167, %cond3A_168 : i32
      scf.if %cond3A_169 {
        %dma_wait3A_389 = arith.constant 0 : i32
        %dma_wait3A_390 = arith.constant 0 : i32
        %dma_wait3A_391 = tpu.memref_slice %arg6[%dma_wait3A_389, %dma_wait3A_390] : memref<8x80xi32, #tpu.memory_space<vmem>> -> memref<1x80xi32, #tpu.memory_space<vmem>>
        %dma_wait3A_392 = tpu.memref_squeeze %dma_wait3A_391 : memref<1x80xi32, #tpu.memory_space<vmem>> -> memref<80xi32, #tpu.memory_space<vmem>>
        %dma_wait3A_393 = arith.constant 0 : i32
        %dma_wait3A_394 = arith.constant 0 : i32
        %dma_wait3A_395 = tpu.memref_slice %arg26[%dma_wait3A_393, %dma_wait3A_394] : memref<10240x128xf32, #tpu.memory_space<vmem_shared>> -> memref<10240x128xf32, #tpu.memory_space<vmem_shared>>
        tpu.wait_indirect_dma semaphore(%arg18 : memref<!tpu.dma_semaphore, #tpu.memory_space<semaphore_mem>>) src(%arg10 : memref<80x128xf32, #tpu.memory_space<vmem>>) dst(%dma_wait3A_395 : memref<10240x128xf32, #tpu.memory_space<vmem_shared>>)
        %dma_wait3A_396 = arith.constant 1 : i32
        %dma_wait3A_397 = arith.constant 0 : i32
        %dma_wait3A_398 = tpu.memref_slice %arg6[%dma_wait3A_396, %dma_wait3A_397] : memref<8x80xi32, #tpu.memory_space<vmem>> -> memref<1x80xi32, #tpu.memory_space<vmem>>
        %dma_wait3A_399 = tpu.memref_squeeze %dma_wait3A_398 : memref<1x80xi32, #tpu.memory_space<vmem>> -> memref<80xi32, #tpu.memory_space<vmem>>
        %dma_wait3A_400 = arith.constant 0 : i32
        %dma_wait3A_401 = arith.constant 0 : i32
        %dma_wait3A_402 = tpu.memref_slice %arg26[%dma_wait3A_400, %dma_wait3A_401] : memref<10240x128xf32, #tpu.memory_space<vmem_shared>> -> memref<10240x128xf32, #tpu.memory_space<vmem_shared>>
        tpu.wait_indirect_dma semaphore(%arg19 : memref<!tpu.dma_semaphore, #tpu.memory_space<semaphore_mem>>) src(%arg11 : memref<80x128xf32, #tpu.memory_space<vmem>>) dst(%dma_wait3A_402 : memref<10240x128xf32, #tpu.memory_space<vmem_shared>>)
      } else {
      }
      %mul3A_170 = arith.constant 2 : i32
      %mul3A_171 = arith.muli %mul3A_170, %scan3A_81 : i32
      %add3A_172 = arith.constant 1 : i32
      %add3A_173 = arith.addi %mul3A_171, %add3A_172 : i32
      %mul3A_174 = arith.constant 8 : i32
      %mul3A_175 = arith.muli %add3A_173, %mul3A_174 : i32
      %mul3A_176 = arith.constant 8 : i32
      %mul3A_177 = arith.muli %add3A_173, %mul3A_176 : i32
      %dma_start3A_178 = arith.constant 0 : i32
      %dma_start3A_179 = arith.constant 0 : i32
      %dma_start3A_180 = tpu.memref_slice %arg3[%dma_start3A_178, %add3A, %mul3A_175, %dma_start3A_179] : memref<2x32x64x80xi32, #tpu.memory_space<hbm>> -> memref<1x1x8x80xi32, #tpu.memory_space<hbm>>
      %dma_start3A_181 = tpu.memref_squeeze %dma_start3A_180 : memref<1x1x8x80xi32, #tpu.memory_space<hbm>> -> memref<8x80xi32, #tpu.memory_space<hbm>>
      %dma_start3A_182 = arith.constant 0 : i32
      %dma_start3A_183 = tpu.memref_slice %arg3[%dma_start3A_178, %add3A, %mul3A_175, %dma_start3A_182] : memref<2x32x64x80xi32, #tpu.memory_space<hbm>> -> memref<1x1x8x80xi32, #tpu.memory_space<hbm>>
      %dma_start3A_184 = tpu.memref_squeeze %dma_start3A_183 : memref<1x1x8x80xi32, #tpu.memory_space<hbm>> -> memref<8x80xi32, #tpu.memory_space<hbm>>
      tpu.enqueue_dma source(%dma_start3A_184 : memref<8x80xi32, #tpu.memory_space<hbm>>) target(%arg7 : memref<8x80xi32, #tpu.memory_space<vmem>>) target_semaphore(%arg24 : memref<!tpu.dma_semaphore, #tpu.memory_space<semaphore_mem>>)
      %dma_start3A_185 = arith.constant 1 : i32
      %dma_start3A_186 = arith.constant 0 : i32
      %dma_start3A_187 = tpu.memref_slice %arg3[%dma_start3A_185, %add3A, %mul3A_177, %dma_start3A_186] : memref<2x32x64x80xi32, #tpu.memory_space<hbm>> -> memref<1x1x8x80xi32, #tpu.memory_space<hbm>>
      %dma_start3A_188 = tpu.memref_squeeze %dma_start3A_187 : memref<1x1x8x80xi32, #tpu.memory_space<hbm>> -> memref<8x80xi32, #tpu.memory_space<hbm>>
      %dma_start3A_189 = arith.constant 0 : i32
      %dma_start3A_190 = tpu.memref_slice %arg3[%dma_start3A_185, %add3A, %mul3A_177, %dma_start3A_189] : memref<2x32x64x80xi32, #tpu.memory_space<hbm>> -> memref<1x1x8x80xi32, #tpu.memory_space<hbm>>
      %dma_start3A_191 = tpu.memref_squeeze %dma_start3A_190 : memref<1x1x8x80xi32, #tpu.memory_space<hbm>> -> memref<8x80xi32, #tpu.memory_space<hbm>>
      tpu.enqueue_dma source(%dma_start3A_191 : memref<8x80xi32, #tpu.memory_space<hbm>>) target(%arg9 : memref<8x80xi32, #tpu.memory_space<vmem>>) target_semaphore(%arg25 : memref<!tpu.dma_semaphore, #tpu.memory_space<semaphore_mem>>)
      %dma_start3A_192 = arith.constant 4 : i32
      %dma_start3A_193 = arith.constant 0 : i32
      %dma_start3A_194 = tpu.memref_slice %arg8[%dma_start3A_192, %dma_start3A_193] : memref<8x80xi32, #tpu.memory_space<vmem>> -> memref<1x80xi32, #tpu.memory_space<vmem>>
      %dma_start3A_195 = tpu.memref_squeeze %dma_start3A_194 : memref<1x80xi32, #tpu.memory_space<vmem>> -> memref<80xi32, #tpu.memory_space<vmem>>
      %dma_start3A_196 = arith.constant 0 : i32
      %dma_start3A_197 = arith.constant 0 : i32
      %dma_start3A_198 = tpu.memref_slice %arg2[%dma_start3A_196, %dma_start3A_197] : memref<10000x128xf32, #tpu.memory_space<hbm>> -> memref<10000x128xf32, #tpu.memory_space<hbm>>
      tpu.enqueue_indirect_dma source(%dma_start3A_198 : memref<10000x128xf32, #tpu.memory_space<hbm>>) target(%arg10 : memref<80x128xf32, #tpu.memory_space<vmem>>) offsets(%dma_start3A_195 : memref<80xi32, #tpu.memory_space<vmem>>) semaphore(%arg14 : memref<!tpu.dma_semaphore, #tpu.memory_space<semaphore_mem>>)
      %dma_start3A_199 = arith.constant 5 : i32
      %dma_start3A_200 = arith.constant 0 : i32
      %dma_start3A_201 = tpu.memref_slice %arg8[%dma_start3A_199, %dma_start3A_200] : memref<8x80xi32, #tpu.memory_space<vmem>> -> memref<1x80xi32, #tpu.memory_space<vmem>>
      %dma_start3A_202 = tpu.memref_squeeze %dma_start3A_201 : memref<1x80xi32, #tpu.memory_space<vmem>> -> memref<80xi32, #tpu.memory_space<vmem>>
      %dma_start3A_203 = arith.constant 0 : i32
      %dma_start3A_204 = arith.constant 0 : i32
      %dma_start3A_205 = tpu.memref_slice %arg2[%dma_start3A_203, %dma_start3A_204] : memref<10000x128xf32, #tpu.memory_space<hbm>> -> memref<10000x128xf32, #tpu.memory_space<hbm>>
      tpu.enqueue_indirect_dma source(%dma_start3A_205 : memref<10000x128xf32, #tpu.memory_space<hbm>>) target(%arg11 : memref<80x128xf32, #tpu.memory_space<vmem>>) offsets(%dma_start3A_202 : memref<80xi32, #tpu.memory_space<vmem>>) semaphore(%arg15 : memref<!tpu.dma_semaphore, #tpu.memory_space<semaphore_mem>>)
      %ge3A_206 = arith.constant 1 : i32
      %ge3A_207 = arith.cmpi sge, %add3A_164, %ge3A_206 : i32
      %convert_element_type3A_208 = arith.extui %ge3A_207 : i1 to i32
      %cond3A_209 = arith.constant 0 : i32
      %cond3A_210 = arith.cmpi ne, %convert_element_type3A_208, %cond3A_209 : i32
      scf.if %cond3A_210 {
        %dma_wait3A_389 = arith.constant 2 : i32
        %dma_wait3A_390 = arith.constant 0 : i32
        %dma_wait3A_391 = tpu.memref_slice %arg8[%dma_wait3A_389, %dma_wait3A_390] : memref<8x80xi32, #tpu.memory_space<vmem>> -> memref<1x80xi32, #tpu.memory_space<vmem>>
        %dma_wait3A_392 = tpu.memref_squeeze %dma_wait3A_391 : memref<1x80xi32, #tpu.memory_space<vmem>> -> memref<80xi32, #tpu.memory_space<vmem>>
        %dma_wait3A_393 = arith.constant 0 : i32
        %dma_wait3A_394 = arith.constant 0 : i32
        %dma_wait3A_395 = tpu.memref_slice %arg2[%dma_wait3A_393, %dma_wait3A_394] : memref<10000x128xf32, #tpu.memory_space<hbm>> -> memref<10000x128xf32, #tpu.memory_space<hbm>>
        tpu.wait_indirect_dma semaphore(%arg16 : memref<!tpu.dma_semaphore, #tpu.memory_space<semaphore_mem>>) src(%dma_wait3A_395 : memref<10000x128xf32, #tpu.memory_space<hbm>>) dst(%arg12 : memref<80x128xf32, #tpu.memory_space<vmem>>)
        %dma_start3A_396 = arith.constant 2 : i32
        %dma_start3A_397 = arith.constant 0 : i32
        %dma_start3A_398 = tpu.memref_slice %arg6[%dma_start3A_396, %dma_start3A_397] : memref<8x80xi32, #tpu.memory_space<vmem>> -> memref<1x80xi32, #tpu.memory_space<vmem>>
        %dma_start3A_399 = tpu.memref_squeeze %dma_start3A_398 : memref<1x80xi32, #tpu.memory_space<vmem>> -> memref<80xi32, #tpu.memory_space<vmem>>
        %dma_start3A_400 = arith.constant 0 : i32
        %dma_start3A_401 = arith.constant 0 : i32
        %dma_start3A_402 = tpu.memref_slice %arg26[%dma_start3A_400, %dma_start3A_401] : memref<10240x128xf32, #tpu.memory_space<vmem_shared>> -> memref<10240x128xf32, #tpu.memory_space<vmem_shared>>
        tpu.enqueue_indirect_dma source(%arg12 : memref<80x128xf32, #tpu.memory_space<vmem>>) target(%dma_start3A_402 : memref<10240x128xf32, #tpu.memory_space<vmem_shared>>) offsets(%dma_start3A_399 : memref<80xi32, #tpu.memory_space<vmem>>) semaphore(%arg20 : memref<!tpu.dma_semaphore, #tpu.memory_space<semaphore_mem>>) {add = true}
        %dma_wait3A_403 = arith.constant 3 : i32
        %dma_wait3A_404 = arith.constant 0 : i32
        %dma_wait3A_405 = tpu.memref_slice %arg8[%dma_wait3A_403, %dma_wait3A_404] : memref<8x80xi32, #tpu.memory_space<vmem>> -> memref<1x80xi32, #tpu.memory_space<vmem>>
        %dma_wait3A_406 = tpu.memref_squeeze %dma_wait3A_405 : memref<1x80xi32, #tpu.memory_space<vmem>> -> memref<80xi32, #tpu.memory_space<vmem>>
        %dma_wait3A_407 = arith.constant 0 : i32
        %dma_wait3A_408 = arith.constant 0 : i32
        %dma_wait3A_409 = tpu.memref_slice %arg2[%dma_wait3A_407, %dma_wait3A_408] : memref<10000x128xf32, #tpu.memory_space<hbm>> -> memref<10000x128xf32, #tpu.memory_space<hbm>>
        tpu.wait_indirect_dma semaphore(%arg17 : memref<!tpu.dma_semaphore, #tpu.memory_space<semaphore_mem>>) src(%dma_wait3A_409 : memref<10000x128xf32, #tpu.memory_space<hbm>>) dst(%arg13 : memref<80x128xf32, #tpu.memory_space<vmem>>)
        %dma_start3A_410 = arith.constant 3 : i32
        %dma_start3A_411 = arith.constant 0 : i32
        %dma_start3A_412 = tpu.memref_slice %arg6[%dma_start3A_410, %dma_start3A_411] : memref<8x80xi32, #tpu.memory_space<vmem>> -> memref<1x80xi32, #tpu.memory_space<vmem>>
        %dma_start3A_413 = tpu.memref_squeeze %dma_start3A_412 : memref<1x80xi32, #tpu.memory_space<vmem>> -> memref<80xi32, #tpu.memory_space<vmem>>
        %dma_start3A_414 = arith.constant 0 : i32
        %dma_start3A_415 = arith.constant 0 : i32
        %dma_start3A_416 = tpu.memref_slice %arg26[%dma_start3A_414, %dma_start3A_415] : memref<10240x128xf32, #tpu.memory_space<vmem_shared>> -> memref<10240x128xf32, #tpu.memory_space<vmem_shared>>
        tpu.enqueue_indirect_dma source(%arg13 : memref<80x128xf32, #tpu.memory_space<vmem>>) target(%dma_start3A_416 : memref<10240x128xf32, #tpu.memory_space<vmem_shared>>) offsets(%dma_start3A_413 : memref<80xi32, #tpu.memory_space<vmem>>) semaphore(%arg21 : memref<!tpu.dma_semaphore, #tpu.memory_space<semaphore_mem>>) {add = true}
      } else {
      }
      %mul3A_211 = arith.constant 8 : i32
      %mul3A_212 = arith.muli %mul3A_211, %scan3A_81 : i32
      %add3A_213 = arith.constant 3 : i32
      %add3A_214 = arith.addi %mul3A_212, %add3A_213 : i32
      %ge3A_215 = arith.constant 2 : i32
      %ge3A_216 = arith.cmpi sge, %add3A_214, %ge3A_215 : i32
      %convert_element_type3A_217 = arith.extui %ge3A_216 : i1 to i32
      %cond3A_218 = arith.constant 0 : i32
      %cond3A_219 = arith.cmpi ne, %convert_element_type3A_217, %cond3A_218 : i32
      scf.if %cond3A_219 {
        %dma_wait3A_389 = arith.constant 2 : i32
        %dma_wait3A_390 = arith.constant 0 : i32
        %dma_wait3A_391 = tpu.memref_slice %arg6[%dma_wait3A_389, %dma_wait3A_390] : memref<8x80xi32, #tpu.memory_space<vmem>> -> memref<1x80xi32, #tpu.memory_space<vmem>>
        %dma_wait3A_392 = tpu.memref_squeeze %dma_wait3A_391 : memref<1x80xi32, #tpu.memory_space<vmem>> -> memref<80xi32, #tpu.memory_space<vmem>>
        %dma_wait3A_393 = arith.constant 0 : i32
        %dma_wait3A_394 = arith.constant 0 : i32
        %dma_wait3A_395 = tpu.memref_slice %arg26[%dma_wait3A_393, %dma_wait3A_394] : memref<10240x128xf32, #tpu.memory_space<vmem_shared>> -> memref<10240x128xf32, #tpu.memory_space<vmem_shared>>
        tpu.wait_indirect_dma semaphore(%arg20 : memref<!tpu.dma_semaphore, #tpu.memory_space<semaphore_mem>>) src(%arg12 : memref<80x128xf32, #tpu.memory_space<vmem>>) dst(%dma_wait3A_395 : memref<10240x128xf32, #tpu.memory_space<vmem_shared>>)
        %dma_wait3A_396 = arith.constant 3 : i32
        %dma_wait3A_397 = arith.constant 0 : i32
        %dma_wait3A_398 = tpu.memref_slice %arg6[%dma_wait3A_396, %dma_wait3A_397] : memref<8x80xi32, #tpu.memory_space<vmem>> -> memref<1x80xi32, #tpu.memory_space<vmem>>
        %dma_wait3A_399 = tpu.memref_squeeze %dma_wait3A_398 : memref<1x80xi32, #tpu.memory_space<vmem>> -> memref<80xi32, #tpu.memory_space<vmem>>
        %dma_wait3A_400 = arith.constant 0 : i32
        %dma_wait3A_401 = arith.constant 0 : i32
        %dma_wait3A_402 = tpu.memref_slice %arg26[%dma_wait3A_400, %dma_wait3A_401] : memref<10240x128xf32, #tpu.memory_space<vmem_shared>> -> memref<10240x128xf32, #tpu.memory_space<vmem_shared>>
        tpu.wait_indirect_dma semaphore(%arg21 : memref<!tpu.dma_semaphore, #tpu.memory_space<semaphore_mem>>) src(%arg13 : memref<80x128xf32, #tpu.memory_space<vmem>>) dst(%dma_wait3A_402 : memref<10240x128xf32, #tpu.memory_space<vmem_shared>>)
      } else {
      }
      %dma_start3A_220 = arith.constant 6 : i32
      %dma_start3A_221 = arith.constant 0 : i32
      %dma_start3A_222 = tpu.memref_slice %arg8[%dma_start3A_220, %dma_start3A_221] : memref<8x80xi32, #tpu.memory_space<vmem>> -> memref<1x80xi32, #tpu.memory_space<vmem>>
      %dma_start3A_223 = tpu.memref_squeeze %dma_start3A_222 : memref<1x80xi32, #tpu.memory_space<vmem>> -> memref<80xi32, #tpu.memory_space<vmem>>
      %dma_start3A_224 = arith.constant 0 : i32
      %dma_start3A_225 = arith.constant 0 : i32
      %dma_start3A_226 = tpu.memref_slice %arg2[%dma_start3A_224, %dma_start3A_225] : memref<10000x128xf32, #tpu.memory_space<hbm>> -> memref<10000x128xf32, #tpu.memory_space<hbm>>
      tpu.enqueue_indirect_dma source(%dma_start3A_226 : memref<10000x128xf32, #tpu.memory_space<hbm>>) target(%arg12 : memref<80x128xf32, #tpu.memory_space<vmem>>) offsets(%dma_start3A_223 : memref<80xi32, #tpu.memory_space<vmem>>) semaphore(%arg16 : memref<!tpu.dma_semaphore, #tpu.memory_space<semaphore_mem>>)
      %dma_start3A_227 = arith.constant 7 : i32
      %dma_start3A_228 = arith.constant 0 : i32
      %dma_start3A_229 = tpu.memref_slice %arg8[%dma_start3A_227, %dma_start3A_228] : memref<8x80xi32, #tpu.memory_space<vmem>> -> memref<1x80xi32, #tpu.memory_space<vmem>>
      %dma_start3A_230 = tpu.memref_squeeze %dma_start3A_229 : memref<1x80xi32, #tpu.memory_space<vmem>> -> memref<80xi32, #tpu.memory_space<vmem>>
      %dma_start3A_231 = arith.constant 0 : i32
      %dma_start3A_232 = arith.constant 0 : i32
      %dma_start3A_233 = tpu.memref_slice %arg2[%dma_start3A_231, %dma_start3A_232] : memref<10000x128xf32, #tpu.memory_space<hbm>> -> memref<10000x128xf32, #tpu.memory_space<hbm>>
      tpu.enqueue_indirect_dma source(%dma_start3A_233 : memref<10000x128xf32, #tpu.memory_space<hbm>>) target(%arg13 : memref<80x128xf32, #tpu.memory_space<vmem>>) offsets(%dma_start3A_230 : memref<80xi32, #tpu.memory_space<vmem>>) semaphore(%arg17 : memref<!tpu.dma_semaphore, #tpu.memory_space<semaphore_mem>>)
      %ge3A_234 = arith.constant 1 : i32
      %ge3A_235 = arith.cmpi sge, %add3A_214, %ge3A_234 : i32
      %convert_element_type3A_236 = arith.extui %ge3A_235 : i1 to i32
      %cond3A_237 = arith.constant 0 : i32
      %cond3A_238 = arith.cmpi ne, %convert_element_type3A_236, %cond3A_237 : i32
      scf.if %cond3A_238 {
        %dma_wait3A_389 = arith.constant 4 : i32
        %dma_wait3A_390 = arith.constant 0 : i32
        %dma_wait3A_391 = tpu.memref_slice %arg8[%dma_wait3A_389, %dma_wait3A_390] : memref<8x80xi32, #tpu.memory_space<vmem>> -> memref<1x80xi32, #tpu.memory_space<vmem>>
        %dma_wait3A_392 = tpu.memref_squeeze %dma_wait3A_391 : memref<1x80xi32, #tpu.memory_space<vmem>> -> memref<80xi32, #tpu.memory_space<vmem>>
        %dma_wait3A_393 = arith.constant 0 : i32
        %dma_wait3A_394 = arith.constant 0 : i32
        %dma_wait3A_395 = tpu.memref_slice %arg2[%dma_wait3A_393, %dma_wait3A_394] : memref<10000x128xf32, #tpu.memory_space<hbm>> -> memref<10000x128xf32, #tpu.memory_space<hbm>>
        tpu.wait_indirect_dma semaphore(%arg14 : memref<!tpu.dma_semaphore, #tpu.memory_space<semaphore_mem>>) src(%dma_wait3A_395 : memref<10000x128xf32, #tpu.memory_space<hbm>>) dst(%arg10 : memref<80x128xf32, #tpu.memory_space<vmem>>)
        %dma_start3A_396 = arith.constant 4 : i32
        %dma_start3A_397 = arith.constant 0 : i32
        %dma_start3A_398 = tpu.memref_slice %arg6[%dma_start3A_396, %dma_start3A_397] : memref<8x80xi32, #tpu.memory_space<vmem>> -> memref<1x80xi32, #tpu.memory_space<vmem>>
        %dma_start3A_399 = tpu.memref_squeeze %dma_start3A_398 : memref<1x80xi32, #tpu.memory_space<vmem>> -> memref<80xi32, #tpu.memory_space<vmem>>
        %dma_start3A_400 = arith.constant 0 : i32
        %dma_start3A_401 = arith.constant 0 : i32
        %dma_start3A_402 = tpu.memref_slice %arg26[%dma_start3A_400, %dma_start3A_401] : memref<10240x128xf32, #tpu.memory_space<vmem_shared>> -> memref<10240x128xf32, #tpu.memory_space<vmem_shared>>
        tpu.enqueue_indirect_dma source(%arg10 : memref<80x128xf32, #tpu.memory_space<vmem>>) target(%dma_start3A_402 : memref<10240x128xf32, #tpu.memory_space<vmem_shared>>) offsets(%dma_start3A_399 : memref<80xi32, #tpu.memory_space<vmem>>) semaphore(%arg18 : memref<!tpu.dma_semaphore, #tpu.memory_space<semaphore_mem>>) {add = true}
        %dma_wait3A_403 = arith.constant 5 : i32
        %dma_wait3A_404 = arith.constant 0 : i32
        %dma_wait3A_405 = tpu.memref_slice %arg8[%dma_wait3A_403, %dma_wait3A_404] : memref<8x80xi32, #tpu.memory_space<vmem>> -> memref<1x80xi32, #tpu.memory_space<vmem>>
        %dma_wait3A_406 = tpu.memref_squeeze %dma_wait3A_405 : memref<1x80xi32, #tpu.memory_space<vmem>> -> memref<80xi32, #tpu.memory_space<vmem>>
        %dma_wait3A_407 = arith.constant 0 : i32
        %dma_wait3A_408 = arith.constant 0 : i32
        %dma_wait3A_409 = tpu.memref_slice %arg2[%dma_wait3A_407, %dma_wait3A_408] : memref<10000x128xf32, #tpu.memory_space<hbm>> -> memref<10000x128xf32, #tpu.memory_space<hbm>>
        tpu.wait_indirect_dma semaphore(%arg15 : memref<!tpu.dma_semaphore, #tpu.memory_space<semaphore_mem>>) src(%dma_wait3A_409 : memref<10000x128xf32, #tpu.memory_space<hbm>>) dst(%arg11 : memref<80x128xf32, #tpu.memory_space<vmem>>)
        %dma_start3A_410 = arith.constant 5 : i32
        %dma_start3A_411 = arith.constant 0 : i32
        %dma_start3A_412 = tpu.memref_slice %arg6[%dma_start3A_410, %dma_start3A_411] : memref<8x80xi32, #tpu.memory_space<vmem>> -> memref<1x80xi32, #tpu.memory_space<vmem>>
        %dma_start3A_413 = tpu.memref_squeeze %dma_start3A_412 : memref<1x80xi32, #tpu.memory_space<vmem>> -> memref<80xi32, #tpu.memory_space<vmem>>
        %dma_start3A_414 = arith.constant 0 : i32
        %dma_start3A_415 = arith.constant 0 : i32
        %dma_start3A_416 = tpu.memref_slice %arg26[%dma_start3A_414, %dma_start3A_415] : memref<10240x128xf32, #tpu.memory_space<vmem_shared>> -> memref<10240x128xf32, #tpu.memory_space<vmem_shared>>
        tpu.enqueue_indirect_dma source(%arg11 : memref<80x128xf32, #tpu.memory_space<vmem>>) target(%dma_start3A_416 : memref<10240x128xf32, #tpu.memory_space<vmem_shared>>) offsets(%dma_start3A_413 : memref<80xi32, #tpu.memory_space<vmem>>) semaphore(%arg19 : memref<!tpu.dma_semaphore, #tpu.memory_space<semaphore_mem>>) {add = true}
      } else {
      }
      %mul3A_239 = arith.constant 8 : i32
      %mul3A_240 = arith.muli %mul3A_239, %scan3A_81 : i32
      %add3A_241 = arith.constant 4 : i32
      %add3A_242 = arith.addi %mul3A_240, %add3A_241 : i32
      %ge3A_243 = arith.constant 2 : i32
      %ge3A_244 = arith.cmpi sge, %add3A_242, %ge3A_243 : i32
      %convert_element_type3A_245 = arith.extui %ge3A_244 : i1 to i32
      %cond3A_246 = arith.constant 0 : i32
      %cond3A_247 = arith.cmpi ne, %convert_element_type3A_245, %cond3A_246 : i32
      scf.if %cond3A_247 {
        %dma_wait3A_389 = arith.constant 4 : i32
        %dma_wait3A_390 = arith.constant 0 : i32
        %dma_wait3A_391 = tpu.memref_slice %arg6[%dma_wait3A_389, %dma_wait3A_390] : memref<8x80xi32, #tpu.memory_space<vmem>> -> memref<1x80xi32, #tpu.memory_space<vmem>>
        %dma_wait3A_392 = tpu.memref_squeeze %dma_wait3A_391 : memref<1x80xi32, #tpu.memory_space<vmem>> -> memref<80xi32, #tpu.memory_space<vmem>>
        %dma_wait3A_393 = arith.constant 0 : i32
        %dma_wait3A_394 = arith.constant 0 : i32
        %dma_wait3A_395 = tpu.memref_slice %arg26[%dma_wait3A_393, %dma_wait3A_394] : memref<10240x128xf32, #tpu.memory_space<vmem_shared>> -> memref<10240x128xf32, #tpu.memory_space<vmem_shared>>
        tpu.wait_indirect_dma semaphore(%arg18 : memref<!tpu.dma_semaphore, #tpu.memory_space<semaphore_mem>>) src(%arg10 : memref<80x128xf32, #tpu.memory_space<vmem>>) dst(%dma_wait3A_395 : memref<10240x128xf32, #tpu.memory_space<vmem_shared>>)
        %dma_wait3A_396 = arith.constant 5 : i32
        %dma_wait3A_397 = arith.constant 0 : i32
        %dma_wait3A_398 = tpu.memref_slice %arg6[%dma_wait3A_396, %dma_wait3A_397] : memref<8x80xi32, #tpu.memory_space<vmem>> -> memref<1x80xi32, #tpu.memory_space<vmem>>
        %dma_wait3A_399 = tpu.memref_squeeze %dma_wait3A_398 : memref<1x80xi32, #tpu.memory_space<vmem>> -> memref<80xi32, #tpu.memory_space<vmem>>
        %dma_wait3A_400 = arith.constant 0 : i32
        %dma_wait3A_401 = arith.constant 0 : i32
        %dma_wait3A_402 = tpu.memref_slice %arg26[%dma_wait3A_400, %dma_wait3A_401] : memref<10240x128xf32, #tpu.memory_space<vmem_shared>> -> memref<10240x128xf32, #tpu.memory_space<vmem_shared>>
        tpu.wait_indirect_dma semaphore(%arg19 : memref<!tpu.dma_semaphore, #tpu.memory_space<semaphore_mem>>) src(%arg11 : memref<80x128xf32, #tpu.memory_space<vmem>>) dst(%dma_wait3A_402 : memref<10240x128xf32, #tpu.memory_space<vmem_shared>>)
      } else {
      }
      %mul3A_248 = arith.constant 2 : i32
      %mul3A_249 = arith.muli %mul3A_248, %scan3A_81 : i32
      %add3A_250 = arith.constant 1 : i32
      %add3A_251 = arith.addi %mul3A_249, %add3A_250 : i32
      %mul3A_252 = arith.constant 8 : i32
      %mul3A_253 = arith.muli %add3A_251, %mul3A_252 : i32
      %mul3A_254 = arith.constant 8 : i32
      %mul3A_255 = arith.muli %add3A_251, %mul3A_254 : i32
      %dma_wait3A_256 = arith.constant 0 : i32
      %dma_wait3A_257 = arith.constant 0 : i32
      %dma_wait3A_258 = tpu.memref_slice %arg3[%dma_wait3A_256, %add3A, %mul3A_253, %dma_wait3A_257] : memref<2x32x64x80xi32, #tpu.memory_space<hbm>> -> memref<1x1x8x80xi32, #tpu.memory_space<hbm>>
      %dma_wait3A_259 = tpu.memref_squeeze %dma_wait3A_258 : memref<1x1x8x80xi32, #tpu.memory_space<hbm>> -> memref<8x80xi32, #tpu.memory_space<hbm>>
      %dma_wait3A_260 = arith.constant 0 : i32
      %dma_wait3A_261 = tpu.memref_slice %arg3[%dma_wait3A_256, %add3A, %mul3A_253, %dma_wait3A_260] : memref<2x32x64x80xi32, #tpu.memory_space<hbm>> -> memref<1x1x8x80xi32, #tpu.memory_space<hbm>>
      %dma_wait3A_262 = tpu.memref_squeeze %dma_wait3A_261 : memref<1x1x8x80xi32, #tpu.memory_space<hbm>> -> memref<8x80xi32, #tpu.memory_space<hbm>>
      tpu.wait_dma2 semaphore(%arg24 : memref<!tpu.dma_semaphore, #tpu.memory_space<semaphore_mem>>) src(%dma_wait3A_262 : memref<8x80xi32, #tpu.memory_space<hbm>>) dst(%arg7 : memref<8x80xi32, #tpu.memory_space<vmem>>)
      %mul3A_263 = arith.constant 2 : i32
      %mul3A_264 = arith.muli %mul3A_263, %scan3A_81 : i32
      %add3A_265 = arith.constant 1 : i32
      %add3A_266 = arith.addi %mul3A_264, %add3A_265 : i32
      %mul3A_267 = arith.constant 8 : i32
      %mul3A_268 = arith.muli %add3A_266, %mul3A_267 : i32
      %mul3A_269 = arith.constant 8 : i32
      %mul3A_270 = arith.muli %add3A_266, %mul3A_269 : i32
      %dma_wait3A_271 = arith.constant 1 : i32
      %dma_wait3A_272 = arith.constant 0 : i32
      %dma_wait3A_273 = tpu.memref_slice %arg3[%dma_wait3A_271, %add3A, %mul3A_270, %dma_wait3A_272] : memref<2x32x64x80xi32, #tpu.memory_space<hbm>> -> memref<1x1x8x80xi32, #tpu.memory_space<hbm>>
      %dma_wait3A_274 = tpu.memref_squeeze %dma_wait3A_273 : memref<1x1x8x80xi32, #tpu.memory_space<hbm>> -> memref<8x80xi32, #tpu.memory_space<hbm>>
      %dma_wait3A_275 = arith.constant 0 : i32
      %dma_wait3A_276 = tpu.memref_slice %arg3[%dma_wait3A_271, %add3A, %mul3A_270, %dma_wait3A_275] : memref<2x32x64x80xi32, #tpu.memory_space<hbm>> -> memref<1x1x8x80xi32, #tpu.memory_space<hbm>>
      %dma_wait3A_277 = tpu.memref_squeeze %dma_wait3A_276 : memref<1x1x8x80xi32, #tpu.memory_space<hbm>> -> memref<8x80xi32, #tpu.memory_space<hbm>>
      tpu.wait_dma2 semaphore(%arg25 : memref<!tpu.dma_semaphore, #tpu.memory_space<semaphore_mem>>) src(%dma_wait3A_277 : memref<8x80xi32, #tpu.memory_space<hbm>>) dst(%arg9 : memref<8x80xi32, #tpu.memory_space<vmem>>)
      %dma_start3A_278 = arith.constant 0 : i32
      %dma_start3A_279 = arith.constant 0 : i32
      %dma_start3A_280 = tpu.memref_slice %arg9[%dma_start3A_278, %dma_start3A_279] : memref<8x80xi32, #tpu.memory_space<vmem>> -> memref<1x80xi32, #tpu.memory_space<vmem>>
      %dma_start3A_281 = tpu.memref_squeeze %dma_start3A_280 : memref<1x80xi32, #tpu.memory_space<vmem>> -> memref<80xi32, #tpu.memory_space<vmem>>
      %dma_start3A_282 = arith.constant 0 : i32
      %dma_start3A_283 = arith.constant 0 : i32
      %dma_start3A_284 = tpu.memref_slice %arg2[%dma_start3A_282, %dma_start3A_283] : memref<10000x128xf32, #tpu.memory_space<hbm>> -> memref<10000x128xf32, #tpu.memory_space<hbm>>
      tpu.enqueue_indirect_dma source(%dma_start3A_284 : memref<10000x128xf32, #tpu.memory_space<hbm>>) target(%arg10 : memref<80x128xf32, #tpu.memory_space<vmem>>) offsets(%dma_start3A_281 : memref<80xi32, #tpu.memory_space<vmem>>) semaphore(%arg14 : memref<!tpu.dma_semaphore, #tpu.memory_space<semaphore_mem>>)
      %dma_start3A_285 = arith.constant 1 : i32
      %dma_start3A_286 = arith.constant 0 : i32
      %dma_start3A_287 = tpu.memref_slice %arg9[%dma_start3A_285, %dma_start3A_286] : memref<8x80xi32, #tpu.memory_space<vmem>> -> memref<1x80xi32, #tpu.memory_space<vmem>>
      %dma_start3A_288 = tpu.memref_squeeze %dma_start3A_287 : memref<1x80xi32, #tpu.memory_space<vmem>> -> memref<80xi32, #tpu.memory_space<vmem>>
      %dma_start3A_289 = arith.constant 0 : i32
      %dma_start3A_290 = arith.constant 0 : i32
      %dma_start3A_291 = tpu.memref_slice %arg2[%dma_start3A_289, %dma_start3A_290] : memref<10000x128xf32, #tpu.memory_space<hbm>> -> memref<10000x128xf32, #tpu.memory_space<hbm>>
      tpu.enqueue_indirect_dma source(%dma_start3A_291 : memref<10000x128xf32, #tpu.memory_space<hbm>>) target(%arg11 : memref<80x128xf32, #tpu.memory_space<vmem>>) offsets(%dma_start3A_288 : memref<80xi32, #tpu.memory_space<vmem>>) semaphore(%arg15 : memref<!tpu.dma_semaphore, #tpu.memory_space<semaphore_mem>>)
      %ge3A_292 = arith.constant 1 : i32
      %ge3A_293 = arith.cmpi sge, %add3A_242, %ge3A_292 : i32
      %convert_element_type3A_294 = arith.extui %ge3A_293 : i1 to i32
      %cond3A_295 = arith.constant 0 : i32
      %cond3A_296 = arith.cmpi ne, %convert_element_type3A_294, %cond3A_295 : i32
      scf.if %cond3A_296 {
        %dma_wait3A_389 = arith.constant 6 : i32
        %dma_wait3A_390 = arith.constant 0 : i32
        %dma_wait3A_391 = tpu.memref_slice %arg8[%dma_wait3A_389, %dma_wait3A_390] : memref<8x80xi32, #tpu.memory_space<vmem>> -> memref<1x80xi32, #tpu.memory_space<vmem>>
        %dma_wait3A_392 = tpu.memref_squeeze %dma_wait3A_391 : memref<1x80xi32, #tpu.memory_space<vmem>> -> memref<80xi32, #tpu.memory_space<vmem>>
        %dma_wait3A_393 = arith.constant 0 : i32
        %dma_wait3A_394 = arith.constant 0 : i32
        %dma_wait3A_395 = tpu.memref_slice %arg2[%dma_wait3A_393, %dma_wait3A_394] : memref<10000x128xf32, #tpu.memory_space<hbm>> -> memref<10000x128xf32, #tpu.memory_space<hbm>>
        tpu.wait_indirect_dma semaphore(%arg16 : memref<!tpu.dma_semaphore, #tpu.memory_space<semaphore_mem>>) src(%dma_wait3A_395 : memref<10000x128xf32, #tpu.memory_space<hbm>>) dst(%arg12 : memref<80x128xf32, #tpu.memory_space<vmem>>)
        %dma_start3A_396 = arith.constant 6 : i32
        %dma_start3A_397 = arith.constant 0 : i32
        %dma_start3A_398 = tpu.memref_slice %arg6[%dma_start3A_396, %dma_start3A_397] : memref<8x80xi32, #tpu.memory_space<vmem>> -> memref<1x80xi32, #tpu.memory_space<vmem>>
        %dma_start3A_399 = tpu.memref_squeeze %dma_start3A_398 : memref<1x80xi32, #tpu.memory_space<vmem>> -> memref<80xi32, #tpu.memory_space<vmem>>
        %dma_start3A_400 = arith.constant 0 : i32
        %dma_start3A_401 = arith.constant 0 : i32
        %dma_start3A_402 = tpu.memref_slice %arg26[%dma_start3A_400, %dma_start3A_401] : memref<10240x128xf32, #tpu.memory_space<vmem_shared>> -> memref<10240x128xf32, #tpu.memory_space<vmem_shared>>
        tpu.enqueue_indirect_dma source(%arg12 : memref<80x128xf32, #tpu.memory_space<vmem>>) target(%dma_start3A_402 : memref<10240x128xf32, #tpu.memory_space<vmem_shared>>) offsets(%dma_start3A_399 : memref<80xi32, #tpu.memory_space<vmem>>) semaphore(%arg20 : memref<!tpu.dma_semaphore, #tpu.memory_space<semaphore_mem>>) {add = true}
        %dma_wait3A_403 = arith.constant 7 : i32
        %dma_wait3A_404 = arith.constant 0 : i32
        %dma_wait3A_405 = tpu.memref_slice %arg8[%dma_wait3A_403, %dma_wait3A_404] : memref<8x80xi32, #tpu.memory_space<vmem>> -> memref<1x80xi32, #tpu.memory_space<vmem>>
        %dma_wait3A_406 = tpu.memref_squeeze %dma_wait3A_405 : memref<1x80xi32, #tpu.memory_space<vmem>> -> memref<80xi32, #tpu.memory_space<vmem>>
        %dma_wait3A_407 = arith.constant 0 : i32
        %dma_wait3A_408 = arith.constant 0 : i32
        %dma_wait3A_409 = tpu.memref_slice %arg2[%dma_wait3A_407, %dma_wait3A_408] : memref<10000x128xf32, #tpu.memory_space<hbm>> -> memref<10000x128xf32, #tpu.memory_space<hbm>>
        tpu.wait_indirect_dma semaphore(%arg17 : memref<!tpu.dma_semaphore, #tpu.memory_space<semaphore_mem>>) src(%dma_wait3A_409 : memref<10000x128xf32, #tpu.memory_space<hbm>>) dst(%arg13 : memref<80x128xf32, #tpu.memory_space<vmem>>)
        %dma_start3A_410 = arith.constant 7 : i32
        %dma_start3A_411 = arith.constant 0 : i32
        %dma_start3A_412 = tpu.memref_slice %arg6[%dma_start3A_410, %dma_start3A_411] : memref<8x80xi32, #tpu.memory_space<vmem>> -> memref<1x80xi32, #tpu.memory_space<vmem>>
        %dma_start3A_413 = tpu.memref_squeeze %dma_start3A_412 : memref<1x80xi32, #tpu.memory_space<vmem>> -> memref<80xi32, #tpu.memory_space<vmem>>
        %dma_start3A_414 = arith.constant 0 : i32
        %dma_start3A_415 = arith.constant 0 : i32
        %dma_start3A_416 = tpu.memref_slice %arg26[%dma_start3A_414, %dma_start3A_415] : memref<10240x128xf32, #tpu.memory_space<vmem_shared>> -> memref<10240x128xf32, #tpu.memory_space<vmem_shared>>
        tpu.enqueue_indirect_dma source(%arg13 : memref<80x128xf32, #tpu.memory_space<vmem>>) target(%dma_start3A_416 : memref<10240x128xf32, #tpu.memory_space<vmem_shared>>) offsets(%dma_start3A_413 : memref<80xi32, #tpu.memory_space<vmem>>) semaphore(%arg21 : memref<!tpu.dma_semaphore, #tpu.memory_space<semaphore_mem>>) {add = true}
      } else {
      }
      %mul3A_297 = arith.constant 8 : i32
      %mul3A_298 = arith.muli %mul3A_297, %scan3A_81 : i32
      %add3A_299 = arith.constant 5 : i32
      %add3A_300 = arith.addi %mul3A_298, %add3A_299 : i32
      %ge3A_301 = arith.constant 2 : i32
      %ge3A_302 = arith.cmpi sge, %add3A_300, %ge3A_301 : i32
      %convert_element_type3A_303 = arith.extui %ge3A_302 : i1 to i32
      %cond3A_304 = arith.constant 0 : i32
      %cond3A_305 = arith.cmpi ne, %convert_element_type3A_303, %cond3A_304 : i32
      scf.if %cond3A_305 {
        %dma_wait3A_389 = arith.constant 6 : i32
        %dma_wait3A_390 = arith.constant 0 : i32
        %dma_wait3A_391 = tpu.memref_slice %arg6[%dma_wait3A_389, %dma_wait3A_390] : memref<8x80xi32, #tpu.memory_space<vmem>> -> memref<1x80xi32, #tpu.memory_space<vmem>>
        %dma_wait3A_392 = tpu.memref_squeeze %dma_wait3A_391 : memref<1x80xi32, #tpu.memory_space<vmem>> -> memref<80xi32, #tpu.memory_space<vmem>>
        %dma_wait3A_393 = arith.constant 0 : i32
        %dma_wait3A_394 = arith.constant 0 : i32
        %dma_wait3A_395 = tpu.memref_slice %arg26[%dma_wait3A_393, %dma_wait3A_394] : memref<10240x128xf32, #tpu.memory_space<vmem_shared>> -> memref<10240x128xf32, #tpu.memory_space<vmem_shared>>
        tpu.wait_indirect_dma semaphore(%arg20 : memref<!tpu.dma_semaphore, #tpu.memory_space<semaphore_mem>>) src(%arg12 : memref<80x128xf32, #tpu.memory_space<vmem>>) dst(%dma_wait3A_395 : memref<10240x128xf32, #tpu.memory_space<vmem_shared>>)
        %dma_wait3A_396 = arith.constant 7 : i32
        %dma_wait3A_397 = arith.constant 0 : i32
        %dma_wait3A_398 = tpu.memref_slice %arg6[%dma_wait3A_396, %dma_wait3A_397] : memref<8x80xi32, #tpu.memory_space<vmem>> -> memref<1x80xi32, #tpu.memory_space<vmem>>
        %dma_wait3A_399 = tpu.memref_squeeze %dma_wait3A_398 : memref<1x80xi32, #tpu.memory_space<vmem>> -> memref<80xi32, #tpu.memory_space<vmem>>
        %dma_wait3A_400 = arith.constant 0 : i32
        %dma_wait3A_401 = arith.constant 0 : i32
        %dma_wait3A_402 = tpu.memref_slice %arg26[%dma_wait3A_400, %dma_wait3A_401] : memref<10240x128xf32, #tpu.memory_space<vmem_shared>> -> memref<10240x128xf32, #tpu.memory_space<vmem_shared>>
        tpu.wait_indirect_dma semaphore(%arg21 : memref<!tpu.dma_semaphore, #tpu.memory_space<semaphore_mem>>) src(%arg13 : memref<80x128xf32, #tpu.memory_space<vmem>>) dst(%dma_wait3A_402 : memref<10240x128xf32, #tpu.memory_space<vmem_shared>>)
      } else {
      }
      %dma_start3A_306 = arith.constant 2 : i32
      %dma_start3A_307 = arith.constant 0 : i32
      %dma_start3A_308 = tpu.memref_slice %arg9[%dma_start3A_306, %dma_start3A_307] : memref<8x80xi32, #tpu.memory_space<vmem>> -> memref<1x80xi32, #tpu.memory_space<vmem>>
      %dma_start3A_309 = tpu.memref_squeeze %dma_start3A_308 : memref<1x80xi32, #tpu.memory_space<vmem>> -> memref<80xi32, #tpu.memory_space<vmem>>
      %dma_start3A_310 = arith.constant 0 : i32
      %dma_start3A_311 = arith.constant 0 : i32
      %dma_start3A_312 = tpu.memref_slice %arg2[%dma_start3A_310, %dma_start3A_311] : memref<10000x128xf32, #tpu.memory_space<hbm>> -> memref<10000x128xf32, #tpu.memory_space<hbm>>
      tpu.enqueue_indirect_dma source(%dma_start3A_312 : memref<10000x128xf32, #tpu.memory_space<hbm>>) target(%arg12 : memref<80x128xf32, #tpu.memory_space<vmem>>) offsets(%dma_start3A_309 : memref<80xi32, #tpu.memory_space<vmem>>) semaphore(%arg16 : memref<!tpu.dma_semaphore, #tpu.memory_space<semaphore_mem>>)
      %dma_start3A_313 = arith.constant 3 : i32
      %dma_start3A_314 = arith.constant 0 : i32
      %dma_start3A_315 = tpu.memref_slice %arg9[%dma_start3A_313, %dma_start3A_314] : memref<8x80xi32, #tpu.memory_space<vmem>> -> memref<1x80xi32, #tpu.memory_space<vmem>>
      %dma_start3A_316 = tpu.memref_squeeze %dma_start3A_315 : memref<1x80xi32, #tpu.memory_space<vmem>> -> memref<80xi32, #tpu.memory_space<vmem>>
      %dma_start3A_317 = arith.constant 0 : i32
      %dma_start3A_318 = arith.constant 0 : i32
      %dma_start3A_319 = tpu.memref_slice %arg2[%dma_start3A_317, %dma_start3A_318] : memref<10000x128xf32, #tpu.memory_space<hbm>> -> memref<10000x128xf32, #tpu.memory_space<hbm>>
      tpu.enqueue_indirect_dma source(%dma_start3A_319 : memref<10000x128xf32, #tpu.memory_space<hbm>>) target(%arg13 : memref<80x128xf32, #tpu.memory_space<vmem>>) offsets(%dma_start3A_316 : memref<80xi32, #tpu.memory_space<vmem>>) semaphore(%arg17 : memref<!tpu.dma_semaphore, #tpu.memory_space<semaphore_mem>>)
      %ge3A_320 = arith.constant 1 : i32
      %ge3A_321 = arith.cmpi sge, %add3A_300, %ge3A_320 : i32
      %convert_element_type3A_322 = arith.extui %ge3A_321 : i1 to i32
      %cond3A_323 = arith.constant 0 : i32
      %cond3A_324 = arith.cmpi ne, %convert_element_type3A_322, %cond3A_323 : i32
      scf.if %cond3A_324 {
        %dma_wait3A_389 = arith.constant 0 : i32
        %dma_wait3A_390 = arith.constant 0 : i32
        %dma_wait3A_391 = tpu.memref_slice %arg9[%dma_wait3A_389, %dma_wait3A_390] : memref<8x80xi32, #tpu.memory_space<vmem>> -> memref<1x80xi32, #tpu.memory_space<vmem>>
        %dma_wait3A_392 = tpu.memref_squeeze %dma_wait3A_391 : memref<1x80xi32, #tpu.memory_space<vmem>> -> memref<80xi32, #tpu.memory_space<vmem>>
        %dma_wait3A_393 = arith.constant 0 : i32
        %dma_wait3A_394 = arith.constant 0 : i32
        %dma_wait3A_395 = tpu.memref_slice %arg2[%dma_wait3A_393, %dma_wait3A_394] : memref<10000x128xf32, #tpu.memory_space<hbm>> -> memref<10000x128xf32, #tpu.memory_space<hbm>>
        tpu.wait_indirect_dma semaphore(%arg14 : memref<!tpu.dma_semaphore, #tpu.memory_space<semaphore_mem>>) src(%dma_wait3A_395 : memref<10000x128xf32, #tpu.memory_space<hbm>>) dst(%arg10 : memref<80x128xf32, #tpu.memory_space<vmem>>)
        %dma_start3A_396 = arith.constant 0 : i32
        %dma_start3A_397 = arith.constant 0 : i32
        %dma_start3A_398 = tpu.memref_slice %arg7[%dma_start3A_396, %dma_start3A_397] : memref<8x80xi32, #tpu.memory_space<vmem>> -> memref<1x80xi32, #tpu.memory_space<vmem>>
        %dma_start3A_399 = tpu.memref_squeeze %dma_start3A_398 : memref<1x80xi32, #tpu.memory_space<vmem>> -> memref<80xi32, #tpu.memory_space<vmem>>
        %dma_start3A_400 = arith.constant 0 : i32
        %dma_start3A_401 = arith.constant 0 : i32
        %dma_start3A_402 = tpu.memref_slice %arg26[%dma_start3A_400, %dma_start3A_401] : memref<10240x128xf32, #tpu.memory_space<vmem_shared>> -> memref<10240x128xf32, #tpu.memory_space<vmem_shared>>
        tpu.enqueue_indirect_dma source(%arg10 : memref<80x128xf32, #tpu.memory_space<vmem>>) target(%dma_start3A_402 : memref<10240x128xf32, #tpu.memory_space<vmem_shared>>) offsets(%dma_start3A_399 : memref<80xi32, #tpu.memory_space<vmem>>) semaphore(%arg18 : memref<!tpu.dma_semaphore, #tpu.memory_space<semaphore_mem>>) {add = true}
        %dma_wait3A_403 = arith.constant 1 : i32
        %dma_wait3A_404 = arith.constant 0 : i32
        %dma_wait3A_405 = tpu.memref_slice %arg9[%dma_wait3A_403, %dma_wait3A_404] : memref<8x80xi32, #tpu.memory_space<vmem>> -> memref<1x80xi32, #tpu.memory_space<vmem>>
        %dma_wait3A_406 = tpu.memref_squeeze %dma_wait3A_405 : memref<1x80xi32, #tpu.memory_space<vmem>> -> memref<80xi32, #tpu.memory_space<vmem>>
        %dma_wait3A_407 = arith.constant 0 : i32
        %dma_wait3A_408 = arith.constant 0 : i32
        %dma_wait3A_409 = tpu.memref_slice %arg2[%dma_wait3A_407, %dma_wait3A_408] : memref<10000x128xf32, #tpu.memory_space<hbm>> -> memref<10000x128xf32, #tpu.memory_space<hbm>>
        tpu.wait_indirect_dma semaphore(%arg15 : memref<!tpu.dma_semaphore, #tpu.memory_space<semaphore_mem>>) src(%dma_wait3A_409 : memref<10000x128xf32, #tpu.memory_space<hbm>>) dst(%arg11 : memref<80x128xf32, #tpu.memory_space<vmem>>)
        %dma_start3A_410 = arith.constant 1 : i32
        %dma_start3A_411 = arith.constant 0 : i32
        %dma_start3A_412 = tpu.memref_slice %arg7[%dma_start3A_410, %dma_start3A_411] : memref<8x80xi32, #tpu.memory_space<vmem>> -> memref<1x80xi32, #tpu.memory_space<vmem>>
        %dma_start3A_413 = tpu.memref_squeeze %dma_start3A_412 : memref<1x80xi32, #tpu.memory_space<vmem>> -> memref<80xi32, #tpu.memory_space<vmem>>
        %dma_start3A_414 = arith.constant 0 : i32
        %dma_start3A_415 = arith.constant 0 : i32
        %dma_start3A_416 = tpu.memref_slice %arg26[%dma_start3A_414, %dma_start3A_415] : memref<10240x128xf32, #tpu.memory_space<vmem_shared>> -> memref<10240x128xf32, #tpu.memory_space<vmem_shared>>
        tpu.enqueue_indirect_dma source(%arg11 : memref<80x128xf32, #tpu.memory_space<vmem>>) target(%dma_start3A_416 : memref<10240x128xf32, #tpu.memory_space<vmem_shared>>) offsets(%dma_start3A_413 : memref<80xi32, #tpu.memory_space<vmem>>) semaphore(%arg19 : memref<!tpu.dma_semaphore, #tpu.memory_space<semaphore_mem>>) {add = true}
      } else {
      }
      %mul3A_325 = arith.constant 8 : i32
      %mul3A_326 = arith.muli %mul3A_325, %scan3A_81 : i32
      %add3A_327 = arith.constant 6 : i32
      %add3A_328 = arith.addi %mul3A_326, %add3A_327 : i32
      %ge3A_329 = arith.constant 2 : i32
      %ge3A_330 = arith.cmpi sge, %add3A_328, %ge3A_329 : i32
      %convert_element_type3A_331 = arith.extui %ge3A_330 : i1 to i32
      %cond3A_332 = arith.constant 0 : i32
      %cond3A_333 = arith.cmpi ne, %convert_element_type3A_331, %cond3A_332 : i32
      scf.if %cond3A_333 {
        %dma_wait3A_389 = arith.constant 0 : i32
        %dma_wait3A_390 = arith.constant 0 : i32
        %dma_wait3A_391 = tpu.memref_slice %arg7[%dma_wait3A_389, %dma_wait3A_390] : memref<8x80xi32, #tpu.memory_space<vmem>> -> memref<1x80xi32, #tpu.memory_space<vmem>>
        %dma_wait3A_392 = tpu.memref_squeeze %dma_wait3A_391 : memref<1x80xi32, #tpu.memory_space<vmem>> -> memref<80xi32, #tpu.memory_space<vmem>>
        %dma_wait3A_393 = arith.constant 0 : i32
        %dma_wait3A_394 = arith.constant 0 : i32
        %dma_wait3A_395 = tpu.memref_slice %arg26[%dma_wait3A_393, %dma_wait3A_394] : memref<10240x128xf32, #tpu.memory_space<vmem_shared>> -> memref<10240x128xf32, #tpu.memory_space<vmem_shared>>
        tpu.wait_indirect_dma semaphore(%arg18 : memref<!tpu.dma_semaphore, #tpu.memory_space<semaphore_mem>>) src(%arg10 : memref<80x128xf32, #tpu.memory_space<vmem>>) dst(%dma_wait3A_395 : memref<10240x128xf32, #tpu.memory_space<vmem_shared>>)
        %dma_wait3A_396 = arith.constant 1 : i32
        %dma_wait3A_397 = arith.constant 0 : i32
        %dma_wait3A_398 = tpu.memref_slice %arg7[%dma_wait3A_396, %dma_wait3A_397] : memref<8x80xi32, #tpu.memory_space<vmem>> -> memref<1x80xi32, #tpu.memory_space<vmem>>
        %dma_wait3A_399 = tpu.memref_squeeze %dma_wait3A_398 : memref<1x80xi32, #tpu.memory_space<vmem>> -> memref<80xi32, #tpu.memory_space<vmem>>
        %dma_wait3A_400 = arith.constant 0 : i32
        %dma_wait3A_401 = arith.constant 0 : i32
        %dma_wait3A_402 = tpu.memref_slice %arg26[%dma_wait3A_400, %dma_wait3A_401] : memref<10240x128xf32, #tpu.memory_space<vmem_shared>> -> memref<10240x128xf32, #tpu.memory_space<vmem_shared>>
        tpu.wait_indirect_dma semaphore(%arg19 : memref<!tpu.dma_semaphore, #tpu.memory_space<semaphore_mem>>) src(%arg11 : memref<80x128xf32, #tpu.memory_space<vmem>>) dst(%dma_wait3A_402 : memref<10240x128xf32, #tpu.memory_space<vmem_shared>>)
      } else {
      }
      %mul3A_334 = arith.constant 2 : i32
      %mul3A_335 = arith.muli %mul3A_334, %scan3A_81 : i32
      %add3A_336 = arith.constant 2 : i32
      %add3A_337 = arith.addi %mul3A_335, %add3A_336 : i32
      %lt3A = arith.constant 8 : i32
      %lt3A_338 = arith.cmpi slt, %add3A_337, %lt3A : i32
      %convert_element_type3A_339 = arith.extui %lt3A_338 : i1 to i32
      %cond3A_340 = arith.constant 0 : i32
      %cond3A_341 = arith.cmpi ne, %convert_element_type3A_339, %cond3A_340 : i32
      scf.if %cond3A_341 {
        %mul3A_389 = arith.constant 2 : i32
        %mul3A_390 = arith.muli %mul3A_389, %scan3A_81 : i32
        %add3A_391 = arith.constant 2 : i32
        %add3A_392 = arith.addi %mul3A_390, %add3A_391 : i32
        %mul3A_393 = arith.constant 8 : i32
        %mul3A_394 = arith.muli %add3A_392, %mul3A_393 : i32
        %mul3A_395 = arith.constant 8 : i32
        %mul3A_396 = arith.muli %add3A_392, %mul3A_395 : i32
        %dma_start3A_397 = arith.constant 0 : i32
        %dma_start3A_398 = arith.constant 0 : i32
        %dma_start3A_399 = tpu.memref_slice %arg3[%dma_start3A_397, %add3A, %mul3A_394, %dma_start3A_398] : memref<2x32x64x80xi32, #tpu.memory_space<hbm>> -> memref<1x1x8x80xi32, #tpu.memory_space<hbm>>
        %dma_start3A_400 = tpu.memref_squeeze %dma_start3A_399 : memref<1x1x8x80xi32, #tpu.memory_space<hbm>> -> memref<8x80xi32, #tpu.memory_space<hbm>>
        %dma_start3A_401 = arith.constant 0 : i32
        %dma_start3A_402 = tpu.memref_slice %arg3[%dma_start3A_397, %add3A, %mul3A_394, %dma_start3A_401] : memref<2x32x64x80xi32, #tpu.memory_space<hbm>> -> memref<1x1x8x80xi32, #tpu.memory_space<hbm>>
        %dma_start3A_403 = tpu.memref_squeeze %dma_start3A_402 : memref<1x1x8x80xi32, #tpu.memory_space<hbm>> -> memref<8x80xi32, #tpu.memory_space<hbm>>
        tpu.enqueue_dma source(%dma_start3A_403 : memref<8x80xi32, #tpu.memory_space<hbm>>) target(%arg6 : memref<8x80xi32, #tpu.memory_space<vmem>>) target_semaphore(%arg22 : memref<!tpu.dma_semaphore, #tpu.memory_space<semaphore_mem>>)
        %dma_start3A_404 = arith.constant 1 : i32
        %dma_start3A_405 = arith.constant 0 : i32
        %dma_start3A_406 = tpu.memref_slice %arg3[%dma_start3A_404, %add3A, %mul3A_396, %dma_start3A_405] : memref<2x32x64x80xi32, #tpu.memory_space<hbm>> -> memref<1x1x8x80xi32, #tpu.memory_space<hbm>>
        %dma_start3A_407 = tpu.memref_squeeze %dma_start3A_406 : memref<1x1x8x80xi32, #tpu.memory_space<hbm>> -> memref<8x80xi32, #tpu.memory_space<hbm>>
        %dma_start3A_408 = arith.constant 0 : i32
        %dma_start3A_409 = tpu.memref_slice %arg3[%dma_start3A_404, %add3A, %mul3A_396, %dma_start3A_408] : memref<2x32x64x80xi32, #tpu.memory_space<hbm>> -> memref<1x1x8x80xi32, #tpu.memory_space<hbm>>
        %dma_start3A_410 = tpu.memref_squeeze %dma_start3A_409 : memref<1x1x8x80xi32, #tpu.memory_space<hbm>> -> memref<8x80xi32, #tpu.memory_space<hbm>>
        tpu.enqueue_dma source(%dma_start3A_410 : memref<8x80xi32, #tpu.memory_space<hbm>>) target(%arg8 : memref<8x80xi32, #tpu.memory_space<vmem>>) target_semaphore(%arg23 : memref<!tpu.dma_semaphore, #tpu.memory_space<semaphore_mem>>)
      } else {
      }
      %dma_start3A_342 = arith.constant 4 : i32
      %dma_start3A_343 = arith.constant 0 : i32
      %dma_start3A_344 = tpu.memref_slice %arg9[%dma_start3A_342, %dma_start3A_343] : memref<8x80xi32, #tpu.memory_space<vmem>> -> memref<1x80xi32, #tpu.memory_space<vmem>>
      %dma_start3A_345 = tpu.memref_squeeze %dma_start3A_344 : memref<1x80xi32, #tpu.memory_space<vmem>> -> memref<80xi32, #tpu.memory_space<vmem>>
      %dma_start3A_346 = arith.constant 0 : i32
      %dma_start3A_347 = arith.constant 0 : i32
      %dma_start3A_348 = tpu.memref_slice %arg2[%dma_start3A_346, %dma_start3A_347] : memref<10000x128xf32, #tpu.memory_space<hbm>> -> memref<10000x128xf32, #tpu.memory_space<hbm>>
      tpu.enqueue_indirect_dma source(%dma_start3A_348 : memref<10000x128xf32, #tpu.memory_space<hbm>>) target(%arg10 : memref<80x128xf32, #tpu.memory_space<vmem>>) offsets(%dma_start3A_345 : memref<80xi32, #tpu.memory_space<vmem>>) semaphore(%arg14 : memref<!tpu.dma_semaphore, #tpu.memory_space<semaphore_mem>>)
      %dma_start3A_349 = arith.constant 5 : i32
      %dma_start3A_350 = arith.constant 0 : i32
      %dma_start3A_351 = tpu.memref_slice %arg9[%dma_start3A_349, %dma_start3A_350] : memref<8x80xi32, #tpu.memory_space<vmem>> -> memref<1x80xi32, #tpu.memory_space<vmem>>
      %dma_start3A_352 = tpu.memref_squeeze %dma_start3A_351 : memref<1x80xi32, #tpu.memory_space<vmem>> -> memref<80xi32, #tpu.memory_space<vmem>>
      %dma_start3A_353 = arith.constant 0 : i32
      %dma_start3A_354 = arith.constant 0 : i32
      %dma_start3A_355 = tpu.memref_slice %arg2[%dma_start3A_353, %dma_start3A_354] : memref<10000x128xf32, #tpu.memory_space<hbm>> -> memref<10000x128xf32, #tpu.memory_space<hbm>>
      tpu.enqueue_indirect_dma source(%dma_start3A_355 : memref<10000x128xf32, #tpu.memory_space<hbm>>) target(%arg11 : memref<80x128xf32, #tpu.memory_space<vmem>>) offsets(%dma_start3A_352 : memref<80xi32, #tpu.memory_space<vmem>>) semaphore(%arg15 : memref<!tpu.dma_semaphore, #tpu.memory_space<semaphore_mem>>)
      %ge3A_356 = arith.constant 1 : i32
      %ge3A_357 = arith.cmpi sge, %add3A_328, %ge3A_356 : i32
      %convert_element_type3A_358 = arith.extui %ge3A_357 : i1 to i32
      %cond3A_359 = arith.constant 0 : i32
      %cond3A_360 = arith.cmpi ne, %convert_element_type3A_358, %cond3A_359 : i32
      scf.if %cond3A_360 {
        %dma_wait3A_389 = arith.constant 2 : i32
        %dma_wait3A_390 = arith.constant 0 : i32
        %dma_wait3A_391 = tpu.memref_slice %arg9[%dma_wait3A_389, %dma_wait3A_390] : memref<8x80xi32, #tpu.memory_space<vmem>> -> memref<1x80xi32, #tpu.memory_space<vmem>>
        %dma_wait3A_392 = tpu.memref_squeeze %dma_wait3A_391 : memref<1x80xi32, #tpu.memory_space<vmem>> -> memref<80xi32, #tpu.memory_space<vmem>>
        %dma_wait3A_393 = arith.constant 0 : i32
        %dma_wait3A_394 = arith.constant 0 : i32
        %dma_wait3A_395 = tpu.memref_slice %arg2[%dma_wait3A_393, %dma_wait3A_394] : memref<10000x128xf32, #tpu.memory_space<hbm>> -> memref<10000x128xf32, #tpu.memory_space<hbm>>
        tpu.wait_indirect_dma semaphore(%arg16 : memref<!tpu.dma_semaphore, #tpu.memory_space<semaphore_mem>>) src(%dma_wait3A_395 : memref<10000x128xf32, #tpu.memory_space<hbm>>) dst(%arg12 : memref<80x128xf32, #tpu.memory_space<vmem>>)
        %dma_start3A_396 = arith.constant 2 : i32
        %dma_start3A_397 = arith.constant 0 : i32
        %dma_start3A_398 = tpu.memref_slice %arg7[%dma_start3A_396, %dma_start3A_397] : memref<8x80xi32, #tpu.memory_space<vmem>> -> memref<1x80xi32, #tpu.memory_space<vmem>>
        %dma_start3A_399 = tpu.memref_squeeze %dma_start3A_398 : memref<1x80xi32, #tpu.memory_space<vmem>> -> memref<80xi32, #tpu.memory_space<vmem>>
        %dma_start3A_400 = arith.constant 0 : i32
        %dma_start3A_401 = arith.constant 0 : i32
        %dma_start3A_402 = tpu.memref_slice %arg26[%dma_start3A_400, %dma_start3A_401] : memref<10240x128xf32, #tpu.memory_space<vmem_shared>> -> memref<10240x128xf32, #tpu.memory_space<vmem_shared>>
        tpu.enqueue_indirect_dma source(%arg12 : memref<80x128xf32, #tpu.memory_space<vmem>>) target(%dma_start3A_402 : memref<10240x128xf32, #tpu.memory_space<vmem_shared>>) offsets(%dma_start3A_399 : memref<80xi32, #tpu.memory_space<vmem>>) semaphore(%arg20 : memref<!tpu.dma_semaphore, #tpu.memory_space<semaphore_mem>>) {add = true}
        %dma_wait3A_403 = arith.constant 3 : i32
        %dma_wait3A_404 = arith.constant 0 : i32
        %dma_wait3A_405 = tpu.memref_slice %arg9[%dma_wait3A_403, %dma_wait3A_404] : memref<8x80xi32, #tpu.memory_space<vmem>> -> memref<1x80xi32, #tpu.memory_space<vmem>>
        %dma_wait3A_406 = tpu.memref_squeeze %dma_wait3A_405 : memref<1x80xi32, #tpu.memory_space<vmem>> -> memref<80xi32, #tpu.memory_space<vmem>>
        %dma_wait3A_407 = arith.constant 0 : i32
        %dma_wait3A_408 = arith.constant 0 : i32
        %dma_wait3A_409 = tpu.memref_slice %arg2[%dma_wait3A_407, %dma_wait3A_408] : memref<10000x128xf32, #tpu.memory_space<hbm>> -> memref<10000x128xf32, #tpu.memory_space<hbm>>
        tpu.wait_indirect_dma semaphore(%arg17 : memref<!tpu.dma_semaphore, #tpu.memory_space<semaphore_mem>>) src(%dma_wait3A_409 : memref<10000x128xf32, #tpu.memory_space<hbm>>) dst(%arg13 : memref<80x128xf32, #tpu.memory_space<vmem>>)
        %dma_start3A_410 = arith.constant 3 : i32
        %dma_start3A_411 = arith.constant 0 : i32
        %dma_start3A_412 = tpu.memref_slice %arg7[%dma_start3A_410, %dma_start3A_411] : memref<8x80xi32, #tpu.memory_space<vmem>> -> memref<1x80xi32, #tpu.memory_space<vmem>>
        %dma_start3A_413 = tpu.memref_squeeze %dma_start3A_412 : memref<1x80xi32, #tpu.memory_space<vmem>> -> memref<80xi32, #tpu.memory_space<vmem>>
        %dma_start3A_414 = arith.constant 0 : i32
        %dma_start3A_415 = arith.constant 0 : i32
        %dma_start3A_416 = tpu.memref_slice %arg26[%dma_start3A_414, %dma_start3A_415] : memref<10240x128xf32, #tpu.memory_space<vmem_shared>> -> memref<10240x128xf32, #tpu.memory_space<vmem_shared>>
        tpu.enqueue_indirect_dma source(%arg13 : memref<80x128xf32, #tpu.memory_space<vmem>>) target(%dma_start3A_416 : memref<10240x128xf32, #tpu.memory_space<vmem_shared>>) offsets(%dma_start3A_413 : memref<80xi32, #tpu.memory_space<vmem>>) semaphore(%arg21 : memref<!tpu.dma_semaphore, #tpu.memory_space<semaphore_mem>>) {add = true}
      } else {
      }
      %mul3A_361 = arith.constant 8 : i32
      %mul3A_362 = arith.muli %mul3A_361, %scan3A_81 : i32
      %add3A_363 = arith.constant 7 : i32
      %add3A_364 = arith.addi %mul3A_362, %add3A_363 : i32
      %ge3A_365 = arith.constant 2 : i32
      %ge3A_366 = arith.cmpi sge, %add3A_364, %ge3A_365 : i32
      %convert_element_type3A_367 = arith.extui %ge3A_366 : i1 to i32
      %cond3A_368 = arith.constant 0 : i32
      %cond3A_369 = arith.cmpi ne, %convert_element_type3A_367, %cond3A_368 : i32
      scf.if %cond3A_369 {
        %dma_wait3A_389 = arith.constant 2 : i32
        %dma_wait3A_390 = arith.constant 0 : i32
        %dma_wait3A_391 = tpu.memref_slice %arg7[%dma_wait3A_389, %dma_wait3A_390] : memref<8x80xi32, #tpu.memory_space<vmem>> -> memref<1x80xi32, #tpu.memory_space<vmem>>
        %dma_wait3A_392 = tpu.memref_squeeze %dma_wait3A_391 : memref<1x80xi32, #tpu.memory_space<vmem>> -> memref<80xi32, #tpu.memory_space<vmem>>
        %dma_wait3A_393 = arith.constant 0 : i32
        %dma_wait3A_394 = arith.constant 0 : i32
        %dma_wait3A_395 = tpu.memref_slice %arg26[%dma_wait3A_393, %dma_wait3A_394] : memref<10240x128xf32, #tpu.memory_space<vmem_shared>> -> memref<10240x128xf32, #tpu.memory_space<vmem_shared>>
        tpu.wait_indirect_dma semaphore(%arg20 : memref<!tpu.dma_semaphore, #tpu.memory_space<semaphore_mem>>) src(%arg12 : memref<80x128xf32, #tpu.memory_space<vmem>>) dst(%dma_wait3A_395 : memref<10240x128xf32, #tpu.memory_space<vmem_shared>>)
        %dma_wait3A_396 = arith.constant 3 : i32
        %dma_wait3A_397 = arith.constant 0 : i32
        %dma_wait3A_398 = tpu.memref_slice %arg7[%dma_wait3A_396, %dma_wait3A_397] : memref<8x80xi32, #tpu.memory_space<vmem>> -> memref<1x80xi32, #tpu.memory_space<vmem>>
        %dma_wait3A_399 = tpu.memref_squeeze %dma_wait3A_398 : memref<1x80xi32, #tpu.memory_space<vmem>> -> memref<80xi32, #tpu.memory_space<vmem>>
        %dma_wait3A_400 = arith.constant 0 : i32
        %dma_wait3A_401 = arith.constant 0 : i32
        %dma_wait3A_402 = tpu.memref_slice %arg26[%dma_wait3A_400, %dma_wait3A_401] : memref<10240x128xf32, #tpu.memory_space<vmem_shared>> -> memref<10240x128xf32, #tpu.memory_space<vmem_shared>>
        tpu.wait_indirect_dma semaphore(%arg21 : memref<!tpu.dma_semaphore, #tpu.memory_space<semaphore_mem>>) src(%arg13 : memref<80x128xf32, #tpu.memory_space<vmem>>) dst(%dma_wait3A_402 : memref<10240x128xf32, #tpu.memory_space<vmem_shared>>)
      } else {
      }
      %dma_start3A_370 = arith.constant 6 : i32
      %dma_start3A_371 = arith.constant 0 : i32
      %dma_start3A_372 = tpu.memref_slice %arg9[%dma_start3A_370, %dma_start3A_371] : memref<8x80xi32, #tpu.memory_space<vmem>> -> memref<1x80xi32, #tpu.memory_space<vmem>>
      %dma_start3A_373 = tpu.memref_squeeze %dma_start3A_372 : memref<1x80xi32, #tpu.memory_space<vmem>> -> memref<80xi32, #tpu.memory_space<vmem>>
      %dma_start3A_374 = arith.constant 0 : i32
      %dma_start3A_375 = arith.constant 0 : i32
      %dma_start3A_376 = tpu.memref_slice %arg2[%dma_start3A_374, %dma_start3A_375] : memref<10000x128xf32, #tpu.memory_space<hbm>> -> memref<10000x128xf32, #tpu.memory_space<hbm>>
      tpu.enqueue_indirect_dma source(%dma_start3A_376 : memref<10000x128xf32, #tpu.memory_space<hbm>>) target(%arg12 : memref<80x128xf32, #tpu.memory_space<vmem>>) offsets(%dma_start3A_373 : memref<80xi32, #tpu.memory_space<vmem>>) semaphore(%arg16 : memref<!tpu.dma_semaphore, #tpu.memory_space<semaphore_mem>>)
      %dma_start3A_377 = arith.constant 7 : i32
      %dma_start3A_378 = arith.constant 0 : i32
      %dma_start3A_379 = tpu.memref_slice %arg9[%dma_start3A_377, %dma_start3A_378] : memref<8x80xi32, #tpu.memory_space<vmem>> -> memref<1x80xi32, #tpu.memory_space<vmem>>
      %dma_start3A_380 = tpu.memref_squeeze %dma_start3A_379 : memref<1x80xi32, #tpu.memory_space<vmem>> -> memref<80xi32, #tpu.memory_space<vmem>>
      %dma_start3A_381 = arith.constant 0 : i32
      %dma_start3A_382 = arith.constant 0 : i32
      %dma_start3A_383 = tpu.memref_slice %arg2[%dma_start3A_381, %dma_start3A_382] : memref<10000x128xf32, #tpu.memory_space<hbm>> -> memref<10000x128xf32, #tpu.memory_space<hbm>>
      tpu.enqueue_indirect_dma source(%dma_start3A_383 : memref<10000x128xf32, #tpu.memory_space<hbm>>) target(%arg13 : memref<80x128xf32, #tpu.memory_space<vmem>>) offsets(%dma_start3A_380 : memref<80xi32, #tpu.memory_space<vmem>>) semaphore(%arg17 : memref<!tpu.dma_semaphore, #tpu.memory_space<semaphore_mem>>)
      %ge3A_384 = arith.constant 1 : i32
      %ge3A_385 = arith.cmpi sge, %add3A_364, %ge3A_384 : i32
      %convert_element_type3A_386 = arith.extui %ge3A_385 : i1 to i32
      %cond3A_387 = arith.constant 0 : i32
      %cond3A_388 = arith.cmpi ne, %convert_element_type3A_386, %cond3A_387 : i32
      scf.if %cond3A_388 {
        %dma_wait3A_389 = arith.constant 4 : i32
        %dma_wait3A_390 = arith.constant 0 : i32
        %dma_wait3A_391 = tpu.memref_slice %arg9[%dma_wait3A_389, %dma_wait3A_390] : memref<8x80xi32, #tpu.memory_space<vmem>> -> memref<1x80xi32, #tpu.memory_space<vmem>>
        %dma_wait3A_392 = tpu.memref_squeeze %dma_wait3A_391 : memref<1x80xi32, #tpu.memory_space<vmem>> -> memref<80xi32, #tpu.memory_space<vmem>>
        %dma_wait3A_393 = arith.constant 0 : i32
        %dma_wait3A_394 = arith.constant 0 : i32
        %dma_wait3A_395 = tpu.memref_slice %arg2[%dma_wait3A_393, %dma_wait3A_394] : memref<10000x128xf32, #tpu.memory_space<hbm>> -> memref<10000x128xf32, #tpu.memory_space<hbm>>
        tpu.wait_indirect_dma semaphore(%arg14 : memref<!tpu.dma_semaphore, #tpu.memory_space<semaphore_mem>>) src(%dma_wait3A_395 : memref<10000x128xf32, #tpu.memory_space<hbm>>) dst(%arg10 : memref<80x128xf32, #tpu.memory_space<vmem>>)
        %dma_start3A_396 = arith.constant 4 : i32
        %dma_start3A_397 = arith.constant 0 : i32
        %dma_start3A_398 = tpu.memref_slice %arg7[%dma_start3A_396, %dma_start3A_397] : memref<8x80xi32, #tpu.memory_space<vmem>> -> memref<1x80xi32, #tpu.memory_space<vmem>>
        %dma_start3A_399 = tpu.memref_squeeze %dma_start3A_398 : memref<1x80xi32, #tpu.memory_space<vmem>> -> memref<80xi32, #tpu.memory_space<vmem>>
        %dma_start3A_400 = arith.constant 0 : i32
        %dma_start3A_401 = arith.constant 0 : i32
        %dma_start3A_402 = tpu.memref_slice %arg26[%dma_start3A_400, %dma_start3A_401] : memref<10240x128xf32, #tpu.memory_space<vmem_shared>> -> memref<10240x128xf32, #tpu.memory_space<vmem_shared>>
        tpu.enqueue_indirect_dma source(%arg10 : memref<80x128xf32, #tpu.memory_space<vmem>>) target(%dma_start3A_402 : memref<10240x128xf32, #tpu.memory_space<vmem_shared>>) offsets(%dma_start3A_399 : memref<80xi32, #tpu.memory_space<vmem>>) semaphore(%arg18 : memref<!tpu.dma_semaphore, #tpu.memory_space<semaphore_mem>>) {add = true}
        %dma_wait3A_403 = arith.constant 5 : i32
        %dma_wait3A_404 = arith.constant 0 : i32
        %dma_wait3A_405 = tpu.memref_slice %arg9[%dma_wait3A_403, %dma_wait3A_404] : memref<8x80xi32, #tpu.memory_space<vmem>> -> memref<1x80xi32, #tpu.memory_space<vmem>>
        %dma_wait3A_406 = tpu.memref_squeeze %dma_wait3A_405 : memref<1x80xi32, #tpu.memory_space<vmem>> -> memref<80xi32, #tpu.memory_space<vmem>>
        %dma_wait3A_407 = arith.constant 0 : i32
        %dma_wait3A_408 = arith.constant 0 : i32
        %dma_wait3A_409 = tpu.memref_slice %arg2[%dma_wait3A_407, %dma_wait3A_408] : memref<10000x128xf32, #tpu.memory_space<hbm>> -> memref<10000x128xf32, #tpu.memory_space<hbm>>
        tpu.wait_indirect_dma semaphore(%arg15 : memref<!tpu.dma_semaphore, #tpu.memory_space<semaphore_mem>>) src(%dma_wait3A_409 : memref<10000x128xf32, #tpu.memory_space<hbm>>) dst(%arg11 : memref<80x128xf32, #tpu.memory_space<vmem>>)
        %dma_start3A_410 = arith.constant 5 : i32
        %dma_start3A_411 = arith.constant 0 : i32
        %dma_start3A_412 = tpu.memref_slice %arg7[%dma_start3A_410, %dma_start3A_411] : memref<8x80xi32, #tpu.memory_space<vmem>> -> memref<1x80xi32, #tpu.memory_space<vmem>>
        %dma_start3A_413 = tpu.memref_squeeze %dma_start3A_412 : memref<1x80xi32, #tpu.memory_space<vmem>> -> memref<80xi32, #tpu.memory_space<vmem>>
        %dma_start3A_414 = arith.constant 0 : i32
        %dma_start3A_415 = arith.constant 0 : i32
        %dma_start3A_416 = tpu.memref_slice %arg26[%dma_start3A_414, %dma_start3A_415] : memref<10240x128xf32, #tpu.memory_space<vmem_shared>> -> memref<10240x128xf32, #tpu.memory_space<vmem_shared>>
        tpu.enqueue_indirect_dma source(%arg11 : memref<80x128xf32, #tpu.memory_space<vmem>>) target(%dma_start3A_416 : memref<10240x128xf32, #tpu.memory_space<vmem_shared>>) offsets(%dma_start3A_413 : memref<80xi32, #tpu.memory_space<vmem>>) semaphore(%arg19 : memref<!tpu.dma_semaphore, #tpu.memory_space<semaphore_mem>>) {add = true}
      } else {
      }
    }
    %scan3A_24 = arith.constant 4 : i32
    %dma_wait3A = arith.constant 4 : i32
    %dma_wait3A_25 = arith.constant 0 : i32
    %dma_wait3A_26 = tpu.memref_slice %arg7[%dma_wait3A, %dma_wait3A_25] : memref<8x80xi32, #tpu.memory_space<vmem>> -> memref<1x80xi32, #tpu.memory_space<vmem>>
    %dma_wait3A_27 = tpu.memref_squeeze %dma_wait3A_26 : memref<1x80xi32, #tpu.memory_space<vmem>> -> memref<80xi32, #tpu.memory_space<vmem>>
    %dma_wait3A_28 = arith.constant 0 : i32
    %dma_wait3A_29 = arith.constant 0 : i32
    %dma_wait3A_30 = tpu.memref_slice %arg26[%dma_wait3A_28, %dma_wait3A_29] : memref<10240x128xf32, #tpu.memory_space<vmem_shared>> -> memref<10240x128xf32, #tpu.memory_space<vmem_shared>>
    tpu.wait_indirect_dma semaphore(%arg18 : memref<!tpu.dma_semaphore, #tpu.memory_space<semaphore_mem>>) src(%arg10 : memref<80x128xf32, #tpu.memory_space<vmem>>) dst(%dma_wait3A_30 : memref<10240x128xf32, #tpu.memory_space<vmem_shared>>)
    %dma_wait3A_31 = arith.constant 5 : i32
    %dma_wait3A_32 = arith.constant 0 : i32
    %dma_wait3A_33 = tpu.memref_slice %arg7[%dma_wait3A_31, %dma_wait3A_32] : memref<8x80xi32, #tpu.memory_space<vmem>> -> memref<1x80xi32, #tpu.memory_space<vmem>>
    %dma_wait3A_34 = tpu.memref_squeeze %dma_wait3A_33 : memref<1x80xi32, #tpu.memory_space<vmem>> -> memref<80xi32, #tpu.memory_space<vmem>>
    %dma_wait3A_35 = arith.constant 0 : i32
    %dma_wait3A_36 = arith.constant 0 : i32
    %dma_wait3A_37 = tpu.memref_slice %arg26[%dma_wait3A_35, %dma_wait3A_36] : memref<10240x128xf32, #tpu.memory_space<vmem_shared>> -> memref<10240x128xf32, #tpu.memory_space<vmem_shared>>
    tpu.wait_indirect_dma semaphore(%arg19 : memref<!tpu.dma_semaphore, #tpu.memory_space<semaphore_mem>>) src(%arg11 : memref<80x128xf32, #tpu.memory_space<vmem>>) dst(%dma_wait3A_37 : memref<10240x128xf32, #tpu.memory_space<vmem_shared>>)
    %dma_wait3A_38 = arith.constant 6 : i32
    %dma_wait3A_39 = arith.constant 0 : i32
    %dma_wait3A_40 = tpu.memref_slice %arg9[%dma_wait3A_38, %dma_wait3A_39] : memref<8x80xi32, #tpu.memory_space<vmem>> -> memref<1x80xi32, #tpu.memory_space<vmem>>
    %dma_wait3A_41 = tpu.memref_squeeze %dma_wait3A_40 : memref<1x80xi32, #tpu.memory_space<vmem>> -> memref<80xi32, #tpu.memory_space<vmem>>
    %dma_wait3A_42 = arith.constant 0 : i32
    %dma_wait3A_43 = arith.constant 0 : i32
    %dma_wait3A_44 = tpu.memref_slice %arg2[%dma_wait3A_42, %dma_wait3A_43] : memref<10000x128xf32, #tpu.memory_space<hbm>> -> memref<10000x128xf32, #tpu.memory_space<hbm>>
    tpu.wait_indirect_dma semaphore(%arg16 : memref<!tpu.dma_semaphore, #tpu.memory_space<semaphore_mem>>) src(%dma_wait3A_44 : memref<10000x128xf32, #tpu.memory_space<hbm>>) dst(%arg12 : memref<80x128xf32, #tpu.memory_space<vmem>>)
    %dma_start3A_45 = arith.constant 6 : i32
    %dma_start3A_46 = arith.constant 0 : i32
    %dma_start3A_47 = tpu.memref_slice %arg7[%dma_start3A_45, %dma_start3A_46] : memref<8x80xi32, #tpu.memory_space<vmem>> -> memref<1x80xi32, #tpu.memory_space<vmem>>
    %dma_start3A_48 = tpu.memref_squeeze %dma_start3A_47 : memref<1x80xi32, #tpu.memory_space<vmem>> -> memref<80xi32, #tpu.memory_space<vmem>>
    %dma_start3A_49 = arith.constant 0 : i32
    %dma_start3A_50 = arith.constant 0 : i32
    %dma_start3A_51 = tpu.memref_slice %arg26[%dma_start3A_49, %dma_start3A_50] : memref<10240x128xf32, #tpu.memory_space<vmem_shared>> -> memref<10240x128xf32, #tpu.memory_space<vmem_shared>>
    tpu.enqueue_indirect_dma source(%arg12 : memref<80x128xf32, #tpu.memory_space<vmem>>) target(%dma_start3A_51 : memref<10240x128xf32, #tpu.memory_space<vmem_shared>>) offsets(%dma_start3A_48 : memref<80xi32, #tpu.memory_space<vmem>>) semaphore(%arg20 : memref<!tpu.dma_semaphore, #tpu.memory_space<semaphore_mem>>) {add = true}
    %dma_wait3A_52 = arith.constant 7 : i32
    %dma_wait3A_53 = arith.constant 0 : i32
    %dma_wait3A_54 = tpu.memref_slice %arg9[%dma_wait3A_52, %dma_wait3A_53] : memref<8x80xi32, #tpu.memory_space<vmem>> -> memref<1x80xi32, #tpu.memory_space<vmem>>
    %dma_wait3A_55 = tpu.memref_squeeze %dma_wait3A_54 : memref<1x80xi32, #tpu.memory_space<vmem>> -> memref<80xi32, #tpu.memory_space<vmem>>
    %dma_wait3A_56 = arith.constant 0 : i32
    %dma_wait3A_57 = arith.constant 0 : i32
    %dma_wait3A_58 = tpu.memref_slice %arg2[%dma_wait3A_56, %dma_wait3A_57] : memref<10000x128xf32, #tpu.memory_space<hbm>> -> memref<10000x128xf32, #tpu.memory_space<hbm>>
    tpu.wait_indirect_dma semaphore(%arg17 : memref<!tpu.dma_semaphore, #tpu.memory_space<semaphore_mem>>) src(%dma_wait3A_58 : memref<10000x128xf32, #tpu.memory_space<hbm>>) dst(%arg13 : memref<80x128xf32, #tpu.memory_space<vmem>>)
    %dma_start3A_59 = arith.constant 7 : i32
    %dma_start3A_60 = arith.constant 0 : i32
    %dma_start3A_61 = tpu.memref_slice %arg7[%dma_start3A_59, %dma_start3A_60] : memref<8x80xi32, #tpu.memory_space<vmem>> -> memref<1x80xi32, #tpu.memory_space<vmem>>
    %dma_start3A_62 = tpu.memref_squeeze %dma_start3A_61 : memref<1x80xi32, #tpu.memory_space<vmem>> -> memref<80xi32, #tpu.memory_space<vmem>>
    %dma_start3A_63 = arith.constant 0 : i32
    %dma_start3A_64 = arith.constant 0 : i32
    %dma_start3A_65 = tpu.memref_slice %arg26[%dma_start3A_63, %dma_start3A_64] : memref<10240x128xf32, #tpu.memory_space<vmem_shared>> -> memref<10240x128xf32, #tpu.memory_space<vmem_shared>>
    tpu.enqueue_indirect_dma source(%arg13 : memref<80x128xf32, #tpu.memory_space<vmem>>) target(%dma_start3A_65 : memref<10240x128xf32, #tpu.memory_space<vmem_shared>>) offsets(%dma_start3A_62 : memref<80xi32, #tpu.memory_space<vmem>>) semaphore(%arg21 : memref<!tpu.dma_semaphore, #tpu.memory_space<semaphore_mem>>) {add = true}
    %dma_wait3A_66 = arith.constant 6 : i32
    %dma_wait3A_67 = arith.constant 0 : i32
    %dma_wait3A_68 = tpu.memref_slice %arg7[%dma_wait3A_66, %dma_wait3A_67] : memref<8x80xi32, #tpu.memory_space<vmem>> -> memref<1x80xi32, #tpu.memory_space<vmem>>
    %dma_wait3A_69 = tpu.memref_squeeze %dma_wait3A_68 : memref<1x80xi32, #tpu.memory_space<vmem>> -> memref<80xi32, #tpu.memory_space<vmem>>
    %dma_wait3A_70 = arith.constant 0 : i32
    %dma_wait3A_71 = arith.constant 0 : i32
    %dma_wait3A_72 = tpu.memref_slice %arg26[%dma_wait3A_70, %dma_wait3A_71] : memref<10240x128xf32, #tpu.memory_space<vmem_shared>> -> memref<10240x128xf32, #tpu.memory_space<vmem_shared>>
    tpu.wait_indirect_dma semaphore(%arg20 : memref<!tpu.dma_semaphore, #tpu.memory_space<semaphore_mem>>) src(%arg12 : memref<80x128xf32, #tpu.memory_space<vmem>>) dst(%dma_wait3A_72 : memref<10240x128xf32, #tpu.memory_space<vmem_shared>>)
    %dma_wait3A_73 = arith.constant 7 : i32
    %dma_wait3A_74 = arith.constant 0 : i32
    %dma_wait3A_75 = tpu.memref_slice %arg7[%dma_wait3A_73, %dma_wait3A_74] : memref<8x80xi32, #tpu.memory_space<vmem>> -> memref<1x80xi32, #tpu.memory_space<vmem>>
    %dma_wait3A_76 = tpu.memref_squeeze %dma_wait3A_75 : memref<1x80xi32, #tpu.memory_space<vmem>> -> memref<80xi32, #tpu.memory_space<vmem>>
    %dma_wait3A_77 = arith.constant 0 : i32
    %dma_wait3A_78 = arith.constant 0 : i32
    %dma_wait3A_79 = tpu.memref_slice %arg26[%dma_wait3A_77, %dma_wait3A_78] : memref<10240x128xf32, #tpu.memory_space<vmem_shared>> -> memref<10240x128xf32, #tpu.memory_space<vmem_shared>>
    tpu.wait_indirect_dma semaphore(%arg21 : memref<!tpu.dma_semaphore, #tpu.memory_space<semaphore_mem>>) src(%arg13 : memref<80x128xf32, #tpu.memory_space<vmem>>) dst(%dma_wait3A_79 : memref<10240x128xf32, #tpu.memory_space<vmem_shared>>)
    %barrier3A_80 = arith.constant 0 : index
    tpu.barrier barrier_id(%barrier3A_80)
    "tpu.region"() ({
      %run_scoped3A = tpu.sem_alloc : memref<!tpu.dma_semaphore, #tpu.memory_space<semaphore_mem>>
      %dma_start3A_81 = arith.constant 0 : i32
      %dma_start3A_82 = tpu.memref_slice %arg5[%arg0, %mul3A_2, %dma_start3A_81] : memref<2x10240x128xf32, #tpu.memory_space<hbm>> -> memref<1x640x128xf32, #tpu.memory_space<hbm>>
      %dma_start3A_83 = tpu.memref_squeeze %dma_start3A_82 : memref<1x640x128xf32, #tpu.memory_space<hbm>> -> memref<640x128xf32, #tpu.memory_space<hbm>>
      %dma_start3A_84 = arith.constant 0 : i32
      %dma_start3A_85 = tpu.memref_slice %arg26[%mul3A_2, %dma_start3A_84] : memref<10240x128xf32, #tpu.memory_space<vmem_shared>> -> memref<640x128xf32, #tpu.memory_space<vmem_shared>>
      tpu.enqueue_dma source(%dma_start3A_85 : memref<640x128xf32, #tpu.memory_space<vmem_shared>>) target(%dma_start3A_83 : memref<640x128xf32, #tpu.memory_space<hbm>>) target_semaphore(%run_scoped3A : memref<!tpu.dma_semaphore, #tpu.memory_space<semaphore_mem>>)
      %dma_wait3A_86 = arith.constant 0 : i32
      %dma_wait3A_87 = tpu.memref_slice %arg5[%arg0, %mul3A_2, %dma_wait3A_86] : memref<2x10240x128xf32, #tpu.memory_space<hbm>> -> memref<1x640x128xf32, #tpu.memory_space<hbm>>
      %dma_wait3A_88 = tpu.memref_squeeze %dma_wait3A_87 : memref<1x640x128xf32, #tpu.memory_space<hbm>> -> memref<640x128xf32, #tpu.memory_space<hbm>>
      %dma_wait3A_89 = arith.constant 0 : i32
      %dma_wait3A_90 = tpu.memref_slice %arg26[%mul3A_2, %dma_wait3A_89] : memref<10240x128xf32, #tpu.memory_space<vmem_shared>> -> memref<640x128xf32, #tpu.memory_space<vmem_shared>>
      tpu.wait_dma2 semaphore(%run_scoped3A : memref<!tpu.dma_semaphore, #tpu.memory_space<semaphore_mem>>) src(%dma_wait3A_90 : memref<640x128xf32, #tpu.memory_space<vmem_shared>>) dst(%dma_wait3A_88 : memref<640x128xf32, #tpu.memory_space<hbm>>)
      tpu.yield
    }) : () -> ()
    return
  }
}

#map = affine_map<(d0, d1) -> (0, 0)>
#map1 = affine_map<(d0, d1) -> (0, 0, 0, 0)>
#map2 = affine_map<(d0, d1) -> (0, 0, 0)>
module attributes {stable_mosaic.version = 14 : i64} {
  func.func @agg(%arg0: i32, %arg1: i32, %arg2: memref<10000x128xf32, #tpu.memory_space<hbm>>, %arg3: memref<2x32x64x80xi32, #tpu.memory_space<hbm>>, %arg4: memref<640x128xf32, #tpu.memory_space<hbm>>, %arg5: memref<2x10240x128xf32, #tpu.memory_space<hbm>>, %arg6: memref<8x80xi32, #tpu.memory_space<vmem>>, %arg7: memref<8x80xi32, #tpu.memory_space<vmem>>, %arg8: memref<8x80xi32, #tpu.memory_space<vmem>>, %arg9: memref<8x80xi32, #tpu.memory_space<vmem>>, %arg10: memref<80x128xf32, #tpu.memory_space<vmem>>, %arg11: memref<80x128xf32, #tpu.memory_space<vmem>>, %arg12: memref<80x128xf32, #tpu.memory_space<vmem>>, %arg13: memref<80x128xf32, #tpu.memory_space<vmem>>, %arg14: memref<!tpu.dma_semaphore, #tpu.memory_space<semaphore_mem>>, %arg15: memref<!tpu.dma_semaphore, #tpu.memory_space<semaphore_mem>>, %arg16: memref<!tpu.dma_semaphore, #tpu.memory_space<semaphore_mem>>, %arg17: memref<!tpu.dma_semaphore, #tpu.memory_space<semaphore_mem>>, %arg18: memref<!tpu.dma_semaphore, #tpu.memory_space<semaphore_mem>>, %arg19: memref<!tpu.dma_semaphore, #tpu.memory_space<semaphore_mem>>, %arg20: memref<!tpu.dma_semaphore, #tpu.memory_space<semaphore_mem>>, %arg21: memref<!tpu.dma_semaphore, #tpu.memory_space<semaphore_mem>>, %arg22: memref<!tpu.dma_semaphore, #tpu.memory_space<semaphore_mem>>, %arg23: memref<!tpu.dma_semaphore, #tpu.memory_space<semaphore_mem>>, %arg24: memref<!tpu.dma_semaphore, #tpu.memory_space<semaphore_mem>>, %arg25: memref<!tpu.dma_semaphore, #tpu.memory_space<semaphore_mem>>, %arg26: memref<10240x128xf32, #tpu.memory_space<vmem_shared>>) attributes {dimension_semantics = [#tpu.dimension_semantics<core_parallel>, #tpu.dimension_semantics<subcore_parallel>], iteration_bounds = array<i64: 2, 16>, scalar_prefetch = 0 : i64, scratch_operands = 21 : i64, tpu.core_type = #tpu.core_type<sc_vector_subcore>, window_params = [{transform_indices = #map}, {transform_indices = #map1}, {transform_indices = #map}, {transform_indices = #map2}]} {
    %mul3A = arith.constant 16 : i32
    %mul3A_0 = arith.muli %arg0, %mul3A : i32
    %add3A = arith.addi %mul3A_0, %arg1 : i32
    %mul3A_1 = arith.constant 640 : i32
    %mul3A_2 = arith.muli %arg1, %mul3A_1 : i32
    "tpu.region"() ({
      %run_scoped3A = tpu.sem_alloc : memref<!tpu.dma_semaphore, #tpu.memory_space<semaphore_mem>>
      %dma_start3A_81 = arith.constant 0 : i32
      %dma_start3A_82 = tpu.memref_slice %arg26[%mul3A_2, %dma_start3A_81] : memref<10240x128xf32, #tpu.memory_space<vmem_shared>> -> memref<640x128xf32, #tpu.memory_space<vmem_shared>>
      tpu.enqueue_dma source(%arg4 : memref<640x128xf32, #tpu.memory_space<hbm>>) target(%dma_start3A_82 : memref<640x128xf32, #tpu.memory_space<vmem_shared>>) target_semaphore(%run_scoped3A : memref<!tpu.dma_semaphore, #tpu.memory_space<semaphore_mem>>)
      %dma_wait3A_83 = arith.constant 0 : i32
      %dma_wait3A_84 = tpu.memref_slice %arg26[%mul3A_2, %dma_wait3A_83] : memref<10240x128xf32, #tpu.memory_space<vmem_shared>> -> memref<640x128xf32, #tpu.memory_space<vmem_shared>>
      tpu.wait_dma2 semaphore(%run_scoped3A : memref<!tpu.dma_semaphore, #tpu.memory_space<semaphore_mem>>) src(%arg4 : memref<640x128xf32, #tpu.memory_space<hbm>>) dst(%dma_wait3A_84 : memref<640x128xf32, #tpu.memory_space<vmem_shared>>)
      tpu.yield
    }) : () -> ()
    %barrier3A = arith.constant 0 : index
    tpu.barrier barrier_id(%barrier3A)
    %dma_start3A = arith.constant 0 : i32
    %dma_start3A_3 = arith.constant 0 : i32
    %dma_start3A_4 = arith.constant 0 : i32
    %dma_start3A_5 = tpu.memref_slice %arg3[%dma_start3A, %add3A, %dma_start3A_3, %dma_start3A_4] : memref<2x32x64x80xi32, #tpu.memory_space<hbm>> -> memref<1x1x8x80xi32, #tpu.memory_space<hbm>>
    %dma_start3A_6 = tpu.memref_squeeze %dma_start3A_5 : memref<1x1x8x80xi32, #tpu.memory_space<hbm>> -> memref<8x80xi32, #tpu.memory_space<hbm>>
    %dma_start3A_7 = arith.constant 0 : i32
    %dma_start3A_8 = arith.constant 0 : i32
    %dma_start3A_9 = tpu.memref_slice %arg3[%dma_start3A, %add3A, %dma_start3A_7, %dma_start3A_8] : memref<2x32x64x80xi32, #tpu.memory_space<hbm>> -> memref<1x1x8x80xi32, #tpu.memory_space<hbm>>
    %dma_start3A_10 = tpu.memref_squeeze %dma_start3A_9 : memref<1x1x8x80xi32, #tpu.memory_space<hbm>> -> memref<8x80xi32, #tpu.memory_space<hbm>>
    tpu.enqueue_dma source(%dma_start3A_10 : memref<8x80xi32, #tpu.memory_space<hbm>>) target(%arg6 : memref<8x80xi32, #tpu.memory_space<vmem>>) target_semaphore(%arg22 : memref<!tpu.dma_semaphore, #tpu.memory_space<semaphore_mem>>)
    %dma_start3A_11 = arith.constant 1 : i32
    %dma_start3A_12 = arith.constant 0 : i32
    %dma_start3A_13 = arith.constant 0 : i32
    %dma_start3A_14 = tpu.memref_slice %arg3[%dma_start3A_11, %add3A, %dma_start3A_12, %dma_start3A_13] : memref<2x32x64x80xi32, #tpu.memory_space<hbm>> -> memref<1x1x8x80xi32, #tpu.memory_space<hbm>>
    %dma_start3A_15 = tpu.memref_squeeze %dma_start3A_14 : memref<1x1x8x80xi32, #tpu.memory_space<hbm>> -> memref<8x80xi32, #tpu.memory_space<hbm>>
    %dma_start3A_16 = arith.constant 0 : i32
    %dma_start3A_17 = arith.constant 0 : i32
    %dma_start3A_18 = tpu.memref_slice %arg3[%dma_start3A_11, %add3A, %dma_start3A_16, %dma_start3A_17] : memref<2x32x64x80xi32, #tpu.memory_space<hbm>> -> memref<1x1x8x80xi32, #tpu.memory_space<hbm>>
    %dma_start3A_19 = tpu.memref_squeeze %dma_start3A_18 : memref<1x1x8x80xi32, #tpu.memory_space<hbm>> -> memref<8x80xi32, #tpu.memory_space<hbm>>
    tpu.enqueue_dma source(%dma_start3A_19 : memref<8x80xi32, #tpu.memory_space<hbm>>) target(%arg8 : memref<8x80xi32, #tpu.memory_space<vmem>>) target_semaphore(%arg23 : memref<!tpu.dma_semaphore, #tpu.memory_space<semaphore_mem>>)
    %scan3A = arith.constant 0 : i32
    %scan3A_20 = arith.constant 0 : i32
    %scan3A_21 = arith.constant 4 : i32
    %scan3A_22 = arith.addi %scan3A_20, %scan3A_21 : i32
    %scan3A_23 = arith.constant 1 : i32
    scf.for %scan3A_81 = %scan3A_20 to %scan3A_22 step %scan3A_23  : i32 {
      %mul3A_82 = arith.constant 8 : i32
      %mul3A_83 = arith.muli %mul3A_82, %scan3A_81 : i32
      %add3A_84 = arith.constant 0 : i32
      %add3A_85 = arith.addi %mul3A_83, %add3A_84 : i32
      %ge3A = arith.constant 2 : i32
      %ge3A_86 = arith.cmpi sge, %add3A_85, %ge3A : i32
      %convert_element_type3A = arith.extui %ge3A_86 : i1 to i32
      %cond3A = arith.constant 0 : i32
      %cond3A_87 = arith.cmpi ne, %convert_element_type3A, %cond3A : i32
      scf.if %cond3A_87 {
        %dma_wait3A_389 = arith.constant 4 : i32
        %dma_wait3A_390 = arith.constant 0 : i32
        %dma_wait3A_391 = tpu.memref_slice %arg7[%dma_wait3A_389, %dma_wait3A_390] : memref<8x80xi32, #tpu.memory_space<vmem>> -> memref<1x80xi32, #tpu.memory_space<vmem>>
        %dma_wait3A_392 = tpu.memref_squeeze %dma_wait3A_391 : memref<1x80xi32, #tpu.memory_space<vmem>> -> memref<80xi32, #tpu.memory_space<vmem>>
        %dma_wait3A_393 = arith.constant 0 : i32
        %dma_wait3A_394 = arith.constant 0 : i32
        %dma_wait3A_395 = tpu.memref_slice %arg26[%dma_wait3A_393, %dma_wait3A_394] : memref<10240x128xf32, #tpu.memory_space<vmem_shared>> -> memref<10240x128xf32, #tpu.memory_space<vmem_shared>>
        tpu.wait_indirect_dma semaphore(%arg18 : memref<!tpu.dma_semaphore, #tpu.memory_space<semaphore_mem>>) src(%arg10 : memref<80x128xf32, #tpu.memory_space<vmem>>) dst(%dma_wait3A_395 : memref<10240x128xf32, #tpu.memory_space<vmem_shared>>)
        %dma_wait3A_396 = arith.constant 5 : i32
        %dma_wait3A_397 = arith.constant 0 : i32
        %dma_wait3A_398 = tpu.memref_slice %arg7[%dma_wait3A_396, %dma_wait3A_397] : memref<8x80xi32, #tpu.memory_space<vmem>> -> memref<1x80xi32, #tpu.memory_space<vmem>>
        %dma_wait3A_399 = tpu.memref_squeeze %dma_wait3A_398 : memref<1x80xi32, #tpu.memory_space<vmem>> -> memref<80xi32, #tpu.memory_space<vmem>>
        %dma_wait3A_400 = arith.constant 0 : i32
        %dma_wait3A_401 = arith.constant 0 : i32
        %dma_wait3A_402 = tpu.memref_slice %arg26[%dma_wait3A_400, %dma_wait3A_401] : memref<10240x128xf32, #tpu.memory_space<vmem_shared>> -> memref<10240x128xf32, #tpu.memory_space<vmem_shared>>
        tpu.wait_indirect_dma semaphore(%arg19 : memref<!tpu.dma_semaphore, #tpu.memory_space<semaphore_mem>>) src(%arg11 : memref<80x128xf32, #tpu.memory_space<vmem>>) dst(%dma_wait3A_402 : memref<10240x128xf32, #tpu.memory_space<vmem_shared>>)
      } else {
      }
      %mul3A_88 = arith.constant 2 : i32
      %mul3A_89 = arith.muli %mul3A_88, %scan3A_81 : i32
      %mul3A_90 = arith.constant 8 : i32
      %mul3A_91 = arith.muli %mul3A_89, %mul3A_90 : i32
      %mul3A_92 = arith.constant 8 : i32
      %mul3A_93 = arith.muli %mul3A_89, %mul3A_92 : i32
      %dma_wait3A_94 = arith.constant 0 : i32
      %dma_wait3A_95 = arith.constant 0 : i32
      %dma_wait3A_96 = tpu.memref_slice %arg3[%dma_wait3A_94, %add3A, %mul3A_91, %dma_wait3A_95] : memref<2x32x64x80xi32, #tpu.memory_space<hbm>> -> memref<1x1x8x80xi32, #tpu.memory_space<hbm>>
      %dma_wait3A_97 = tpu.memref_squeeze %dma_wait3A_96 : memref<1x1x8x80xi32, #tpu.memory_space<hbm>> -> memref<8x80xi32, #tpu.memory_space<hbm>>
      %dma_wait3A_98 = arith.constant 0 : i32
      %dma_wait3A_99 = tpu.memref_slice %arg3[%dma_wait3A_94, %add3A, %mul3A_91, %dma_wait3A_98] : memref<2x32x64x80xi32, #tpu.memory_space<hbm>> -> memref<1x1x8x80xi32, #tpu.memory_space<hbm>>
      %dma_wait3A_100 = tpu.memref_squeeze %dma_wait3A_99 : memref<1x1x8x80xi32, #tpu.memory_space<hbm>> -> memref<8x80xi32, #tpu.memory_space<hbm>>
      tpu.wait_dma2 semaphore(%arg22 : memref<!tpu.dma_semaphore, #tpu.memory_space<semaphore_mem>>) src(%dma_wait3A_100 : memref<8x80xi32, #tpu.memory_space<hbm>>) dst(%arg6 : memref<8x80xi32, #tpu.memory_space<vmem>>)
      %mul3A_101 = arith.constant 2 : i32
      %mul3A_102 = arith.muli %mul3A_101, %scan3A_81 : i32
      %mul3A_103 = arith.constant 8 : i32
      %mul3A_104 = arith.muli %mul3A_102, %mul3A_103 : i32
      %mul3A_105 = arith.constant 8 : i32
      %mul3A_106 = arith.muli %mul3A_102, %mul3A_105 : i32
      %dma_wait3A_107 = arith.constant 1 : i32
      %dma_wait3A_108 = arith.constant 0 : i32
      %dma_wait3A_109 = tpu.memref_slice %arg3[%dma_wait3A_107, %add3A, %mul3A_106, %dma_wait3A_108] : memref<2x32x64x80xi32, #tpu.memory_space<hbm>> -> memref<1x1x8x80xi32, #tpu.memory_space<hbm>>
      %dma_wait3A_110 = tpu.memref_squeeze %dma_wait3A_109 : memref<1x1x8x80xi32, #tpu.memory_space<hbm>> -> memref<8x80xi32, #tpu.memory_space<hbm>>
      %dma_wait3A_111 = arith.constant 0 : i32
      %dma_wait3A_112 = tpu.memref_slice %arg3[%dma_wait3A_107, %add3A, %mul3A_106, %dma_wait3A_111] : memref<2x32x64x80xi32, #tpu.memory_space<hbm>> -> memref<1x1x8x80xi32, #tpu.memory_space<hbm>>
      %dma_wait3A_113 = tpu.memref_squeeze %dma_wait3A_112 : memref<1x1x8x80xi32, #tpu.memory_space<hbm>> -> memref<8x80xi32, #tpu.memory_space<hbm>>
      tpu.wait_dma2 semaphore(%arg23 : memref<!tpu.dma_semaphore, #tpu.memory_space<semaphore_mem>>) src(%dma_wait3A_113 : memref<8x80xi32, #tpu.memory_space<hbm>>) dst(%arg8 : memref<8x80xi32, #tpu.memory_space<vmem>>)
      %dma_start3A_114 = arith.constant 0 : i32
      %dma_start3A_115 = arith.constant 0 : i32
      %dma_start3A_116 = tpu.memref_slice %arg8[%dma_start3A_114, %dma_start3A_115] : memref<8x80xi32, #tpu.memory_space<vmem>> -> memref<1x80xi32, #tpu.memory_space<vmem>>
      %dma_start3A_117 = tpu.memref_squeeze %dma_start3A_116 : memref<1x80xi32, #tpu.memory_space<vmem>> -> memref<80xi32, #tpu.memory_space<vmem>>
      %dma_start3A_118 = arith.constant 0 : i32
      %dma_start3A_119 = arith.constant 0 : i32
      %dma_start3A_120 = tpu.memref_slice %arg2[%dma_start3A_118, %dma_start3A_119] : memref<10000x128xf32, #tpu.memory_space<hbm>> -> memref<10000x128xf32, #tpu.memory_space<hbm>>
      tpu.enqueue_indirect_dma source(%dma_start3A_120 : memref<10000x128xf32, #tpu.memory_space<hbm>>) target(%arg10 : memref<80x128xf32, #tpu.memory_space<vmem>>) offsets(%dma_start3A_117 : memref<80xi32, #tpu.memory_space<vmem>>) semaphore(%arg14 : memref<!tpu.dma_semaphore, #tpu.memory_space<semaphore_mem>>)
      %dma_start3A_121 = arith.constant 1 : i32
      %dma_start3A_122 = arith.constant 0 : i32
      %dma_start3A_123 = tpu.memref_slice %arg8[%dma_start3A_121, %dma_start3A_122] : memref<8x80xi32, #tpu.memory_space<vmem>> -> memref<1x80xi32, #tpu.memory_space<vmem>>
      %dma_start3A_124 = tpu.memref_squeeze %dma_start3A_123 : memref<1x80xi32, #tpu.memory_space<vmem>> -> memref<80xi32, #tpu.memory_space<vmem>>
      %dma_start3A_125 = arith.constant 0 : i32
      %dma_start3A_126 = arith.constant 0 : i32
      %dma_start3A_127 = tpu.memref_slice %arg2[%dma_start3A_125, %dma_start3A_126] : memref<10000x128xf32, #tpu.memory_space<hbm>> -> memref<10000x128xf32, #tpu.memory_space<hbm>>
      tpu.enqueue_indirect_dma source(%dma_start3A_127 : memref<10000x128xf32, #tpu.memory_space<hbm>>) target(%arg11 : memref<80x128xf32, #tpu.memory_space<vmem>>) offsets(%dma_start3A_124 : memref<80xi32, #tpu.memory_space<vmem>>) semaphore(%arg15 : memref<!tpu.dma_semaphore, #tpu.memory_space<semaphore_mem>>)
      %ge3A_128 = arith.constant 1 : i32
      %ge3A_129 = arith.cmpi sge, %add3A_85, %ge3A_128 : i32
      %convert_element_type3A_130 = arith.extui %ge3A_129 : i1 to i32
      %cond3A_131 = arith.constant 0 : i32
      %cond3A_132 = arith.cmpi ne, %convert_element_type3A_130, %cond3A_131 : i32
      scf.if %cond3A_132 {
        %dma_wait3A_389 = arith.constant 6 : i32
        %dma_wait3A_390 = arith.constant 0 : i32
        %dma_wait3A_391 = tpu.memref_slice %arg9[%dma_wait3A_389, %dma_wait3A_390] : memref<8x80xi32, #tpu.memory_space<vmem>> -> memref<1x80xi32, #tpu.memory_space<vmem>>
        %dma_wait3A_392 = tpu.memref_squeeze %dma_wait3A_391 : memref<1x80xi32, #tpu.memory_space<vmem>> -> memref<80xi32, #tpu.memory_space<vmem>>
        %dma_wait3A_393 = arith.constant 0 : i32
        %dma_wait3A_394 = arith.constant 0 : i32
        %dma_wait3A_395 = tpu.memref_slice %arg2[%dma_wait3A_393, %dma_wait3A_394] : memref<10000x128xf32, #tpu.memory_space<hbm>> -> memref<10000x128xf32, #tpu.memory_space<hbm>>
        tpu.wait_indirect_dma semaphore(%arg16 : memref<!tpu.dma_semaphore, #tpu.memory_space<semaphore_mem>>) src(%dma_wait3A_395 : memref<10000x128xf32, #tpu.memory_space<hbm>>) dst(%arg12 : memref<80x128xf32, #tpu.memory_space<vmem>>)
        %dma_start3A_396 = arith.constant 6 : i32
        %dma_start3A_397 = arith.constant 0 : i32
        %dma_start3A_398 = tpu.memref_slice %arg7[%dma_start3A_396, %dma_start3A_397] : memref<8x80xi32, #tpu.memory_space<vmem>> -> memref<1x80xi32, #tpu.memory_space<vmem>>
        %dma_start3A_399 = tpu.memref_squeeze %dma_start3A_398 : memref<1x80xi32, #tpu.memory_space<vmem>> -> memref<80xi32, #tpu.memory_space<vmem>>
        %dma_start3A_400 = arith.constant 0 : i32
        %dma_start3A_401 = arith.constant 0 : i32
        %dma_start3A_402 = tpu.memref_slice %arg26[%dma_start3A_400, %dma_start3A_401] : memref<10240x128xf32, #tpu.memory_space<vmem_shared>> -> memref<10240x128xf32, #tpu.memory_space<vmem_shared>>
        tpu.enqueue_indirect_dma source(%arg12 : memref<80x128xf32, #tpu.memory_space<vmem>>) target(%dma_start3A_402 : memref<10240x128xf32, #tpu.memory_space<vmem_shared>>) offsets(%dma_start3A_399 : memref<80xi32, #tpu.memory_space<vmem>>) semaphore(%arg20 : memref<!tpu.dma_semaphore, #tpu.memory_space<semaphore_mem>>) {add = true}
        %dma_wait3A_403 = arith.constant 7 : i32
        %dma_wait3A_404 = arith.constant 0 : i32
        %dma_wait3A_405 = tpu.memref_slice %arg9[%dma_wait3A_403, %dma_wait3A_404] : memref<8x80xi32, #tpu.memory_space<vmem>> -> memref<1x80xi32, #tpu.memory_space<vmem>>
        %dma_wait3A_406 = tpu.memref_squeeze %dma_wait3A_405 : memref<1x80xi32, #tpu.memory_space<vmem>> -> memref<80xi32, #tpu.memory_space<vmem>>
        %dma_wait3A_407 = arith.constant 0 : i32
        %dma_wait3A_408 = arith.constant 0 : i32
        %dma_wait3A_409 = tpu.memref_slice %arg2[%dma_wait3A_407, %dma_wait3A_408] : memref<10000x128xf32, #tpu.memory_space<hbm>> -> memref<10000x128xf32, #tpu.memory_space<hbm>>
        tpu.wait_indirect_dma semaphore(%arg17 : memref<!tpu.dma_semaphore, #tpu.memory_space<semaphore_mem>>) src(%dma_wait3A_409 : memref<10000x128xf32, #tpu.memory_space<hbm>>) dst(%arg13 : memref<80x128xf32, #tpu.memory_space<vmem>>)
        %dma_start3A_410 = arith.constant 7 : i32
        %dma_start3A_411 = arith.constant 0 : i32
        %dma_start3A_412 = tpu.memref_slice %arg7[%dma_start3A_410, %dma_start3A_411] : memref<8x80xi32, #tpu.memory_space<vmem>> -> memref<1x80xi32, #tpu.memory_space<vmem>>
        %dma_start3A_413 = tpu.memref_squeeze %dma_start3A_412 : memref<1x80xi32, #tpu.memory_space<vmem>> -> memref<80xi32, #tpu.memory_space<vmem>>
        %dma_start3A_414 = arith.constant 0 : i32
        %dma_start3A_415 = arith.constant 0 : i32
        %dma_start3A_416 = tpu.memref_slice %arg26[%dma_start3A_414, %dma_start3A_415] : memref<10240x128xf32, #tpu.memory_space<vmem_shared>> -> memref<10240x128xf32, #tpu.memory_space<vmem_shared>>
        tpu.enqueue_indirect_dma source(%arg13 : memref<80x128xf32, #tpu.memory_space<vmem>>) target(%dma_start3A_416 : memref<10240x128xf32, #tpu.memory_space<vmem_shared>>) offsets(%dma_start3A_413 : memref<80xi32, #tpu.memory_space<vmem>>) semaphore(%arg21 : memref<!tpu.dma_semaphore, #tpu.memory_space<semaphore_mem>>) {add = true}
      } else {
      }
      %mul3A_133 = arith.constant 8 : i32
      %mul3A_134 = arith.muli %mul3A_133, %scan3A_81 : i32
      %add3A_135 = arith.constant 1 : i32
      %add3A_136 = arith.addi %mul3A_134, %add3A_135 : i32
      %ge3A_137 = arith.constant 2 : i32
      %ge3A_138 = arith.cmpi sge, %add3A_136, %ge3A_137 : i32
      %convert_element_type3A_139 = arith.extui %ge3A_138 : i1 to i32
      %cond3A_140 = arith.constant 0 : i32
      %cond3A_141 = arith.cmpi ne, %convert_element_type3A_139, %cond3A_140 : i32
      scf.if %cond3A_141 {
        %dma_wait3A_389 = arith.constant 6 : i32
        %dma_wait3A_390 = arith.constant 0 : i32
        %dma_wait3A_391 = tpu.memref_slice %arg7[%dma_wait3A_389, %dma_wait3A_390] : memref<8x80xi32, #tpu.memory_space<vmem>> -> memref<1x80xi32, #tpu.memory_space<vmem>>
        %dma_wait3A_392 = tpu.memref_squeeze %dma_wait3A_391 : memref<1x80xi32, #tpu.memory_space<vmem>> -> memref<80xi32, #tpu.memory_space<vmem>>
        %dma_wait3A_393 = arith.constant 0 : i32
        %dma_wait3A_394 = arith.constant 0 : i32
        %dma_wait3A_395 = tpu.memref_slice %arg26[%dma_wait3A_393, %dma_wait3A_394] : memref<10240x128xf32, #tpu.memory_space<vmem_shared>> -> memref<10240x128xf32, #tpu.memory_space<vmem_shared>>
        tpu.wait_indirect_dma semaphore(%arg20 : memref<!tpu.dma_semaphore, #tpu.memory_space<semaphore_mem>>) src(%arg12 : memref<80x128xf32, #tpu.memory_space<vmem>>) dst(%dma_wait3A_395 : memref<10240x128xf32, #tpu.memory_space<vmem_shared>>)
        %dma_wait3A_396 = arith.constant 7 : i32
        %dma_wait3A_397 = arith.constant 0 : i32
        %dma_wait3A_398 = tpu.memref_slice %arg7[%dma_wait3A_396, %dma_wait3A_397] : memref<8x80xi32, #tpu.memory_space<vmem>> -> memref<1x80xi32, #tpu.memory_space<vmem>>
        %dma_wait3A_399 = tpu.memref_squeeze %dma_wait3A_398 : memref<1x80xi32, #tpu.memory_space<vmem>> -> memref<80xi32, #tpu.memory_space<vmem>>
        %dma_wait3A_400 = arith.constant 0 : i32
        %dma_wait3A_401 = arith.constant 0 : i32
        %dma_wait3A_402 = tpu.memref_slice %arg26[%dma_wait3A_400, %dma_wait3A_401] : memref<10240x128xf32, #tpu.memory_space<vmem_shared>> -> memref<10240x128xf32, #tpu.memory_space<vmem_shared>>
        tpu.wait_indirect_dma semaphore(%arg21 : memref<!tpu.dma_semaphore, #tpu.memory_space<semaphore_mem>>) src(%arg13 : memref<80x128xf32, #tpu.memory_space<vmem>>) dst(%dma_wait3A_402 : memref<10240x128xf32, #tpu.memory_space<vmem_shared>>)
      } else {
      }
      %dma_start3A_142 = arith.constant 2 : i32
      %dma_start3A_143 = arith.constant 0 : i32
      %dma_start3A_144 = tpu.memref_slice %arg8[%dma_start3A_142, %dma_start3A_143] : memref<8x80xi32, #tpu.memory_space<vmem>> -> memref<1x80xi32, #tpu.memory_space<vmem>>
      %dma_start3A_145 = tpu.memref_squeeze %dma_start3A_144 : memref<1x80xi32, #tpu.memory_space<vmem>> -> memref<80xi32, #tpu.memory_space<vmem>>
      %dma_start3A_146 = arith.constant 0 : i32
      %dma_start3A_147 = arith.constant 0 : i32
      %dma_start3A_148 = tpu.memref_slice %arg2[%dma_start3A_146, %dma_start3A_147] : memref<10000x128xf32, #tpu.memory_space<hbm>> -> memref<10000x128xf32, #tpu.memory_space<hbm>>
      tpu.enqueue_indirect_dma source(%dma_start3A_148 : memref<10000x128xf32, #tpu.memory_space<hbm>>) target(%arg12 : memref<80x128xf32, #tpu.memory_space<vmem>>) offsets(%dma_start3A_145 : memref<80xi32, #tpu.memory_space<vmem>>) semaphore(%arg16 : memref<!tpu.dma_semaphore, #tpu.memory_space<semaphore_mem>>)
      %dma_start3A_149 = arith.constant 3 : i32
      %dma_start3A_150 = arith.constant 0 : i32
      %dma_start3A_151 = tpu.memref_slice %arg8[%dma_start3A_149, %dma_start3A_150] : memref<8x80xi32, #tpu.memory_space<vmem>> -> memref<1x80xi32, #tpu.memory_space<vmem>>
      %dma_start3A_152 = tpu.memref_squeeze %dma_start3A_151 : memref<1x80xi32, #tpu.memory_space<vmem>> -> memref<80xi32, #tpu.memory_space<vmem>>
      %dma_start3A_153 = arith.constant 0 : i32
      %dma_start3A_154 = arith.constant 0 : i32
      %dma_start3A_155 = tpu.memref_slice %arg2[%dma_start3A_153, %dma_start3A_154] : memref<10000x128xf32, #tpu.memory_space<hbm>> -> memref<10000x128xf32, #tpu.memory_space<hbm>>
      tpu.enqueue_indirect_dma source(%dma_start3A_155 : memref<10000x128xf32, #tpu.memory_space<hbm>>) target(%arg13 : memref<80x128xf32, #tpu.memory_space<vmem>>) offsets(%dma_start3A_152 : memref<80xi32, #tpu.memory_space<vmem>>) semaphore(%arg17 : memref<!tpu.dma_semaphore, #tpu.memory_space<semaphore_mem>>)
      %ge3A_156 = arith.constant 1 : i32
      %ge3A_157 = arith.cmpi sge, %add3A_136, %ge3A_156 : i32
      %convert_element_type3A_158 = arith.extui %ge3A_157 : i1 to i32
      %cond3A_159 = arith.constant 0 : i32
      %cond3A_160 = arith.cmpi ne, %convert_element_type3A_158, %cond3A_159 : i32
      scf.if %cond3A_160 {
        %dma_wait3A_389 = arith.constant 0 : i32
        %dma_wait3A_390 = arith.constant 0 : i32
        %dma_wait3A_391 = tpu.memref_slice %arg8[%dma_wait3A_389, %dma_wait3A_390] : memref<8x80xi32, #tpu.memory_space<vmem>> -> memref<1x80xi32, #tpu.memory_space<vmem>>
        %dma_wait3A_392 = tpu.memref_squeeze %dma_wait3A_391 : memref<1x80xi32, #tpu.memory_space<vmem>> -> memref<80xi32, #tpu.memory_space<vmem>>
        %dma_wait3A_393 = arith.constant 0 : i32
        %dma_wait3A_394 = arith.constant 0 : i32
        %dma_wait3A_395 = tpu.memref_slice %arg2[%dma_wait3A_393, %dma_wait3A_394] : memref<10000x128xf32, #tpu.memory_space<hbm>> -> memref<10000x128xf32, #tpu.memory_space<hbm>>
        tpu.wait_indirect_dma semaphore(%arg14 : memref<!tpu.dma_semaphore, #tpu.memory_space<semaphore_mem>>) src(%dma_wait3A_395 : memref<10000x128xf32, #tpu.memory_space<hbm>>) dst(%arg10 : memref<80x128xf32, #tpu.memory_space<vmem>>)
        %dma_start3A_396 = arith.constant 0 : i32
        %dma_start3A_397 = arith.constant 0 : i32
        %dma_start3A_398 = tpu.memref_slice %arg6[%dma_start3A_396, %dma_start3A_397] : memref<8x80xi32, #tpu.memory_space<vmem>> -> memref<1x80xi32, #tpu.memory_space<vmem>>
        %dma_start3A_399 = tpu.memref_squeeze %dma_start3A_398 : memref<1x80xi32, #tpu.memory_space<vmem>> -> memref<80xi32, #tpu.memory_space<vmem>>
        %dma_start3A_400 = arith.constant 0 : i32
        %dma_start3A_401 = arith.constant 0 : i32
        %dma_start3A_402 = tpu.memref_slice %arg26[%dma_start3A_400, %dma_start3A_401] : memref<10240x128xf32, #tpu.memory_space<vmem_shared>> -> memref<10240x128xf32, #tpu.memory_space<vmem_shared>>
        tpu.enqueue_indirect_dma source(%arg10 : memref<80x128xf32, #tpu.memory_space<vmem>>) target(%dma_start3A_402 : memref<10240x128xf32, #tpu.memory_space<vmem_shared>>) offsets(%dma_start3A_399 : memref<80xi32, #tpu.memory_space<vmem>>) semaphore(%arg18 : memref<!tpu.dma_semaphore, #tpu.memory_space<semaphore_mem>>) {add = true}
        %dma_wait3A_403 = arith.constant 1 : i32
        %dma_wait3A_404 = arith.constant 0 : i32
        %dma_wait3A_405 = tpu.memref_slice %arg8[%dma_wait3A_403, %dma_wait3A_404] : memref<8x80xi32, #tpu.memory_space<vmem>> -> memref<1x80xi32, #tpu.memory_space<vmem>>
        %dma_wait3A_406 = tpu.memref_squeeze %dma_wait3A_405 : memref<1x80xi32, #tpu.memory_space<vmem>> -> memref<80xi32, #tpu.memory_space<vmem>>
        %dma_wait3A_407 = arith.constant 0 : i32
        %dma_wait3A_408 = arith.constant 0 : i32
        %dma_wait3A_409 = tpu.memref_slice %arg2[%dma_wait3A_407, %dma_wait3A_408] : memref<10000x128xf32, #tpu.memory_space<hbm>> -> memref<10000x128xf32, #tpu.memory_space<hbm>>
        tpu.wait_indirect_dma semaphore(%arg15 : memref<!tpu.dma_semaphore, #tpu.memory_space<semaphore_mem>>) src(%dma_wait3A_409 : memref<10000x128xf32, #tpu.memory_space<hbm>>) dst(%arg11 : memref<80x128xf32, #tpu.memory_space<vmem>>)
        %dma_start3A_410 = arith.constant 1 : i32
        %dma_start3A_411 = arith.constant 0 : i32
        %dma_start3A_412 = tpu.memref_slice %arg6[%dma_start3A_410, %dma_start3A_411] : memref<8x80xi32, #tpu.memory_space<vmem>> -> memref<1x80xi32, #tpu.memory_space<vmem>>
        %dma_start3A_413 = tpu.memref_squeeze %dma_start3A_412 : memref<1x80xi32, #tpu.memory_space<vmem>> -> memref<80xi32, #tpu.memory_space<vmem>>
        %dma_start3A_414 = arith.constant 0 : i32
        %dma_start3A_415 = arith.constant 0 : i32
        %dma_start3A_416 = tpu.memref_slice %arg26[%dma_start3A_414, %dma_start3A_415] : memref<10240x128xf32, #tpu.memory_space<vmem_shared>> -> memref<10240x128xf32, #tpu.memory_space<vmem_shared>>
        tpu.enqueue_indirect_dma source(%arg11 : memref<80x128xf32, #tpu.memory_space<vmem>>) target(%dma_start3A_416 : memref<10240x128xf32, #tpu.memory_space<vmem_shared>>) offsets(%dma_start3A_413 : memref<80xi32, #tpu.memory_space<vmem>>) semaphore(%arg19 : memref<!tpu.dma_semaphore, #tpu.memory_space<semaphore_mem>>) {add = true}
      } else {
      }
      %mul3A_161 = arith.constant 8 : i32
      %mul3A_162 = arith.muli %mul3A_161, %scan3A_81 : i32
      %add3A_163 = arith.constant 2 : i32
      %add3A_164 = arith.addi %mul3A_162, %add3A_163 : i32
      %ge3A_165 = arith.constant 2 : i32
      %ge3A_166 = arith.cmpi sge, %add3A_164, %ge3A_165 : i32
      %convert_element_type3A_167 = arith.extui %ge3A_166 : i1 to i32
      %cond3A_168 = arith.constant 0 : i32
      %cond3A_169 = arith.cmpi ne, %convert_element_type3A_167, %cond3A_168 : i32
      scf.if %cond3A_169 {
        %dma_wait3A_389 = arith.constant 0 : i32
        %dma_wait3A_390 = arith.constant 0 : i32
        %dma_wait3A_391 = tpu.memref_slice %arg6[%dma_wait3A_389, %dma_wait3A_390] : memref<8x80xi32, #tpu.memory_space<vmem>> -> memref<1x80xi32, #tpu.memory_space<vmem>>
        %dma_wait3A_392 = tpu.memref_squeeze %dma_wait3A_391 : memref<1x80xi32, #tpu.memory_space<vmem>> -> memref<80xi32, #tpu.memory_space<vmem>>
        %dma_wait3A_393 = arith.constant 0 : i32
        %dma_wait3A_394 = arith.constant 0 : i32
        %dma_wait3A_395 = tpu.memref_slice %arg26[%dma_wait3A_393, %dma_wait3A_394] : memref<10240x128xf32, #tpu.memory_space<vmem_shared>> -> memref<10240x128xf32, #tpu.memory_space<vmem_shared>>
        tpu.wait_indirect_dma semaphore(%arg18 : memref<!tpu.dma_semaphore, #tpu.memory_space<semaphore_mem>>) src(%arg10 : memref<80x128xf32, #tpu.memory_space<vmem>>) dst(%dma_wait3A_395 : memref<10240x128xf32, #tpu.memory_space<vmem_shared>>)
        %dma_wait3A_396 = arith.constant 1 : i32
        %dma_wait3A_397 = arith.constant 0 : i32
        %dma_wait3A_398 = tpu.memref_slice %arg6[%dma_wait3A_396, %dma_wait3A_397] : memref<8x80xi32, #tpu.memory_space<vmem>> -> memref<1x80xi32, #tpu.memory_space<vmem>>
        %dma_wait3A_399 = tpu.memref_squeeze %dma_wait3A_398 : memref<1x80xi32, #tpu.memory_space<vmem>> -> memref<80xi32, #tpu.memory_space<vmem>>
        %dma_wait3A_400 = arith.constant 0 : i32
        %dma_wait3A_401 = arith.constant 0 : i32
        %dma_wait3A_402 = tpu.memref_slice %arg26[%dma_wait3A_400, %dma_wait3A_401] : memref<10240x128xf32, #tpu.memory_space<vmem_shared>> -> memref<10240x128xf32, #tpu.memory_space<vmem_shared>>
        tpu.wait_indirect_dma semaphore(%arg19 : memref<!tpu.dma_semaphore, #tpu.memory_space<semaphore_mem>>) src(%arg11 : memref<80x128xf32, #tpu.memory_space<vmem>>) dst(%dma_wait3A_402 : memref<10240x128xf32, #tpu.memory_space<vmem_shared>>)
      } else {
      }
      %mul3A_170 = arith.constant 2 : i32
      %mul3A_171 = arith.muli %mul3A_170, %scan3A_81 : i32
      %add3A_172 = arith.constant 1 : i32
      %add3A_173 = arith.addi %mul3A_171, %add3A_172 : i32
      %mul3A_174 = arith.constant 8 : i32
      %mul3A_175 = arith.muli %add3A_173, %mul3A_174 : i32
      %mul3A_176 = arith.constant 8 : i32
      %mul3A_177 = arith.muli %add3A_173, %mul3A_176 : i32
      %dma_start3A_178 = arith.constant 0 : i32
      %dma_start3A_179 = arith.constant 0 : i32
      %dma_start3A_180 = tpu.memref_slice %arg3[%dma_start3A_178, %add3A, %mul3A_175, %dma_start3A_179] : memref<2x32x64x80xi32, #tpu.memory_space<hbm>> -> memref<1x1x8x80xi32, #tpu.memory_space<hbm>>
      %dma_start3A_181 = tpu.memref_squeeze %dma_start3A_180 : memref<1x1x8x80xi32, #tpu.memory_space<hbm>> -> memref<8x80xi32, #tpu.memory_space<hbm>>
      %dma_start3A_182 = arith.constant 0 : i32
      %dma_start3A_183 = tpu.memref_slice %arg3[%dma_start3A_178, %add3A, %mul3A_175, %dma_start3A_182] : memref<2x32x64x80xi32, #tpu.memory_space<hbm>> -> memref<1x1x8x80xi32, #tpu.memory_space<hbm>>
      %dma_start3A_184 = tpu.memref_squeeze %dma_start3A_183 : memref<1x1x8x80xi32, #tpu.memory_space<hbm>> -> memref<8x80xi32, #tpu.memory_space<hbm>>
      tpu.enqueue_dma source(%dma_start3A_184 : memref<8x80xi32, #tpu.memory_space<hbm>>) target(%arg7 : memref<8x80xi32, #tpu.memory_space<vmem>>) target_semaphore(%arg24 : memref<!tpu.dma_semaphore, #tpu.memory_space<semaphore_mem>>)
      %dma_start3A_185 = arith.constant 1 : i32
      %dma_start3A_186 = arith.constant 0 : i32
      %dma_start3A_187 = tpu.memref_slice %arg3[%dma_start3A_185, %add3A, %mul3A_177, %dma_start3A_186] : memref<2x32x64x80xi32, #tpu.memory_space<hbm>> -> memref<1x1x8x80xi32, #tpu.memory_space<hbm>>
      %dma_start3A_188 = tpu.memref_squeeze %dma_start3A_187 : memref<1x1x8x80xi32, #tpu.memory_space<hbm>> -> memref<8x80xi32, #tpu.memory_space<hbm>>
      %dma_start3A_189 = arith.constant 0 : i32
      %dma_start3A_190 = tpu.memref_slice %arg3[%dma_start3A_185, %add3A, %mul3A_177, %dma_start3A_189] : memref<2x32x64x80xi32, #tpu.memory_space<hbm>> -> memref<1x1x8x80xi32, #tpu.memory_space<hbm>>
      %dma_start3A_191 = tpu.memref_squeeze %dma_start3A_190 : memref<1x1x8x80xi32, #tpu.memory_space<hbm>> -> memref<8x80xi32, #tpu.memory_space<hbm>>
      tpu.enqueue_dma source(%dma_start3A_191 : memref<8x80xi32, #tpu.memory_space<hbm>>) target(%arg9 : memref<8x80xi32, #tpu.memory_space<vmem>>) target_semaphore(%arg25 : memref<!tpu.dma_semaphore, #tpu.memory_space<semaphore_mem>>)
      %dma_start3A_192 = arith.constant 4 : i32
      %dma_start3A_193 = arith.constant 0 : i32
      %dma_start3A_194 = tpu.memref_slice %arg8[%dma_start3A_192, %dma_start3A_193] : memref<8x80xi32, #tpu.memory_space<vmem>> -> memref<1x80xi32, #tpu.memory_space<vmem>>
      %dma_start3A_195 = tpu.memref_squeeze %dma_start3A_194 : memref<1x80xi32, #tpu.memory_space<vmem>> -> memref<80xi32, #tpu.memory_space<vmem>>
      %dma_start3A_196 = arith.constant 0 : i32
      %dma_start3A_197 = arith.constant 0 : i32
      %dma_start3A_198 = tpu.memref_slice %arg2[%dma_start3A_196, %dma_start3A_197] : memref<10000x128xf32, #tpu.memory_space<hbm>> -> memref<10000x128xf32, #tpu.memory_space<hbm>>
      tpu.enqueue_indirect_dma source(%dma_start3A_198 : memref<10000x128xf32, #tpu.memory_space<hbm>>) target(%arg10 : memref<80x128xf32, #tpu.memory_space<vmem>>) offsets(%dma_start3A_195 : memref<80xi32, #tpu.memory_space<vmem>>) semaphore(%arg14 : memref<!tpu.dma_semaphore, #tpu.memory_space<semaphore_mem>>)
      %dma_start3A_199 = arith.constant 5 : i32
      %dma_start3A_200 = arith.constant 0 : i32
      %dma_start3A_201 = tpu.memref_slice %arg8[%dma_start3A_199, %dma_start3A_200] : memref<8x80xi32, #tpu.memory_space<vmem>> -> memref<1x80xi32, #tpu.memory_space<vmem>>
      %dma_start3A_202 = tpu.memref_squeeze %dma_start3A_201 : memref<1x80xi32, #tpu.memory_space<vmem>> -> memref<80xi32, #tpu.memory_space<vmem>>
      %dma_start3A_203 = arith.constant 0 : i32
      %dma_start3A_204 = arith.constant 0 : i32
      %dma_start3A_205 = tpu.memref_slice %arg2[%dma_start3A_203, %dma_start3A_204] : memref<10000x128xf32, #tpu.memory_space<hbm>> -> memref<10000x128xf32, #tpu.memory_space<hbm>>
      tpu.enqueue_indirect_dma source(%dma_start3A_205 : memref<10000x128xf32, #tpu.memory_space<hbm>>) target(%arg11 : memref<80x128xf32, #tpu.memory_space<vmem>>) offsets(%dma_start3A_202 : memref<80xi32, #tpu.memory_space<vmem>>) semaphore(%arg15 : memref<!tpu.dma_semaphore, #tpu.memory_space<semaphore_mem>>)
      %ge3A_206 = arith.constant 1 : i32
      %ge3A_207 = arith.cmpi sge, %add3A_164, %ge3A_206 : i32
      %convert_element_type3A_208 = arith.extui %ge3A_207 : i1 to i32
      %cond3A_209 = arith.constant 0 : i32
      %cond3A_210 = arith.cmpi ne, %convert_element_type3A_208, %cond3A_209 : i32
      scf.if %cond3A_210 {
        %dma_wait3A_389 = arith.constant 2 : i32
        %dma_wait3A_390 = arith.constant 0 : i32
        %dma_wait3A_391 = tpu.memref_slice %arg8[%dma_wait3A_389, %dma_wait3A_390] : memref<8x80xi32, #tpu.memory_space<vmem>> -> memref<1x80xi32, #tpu.memory_space<vmem>>
        %dma_wait3A_392 = tpu.memref_squeeze %dma_wait3A_391 : memref<1x80xi32, #tpu.memory_space<vmem>> -> memref<80xi32, #tpu.memory_space<vmem>>
        %dma_wait3A_393 = arith.constant 0 : i32
        %dma_wait3A_394 = arith.constant 0 : i32
        %dma_wait3A_395 = tpu.memref_slice %arg2[%dma_wait3A_393, %dma_wait3A_394] : memref<10000x128xf32, #tpu.memory_space<hbm>> -> memref<10000x128xf32, #tpu.memory_space<hbm>>
        tpu.wait_indirect_dma semaphore(%arg16 : memref<!tpu.dma_semaphore, #tpu.memory_space<semaphore_mem>>) src(%dma_wait3A_395 : memref<10000x128xf32, #tpu.memory_space<hbm>>) dst(%arg12 : memref<80x128xf32, #tpu.memory_space<vmem>>)
        %dma_start3A_396 = arith.constant 2 : i32
        %dma_start3A_397 = arith.constant 0 : i32
        %dma_start3A_398 = tpu.memref_slice %arg6[%dma_start3A_396, %dma_start3A_397] : memref<8x80xi32, #tpu.memory_space<vmem>> -> memref<1x80xi32, #tpu.memory_space<vmem>>
        %dma_start3A_399 = tpu.memref_squeeze %dma_start3A_398 : memref<1x80xi32, #tpu.memory_space<vmem>> -> memref<80xi32, #tpu.memory_space<vmem>>
        %dma_start3A_400 = arith.constant 0 : i32
        %dma_start3A_401 = arith.constant 0 : i32
        %dma_start3A_402 = tpu.memref_slice %arg26[%dma_start3A_400, %dma_start3A_401] : memref<10240x128xf32, #tpu.memory_space<vmem_shared>> -> memref<10240x128xf32, #tpu.memory_space<vmem_shared>>
        tpu.enqueue_indirect_dma source(%arg12 : memref<80x128xf32, #tpu.memory_space<vmem>>) target(%dma_start3A_402 : memref<10240x128xf32, #tpu.memory_space<vmem_shared>>) offsets(%dma_start3A_399 : memref<80xi32, #tpu.memory_space<vmem>>) semaphore(%arg20 : memref<!tpu.dma_semaphore, #tpu.memory_space<semaphore_mem>>) {add = true}
        %dma_wait3A_403 = arith.constant 3 : i32
        %dma_wait3A_404 = arith.constant 0 : i32
        %dma_wait3A_405 = tpu.memref_slice %arg8[%dma_wait3A_403, %dma_wait3A_404] : memref<8x80xi32, #tpu.memory_space<vmem>> -> memref<1x80xi32, #tpu.memory_space<vmem>>
        %dma_wait3A_406 = tpu.memref_squeeze %dma_wait3A_405 : memref<1x80xi32, #tpu.memory_space<vmem>> -> memref<80xi32, #tpu.memory_space<vmem>>
        %dma_wait3A_407 = arith.constant 0 : i32
        %dma_wait3A_408 = arith.constant 0 : i32
        %dma_wait3A_409 = tpu.memref_slice %arg2[%dma_wait3A_407, %dma_wait3A_408] : memref<10000x128xf32, #tpu.memory_space<hbm>> -> memref<10000x128xf32, #tpu.memory_space<hbm>>
        tpu.wait_indirect_dma semaphore(%arg17 : memref<!tpu.dma_semaphore, #tpu.memory_space<semaphore_mem>>) src(%dma_wait3A_409 : memref<10000x128xf32, #tpu.memory_space<hbm>>) dst(%arg13 : memref<80x128xf32, #tpu.memory_space<vmem>>)
        %dma_start3A_410 = arith.constant 3 : i32
        %dma_start3A_411 = arith.constant 0 : i32
        %dma_start3A_412 = tpu.memref_slice %arg6[%dma_start3A_410, %dma_start3A_411] : memref<8x80xi32, #tpu.memory_space<vmem>> -> memref<1x80xi32, #tpu.memory_space<vmem>>
        %dma_start3A_413 = tpu.memref_squeeze %dma_start3A_412 : memref<1x80xi32, #tpu.memory_space<vmem>> -> memref<80xi32, #tpu.memory_space<vmem>>
        %dma_start3A_414 = arith.constant 0 : i32
        %dma_start3A_415 = arith.constant 0 : i32
        %dma_start3A_416 = tpu.memref_slice %arg26[%dma_start3A_414, %dma_start3A_415] : memref<10240x128xf32, #tpu.memory_space<vmem_shared>> -> memref<10240x128xf32, #tpu.memory_space<vmem_shared>>
        tpu.enqueue_indirect_dma source(%arg13 : memref<80x128xf32, #tpu.memory_space<vmem>>) target(%dma_start3A_416 : memref<10240x128xf32, #tpu.memory_space<vmem_shared>>) offsets(%dma_start3A_413 : memref<80xi32, #tpu.memory_space<vmem>>) semaphore(%arg21 : memref<!tpu.dma_semaphore, #tpu.memory_space<semaphore_mem>>) {add = true}
      } else {
      }
      %mul3A_211 = arith.constant 8 : i32
      %mul3A_212 = arith.muli %mul3A_211, %scan3A_81 : i32
      %add3A_213 = arith.constant 3 : i32
      %add3A_214 = arith.addi %mul3A_212, %add3A_213 : i32
      %ge3A_215 = arith.constant 2 : i32
      %ge3A_216 = arith.cmpi sge, %add3A_214, %ge3A_215 : i32
      %convert_element_type3A_217 = arith.extui %ge3A_216 : i1 to i32
      %cond3A_218 = arith.constant 0 : i32
      %cond3A_219 = arith.cmpi ne, %convert_element_type3A_217, %cond3A_218 : i32
      scf.if %cond3A_219 {
        %dma_wait3A_389 = arith.constant 2 : i32
        %dma_wait3A_390 = arith.constant 0 : i32
        %dma_wait3A_391 = tpu.memref_slice %arg6[%dma_wait3A_389, %dma_wait3A_390] : memref<8x80xi32, #tpu.memory_space<vmem>> -> memref<1x80xi32, #tpu.memory_space<vmem>>
        %dma_wait3A_392 = tpu.memref_squeeze %dma_wait3A_391 : memref<1x80xi32, #tpu.memory_space<vmem>> -> memref<80xi32, #tpu.memory_space<vmem>>
        %dma_wait3A_393 = arith.constant 0 : i32
        %dma_wait3A_394 = arith.constant 0 : i32
        %dma_wait3A_395 = tpu.memref_slice %arg26[%dma_wait3A_393, %dma_wait3A_394] : memref<10240x128xf32, #tpu.memory_space<vmem_shared>> -> memref<10240x128xf32, #tpu.memory_space<vmem_shared>>
        tpu.wait_indirect_dma semaphore(%arg20 : memref<!tpu.dma_semaphore, #tpu.memory_space<semaphore_mem>>) src(%arg12 : memref<80x128xf32, #tpu.memory_space<vmem>>) dst(%dma_wait3A_395 : memref<10240x128xf32, #tpu.memory_space<vmem_shared>>)
        %dma_wait3A_396 = arith.constant 3 : i32
        %dma_wait3A_397 = arith.constant 0 : i32
        %dma_wait3A_398 = tpu.memref_slice %arg6[%dma_wait3A_396, %dma_wait3A_397] : memref<8x80xi32, #tpu.memory_space<vmem>> -> memref<1x80xi32, #tpu.memory_space<vmem>>
        %dma_wait3A_399 = tpu.memref_squeeze %dma_wait3A_398 : memref<1x80xi32, #tpu.memory_space<vmem>> -> memref<80xi32, #tpu.memory_space<vmem>>
        %dma_wait3A_400 = arith.constant 0 : i32
        %dma_wait3A_401 = arith.constant 0 : i32
        %dma_wait3A_402 = tpu.memref_slice %arg26[%dma_wait3A_400, %dma_wait3A_401] : memref<10240x128xf32, #tpu.memory_space<vmem_shared>> -> memref<10240x128xf32, #tpu.memory_space<vmem_shared>>
        tpu.wait_indirect_dma semaphore(%arg21 : memref<!tpu.dma_semaphore, #tpu.memory_space<semaphore_mem>>) src(%arg13 : memref<80x128xf32, #tpu.memory_space<vmem>>) dst(%dma_wait3A_402 : memref<10240x128xf32, #tpu.memory_space<vmem_shared>>)
      } else {
      }
      %dma_start3A_220 = arith.constant 6 : i32
      %dma_start3A_221 = arith.constant 0 : i32
      %dma_start3A_222 = tpu.memref_slice %arg8[%dma_start3A_220, %dma_start3A_221] : memref<8x80xi32, #tpu.memory_space<vmem>> -> memref<1x80xi32, #tpu.memory_space<vmem>>
      %dma_start3A_223 = tpu.memref_squeeze %dma_start3A_222 : memref<1x80xi32, #tpu.memory_space<vmem>> -> memref<80xi32, #tpu.memory_space<vmem>>
      %dma_start3A_224 = arith.constant 0 : i32
      %dma_start3A_225 = arith.constant 0 : i32
      %dma_start3A_226 = tpu.memref_slice %arg2[%dma_start3A_224, %dma_start3A_225] : memref<10000x128xf32, #tpu.memory_space<hbm>> -> memref<10000x128xf32, #tpu.memory_space<hbm>>
      tpu.enqueue_indirect_dma source(%dma_start3A_226 : memref<10000x128xf32, #tpu.memory_space<hbm>>) target(%arg12 : memref<80x128xf32, #tpu.memory_space<vmem>>) offsets(%dma_start3A_223 : memref<80xi32, #tpu.memory_space<vmem>>) semaphore(%arg16 : memref<!tpu.dma_semaphore, #tpu.memory_space<semaphore_mem>>)
      %dma_start3A_227 = arith.constant 7 : i32
      %dma_start3A_228 = arith.constant 0 : i32
      %dma_start3A_229 = tpu.memref_slice %arg8[%dma_start3A_227, %dma_start3A_228] : memref<8x80xi32, #tpu.memory_space<vmem>> -> memref<1x80xi32, #tpu.memory_space<vmem>>
      %dma_start3A_230 = tpu.memref_squeeze %dma_start3A_229 : memref<1x80xi32, #tpu.memory_space<vmem>> -> memref<80xi32, #tpu.memory_space<vmem>>
      %dma_start3A_231 = arith.constant 0 : i32
      %dma_start3A_232 = arith.constant 0 : i32
      %dma_start3A_233 = tpu.memref_slice %arg2[%dma_start3A_231, %dma_start3A_232] : memref<10000x128xf32, #tpu.memory_space<hbm>> -> memref<10000x128xf32, #tpu.memory_space<hbm>>
      tpu.enqueue_indirect_dma source(%dma_start3A_233 : memref<10000x128xf32, #tpu.memory_space<hbm>>) target(%arg13 : memref<80x128xf32, #tpu.memory_space<vmem>>) offsets(%dma_start3A_230 : memref<80xi32, #tpu.memory_space<vmem>>) semaphore(%arg17 : memref<!tpu.dma_semaphore, #tpu.memory_space<semaphore_mem>>)
      %ge3A_234 = arith.constant 1 : i32
      %ge3A_235 = arith.cmpi sge, %add3A_214, %ge3A_234 : i32
      %convert_element_type3A_236 = arith.extui %ge3A_235 : i1 to i32
      %cond3A_237 = arith.constant 0 : i32
      %cond3A_238 = arith.cmpi ne, %convert_element_type3A_236, %cond3A_237 : i32
      scf.if %cond3A_238 {
        %dma_wait3A_389 = arith.constant 4 : i32
        %dma_wait3A_390 = arith.constant 0 : i32
        %dma_wait3A_391 = tpu.memref_slice %arg8[%dma_wait3A_389, %dma_wait3A_390] : memref<8x80xi32, #tpu.memory_space<vmem>> -> memref<1x80xi32, #tpu.memory_space<vmem>>
        %dma_wait3A_392 = tpu.memref_squeeze %dma_wait3A_391 : memref<1x80xi32, #tpu.memory_space<vmem>> -> memref<80xi32, #tpu.memory_space<vmem>>
        %dma_wait3A_393 = arith.constant 0 : i32
        %dma_wait3A_394 = arith.constant 0 : i32
        %dma_wait3A_395 = tpu.memref_slice %arg2[%dma_wait3A_393, %dma_wait3A_394] : memref<10000x128xf32, #tpu.memory_space<hbm>> -> memref<10000x128xf32, #tpu.memory_space<hbm>>
        tpu.wait_indirect_dma semaphore(%arg14 : memref<!tpu.dma_semaphore, #tpu.memory_space<semaphore_mem>>) src(%dma_wait3A_395 : memref<10000x128xf32, #tpu.memory_space<hbm>>) dst(%arg10 : memref<80x128xf32, #tpu.memory_space<vmem>>)
        %dma_start3A_396 = arith.constant 4 : i32
        %dma_start3A_397 = arith.constant 0 : i32
        %dma_start3A_398 = tpu.memref_slice %arg6[%dma_start3A_396, %dma_start3A_397] : memref<8x80xi32, #tpu.memory_space<vmem>> -> memref<1x80xi32, #tpu.memory_space<vmem>>
        %dma_start3A_399 = tpu.memref_squeeze %dma_start3A_398 : memref<1x80xi32, #tpu.memory_space<vmem>> -> memref<80xi32, #tpu.memory_space<vmem>>
        %dma_start3A_400 = arith.constant 0 : i32
        %dma_start3A_401 = arith.constant 0 : i32
        %dma_start3A_402 = tpu.memref_slice %arg26[%dma_start3A_400, %dma_start3A_401] : memref<10240x128xf32, #tpu.memory_space<vmem_shared>> -> memref<10240x128xf32, #tpu.memory_space<vmem_shared>>
        tpu.enqueue_indirect_dma source(%arg10 : memref<80x128xf32, #tpu.memory_space<vmem>>) target(%dma_start3A_402 : memref<10240x128xf32, #tpu.memory_space<vmem_shared>>) offsets(%dma_start3A_399 : memref<80xi32, #tpu.memory_space<vmem>>) semaphore(%arg18 : memref<!tpu.dma_semaphore, #tpu.memory_space<semaphore_mem>>) {add = true}
        %dma_wait3A_403 = arith.constant 5 : i32
        %dma_wait3A_404 = arith.constant 0 : i32
        %dma_wait3A_405 = tpu.memref_slice %arg8[%dma_wait3A_403, %dma_wait3A_404] : memref<8x80xi32, #tpu.memory_space<vmem>> -> memref<1x80xi32, #tpu.memory_space<vmem>>
        %dma_wait3A_406 = tpu.memref_squeeze %dma_wait3A_405 : memref<1x80xi32, #tpu.memory_space<vmem>> -> memref<80xi32, #tpu.memory_space<vmem>>
        %dma_wait3A_407 = arith.constant 0 : i32
        %dma_wait3A_408 = arith.constant 0 : i32
        %dma_wait3A_409 = tpu.memref_slice %arg2[%dma_wait3A_407, %dma_wait3A_408] : memref<10000x128xf32, #tpu.memory_space<hbm>> -> memref<10000x128xf32, #tpu.memory_space<hbm>>
        tpu.wait_indirect_dma semaphore(%arg15 : memref<!tpu.dma_semaphore, #tpu.memory_space<semaphore_mem>>) src(%dma_wait3A_409 : memref<10000x128xf32, #tpu.memory_space<hbm>>) dst(%arg11 : memref<80x128xf32, #tpu.memory_space<vmem>>)
        %dma_start3A_410 = arith.constant 5 : i32
        %dma_start3A_411 = arith.constant 0 : i32
        %dma_start3A_412 = tpu.memref_slice %arg6[%dma_start3A_410, %dma_start3A_411] : memref<8x80xi32, #tpu.memory_space<vmem>> -> memref<1x80xi32, #tpu.memory_space<vmem>>
        %dma_start3A_413 = tpu.memref_squeeze %dma_start3A_412 : memref<1x80xi32, #tpu.memory_space<vmem>> -> memref<80xi32, #tpu.memory_space<vmem>>
        %dma_start3A_414 = arith.constant 0 : i32
        %dma_start3A_415 = arith.constant 0 : i32
        %dma_start3A_416 = tpu.memref_slice %arg26[%dma_start3A_414, %dma_start3A_415] : memref<10240x128xf32, #tpu.memory_space<vmem_shared>> -> memref<10240x128xf32, #tpu.memory_space<vmem_shared>>
        tpu.enqueue_indirect_dma source(%arg11 : memref<80x128xf32, #tpu.memory_space<vmem>>) target(%dma_start3A_416 : memref<10240x128xf32, #tpu.memory_space<vmem_shared>>) offsets(%dma_start3A_413 : memref<80xi32, #tpu.memory_space<vmem>>) semaphore(%arg19 : memref<!tpu.dma_semaphore, #tpu.memory_space<semaphore_mem>>) {add = true}
      } else {
      }
      %mul3A_239 = arith.constant 8 : i32
      %mul3A_240 = arith.muli %mul3A_239, %scan3A_81 : i32
      %add3A_241 = arith.constant 4 : i32
      %add3A_242 = arith.addi %mul3A_240, %add3A_241 : i32
      %ge3A_243 = arith.constant 2 : i32
      %ge3A_244 = arith.cmpi sge, %add3A_242, %ge3A_243 : i32
      %convert_element_type3A_245 = arith.extui %ge3A_244 : i1 to i32
      %cond3A_246 = arith.constant 0 : i32
      %cond3A_247 = arith.cmpi ne, %convert_element_type3A_245, %cond3A_246 : i32
      scf.if %cond3A_247 {
        %dma_wait3A_389 = arith.constant 4 : i32
        %dma_wait3A_390 = arith.constant 0 : i32
        %dma_wait3A_391 = tpu.memref_slice %arg6[%dma_wait3A_389, %dma_wait3A_390] : memref<8x80xi32, #tpu.memory_space<vmem>> -> memref<1x80xi32, #tpu.memory_space<vmem>>
        %dma_wait3A_392 = tpu.memref_squeeze %dma_wait3A_391 : memref<1x80xi32, #tpu.memory_space<vmem>> -> memref<80xi32, #tpu.memory_space<vmem>>
        %dma_wait3A_393 = arith.constant 0 : i32
        %dma_wait3A_394 = arith.constant 0 : i32
        %dma_wait3A_395 = tpu.memref_slice %arg26[%dma_wait3A_393, %dma_wait3A_394] : memref<10240x128xf32, #tpu.memory_space<vmem_shared>> -> memref<10240x128xf32, #tpu.memory_space<vmem_shared>>
        tpu.wait_indirect_dma semaphore(%arg18 : memref<!tpu.dma_semaphore, #tpu.memory_space<semaphore_mem>>) src(%arg10 : memref<80x128xf32, #tpu.memory_space<vmem>>) dst(%dma_wait3A_395 : memref<10240x128xf32, #tpu.memory_space<vmem_shared>>)
        %dma_wait3A_396 = arith.constant 5 : i32
        %dma_wait3A_397 = arith.constant 0 : i32
        %dma_wait3A_398 = tpu.memref_slice %arg6[%dma_wait3A_396, %dma_wait3A_397] : memref<8x80xi32, #tpu.memory_space<vmem>> -> memref<1x80xi32, #tpu.memory_space<vmem>>
        %dma_wait3A_399 = tpu.memref_squeeze %dma_wait3A_398 : memref<1x80xi32, #tpu.memory_space<vmem>> -> memref<80xi32, #tpu.memory_space<vmem>>
        %dma_wait3A_400 = arith.constant 0 : i32
        %dma_wait3A_401 = arith.constant 0 : i32
        %dma_wait3A_402 = tpu.memref_slice %arg26[%dma_wait3A_400, %dma_wait3A_401] : memref<10240x128xf32, #tpu.memory_space<vmem_shared>> -> memref<10240x128xf32, #tpu.memory_space<vmem_shared>>
        tpu.wait_indirect_dma semaphore(%arg19 : memref<!tpu.dma_semaphore, #tpu.memory_space<semaphore_mem>>) src(%arg11 : memref<80x128xf32, #tpu.memory_space<vmem>>) dst(%dma_wait3A_402 : memref<10240x128xf32, #tpu.memory_space<vmem_shared>>)
      } else {
      }
      %mul3A_248 = arith.constant 2 : i32
      %mul3A_249 = arith.muli %mul3A_248, %scan3A_81 : i32
      %add3A_250 = arith.constant 1 : i32
      %add3A_251 = arith.addi %mul3A_249, %add3A_250 : i32
      %mul3A_252 = arith.constant 8 : i32
      %mul3A_253 = arith.muli %add3A_251, %mul3A_252 : i32
      %mul3A_254 = arith.constant 8 : i32
      %mul3A_255 = arith.muli %add3A_251, %mul3A_254 : i32
      %dma_wait3A_256 = arith.constant 0 : i32
      %dma_wait3A_257 = arith.constant 0 : i32
      %dma_wait3A_258 = tpu.memref_slice %arg3[%dma_wait3A_256, %add3A, %mul3A_253, %dma_wait3A_257] : memref<2x32x64x80xi32, #tpu.memory_space<hbm>> -> memref<1x1x8x80xi32, #tpu.memory_space<hbm>>
      %dma_wait3A_259 = tpu.memref_squeeze %dma_wait3A_258 : memref<1x1x8x80xi32, #tpu.memory_space<hbm>> -> memref<8x80xi32, #tpu.memory_space<hbm>>
      %dma_wait3A_260 = arith.constant 0 : i32
      %dma_wait3A_261 = tpu.memref_slice %arg3[%dma_wait3A_256, %add3A, %mul3A_253, %dma_wait3A_260] : memref<2x32x64x80xi32, #tpu.memory_space<hbm>> -> memref<1x1x8x80xi32, #tpu.memory_space<hbm>>
      %dma_wait3A_262 = tpu.memref_squeeze %dma_wait3A_261 : memref<1x1x8x80xi32, #tpu.memory_space<hbm>> -> memref<8x80xi32, #tpu.memory_space<hbm>>
      tpu.wait_dma2 semaphore(%arg24 : memref<!tpu.dma_semaphore, #tpu.memory_space<semaphore_mem>>) src(%dma_wait3A_262 : memref<8x80xi32, #tpu.memory_space<hbm>>) dst(%arg7 : memref<8x80xi32, #tpu.memory_space<vmem>>)
      %mul3A_263 = arith.constant 2 : i32
      %mul3A_264 = arith.muli %mul3A_263, %scan3A_81 : i32
      %add3A_265 = arith.constant 1 : i32
      %add3A_266 = arith.addi %mul3A_264, %add3A_265 : i32
      %mul3A_267 = arith.constant 8 : i32
      %mul3A_268 = arith.muli %add3A_266, %mul3A_267 : i32
      %mul3A_269 = arith.constant 8 : i32
      %mul3A_270 = arith.muli %add3A_266, %mul3A_269 : i32
      %dma_wait3A_271 = arith.constant 1 : i32
      %dma_wait3A_272 = arith.constant 0 : i32
      %dma_wait3A_273 = tpu.memref_slice %arg3[%dma_wait3A_271, %add3A, %mul3A_270, %dma_wait3A_272] : memref<2x32x64x80xi32, #tpu.memory_space<hbm>> -> memref<1x1x8x80xi32, #tpu.memory_space<hbm>>
      %dma_wait3A_274 = tpu.memref_squeeze %dma_wait3A_273 : memref<1x1x8x80xi32, #tpu.memory_space<hbm>> -> memref<8x80xi32, #tpu.memory_space<hbm>>
      %dma_wait3A_275 = arith.constant 0 : i32
      %dma_wait3A_276 = tpu.memref_slice %arg3[%dma_wait3A_271, %add3A, %mul3A_270, %dma_wait3A_275] : memref<2x32x64x80xi32, #tpu.memory_space<hbm>> -> memref<1x1x8x80xi32, #tpu.memory_space<hbm>>
      %dma_wait3A_277 = tpu.memref_squeeze %dma_wait3A_276 : memref<1x1x8x80xi32, #tpu.memory_space<hbm>> -> memref<8x80xi32, #tpu.memory_space<hbm>>
      tpu.wait_dma2 semaphore(%arg25 : memref<!tpu.dma_semaphore, #tpu.memory_space<semaphore_mem>>) src(%dma_wait3A_277 : memref<8x80xi32, #tpu.memory_space<hbm>>) dst(%arg9 : memref<8x80xi32, #tpu.memory_space<vmem>>)
      %dma_start3A_278 = arith.constant 0 : i32
      %dma_start3A_279 = arith.constant 0 : i32
      %dma_start3A_280 = tpu.memref_slice %arg9[%dma_start3A_278, %dma_start3A_279] : memref<8x80xi32, #tpu.memory_space<vmem>> -> memref<1x80xi32, #tpu.memory_space<vmem>>
      %dma_start3A_281 = tpu.memref_squeeze %dma_start3A_280 : memref<1x80xi32, #tpu.memory_space<vmem>> -> memref<80xi32, #tpu.memory_space<vmem>>
      %dma_start3A_282 = arith.constant 0 : i32
      %dma_start3A_283 = arith.constant 0 : i32
      %dma_start3A_284 = tpu.memref_slice %arg2[%dma_start3A_282, %dma_start3A_283] : memref<10000x128xf32, #tpu.memory_space<hbm>> -> memref<10000x128xf32, #tpu.memory_space<hbm>>
      tpu.enqueue_indirect_dma source(%dma_start3A_284 : memref<10000x128xf32, #tpu.memory_space<hbm>>) target(%arg10 : memref<80x128xf32, #tpu.memory_space<vmem>>) offsets(%dma_start3A_281 : memref<80xi32, #tpu.memory_space<vmem>>) semaphore(%arg14 : memref<!tpu.dma_semaphore, #tpu.memory_space<semaphore_mem>>)
      %dma_start3A_285 = arith.constant 1 : i32
      %dma_start3A_286 = arith.constant 0 : i32
      %dma_start3A_287 = tpu.memref_slice %arg9[%dma_start3A_285, %dma_start3A_286] : memref<8x80xi32, #tpu.memory_space<vmem>> -> memref<1x80xi32, #tpu.memory_space<vmem>>
      %dma_start3A_288 = tpu.memref_squeeze %dma_start3A_287 : memref<1x80xi32, #tpu.memory_space<vmem>> -> memref<80xi32, #tpu.memory_space<vmem>>
      %dma_start3A_289 = arith.constant 0 : i32
      %dma_start3A_290 = arith.constant 0 : i32
      %dma_start3A_291 = tpu.memref_slice %arg2[%dma_start3A_289, %dma_start3A_290] : memref<10000x128xf32, #tpu.memory_space<hbm>> -> memref<10000x128xf32, #tpu.memory_space<hbm>>
      tpu.enqueue_indirect_dma source(%dma_start3A_291 : memref<10000x128xf32, #tpu.memory_space<hbm>>) target(%arg11 : memref<80x128xf32, #tpu.memory_space<vmem>>) offsets(%dma_start3A_288 : memref<80xi32, #tpu.memory_space<vmem>>) semaphore(%arg15 : memref<!tpu.dma_semaphore, #tpu.memory_space<semaphore_mem>>)
      %ge3A_292 = arith.constant 1 : i32
      %ge3A_293 = arith.cmpi sge, %add3A_242, %ge3A_292 : i32
      %convert_element_type3A_294 = arith.extui %ge3A_293 : i1 to i32
      %cond3A_295 = arith.constant 0 : i32
      %cond3A_296 = arith.cmpi ne, %convert_element_type3A_294, %cond3A_295 : i32
      scf.if %cond3A_296 {
        %dma_wait3A_389 = arith.constant 6 : i32
        %dma_wait3A_390 = arith.constant 0 : i32
        %dma_wait3A_391 = tpu.memref_slice %arg8[%dma_wait3A_389, %dma_wait3A_390] : memref<8x80xi32, #tpu.memory_space<vmem>> -> memref<1x80xi32, #tpu.memory_space<vmem>>
        %dma_wait3A_392 = tpu.memref_squeeze %dma_wait3A_391 : memref<1x80xi32, #tpu.memory_space<vmem>> -> memref<80xi32, #tpu.memory_space<vmem>>
        %dma_wait3A_393 = arith.constant 0 : i32
        %dma_wait3A_394 = arith.constant 0 : i32
        %dma_wait3A_395 = tpu.memref_slice %arg2[%dma_wait3A_393, %dma_wait3A_394] : memref<10000x128xf32, #tpu.memory_space<hbm>> -> memref<10000x128xf32, #tpu.memory_space<hbm>>
        tpu.wait_indirect_dma semaphore(%arg16 : memref<!tpu.dma_semaphore, #tpu.memory_space<semaphore_mem>>) src(%dma_wait3A_395 : memref<10000x128xf32, #tpu.memory_space<hbm>>) dst(%arg12 : memref<80x128xf32, #tpu.memory_space<vmem>>)
        %dma_start3A_396 = arith.constant 6 : i32
        %dma_start3A_397 = arith.constant 0 : i32
        %dma_start3A_398 = tpu.memref_slice %arg6[%dma_start3A_396, %dma_start3A_397] : memref<8x80xi32, #tpu.memory_space<vmem>> -> memref<1x80xi32, #tpu.memory_space<vmem>>
        %dma_start3A_399 = tpu.memref_squeeze %dma_start3A_398 : memref<1x80xi32, #tpu.memory_space<vmem>> -> memref<80xi32, #tpu.memory_space<vmem>>
        %dma_start3A_400 = arith.constant 0 : i32
        %dma_start3A_401 = arith.constant 0 : i32
        %dma_start3A_402 = tpu.memref_slice %arg26[%dma_start3A_400, %dma_start3A_401] : memref<10240x128xf32, #tpu.memory_space<vmem_shared>> -> memref<10240x128xf32, #tpu.memory_space<vmem_shared>>
        tpu.enqueue_indirect_dma source(%arg12 : memref<80x128xf32, #tpu.memory_space<vmem>>) target(%dma_start3A_402 : memref<10240x128xf32, #tpu.memory_space<vmem_shared>>) offsets(%dma_start3A_399 : memref<80xi32, #tpu.memory_space<vmem>>) semaphore(%arg20 : memref<!tpu.dma_semaphore, #tpu.memory_space<semaphore_mem>>) {add = true}
        %dma_wait3A_403 = arith.constant 7 : i32
        %dma_wait3A_404 = arith.constant 0 : i32
        %dma_wait3A_405 = tpu.memref_slice %arg8[%dma_wait3A_403, %dma_wait3A_404] : memref<8x80xi32, #tpu.memory_space<vmem>> -> memref<1x80xi32, #tpu.memory_space<vmem>>
        %dma_wait3A_406 = tpu.memref_squeeze %dma_wait3A_405 : memref<1x80xi32, #tpu.memory_space<vmem>> -> memref<80xi32, #tpu.memory_space<vmem>>
        %dma_wait3A_407 = arith.constant 0 : i32
        %dma_wait3A_408 = arith.constant 0 : i32
        %dma_wait3A_409 = tpu.memref_slice %arg2[%dma_wait3A_407, %dma_wait3A_408] : memref<10000x128xf32, #tpu.memory_space<hbm>> -> memref<10000x128xf32, #tpu.memory_space<hbm>>
        tpu.wait_indirect_dma semaphore(%arg17 : memref<!tpu.dma_semaphore, #tpu.memory_space<semaphore_mem>>) src(%dma_wait3A_409 : memref<10000x128xf32, #tpu.memory_space<hbm>>) dst(%arg13 : memref<80x128xf32, #tpu.memory_space<vmem>>)
        %dma_start3A_410 = arith.constant 7 : i32
        %dma_start3A_411 = arith.constant 0 : i32
        %dma_start3A_412 = tpu.memref_slice %arg6[%dma_start3A_410, %dma_start3A_411] : memref<8x80xi32, #tpu.memory_space<vmem>> -> memref<1x80xi32, #tpu.memory_space<vmem>>
        %dma_start3A_413 = tpu.memref_squeeze %dma_start3A_412 : memref<1x80xi32, #tpu.memory_space<vmem>> -> memref<80xi32, #tpu.memory_space<vmem>>
        %dma_start3A_414 = arith.constant 0 : i32
        %dma_start3A_415 = arith.constant 0 : i32
        %dma_start3A_416 = tpu.memref_slice %arg26[%dma_start3A_414, %dma_start3A_415] : memref<10240x128xf32, #tpu.memory_space<vmem_shared>> -> memref<10240x128xf32, #tpu.memory_space<vmem_shared>>
        tpu.enqueue_indirect_dma source(%arg13 : memref<80x128xf32, #tpu.memory_space<vmem>>) target(%dma_start3A_416 : memref<10240x128xf32, #tpu.memory_space<vmem_shared>>) offsets(%dma_start3A_413 : memref<80xi32, #tpu.memory_space<vmem>>) semaphore(%arg21 : memref<!tpu.dma_semaphore, #tpu.memory_space<semaphore_mem>>) {add = true}
      } else {
      }
      %mul3A_297 = arith.constant 8 : i32
      %mul3A_298 = arith.muli %mul3A_297, %scan3A_81 : i32
      %add3A_299 = arith.constant 5 : i32
      %add3A_300 = arith.addi %mul3A_298, %add3A_299 : i32
      %ge3A_301 = arith.constant 2 : i32
      %ge3A_302 = arith.cmpi sge, %add3A_300, %ge3A_301 : i32
      %convert_element_type3A_303 = arith.extui %ge3A_302 : i1 to i32
      %cond3A_304 = arith.constant 0 : i32
      %cond3A_305 = arith.cmpi ne, %convert_element_type3A_303, %cond3A_304 : i32
      scf.if %cond3A_305 {
        %dma_wait3A_389 = arith.constant 6 : i32
        %dma_wait3A_390 = arith.constant 0 : i32
        %dma_wait3A_391 = tpu.memref_slice %arg6[%dma_wait3A_389, %dma_wait3A_390] : memref<8x80xi32, #tpu.memory_space<vmem>> -> memref<1x80xi32, #tpu.memory_space<vmem>>
        %dma_wait3A_392 = tpu.memref_squeeze %dma_wait3A_391 : memref<1x80xi32, #tpu.memory_space<vmem>> -> memref<80xi32, #tpu.memory_space<vmem>>
        %dma_wait3A_393 = arith.constant 0 : i32
        %dma_wait3A_394 = arith.constant 0 : i32
        %dma_wait3A_395 = tpu.memref_slice %arg26[%dma_wait3A_393, %dma_wait3A_394] : memref<10240x128xf32, #tpu.memory_space<vmem_shared>> -> memref<10240x128xf32, #tpu.memory_space<vmem_shared>>
        tpu.wait_indirect_dma semaphore(%arg20 : memref<!tpu.dma_semaphore, #tpu.memory_space<semaphore_mem>>) src(%arg12 : memref<80x128xf32, #tpu.memory_space<vmem>>) dst(%dma_wait3A_395 : memref<10240x128xf32, #tpu.memory_space<vmem_shared>>)
        %dma_wait3A_396 = arith.constant 7 : i32
        %dma_wait3A_397 = arith.constant 0 : i32
        %dma_wait3A_398 = tpu.memref_slice %arg6[%dma_wait3A_396, %dma_wait3A_397] : memref<8x80xi32, #tpu.memory_space<vmem>> -> memref<1x80xi32, #tpu.memory_space<vmem>>
        %dma_wait3A_399 = tpu.memref_squeeze %dma_wait3A_398 : memref<1x80xi32, #tpu.memory_space<vmem>> -> memref<80xi32, #tpu.memory_space<vmem>>
        %dma_wait3A_400 = arith.constant 0 : i32
        %dma_wait3A_401 = arith.constant 0 : i32
        %dma_wait3A_402 = tpu.memref_slice %arg26[%dma_wait3A_400, %dma_wait3A_401] : memref<10240x128xf32, #tpu.memory_space<vmem_shared>> -> memref<10240x128xf32, #tpu.memory_space<vmem_shared>>
        tpu.wait_indirect_dma semaphore(%arg21 : memref<!tpu.dma_semaphore, #tpu.memory_space<semaphore_mem>>) src(%arg13 : memref<80x128xf32, #tpu.memory_space<vmem>>) dst(%dma_wait3A_402 : memref<10240x128xf32, #tpu.memory_space<vmem_shared>>)
      } else {
      }
      %dma_start3A_306 = arith.constant 2 : i32
      %dma_start3A_307 = arith.constant 0 : i32
      %dma_start3A_308 = tpu.memref_slice %arg9[%dma_start3A_306, %dma_start3A_307] : memref<8x80xi32, #tpu.memory_space<vmem>> -> memref<1x80xi32, #tpu.memory_space<vmem>>
      %dma_start3A_309 = tpu.memref_squeeze %dma_start3A_308 : memref<1x80xi32, #tpu.memory_space<vmem>> -> memref<80xi32, #tpu.memory_space<vmem>>
      %dma_start3A_310 = arith.constant 0 : i32
      %dma_start3A_311 = arith.constant 0 : i32
      %dma_start3A_312 = tpu.memref_slice %arg2[%dma_start3A_310, %dma_start3A_311] : memref<10000x128xf32, #tpu.memory_space<hbm>> -> memref<10000x128xf32, #tpu.memory_space<hbm>>
      tpu.enqueue_indirect_dma source(%dma_start3A_312 : memref<10000x128xf32, #tpu.memory_space<hbm>>) target(%arg12 : memref<80x128xf32, #tpu.memory_space<vmem>>) offsets(%dma_start3A_309 : memref<80xi32, #tpu.memory_space<vmem>>) semaphore(%arg16 : memref<!tpu.dma_semaphore, #tpu.memory_space<semaphore_mem>>)
      %dma_start3A_313 = arith.constant 3 : i32
      %dma_start3A_314 = arith.constant 0 : i32
      %dma_start3A_315 = tpu.memref_slice %arg9[%dma_start3A_313, %dma_start3A_314] : memref<8x80xi32, #tpu.memory_space<vmem>> -> memref<1x80xi32, #tpu.memory_space<vmem>>
      %dma_start3A_316 = tpu.memref_squeeze %dma_start3A_315 : memref<1x80xi32, #tpu.memory_space<vmem>> -> memref<80xi32, #tpu.memory_space<vmem>>
      %dma_start3A_317 = arith.constant 0 : i32
      %dma_start3A_318 = arith.constant 0 : i32
      %dma_start3A_319 = tpu.memref_slice %arg2[%dma_start3A_317, %dma_start3A_318] : memref<10000x128xf32, #tpu.memory_space<hbm>> -> memref<10000x128xf32, #tpu.memory_space<hbm>>
      tpu.enqueue_indirect_dma source(%dma_start3A_319 : memref<10000x128xf32, #tpu.memory_space<hbm>>) target(%arg13 : memref<80x128xf32, #tpu.memory_space<vmem>>) offsets(%dma_start3A_316 : memref<80xi32, #tpu.memory_space<vmem>>) semaphore(%arg17 : memref<!tpu.dma_semaphore, #tpu.memory_space<semaphore_mem>>)
      %ge3A_320 = arith.constant 1 : i32
      %ge3A_321 = arith.cmpi sge, %add3A_300, %ge3A_320 : i32
      %convert_element_type3A_322 = arith.extui %ge3A_321 : i1 to i32
      %cond3A_323 = arith.constant 0 : i32
      %cond3A_324 = arith.cmpi ne, %convert_element_type3A_322, %cond3A_323 : i32
      scf.if %cond3A_324 {
        %dma_wait3A_389 = arith.constant 0 : i32
        %dma_wait3A_390 = arith.constant 0 : i32
        %dma_wait3A_391 = tpu.memref_slice %arg9[%dma_wait3A_389, %dma_wait3A_390] : memref<8x80xi32, #tpu.memory_space<vmem>> -> memref<1x80xi32, #tpu.memory_space<vmem>>
        %dma_wait3A_392 = tpu.memref_squeeze %dma_wait3A_391 : memref<1x80xi32, #tpu.memory_space<vmem>> -> memref<80xi32, #tpu.memory_space<vmem>>
        %dma_wait3A_393 = arith.constant 0 : i32
        %dma_wait3A_394 = arith.constant 0 : i32
        %dma_wait3A_395 = tpu.memref_slice %arg2[%dma_wait3A_393, %dma_wait3A_394] : memref<10000x128xf32, #tpu.memory_space<hbm>> -> memref<10000x128xf32, #tpu.memory_space<hbm>>
        tpu.wait_indirect_dma semaphore(%arg14 : memref<!tpu.dma_semaphore, #tpu.memory_space<semaphore_mem>>) src(%dma_wait3A_395 : memref<10000x128xf32, #tpu.memory_space<hbm>>) dst(%arg10 : memref<80x128xf32, #tpu.memory_space<vmem>>)
        %dma_start3A_396 = arith.constant 0 : i32
        %dma_start3A_397 = arith.constant 0 : i32
        %dma_start3A_398 = tpu.memref_slice %arg7[%dma_start3A_396, %dma_start3A_397] : memref<8x80xi32, #tpu.memory_space<vmem>> -> memref<1x80xi32, #tpu.memory_space<vmem>>
        %dma_start3A_399 = tpu.memref_squeeze %dma_start3A_398 : memref<1x80xi32, #tpu.memory_space<vmem>> -> memref<80xi32, #tpu.memory_space<vmem>>
        %dma_start3A_400 = arith.constant 0 : i32
        %dma_start3A_401 = arith.constant 0 : i32
        %dma_start3A_402 = tpu.memref_slice %arg26[%dma_start3A_400, %dma_start3A_401] : memref<10240x128xf32, #tpu.memory_space<vmem_shared>> -> memref<10240x128xf32, #tpu.memory_space<vmem_shared>>
        tpu.enqueue_indirect_dma source(%arg10 : memref<80x128xf32, #tpu.memory_space<vmem>>) target(%dma_start3A_402 : memref<10240x128xf32, #tpu.memory_space<vmem_shared>>) offsets(%dma_start3A_399 : memref<80xi32, #tpu.memory_space<vmem>>) semaphore(%arg18 : memref<!tpu.dma_semaphore, #tpu.memory_space<semaphore_mem>>) {add = true}
        %dma_wait3A_403 = arith.constant 1 : i32
        %dma_wait3A_404 = arith.constant 0 : i32
        %dma_wait3A_405 = tpu.memref_slice %arg9[%dma_wait3A_403, %dma_wait3A_404] : memref<8x80xi32, #tpu.memory_space<vmem>> -> memref<1x80xi32, #tpu.memory_space<vmem>>
        %dma_wait3A_406 = tpu.memref_squeeze %dma_wait3A_405 : memref<1x80xi32, #tpu.memory_space<vmem>> -> memref<80xi32, #tpu.memory_space<vmem>>
        %dma_wait3A_407 = arith.constant 0 : i32
        %dma_wait3A_408 = arith.constant 0 : i32
        %dma_wait3A_409 = tpu.memref_slice %arg2[%dma_wait3A_407, %dma_wait3A_408] : memref<10000x128xf32, #tpu.memory_space<hbm>> -> memref<10000x128xf32, #tpu.memory_space<hbm>>
        tpu.wait_indirect_dma semaphore(%arg15 : memref<!tpu.dma_semaphore, #tpu.memory_space<semaphore_mem>>) src(%dma_wait3A_409 : memref<10000x128xf32, #tpu.memory_space<hbm>>) dst(%arg11 : memref<80x128xf32, #tpu.memory_space<vmem>>)
        %dma_start3A_410 = arith.constant 1 : i32
        %dma_start3A_411 = arith.constant 0 : i32
        %dma_start3A_412 = tpu.memref_slice %arg7[%dma_start3A_410, %dma_start3A_411] : memref<8x80xi32, #tpu.memory_space<vmem>> -> memref<1x80xi32, #tpu.memory_space<vmem>>
        %dma_start3A_413 = tpu.memref_squeeze %dma_start3A_412 : memref<1x80xi32, #tpu.memory_space<vmem>> -> memref<80xi32, #tpu.memory_space<vmem>>
        %dma_start3A_414 = arith.constant 0 : i32
        %dma_start3A_415 = arith.constant 0 : i32
        %dma_start3A_416 = tpu.memref_slice %arg26[%dma_start3A_414, %dma_start3A_415] : memref<10240x128xf32, #tpu.memory_space<vmem_shared>> -> memref<10240x128xf32, #tpu.memory_space<vmem_shared>>
        tpu.enqueue_indirect_dma source(%arg11 : memref<80x128xf32, #tpu.memory_space<vmem>>) target(%dma_start3A_416 : memref<10240x128xf32, #tpu.memory_space<vmem_shared>>) offsets(%dma_start3A_413 : memref<80xi32, #tpu.memory_space<vmem>>) semaphore(%arg19 : memref<!tpu.dma_semaphore, #tpu.memory_space<semaphore_mem>>) {add = true}
      } else {
      }
      %mul3A_325 = arith.constant 8 : i32
      %mul3A_326 = arith.muli %mul3A_325, %scan3A_81 : i32
      %add3A_327 = arith.constant 6 : i32
      %add3A_328 = arith.addi %mul3A_326, %add3A_327 : i32
      %ge3A_329 = arith.constant 2 : i32
      %ge3A_330 = arith.cmpi sge, %add3A_328, %ge3A_329 : i32
      %convert_element_type3A_331 = arith.extui %ge3A_330 : i1 to i32
      %cond3A_332 = arith.constant 0 : i32
      %cond3A_333 = arith.cmpi ne, %convert_element_type3A_331, %cond3A_332 : i32
      scf.if %cond3A_333 {
        %dma_wait3A_389 = arith.constant 0 : i32
        %dma_wait3A_390 = arith.constant 0 : i32
        %dma_wait3A_391 = tpu.memref_slice %arg7[%dma_wait3A_389, %dma_wait3A_390] : memref<8x80xi32, #tpu.memory_space<vmem>> -> memref<1x80xi32, #tpu.memory_space<vmem>>
        %dma_wait3A_392 = tpu.memref_squeeze %dma_wait3A_391 : memref<1x80xi32, #tpu.memory_space<vmem>> -> memref<80xi32, #tpu.memory_space<vmem>>
        %dma_wait3A_393 = arith.constant 0 : i32
        %dma_wait3A_394 = arith.constant 0 : i32
        %dma_wait3A_395 = tpu.memref_slice %arg26[%dma_wait3A_393, %dma_wait3A_394] : memref<10240x128xf32, #tpu.memory_space<vmem_shared>> -> memref<10240x128xf32, #tpu.memory_space<vmem_shared>>
        tpu.wait_indirect_dma semaphore(%arg18 : memref<!tpu.dma_semaphore, #tpu.memory_space<semaphore_mem>>) src(%arg10 : memref<80x128xf32, #tpu.memory_space<vmem>>) dst(%dma_wait3A_395 : memref<10240x128xf32, #tpu.memory_space<vmem_shared>>)
        %dma_wait3A_396 = arith.constant 1 : i32
        %dma_wait3A_397 = arith.constant 0 : i32
        %dma_wait3A_398 = tpu.memref_slice %arg7[%dma_wait3A_396, %dma_wait3A_397] : memref<8x80xi32, #tpu.memory_space<vmem>> -> memref<1x80xi32, #tpu.memory_space<vmem>>
        %dma_wait3A_399 = tpu.memref_squeeze %dma_wait3A_398 : memref<1x80xi32, #tpu.memory_space<vmem>> -> memref<80xi32, #tpu.memory_space<vmem>>
        %dma_wait3A_400 = arith.constant 0 : i32
        %dma_wait3A_401 = arith.constant 0 : i32
        %dma_wait3A_402 = tpu.memref_slice %arg26[%dma_wait3A_400, %dma_wait3A_401] : memref<10240x128xf32, #tpu.memory_space<vmem_shared>> -> memref<10240x128xf32, #tpu.memory_space<vmem_shared>>
        tpu.wait_indirect_dma semaphore(%arg19 : memref<!tpu.dma_semaphore, #tpu.memory_space<semaphore_mem>>) src(%arg11 : memref<80x128xf32, #tpu.memory_space<vmem>>) dst(%dma_wait3A_402 : memref<10240x128xf32, #tpu.memory_space<vmem_shared>>)
      } else {
      }
      %mul3A_334 = arith.constant 2 : i32
      %mul3A_335 = arith.muli %mul3A_334, %scan3A_81 : i32
      %add3A_336 = arith.constant 2 : i32
      %add3A_337 = arith.addi %mul3A_335, %add3A_336 : i32
      %lt3A = arith.constant 8 : i32
      %lt3A_338 = arith.cmpi slt, %add3A_337, %lt3A : i32
      %convert_element_type3A_339 = arith.extui %lt3A_338 : i1 to i32
      %cond3A_340 = arith.constant 0 : i32
      %cond3A_341 = arith.cmpi ne, %convert_element_type3A_339, %cond3A_340 : i32
      scf.if %cond3A_341 {
        %mul3A_389 = arith.constant 2 : i32
        %mul3A_390 = arith.muli %mul3A_389, %scan3A_81 : i32
        %add3A_391 = arith.constant 2 : i32
        %add3A_392 = arith.addi %mul3A_390, %add3A_391 : i32
        %mul3A_393 = arith.constant 8 : i32
        %mul3A_394 = arith.muli %add3A_392, %mul3A_393 : i32
        %mul3A_395 = arith.constant 8 : i32
        %mul3A_396 = arith.muli %add3A_392, %mul3A_395 : i32
        %dma_start3A_397 = arith.constant 0 : i32
        %dma_start3A_398 = arith.constant 0 : i32
        %dma_start3A_399 = tpu.memref_slice %arg3[%dma_start3A_397, %add3A, %mul3A_394, %dma_start3A_398] : memref<2x32x64x80xi32, #tpu.memory_space<hbm>> -> memref<1x1x8x80xi32, #tpu.memory_space<hbm>>
        %dma_start3A_400 = tpu.memref_squeeze %dma_start3A_399 : memref<1x1x8x80xi32, #tpu.memory_space<hbm>> -> memref<8x80xi32, #tpu.memory_space<hbm>>
        %dma_start3A_401 = arith.constant 0 : i32
        %dma_start3A_402 = tpu.memref_slice %arg3[%dma_start3A_397, %add3A, %mul3A_394, %dma_start3A_401] : memref<2x32x64x80xi32, #tpu.memory_space<hbm>> -> memref<1x1x8x80xi32, #tpu.memory_space<hbm>>
        %dma_start3A_403 = tpu.memref_squeeze %dma_start3A_402 : memref<1x1x8x80xi32, #tpu.memory_space<hbm>> -> memref<8x80xi32, #tpu.memory_space<hbm>>
        tpu.enqueue_dma source(%dma_start3A_403 : memref<8x80xi32, #tpu.memory_space<hbm>>) target(%arg6 : memref<8x80xi32, #tpu.memory_space<vmem>>) target_semaphore(%arg22 : memref<!tpu.dma_semaphore, #tpu.memory_space<semaphore_mem>>)
        %dma_start3A_404 = arith.constant 1 : i32
        %dma_start3A_405 = arith.constant 0 : i32
        %dma_start3A_406 = tpu.memref_slice %arg3[%dma_start3A_404, %add3A, %mul3A_396, %dma_start3A_405] : memref<2x32x64x80xi32, #tpu.memory_space<hbm>> -> memref<1x1x8x80xi32, #tpu.memory_space<hbm>>
        %dma_start3A_407 = tpu.memref_squeeze %dma_start3A_406 : memref<1x1x8x80xi32, #tpu.memory_space<hbm>> -> memref<8x80xi32, #tpu.memory_space<hbm>>
        %dma_start3A_408 = arith.constant 0 : i32
        %dma_start3A_409 = tpu.memref_slice %arg3[%dma_start3A_404, %add3A, %mul3A_396, %dma_start3A_408] : memref<2x32x64x80xi32, #tpu.memory_space<hbm>> -> memref<1x1x8x80xi32, #tpu.memory_space<hbm>>
        %dma_start3A_410 = tpu.memref_squeeze %dma_start3A_409 : memref<1x1x8x80xi32, #tpu.memory_space<hbm>> -> memref<8x80xi32, #tpu.memory_space<hbm>>
        tpu.enqueue_dma source(%dma_start3A_410 : memref<8x80xi32, #tpu.memory_space<hbm>>) target(%arg8 : memref<8x80xi32, #tpu.memory_space<vmem>>) target_semaphore(%arg23 : memref<!tpu.dma_semaphore, #tpu.memory_space<semaphore_mem>>)
      } else {
      }
      %dma_start3A_342 = arith.constant 4 : i32
      %dma_start3A_343 = arith.constant 0 : i32
      %dma_start3A_344 = tpu.memref_slice %arg9[%dma_start3A_342, %dma_start3A_343] : memref<8x80xi32, #tpu.memory_space<vmem>> -> memref<1x80xi32, #tpu.memory_space<vmem>>
      %dma_start3A_345 = tpu.memref_squeeze %dma_start3A_344 : memref<1x80xi32, #tpu.memory_space<vmem>> -> memref<80xi32, #tpu.memory_space<vmem>>
      %dma_start3A_346 = arith.constant 0 : i32
      %dma_start3A_347 = arith.constant 0 : i32
      %dma_start3A_348 = tpu.memref_slice %arg2[%dma_start3A_346, %dma_start3A_347] : memref<10000x128xf32, #tpu.memory_space<hbm>> -> memref<10000x128xf32, #tpu.memory_space<hbm>>
      tpu.enqueue_indirect_dma source(%dma_start3A_348 : memref<10000x128xf32, #tpu.memory_space<hbm>>) target(%arg10 : memref<80x128xf32, #tpu.memory_space<vmem>>) offsets(%dma_start3A_345 : memref<80xi32, #tpu.memory_space<vmem>>) semaphore(%arg14 : memref<!tpu.dma_semaphore, #tpu.memory_space<semaphore_mem>>)
      %dma_start3A_349 = arith.constant 5 : i32
      %dma_start3A_350 = arith.constant 0 : i32
      %dma_start3A_351 = tpu.memref_slice %arg9[%dma_start3A_349, %dma_start3A_350] : memref<8x80xi32, #tpu.memory_space<vmem>> -> memref<1x80xi32, #tpu.memory_space<vmem>>
      %dma_start3A_352 = tpu.memref_squeeze %dma_start3A_351 : memref<1x80xi32, #tpu.memory_space<vmem>> -> memref<80xi32, #tpu.memory_space<vmem>>
      %dma_start3A_353 = arith.constant 0 : i32
      %dma_start3A_354 = arith.constant 0 : i32
      %dma_start3A_355 = tpu.memref_slice %arg2[%dma_start3A_353, %dma_start3A_354] : memref<10000x128xf32, #tpu.memory_space<hbm>> -> memref<10000x128xf32, #tpu.memory_space<hbm>>
      tpu.enqueue_indirect_dma source(%dma_start3A_355 : memref<10000x128xf32, #tpu.memory_space<hbm>>) target(%arg11 : memref<80x128xf32, #tpu.memory_space<vmem>>) offsets(%dma_start3A_352 : memref<80xi32, #tpu.memory_space<vmem>>) semaphore(%arg15 : memref<!tpu.dma_semaphore, #tpu.memory_space<semaphore_mem>>)
      %ge3A_356 = arith.constant 1 : i32
      %ge3A_357 = arith.cmpi sge, %add3A_328, %ge3A_356 : i32
      %convert_element_type3A_358 = arith.extui %ge3A_357 : i1 to i32
      %cond3A_359 = arith.constant 0 : i32
      %cond3A_360 = arith.cmpi ne, %convert_element_type3A_358, %cond3A_359 : i32
      scf.if %cond3A_360 {
        %dma_wait3A_389 = arith.constant 2 : i32
        %dma_wait3A_390 = arith.constant 0 : i32
        %dma_wait3A_391 = tpu.memref_slice %arg9[%dma_wait3A_389, %dma_wait3A_390] : memref<8x80xi32, #tpu.memory_space<vmem>> -> memref<1x80xi32, #tpu.memory_space<vmem>>
        %dma_wait3A_392 = tpu.memref_squeeze %dma_wait3A_391 : memref<1x80xi32, #tpu.memory_space<vmem>> -> memref<80xi32, #tpu.memory_space<vmem>>
        %dma_wait3A_393 = arith.constant 0 : i32
        %dma_wait3A_394 = arith.constant 0 : i32
        %dma_wait3A_395 = tpu.memref_slice %arg2[%dma_wait3A_393, %dma_wait3A_394] : memref<10000x128xf32, #tpu.memory_space<hbm>> -> memref<10000x128xf32, #tpu.memory_space<hbm>>
        tpu.wait_indirect_dma semaphore(%arg16 : memref<!tpu.dma_semaphore, #tpu.memory_space<semaphore_mem>>) src(%dma_wait3A_395 : memref<10000x128xf32, #tpu.memory_space<hbm>>) dst(%arg12 : memref<80x128xf32, #tpu.memory_space<vmem>>)
        %dma_start3A_396 = arith.constant 2 : i32
        %dma_start3A_397 = arith.constant 0 : i32
        %dma_start3A_398 = tpu.memref_slice %arg7[%dma_start3A_396, %dma_start3A_397] : memref<8x80xi32, #tpu.memory_space<vmem>> -> memref<1x80xi32, #tpu.memory_space<vmem>>
        %dma_start3A_399 = tpu.memref_squeeze %dma_start3A_398 : memref<1x80xi32, #tpu.memory_space<vmem>> -> memref<80xi32, #tpu.memory_space<vmem>>
        %dma_start3A_400 = arith.constant 0 : i32
        %dma_start3A_401 = arith.constant 0 : i32
        %dma_start3A_402 = tpu.memref_slice %arg26[%dma_start3A_400, %dma_start3A_401] : memref<10240x128xf32, #tpu.memory_space<vmem_shared>> -> memref<10240x128xf32, #tpu.memory_space<vmem_shared>>
        tpu.enqueue_indirect_dma source(%arg12 : memref<80x128xf32, #tpu.memory_space<vmem>>) target(%dma_start3A_402 : memref<10240x128xf32, #tpu.memory_space<vmem_shared>>) offsets(%dma_start3A_399 : memref<80xi32, #tpu.memory_space<vmem>>) semaphore(%arg20 : memref<!tpu.dma_semaphore, #tpu.memory_space<semaphore_mem>>) {add = true}
        %dma_wait3A_403 = arith.constant 3 : i32
        %dma_wait3A_404 = arith.constant 0 : i32
        %dma_wait3A_405 = tpu.memref_slice %arg9[%dma_wait3A_403, %dma_wait3A_404] : memref<8x80xi32, #tpu.memory_space<vmem>> -> memref<1x80xi32, #tpu.memory_space<vmem>>
        %dma_wait3A_406 = tpu.memref_squeeze %dma_wait3A_405 : memref<1x80xi32, #tpu.memory_space<vmem>> -> memref<80xi32, #tpu.memory_space<vmem>>
        %dma_wait3A_407 = arith.constant 0 : i32
        %dma_wait3A_408 = arith.constant 0 : i32
        %dma_wait3A_409 = tpu.memref_slice %arg2[%dma_wait3A_407, %dma_wait3A_408] : memref<10000x128xf32, #tpu.memory_space<hbm>> -> memref<10000x128xf32, #tpu.memory_space<hbm>>
        tpu.wait_indirect_dma semaphore(%arg17 : memref<!tpu.dma_semaphore, #tpu.memory_space<semaphore_mem>>) src(%dma_wait3A_409 : memref<10000x128xf32, #tpu.memory_space<hbm>>) dst(%arg13 : memref<80x128xf32, #tpu.memory_space<vmem>>)
        %dma_start3A_410 = arith.constant 3 : i32
        %dma_start3A_411 = arith.constant 0 : i32
        %dma_start3A_412 = tpu.memref_slice %arg7[%dma_start3A_410, %dma_start3A_411] : memref<8x80xi32, #tpu.memory_space<vmem>> -> memref<1x80xi32, #tpu.memory_space<vmem>>
        %dma_start3A_413 = tpu.memref_squeeze %dma_start3A_412 : memref<1x80xi32, #tpu.memory_space<vmem>> -> memref<80xi32, #tpu.memory_space<vmem>>
        %dma_start3A_414 = arith.constant 0 : i32
        %dma_start3A_415 = arith.constant 0 : i32
        %dma_start3A_416 = tpu.memref_slice %arg26[%dma_start3A_414, %dma_start3A_415] : memref<10240x128xf32, #tpu.memory_space<vmem_shared>> -> memref<10240x128xf32, #tpu.memory_space<vmem_shared>>
        tpu.enqueue_indirect_dma source(%arg13 : memref<80x128xf32, #tpu.memory_space<vmem>>) target(%dma_start3A_416 : memref<10240x128xf32, #tpu.memory_space<vmem_shared>>) offsets(%dma_start3A_413 : memref<80xi32, #tpu.memory_space<vmem>>) semaphore(%arg21 : memref<!tpu.dma_semaphore, #tpu.memory_space<semaphore_mem>>) {add = true}
      } else {
      }
      %mul3A_361 = arith.constant 8 : i32
      %mul3A_362 = arith.muli %mul3A_361, %scan3A_81 : i32
      %add3A_363 = arith.constant 7 : i32
      %add3A_364 = arith.addi %mul3A_362, %add3A_363 : i32
      %ge3A_365 = arith.constant 2 : i32
      %ge3A_366 = arith.cmpi sge, %add3A_364, %ge3A_365 : i32
      %convert_element_type3A_367 = arith.extui %ge3A_366 : i1 to i32
      %cond3A_368 = arith.constant 0 : i32
      %cond3A_369 = arith.cmpi ne, %convert_element_type3A_367, %cond3A_368 : i32
      scf.if %cond3A_369 {
        %dma_wait3A_389 = arith.constant 2 : i32
        %dma_wait3A_390 = arith.constant 0 : i32
        %dma_wait3A_391 = tpu.memref_slice %arg7[%dma_wait3A_389, %dma_wait3A_390] : memref<8x80xi32, #tpu.memory_space<vmem>> -> memref<1x80xi32, #tpu.memory_space<vmem>>
        %dma_wait3A_392 = tpu.memref_squeeze %dma_wait3A_391 : memref<1x80xi32, #tpu.memory_space<vmem>> -> memref<80xi32, #tpu.memory_space<vmem>>
        %dma_wait3A_393 = arith.constant 0 : i32
        %dma_wait3A_394 = arith.constant 0 : i32
        %dma_wait3A_395 = tpu.memref_slice %arg26[%dma_wait3A_393, %dma_wait3A_394] : memref<10240x128xf32, #tpu.memory_space<vmem_shared>> -> memref<10240x128xf32, #tpu.memory_space<vmem_shared>>
        tpu.wait_indirect_dma semaphore(%arg20 : memref<!tpu.dma_semaphore, #tpu.memory_space<semaphore_mem>>) src(%arg12 : memref<80x128xf32, #tpu.memory_space<vmem>>) dst(%dma_wait3A_395 : memref<10240x128xf32, #tpu.memory_space<vmem_shared>>)
        %dma_wait3A_396 = arith.constant 3 : i32
        %dma_wait3A_397 = arith.constant 0 : i32
        %dma_wait3A_398 = tpu.memref_slice %arg7[%dma_wait3A_396, %dma_wait3A_397] : memref<8x80xi32, #tpu.memory_space<vmem>> -> memref<1x80xi32, #tpu.memory_space<vmem>>
        %dma_wait3A_399 = tpu.memref_squeeze %dma_wait3A_398 : memref<1x80xi32, #tpu.memory_space<vmem>> -> memref<80xi32, #tpu.memory_space<vmem>>
        %dma_wait3A_400 = arith.constant 0 : i32
        %dma_wait3A_401 = arith.constant 0 : i32
        %dma_wait3A_402 = tpu.memref_slice %arg26[%dma_wait3A_400, %dma_wait3A_401] : memref<10240x128xf32, #tpu.memory_space<vmem_shared>> -> memref<10240x128xf32, #tpu.memory_space<vmem_shared>>
        tpu.wait_indirect_dma semaphore(%arg21 : memref<!tpu.dma_semaphore, #tpu.memory_space<semaphore_mem>>) src(%arg13 : memref<80x128xf32, #tpu.memory_space<vmem>>) dst(%dma_wait3A_402 : memref<10240x128xf32, #tpu.memory_space<vmem_shared>>)
      } else {
      }
      %dma_start3A_370 = arith.constant 6 : i32
      %dma_start3A_371 = arith.constant 0 : i32
      %dma_start3A_372 = tpu.memref_slice %arg9[%dma_start3A_370, %dma_start3A_371] : memref<8x80xi32, #tpu.memory_space<vmem>> -> memref<1x80xi32, #tpu.memory_space<vmem>>
      %dma_start3A_373 = tpu.memref_squeeze %dma_start3A_372 : memref<1x80xi32, #tpu.memory_space<vmem>> -> memref<80xi32, #tpu.memory_space<vmem>>
      %dma_start3A_374 = arith.constant 0 : i32
      %dma_start3A_375 = arith.constant 0 : i32
      %dma_start3A_376 = tpu.memref_slice %arg2[%dma_start3A_374, %dma_start3A_375] : memref<10000x128xf32, #tpu.memory_space<hbm>> -> memref<10000x128xf32, #tpu.memory_space<hbm>>
      tpu.enqueue_indirect_dma source(%dma_start3A_376 : memref<10000x128xf32, #tpu.memory_space<hbm>>) target(%arg12 : memref<80x128xf32, #tpu.memory_space<vmem>>) offsets(%dma_start3A_373 : memref<80xi32, #tpu.memory_space<vmem>>) semaphore(%arg16 : memref<!tpu.dma_semaphore, #tpu.memory_space<semaphore_mem>>)
      %dma_start3A_377 = arith.constant 7 : i32
      %dma_start3A_378 = arith.constant 0 : i32
      %dma_start3A_379 = tpu.memref_slice %arg9[%dma_start3A_377, %dma_start3A_378] : memref<8x80xi32, #tpu.memory_space<vmem>> -> memref<1x80xi32, #tpu.memory_space<vmem>>
      %dma_start3A_380 = tpu.memref_squeeze %dma_start3A_379 : memref<1x80xi32, #tpu.memory_space<vmem>> -> memref<80xi32, #tpu.memory_space<vmem>>
      %dma_start3A_381 = arith.constant 0 : i32
      %dma_start3A_382 = arith.constant 0 : i32
      %dma_start3A_383 = tpu.memref_slice %arg2[%dma_start3A_381, %dma_start3A_382] : memref<10000x128xf32, #tpu.memory_space<hbm>> -> memref<10000x128xf32, #tpu.memory_space<hbm>>
      tpu.enqueue_indirect_dma source(%dma_start3A_383 : memref<10000x128xf32, #tpu.memory_space<hbm>>) target(%arg13 : memref<80x128xf32, #tpu.memory_space<vmem>>) offsets(%dma_start3A_380 : memref<80xi32, #tpu.memory_space<vmem>>) semaphore(%arg17 : memref<!tpu.dma_semaphore, #tpu.memory_space<semaphore_mem>>)
      %ge3A_384 = arith.constant 1 : i32
      %ge3A_385 = arith.cmpi sge, %add3A_364, %ge3A_384 : i32
      %convert_element_type3A_386 = arith.extui %ge3A_385 : i1 to i32
      %cond3A_387 = arith.constant 0 : i32
      %cond3A_388 = arith.cmpi ne, %convert_element_type3A_386, %cond3A_387 : i32
      scf.if %cond3A_388 {
        %dma_wait3A_389 = arith.constant 4 : i32
        %dma_wait3A_390 = arith.constant 0 : i32
        %dma_wait3A_391 = tpu.memref_slice %arg9[%dma_wait3A_389, %dma_wait3A_390] : memref<8x80xi32, #tpu.memory_space<vmem>> -> memref<1x80xi32, #tpu.memory_space<vmem>>
        %dma_wait3A_392 = tpu.memref_squeeze %dma_wait3A_391 : memref<1x80xi32, #tpu.memory_space<vmem>> -> memref<80xi32, #tpu.memory_space<vmem>>
        %dma_wait3A_393 = arith.constant 0 : i32
        %dma_wait3A_394 = arith.constant 0 : i32
        %dma_wait3A_395 = tpu.memref_slice %arg2[%dma_wait3A_393, %dma_wait3A_394] : memref<10000x128xf32, #tpu.memory_space<hbm>> -> memref<10000x128xf32, #tpu.memory_space<hbm>>
        tpu.wait_indirect_dma semaphore(%arg14 : memref<!tpu.dma_semaphore, #tpu.memory_space<semaphore_mem>>) src(%dma_wait3A_395 : memref<10000x128xf32, #tpu.memory_space<hbm>>) dst(%arg10 : memref<80x128xf32, #tpu.memory_space<vmem>>)
        %dma_start3A_396 = arith.constant 4 : i32
        %dma_start3A_397 = arith.constant 0 : i32
        %dma_start3A_398 = tpu.memref_slice %arg7[%dma_start3A_396, %dma_start3A_397] : memref<8x80xi32, #tpu.memory_space<vmem>> -> memref<1x80xi32, #tpu.memory_space<vmem>>
        %dma_start3A_399 = tpu.memref_squeeze %dma_start3A_398 : memref<1x80xi32, #tpu.memory_space<vmem>> -> memref<80xi32, #tpu.memory_space<vmem>>
        %dma_start3A_400 = arith.constant 0 : i32
        %dma_start3A_401 = arith.constant 0 : i32
        %dma_start3A_402 = tpu.memref_slice %arg26[%dma_start3A_400, %dma_start3A_401] : memref<10240x128xf32, #tpu.memory_space<vmem_shared>> -> memref<10240x128xf32, #tpu.memory_space<vmem_shared>>
        tpu.enqueue_indirect_dma source(%arg10 : memref<80x128xf32, #tpu.memory_space<vmem>>) target(%dma_start3A_402 : memref<10240x128xf32, #tpu.memory_space<vmem_shared>>) offsets(%dma_start3A_399 : memref<80xi32, #tpu.memory_space<vmem>>) semaphore(%arg18 : memref<!tpu.dma_semaphore, #tpu.memory_space<semaphore_mem>>) {add = true}
        %dma_wait3A_403 = arith.constant 5 : i32
        %dma_wait3A_404 = arith.constant 0 : i32
        %dma_wait3A_405 = tpu.memref_slice %arg9[%dma_wait3A_403, %dma_wait3A_404] : memref<8x80xi32, #tpu.memory_space<vmem>> -> memref<1x80xi32, #tpu.memory_space<vmem>>
        %dma_wait3A_406 = tpu.memref_squeeze %dma_wait3A_405 : memref<1x80xi32, #tpu.memory_space<vmem>> -> memref<80xi32, #tpu.memory_space<vmem>>
        %dma_wait3A_407 = arith.constant 0 : i32
        %dma_wait3A_408 = arith.constant 0 : i32
        %dma_wait3A_409 = tpu.memref_slice %arg2[%dma_wait3A_407, %dma_wait3A_408] : memref<10000x128xf32, #tpu.memory_space<hbm>> -> memref<10000x128xf32, #tpu.memory_space<hbm>>
        tpu.wait_indirect_dma semaphore(%arg15 : memref<!tpu.dma_semaphore, #tpu.memory_space<semaphore_mem>>) src(%dma_wait3A_409 : memref<10000x128xf32, #tpu.memory_space<hbm>>) dst(%arg11 : memref<80x128xf32, #tpu.memory_space<vmem>>)
        %dma_start3A_410 = arith.constant 5 : i32
        %dma_start3A_411 = arith.constant 0 : i32
        %dma_start3A_412 = tpu.memref_slice %arg7[%dma_start3A_410, %dma_start3A_411] : memref<8x80xi32, #tpu.memory_space<vmem>> -> memref<1x80xi32, #tpu.memory_space<vmem>>
        %dma_start3A_413 = tpu.memref_squeeze %dma_start3A_412 : memref<1x80xi32, #tpu.memory_space<vmem>> -> memref<80xi32, #tpu.memory_space<vmem>>
        %dma_start3A_414 = arith.constant 0 : i32
        %dma_start3A_415 = arith.constant 0 : i32
        %dma_start3A_416 = tpu.memref_slice %arg26[%dma_start3A_414, %dma_start3A_415] : memref<10240x128xf32, #tpu.memory_space<vmem_shared>> -> memref<10240x128xf32, #tpu.memory_space<vmem_shared>>
        tpu.enqueue_indirect_dma source(%arg11 : memref<80x128xf32, #tpu.memory_space<vmem>>) target(%dma_start3A_416 : memref<10240x128xf32, #tpu.memory_space<vmem_shared>>) offsets(%dma_start3A_413 : memref<80xi32, #tpu.memory_space<vmem>>) semaphore(%arg19 : memref<!tpu.dma_semaphore, #tpu.memory_space<semaphore_mem>>) {add = true}
      } else {
      }
    }
    %scan3A_24 = arith.constant 4 : i32
    %dma_wait3A = arith.constant 4 : i32
    %dma_wait3A_25 = arith.constant 0 : i32
    %dma_wait3A_26 = tpu.memref_slice %arg7[%dma_wait3A, %dma_wait3A_25] : memref<8x80xi32, #tpu.memory_space<vmem>> -> memref<1x80xi32, #tpu.memory_space<vmem>>
    %dma_wait3A_27 = tpu.memref_squeeze %dma_wait3A_26 : memref<1x80xi32, #tpu.memory_space<vmem>> -> memref<80xi32, #tpu.memory_space<vmem>>
    %dma_wait3A_28 = arith.constant 0 : i32
    %dma_wait3A_29 = arith.constant 0 : i32
    %dma_wait3A_30 = tpu.memref_slice %arg26[%dma_wait3A_28, %dma_wait3A_29] : memref<10240x128xf32, #tpu.memory_space<vmem_shared>> -> memref<10240x128xf32, #tpu.memory_space<vmem_shared>>
    tpu.wait_indirect_dma semaphore(%arg18 : memref<!tpu.dma_semaphore, #tpu.memory_space<semaphore_mem>>) src(%arg10 : memref<80x128xf32, #tpu.memory_space<vmem>>) dst(%dma_wait3A_30 : memref<10240x128xf32, #tpu.memory_space<vmem_shared>>)
    %dma_wait3A_31 = arith.constant 5 : i32
    %dma_wait3A_32 = arith.constant 0 : i32
    %dma_wait3A_33 = tpu.memref_slice %arg7[%dma_wait3A_31, %dma_wait3A_32] : memref<8x80xi32, #tpu.memory_space<vmem>> -> memref<1x80xi32, #tpu.memory_space<vmem>>
    %dma_wait3A_34 = tpu.memref_squeeze %dma_wait3A_33 : memref<1x80xi32, #tpu.memory_space<vmem>> -> memref<80xi32, #tpu.memory_space<vmem>>
    %dma_wait3A_35 = arith.constant 0 : i32
    %dma_wait3A_36 = arith.constant 0 : i32
    %dma_wait3A_37 = tpu.memref_slice %arg26[%dma_wait3A_35, %dma_wait3A_36] : memref<10240x128xf32, #tpu.memory_space<vmem_shared>> -> memref<10240x128xf32, #tpu.memory_space<vmem_shared>>
    tpu.wait_indirect_dma semaphore(%arg19 : memref<!tpu.dma_semaphore, #tpu.memory_space<semaphore_mem>>) src(%arg11 : memref<80x128xf32, #tpu.memory_space<vmem>>) dst(%dma_wait3A_37 : memref<10240x128xf32, #tpu.memory_space<vmem_shared>>)
    %dma_wait3A_38 = arith.constant 6 : i32
    %dma_wait3A_39 = arith.constant 0 : i32
    %dma_wait3A_40 = tpu.memref_slice %arg9[%dma_wait3A_38, %dma_wait3A_39] : memref<8x80xi32, #tpu.memory_space<vmem>> -> memref<1x80xi32, #tpu.memory_space<vmem>>
    %dma_wait3A_41 = tpu.memref_squeeze %dma_wait3A_40 : memref<1x80xi32, #tpu.memory_space<vmem>> -> memref<80xi32, #tpu.memory_space<vmem>>
    %dma_wait3A_42 = arith.constant 0 : i32
    %dma_wait3A_43 = arith.constant 0 : i32
    %dma_wait3A_44 = tpu.memref_slice %arg2[%dma_wait3A_42, %dma_wait3A_43] : memref<10000x128xf32, #tpu.memory_space<hbm>> -> memref<10000x128xf32, #tpu.memory_space<hbm>>
    tpu.wait_indirect_dma semaphore(%arg16 : memref<!tpu.dma_semaphore, #tpu.memory_space<semaphore_mem>>) src(%dma_wait3A_44 : memref<10000x128xf32, #tpu.memory_space<hbm>>) dst(%arg12 : memref<80x128xf32, #tpu.memory_space<vmem>>)
    %dma_start3A_45 = arith.constant 6 : i32
    %dma_start3A_46 = arith.constant 0 : i32
    %dma_start3A_47 = tpu.memref_slice %arg7[%dma_start3A_45, %dma_start3A_46] : memref<8x80xi32, #tpu.memory_space<vmem>> -> memref<1x80xi32, #tpu.memory_space<vmem>>
    %dma_start3A_48 = tpu.memref_squeeze %dma_start3A_47 : memref<1x80xi32, #tpu.memory_space<vmem>> -> memref<80xi32, #tpu.memory_space<vmem>>
    %dma_start3A_49 = arith.constant 0 : i32
    %dma_start3A_50 = arith.constant 0 : i32
    %dma_start3A_51 = tpu.memref_slice %arg26[%dma_start3A_49, %dma_start3A_50] : memref<10240x128xf32, #tpu.memory_space<vmem_shared>> -> memref<10240x128xf32, #tpu.memory_space<vmem_shared>>
    tpu.enqueue_indirect_dma source(%arg12 : memref<80x128xf32, #tpu.memory_space<vmem>>) target(%dma_start3A_51 : memref<10240x128xf32, #tpu.memory_space<vmem_shared>>) offsets(%dma_start3A_48 : memref<80xi32, #tpu.memory_space<vmem>>) semaphore(%arg20 : memref<!tpu.dma_semaphore, #tpu.memory_space<semaphore_mem>>) {add = true}
    %dma_wait3A_52 = arith.constant 7 : i32
    %dma_wait3A_53 = arith.constant 0 : i32
    %dma_wait3A_54 = tpu.memref_slice %arg9[%dma_wait3A_52, %dma_wait3A_53] : memref<8x80xi32, #tpu.memory_space<vmem>> -> memref<1x80xi32, #tpu.memory_space<vmem>>
    %dma_wait3A_55 = tpu.memref_squeeze %dma_wait3A_54 : memref<1x80xi32, #tpu.memory_space<vmem>> -> memref<80xi32, #tpu.memory_space<vmem>>
    %dma_wait3A_56 = arith.constant 0 : i32
    %dma_wait3A_57 = arith.constant 0 : i32
    %dma_wait3A_58 = tpu.memref_slice %arg2[%dma_wait3A_56, %dma_wait3A_57] : memref<10000x128xf32, #tpu.memory_space<hbm>> -> memref<10000x128xf32, #tpu.memory_space<hbm>>
    tpu.wait_indirect_dma semaphore(%arg17 : memref<!tpu.dma_semaphore, #tpu.memory_space<semaphore_mem>>) src(%dma_wait3A_58 : memref<10000x128xf32, #tpu.memory_space<hbm>>) dst(%arg13 : memref<80x128xf32, #tpu.memory_space<vmem>>)
    %dma_start3A_59 = arith.constant 7 : i32
    %dma_start3A_60 = arith.constant 0 : i32
    %dma_start3A_61 = tpu.memref_slice %arg7[%dma_start3A_59, %dma_start3A_60] : memref<8x80xi32, #tpu.memory_space<vmem>> -> memref<1x80xi32, #tpu.memory_space<vmem>>
    %dma_start3A_62 = tpu.memref_squeeze %dma_start3A_61 : memref<1x80xi32, #tpu.memory_space<vmem>> -> memref<80xi32, #tpu.memory_space<vmem>>
    %dma_start3A_63 = arith.constant 0 : i32
    %dma_start3A_64 = arith.constant 0 : i32
    %dma_start3A_65 = tpu.memref_slice %arg26[%dma_start3A_63, %dma_start3A_64] : memref<10240x128xf32, #tpu.memory_space<vmem_shared>> -> memref<10240x128xf32, #tpu.memory_space<vmem_shared>>
    tpu.enqueue_indirect_dma source(%arg13 : memref<80x128xf32, #tpu.memory_space<vmem>>) target(%dma_start3A_65 : memref<10240x128xf32, #tpu.memory_space<vmem_shared>>) offsets(%dma_start3A_62 : memref<80xi32, #tpu.memory_space<vmem>>) semaphore(%arg21 : memref<!tpu.dma_semaphore, #tpu.memory_space<semaphore_mem>>) {add = true}
    %dma_wait3A_66 = arith.constant 6 : i32
    %dma_wait3A_67 = arith.constant 0 : i32
    %dma_wait3A_68 = tpu.memref_slice %arg7[%dma_wait3A_66, %dma_wait3A_67] : memref<8x80xi32, #tpu.memory_space<vmem>> -> memref<1x80xi32, #tpu.memory_space<vmem>>
    %dma_wait3A_69 = tpu.memref_squeeze %dma_wait3A_68 : memref<1x80xi32, #tpu.memory_space<vmem>> -> memref<80xi32, #tpu.memory_space<vmem>>
    %dma_wait3A_70 = arith.constant 0 : i32
    %dma_wait3A_71 = arith.constant 0 : i32
    %dma_wait3A_72 = tpu.memref_slice %arg26[%dma_wait3A_70, %dma_wait3A_71] : memref<10240x128xf32, #tpu.memory_space<vmem_shared>> -> memref<10240x128xf32, #tpu.memory_space<vmem_shared>>
    tpu.wait_indirect_dma semaphore(%arg20 : memref<!tpu.dma_semaphore, #tpu.memory_space<semaphore_mem>>) src(%arg12 : memref<80x128xf32, #tpu.memory_space<vmem>>) dst(%dma_wait3A_72 : memref<10240x128xf32, #tpu.memory_space<vmem_shared>>)
    %dma_wait3A_73 = arith.constant 7 : i32
    %dma_wait3A_74 = arith.constant 0 : i32
    %dma_wait3A_75 = tpu.memref_slice %arg7[%dma_wait3A_73, %dma_wait3A_74] : memref<8x80xi32, #tpu.memory_space<vmem>> -> memref<1x80xi32, #tpu.memory_space<vmem>>
    %dma_wait3A_76 = tpu.memref_squeeze %dma_wait3A_75 : memref<1x80xi32, #tpu.memory_space<vmem>> -> memref<80xi32, #tpu.memory_space<vmem>>
    %dma_wait3A_77 = arith.constant 0 : i32
    %dma_wait3A_78 = arith.constant 0 : i32
    %dma_wait3A_79 = tpu.memref_slice %arg26[%dma_wait3A_77, %dma_wait3A_78] : memref<10240x128xf32, #tpu.memory_space<vmem_shared>> -> memref<10240x128xf32, #tpu.memory_space<vmem_shared>>
    tpu.wait_indirect_dma semaphore(%arg21 : memref<!tpu.dma_semaphore, #tpu.memory_space<semaphore_mem>>) src(%arg13 : memref<80x128xf32, #tpu.memory_space<vmem>>) dst(%dma_wait3A_79 : memref<10240x128xf32, #tpu.memory_space<vmem_shared>>)
    %barrier3A_80 = arith.constant 0 : index
    tpu.barrier barrier_id(%barrier3A_80)
    "tpu.region"() ({
      %run_scoped3A = tpu.sem_alloc : memref<!tpu.dma_semaphore, #tpu.memory_space<semaphore_mem>>
      %dma_start3A_81 = arith.constant 0 : i32
      %dma_start3A_82 = tpu.memref_slice %arg5[%arg0, %mul3A_2, %dma_start3A_81] : memref<2x10240x128xf32, #tpu.memory_space<hbm>> -> memref<1x640x128xf32, #tpu.memory_space<hbm>>
      %dma_start3A_83 = tpu.memref_squeeze %dma_start3A_82 : memref<1x640x128xf32, #tpu.memory_space<hbm>> -> memref<640x128xf32, #tpu.memory_space<hbm>>
      %dma_start3A_84 = arith.constant 0 : i32
      %dma_start3A_85 = tpu.memref_slice %arg26[%mul3A_2, %dma_start3A_84] : memref<10240x128xf32, #tpu.memory_space<vmem_shared>> -> memref<640x128xf32, #tpu.memory_space<vmem_shared>>
      tpu.enqueue_dma source(%dma_start3A_85 : memref<640x128xf32, #tpu.memory_space<vmem_shared>>) target(%dma_start3A_83 : memref<640x128xf32, #tpu.memory_space<hbm>>) target_semaphore(%run_scoped3A : memref<!tpu.dma_semaphore, #tpu.memory_space<semaphore_mem>>)
      %dma_wait3A_86 = arith.constant 0 : i32
      %dma_wait3A_87 = tpu.memref_slice %arg5[%arg0, %mul3A_2, %dma_wait3A_86] : memref<2x10240x128xf32, #tpu.memory_space<hbm>> -> memref<1x640x128xf32, #tpu.memory_space<hbm>>
      %dma_wait3A_88 = tpu.memref_squeeze %dma_wait3A_87 : memref<1x640x128xf32, #tpu.memory_space<hbm>> -> memref<640x128xf32, #tpu.memory_space<hbm>>
      %dma_wait3A_89 = arith.constant 0 : i32
      %dma_wait3A_90 = tpu.memref_slice %arg26[%mul3A_2, %dma_wait3A_89] : memref<10240x128xf32, #tpu.memory_space<vmem_shared>> -> memref<640x128xf32, #tpu.memory_space<vmem_shared>>
      tpu.wait_dma2 semaphore(%run_scoped3A : memref<!tpu.dma_semaphore, #tpu.memory_space<semaphore_mem>>) src(%dma_wait3A_90 : memref<640x128xf32, #tpu.memory_space<vmem_shared>>) dst(%dma_wait3A_88 : memref<640x128xf32, #tpu.memory_space<hbm>>)
      tpu.yield
    }) : () -> ()
    return
  }
}

#map = affine_map<(d0, d1) -> (0, 0)>
#map1 = affine_map<(d0, d1) -> (0, 0, 0, 0)>
#map2 = affine_map<(d0, d1) -> (0, 0, 0)>
module attributes {stable_mosaic.version = 14 : i64} {
  func.func @agg(%arg0: i32, %arg1: i32, %arg2: memref<10000x128xf32, #tpu.memory_space<hbm>>, %arg3: memref<2x32x64x80xi32, #tpu.memory_space<hbm>>, %arg4: memref<640x128xf32, #tpu.memory_space<hbm>>, %arg5: memref<2x10240x128xf32, #tpu.memory_space<hbm>>, %arg6: memref<8x80xi32, #tpu.memory_space<vmem>>, %arg7: memref<8x80xi32, #tpu.memory_space<vmem>>, %arg8: memref<8x80xi32, #tpu.memory_space<vmem>>, %arg9: memref<8x80xi32, #tpu.memory_space<vmem>>, %arg10: memref<80x128xf32, #tpu.memory_space<vmem>>, %arg11: memref<80x128xf32, #tpu.memory_space<vmem>>, %arg12: memref<80x128xf32, #tpu.memory_space<vmem>>, %arg13: memref<80x128xf32, #tpu.memory_space<vmem>>, %arg14: memref<!tpu.dma_semaphore, #tpu.memory_space<semaphore_mem>>, %arg15: memref<!tpu.dma_semaphore, #tpu.memory_space<semaphore_mem>>, %arg16: memref<!tpu.dma_semaphore, #tpu.memory_space<semaphore_mem>>, %arg17: memref<!tpu.dma_semaphore, #tpu.memory_space<semaphore_mem>>, %arg18: memref<!tpu.dma_semaphore, #tpu.memory_space<semaphore_mem>>, %arg19: memref<!tpu.dma_semaphore, #tpu.memory_space<semaphore_mem>>, %arg20: memref<!tpu.dma_semaphore, #tpu.memory_space<semaphore_mem>>, %arg21: memref<!tpu.dma_semaphore, #tpu.memory_space<semaphore_mem>>, %arg22: memref<!tpu.dma_semaphore, #tpu.memory_space<semaphore_mem>>, %arg23: memref<!tpu.dma_semaphore, #tpu.memory_space<semaphore_mem>>, %arg24: memref<!tpu.dma_semaphore, #tpu.memory_space<semaphore_mem>>, %arg25: memref<!tpu.dma_semaphore, #tpu.memory_space<semaphore_mem>>, %arg26: memref<10240x128xf32, #tpu.memory_space<vmem_shared>>) attributes {dimension_semantics = [#tpu.dimension_semantics<core_parallel>, #tpu.dimension_semantics<subcore_parallel>], iteration_bounds = array<i64: 2, 16>, scalar_prefetch = 0 : i64, scratch_operands = 21 : i64, tpu.core_type = #tpu.core_type<sc_vector_subcore>, window_params = [{transform_indices = #map}, {transform_indices = #map1}, {transform_indices = #map}, {transform_indices = #map2}]} {
    %mul3A = arith.constant 16 : i32
    %mul3A_0 = arith.muli %arg0, %mul3A : i32
    %add3A = arith.addi %mul3A_0, %arg1 : i32
    %mul3A_1 = arith.constant 640 : i32
    %mul3A_2 = arith.muli %arg1, %mul3A_1 : i32
    "tpu.region"() ({
      %run_scoped3A = tpu.sem_alloc : memref<!tpu.dma_semaphore, #tpu.memory_space<semaphore_mem>>
      %dma_start3A_81 = arith.constant 0 : i32
      %dma_start3A_82 = tpu.memref_slice %arg26[%mul3A_2, %dma_start3A_81] : memref<10240x128xf32, #tpu.memory_space<vmem_shared>> -> memref<640x128xf32, #tpu.memory_space<vmem_shared>>
      tpu.enqueue_dma source(%arg4 : memref<640x128xf32, #tpu.memory_space<hbm>>) target(%dma_start3A_82 : memref<640x128xf32, #tpu.memory_space<vmem_shared>>) target_semaphore(%run_scoped3A : memref<!tpu.dma_semaphore, #tpu.memory_space<semaphore_mem>>)
      %dma_wait3A_83 = arith.constant 0 : i32
      %dma_wait3A_84 = tpu.memref_slice %arg26[%mul3A_2, %dma_wait3A_83] : memref<10240x128xf32, #tpu.memory_space<vmem_shared>> -> memref<640x128xf32, #tpu.memory_space<vmem_shared>>
      tpu.wait_dma2 semaphore(%run_scoped3A : memref<!tpu.dma_semaphore, #tpu.memory_space<semaphore_mem>>) src(%arg4 : memref<640x128xf32, #tpu.memory_space<hbm>>) dst(%dma_wait3A_84 : memref<640x128xf32, #tpu.memory_space<vmem_shared>>)
      tpu.yield
    }) : () -> ()
    %barrier3A = arith.constant 0 : index
    tpu.barrier barrier_id(%barrier3A)
    %dma_start3A = arith.constant 0 : i32
    %dma_start3A_3 = arith.constant 0 : i32
    %dma_start3A_4 = arith.constant 0 : i32
    %dma_start3A_5 = tpu.memref_slice %arg3[%dma_start3A, %add3A, %dma_start3A_3, %dma_start3A_4] : memref<2x32x64x80xi32, #tpu.memory_space<hbm>> -> memref<1x1x8x80xi32, #tpu.memory_space<hbm>>
    %dma_start3A_6 = tpu.memref_squeeze %dma_start3A_5 : memref<1x1x8x80xi32, #tpu.memory_space<hbm>> -> memref<8x80xi32, #tpu.memory_space<hbm>>
    %dma_start3A_7 = arith.constant 0 : i32
    %dma_start3A_8 = arith.constant 0 : i32
    %dma_start3A_9 = tpu.memref_slice %arg3[%dma_start3A, %add3A, %dma_start3A_7, %dma_start3A_8] : memref<2x32x64x80xi32, #tpu.memory_space<hbm>> -> memref<1x1x8x80xi32, #tpu.memory_space<hbm>>
    %dma_start3A_10 = tpu.memref_squeeze %dma_start3A_9 : memref<1x1x8x80xi32, #tpu.memory_space<hbm>> -> memref<8x80xi32, #tpu.memory_space<hbm>>
    tpu.enqueue_dma source(%dma_start3A_10 : memref<8x80xi32, #tpu.memory_space<hbm>>) target(%arg6 : memref<8x80xi32, #tpu.memory_space<vmem>>) target_semaphore(%arg22 : memref<!tpu.dma_semaphore, #tpu.memory_space<semaphore_mem>>)
    %dma_start3A_11 = arith.constant 1 : i32
    %dma_start3A_12 = arith.constant 0 : i32
    %dma_start3A_13 = arith.constant 0 : i32
    %dma_start3A_14 = tpu.memref_slice %arg3[%dma_start3A_11, %add3A, %dma_start3A_12, %dma_start3A_13] : memref<2x32x64x80xi32, #tpu.memory_space<hbm>> -> memref<1x1x8x80xi32, #tpu.memory_space<hbm>>
    %dma_start3A_15 = tpu.memref_squeeze %dma_start3A_14 : memref<1x1x8x80xi32, #tpu.memory_space<hbm>> -> memref<8x80xi32, #tpu.memory_space<hbm>>
    %dma_start3A_16 = arith.constant 0 : i32
    %dma_start3A_17 = arith.constant 0 : i32
    %dma_start3A_18 = tpu.memref_slice %arg3[%dma_start3A_11, %add3A, %dma_start3A_16, %dma_start3A_17] : memref<2x32x64x80xi32, #tpu.memory_space<hbm>> -> memref<1x1x8x80xi32, #tpu.memory_space<hbm>>
    %dma_start3A_19 = tpu.memref_squeeze %dma_start3A_18 : memref<1x1x8x80xi32, #tpu.memory_space<hbm>> -> memref<8x80xi32, #tpu.memory_space<hbm>>
    tpu.enqueue_dma source(%dma_start3A_19 : memref<8x80xi32, #tpu.memory_space<hbm>>) target(%arg8 : memref<8x80xi32, #tpu.memory_space<vmem>>) target_semaphore(%arg23 : memref<!tpu.dma_semaphore, #tpu.memory_space<semaphore_mem>>)
    %scan3A = arith.constant 0 : i32
    %scan3A_20 = arith.constant 0 : i32
    %scan3A_21 = arith.constant 4 : i32
    %scan3A_22 = arith.addi %scan3A_20, %scan3A_21 : i32
    %scan3A_23 = arith.constant 1 : i32
    scf.for %scan3A_81 = %scan3A_20 to %scan3A_22 step %scan3A_23  : i32 {
      %mul3A_82 = arith.constant 8 : i32
      %mul3A_83 = arith.muli %mul3A_82, %scan3A_81 : i32
      %add3A_84 = arith.constant 0 : i32
      %add3A_85 = arith.addi %mul3A_83, %add3A_84 : i32
      %ge3A = arith.constant 2 : i32
      %ge3A_86 = arith.cmpi sge, %add3A_85, %ge3A : i32
      %convert_element_type3A = arith.extui %ge3A_86 : i1 to i32
      %cond3A = arith.constant 0 : i32
      %cond3A_87 = arith.cmpi ne, %convert_element_type3A, %cond3A : i32
      scf.if %cond3A_87 {
        %dma_wait3A_389 = arith.constant 4 : i32
        %dma_wait3A_390 = arith.constant 0 : i32
        %dma_wait3A_391 = tpu.memref_slice %arg7[%dma_wait3A_389, %dma_wait3A_390] : memref<8x80xi32, #tpu.memory_space<vmem>> -> memref<1x80xi32, #tpu.memory_space<vmem>>
        %dma_wait3A_392 = tpu.memref_squeeze %dma_wait3A_391 : memref<1x80xi32, #tpu.memory_space<vmem>> -> memref<80xi32, #tpu.memory_space<vmem>>
        %dma_wait3A_393 = arith.constant 0 : i32
        %dma_wait3A_394 = arith.constant 0 : i32
        %dma_wait3A_395 = tpu.memref_slice %arg26[%dma_wait3A_393, %dma_wait3A_394] : memref<10240x128xf32, #tpu.memory_space<vmem_shared>> -> memref<10240x128xf32, #tpu.memory_space<vmem_shared>>
        tpu.wait_indirect_dma semaphore(%arg18 : memref<!tpu.dma_semaphore, #tpu.memory_space<semaphore_mem>>) src(%arg10 : memref<80x128xf32, #tpu.memory_space<vmem>>) dst(%dma_wait3A_395 : memref<10240x128xf32, #tpu.memory_space<vmem_shared>>)
        %dma_wait3A_396 = arith.constant 5 : i32
        %dma_wait3A_397 = arith.constant 0 : i32
        %dma_wait3A_398 = tpu.memref_slice %arg7[%dma_wait3A_396, %dma_wait3A_397] : memref<8x80xi32, #tpu.memory_space<vmem>> -> memref<1x80xi32, #tpu.memory_space<vmem>>
        %dma_wait3A_399 = tpu.memref_squeeze %dma_wait3A_398 : memref<1x80xi32, #tpu.memory_space<vmem>> -> memref<80xi32, #tpu.memory_space<vmem>>
        %dma_wait3A_400 = arith.constant 0 : i32
        %dma_wait3A_401 = arith.constant 0 : i32
        %dma_wait3A_402 = tpu.memref_slice %arg26[%dma_wait3A_400, %dma_wait3A_401] : memref<10240x128xf32, #tpu.memory_space<vmem_shared>> -> memref<10240x128xf32, #tpu.memory_space<vmem_shared>>
        tpu.wait_indirect_dma semaphore(%arg19 : memref<!tpu.dma_semaphore, #tpu.memory_space<semaphore_mem>>) src(%arg11 : memref<80x128xf32, #tpu.memory_space<vmem>>) dst(%dma_wait3A_402 : memref<10240x128xf32, #tpu.memory_space<vmem_shared>>)
      } else {
      }
      %mul3A_88 = arith.constant 2 : i32
      %mul3A_89 = arith.muli %mul3A_88, %scan3A_81 : i32
      %mul3A_90 = arith.constant 8 : i32
      %mul3A_91 = arith.muli %mul3A_89, %mul3A_90 : i32
      %mul3A_92 = arith.constant 8 : i32
      %mul3A_93 = arith.muli %mul3A_89, %mul3A_92 : i32
      %dma_wait3A_94 = arith.constant 0 : i32
      %dma_wait3A_95 = arith.constant 0 : i32
      %dma_wait3A_96 = tpu.memref_slice %arg3[%dma_wait3A_94, %add3A, %mul3A_91, %dma_wait3A_95] : memref<2x32x64x80xi32, #tpu.memory_space<hbm>> -> memref<1x1x8x80xi32, #tpu.memory_space<hbm>>
      %dma_wait3A_97 = tpu.memref_squeeze %dma_wait3A_96 : memref<1x1x8x80xi32, #tpu.memory_space<hbm>> -> memref<8x80xi32, #tpu.memory_space<hbm>>
      %dma_wait3A_98 = arith.constant 0 : i32
      %dma_wait3A_99 = tpu.memref_slice %arg3[%dma_wait3A_94, %add3A, %mul3A_91, %dma_wait3A_98] : memref<2x32x64x80xi32, #tpu.memory_space<hbm>> -> memref<1x1x8x80xi32, #tpu.memory_space<hbm>>
      %dma_wait3A_100 = tpu.memref_squeeze %dma_wait3A_99 : memref<1x1x8x80xi32, #tpu.memory_space<hbm>> -> memref<8x80xi32, #tpu.memory_space<hbm>>
      tpu.wait_dma2 semaphore(%arg22 : memref<!tpu.dma_semaphore, #tpu.memory_space<semaphore_mem>>) src(%dma_wait3A_100 : memref<8x80xi32, #tpu.memory_space<hbm>>) dst(%arg6 : memref<8x80xi32, #tpu.memory_space<vmem>>)
      %mul3A_101 = arith.constant 2 : i32
      %mul3A_102 = arith.muli %mul3A_101, %scan3A_81 : i32
      %mul3A_103 = arith.constant 8 : i32
      %mul3A_104 = arith.muli %mul3A_102, %mul3A_103 : i32
      %mul3A_105 = arith.constant 8 : i32
      %mul3A_106 = arith.muli %mul3A_102, %mul3A_105 : i32
      %dma_wait3A_107 = arith.constant 1 : i32
      %dma_wait3A_108 = arith.constant 0 : i32
      %dma_wait3A_109 = tpu.memref_slice %arg3[%dma_wait3A_107, %add3A, %mul3A_106, %dma_wait3A_108] : memref<2x32x64x80xi32, #tpu.memory_space<hbm>> -> memref<1x1x8x80xi32, #tpu.memory_space<hbm>>
      %dma_wait3A_110 = tpu.memref_squeeze %dma_wait3A_109 : memref<1x1x8x80xi32, #tpu.memory_space<hbm>> -> memref<8x80xi32, #tpu.memory_space<hbm>>
      %dma_wait3A_111 = arith.constant 0 : i32
      %dma_wait3A_112 = tpu.memref_slice %arg3[%dma_wait3A_107, %add3A, %mul3A_106, %dma_wait3A_111] : memref<2x32x64x80xi32, #tpu.memory_space<hbm>> -> memref<1x1x8x80xi32, #tpu.memory_space<hbm>>
      %dma_wait3A_113 = tpu.memref_squeeze %dma_wait3A_112 : memref<1x1x8x80xi32, #tpu.memory_space<hbm>> -> memref<8x80xi32, #tpu.memory_space<hbm>>
      tpu.wait_dma2 semaphore(%arg23 : memref<!tpu.dma_semaphore, #tpu.memory_space<semaphore_mem>>) src(%dma_wait3A_113 : memref<8x80xi32, #tpu.memory_space<hbm>>) dst(%arg8 : memref<8x80xi32, #tpu.memory_space<vmem>>)
      %dma_start3A_114 = arith.constant 0 : i32
      %dma_start3A_115 = arith.constant 0 : i32
      %dma_start3A_116 = tpu.memref_slice %arg8[%dma_start3A_114, %dma_start3A_115] : memref<8x80xi32, #tpu.memory_space<vmem>> -> memref<1x80xi32, #tpu.memory_space<vmem>>
      %dma_start3A_117 = tpu.memref_squeeze %dma_start3A_116 : memref<1x80xi32, #tpu.memory_space<vmem>> -> memref<80xi32, #tpu.memory_space<vmem>>
      %dma_start3A_118 = arith.constant 0 : i32
      %dma_start3A_119 = arith.constant 0 : i32
      %dma_start3A_120 = tpu.memref_slice %arg2[%dma_start3A_118, %dma_start3A_119] : memref<10000x128xf32, #tpu.memory_space<hbm>> -> memref<10000x128xf32, #tpu.memory_space<hbm>>
      tpu.enqueue_indirect_dma source(%dma_start3A_120 : memref<10000x128xf32, #tpu.memory_space<hbm>>) target(%arg10 : memref<80x128xf32, #tpu.memory_space<vmem>>) offsets(%dma_start3A_117 : memref<80xi32, #tpu.memory_space<vmem>>) semaphore(%arg14 : memref<!tpu.dma_semaphore, #tpu.memory_space<semaphore_mem>>)
      %dma_start3A_121 = arith.constant 1 : i32
      %dma_start3A_122 = arith.constant 0 : i32
      %dma_start3A_123 = tpu.memref_slice %arg8[%dma_start3A_121, %dma_start3A_122] : memref<8x80xi32, #tpu.memory_space<vmem>> -> memref<1x80xi32, #tpu.memory_space<vmem>>
      %dma_start3A_124 = tpu.memref_squeeze %dma_start3A_123 : memref<1x80xi32, #tpu.memory_space<vmem>> -> memref<80xi32, #tpu.memory_space<vmem>>
      %dma_start3A_125 = arith.constant 0 : i32
      %dma_start3A_126 = arith.constant 0 : i32
      %dma_start3A_127 = tpu.memref_slice %arg2[%dma_start3A_125, %dma_start3A_126] : memref<10000x128xf32, #tpu.memory_space<hbm>> -> memref<10000x128xf32, #tpu.memory_space<hbm>>
      tpu.enqueue_indirect_dma source(%dma_start3A_127 : memref<10000x128xf32, #tpu.memory_space<hbm>>) target(%arg11 : memref<80x128xf32, #tpu.memory_space<vmem>>) offsets(%dma_start3A_124 : memref<80xi32, #tpu.memory_space<vmem>>) semaphore(%arg15 : memref<!tpu.dma_semaphore, #tpu.memory_space<semaphore_mem>>)
      %ge3A_128 = arith.constant 1 : i32
      %ge3A_129 = arith.cmpi sge, %add3A_85, %ge3A_128 : i32
      %convert_element_type3A_130 = arith.extui %ge3A_129 : i1 to i32
      %cond3A_131 = arith.constant 0 : i32
      %cond3A_132 = arith.cmpi ne, %convert_element_type3A_130, %cond3A_131 : i32
      scf.if %cond3A_132 {
        %dma_wait3A_389 = arith.constant 6 : i32
        %dma_wait3A_390 = arith.constant 0 : i32
        %dma_wait3A_391 = tpu.memref_slice %arg9[%dma_wait3A_389, %dma_wait3A_390] : memref<8x80xi32, #tpu.memory_space<vmem>> -> memref<1x80xi32, #tpu.memory_space<vmem>>
        %dma_wait3A_392 = tpu.memref_squeeze %dma_wait3A_391 : memref<1x80xi32, #tpu.memory_space<vmem>> -> memref<80xi32, #tpu.memory_space<vmem>>
        %dma_wait3A_393 = arith.constant 0 : i32
        %dma_wait3A_394 = arith.constant 0 : i32
        %dma_wait3A_395 = tpu.memref_slice %arg2[%dma_wait3A_393, %dma_wait3A_394] : memref<10000x128xf32, #tpu.memory_space<hbm>> -> memref<10000x128xf32, #tpu.memory_space<hbm>>
        tpu.wait_indirect_dma semaphore(%arg16 : memref<!tpu.dma_semaphore, #tpu.memory_space<semaphore_mem>>) src(%dma_wait3A_395 : memref<10000x128xf32, #tpu.memory_space<hbm>>) dst(%arg12 : memref<80x128xf32, #tpu.memory_space<vmem>>)
        %dma_start3A_396 = arith.constant 6 : i32
        %dma_start3A_397 = arith.constant 0 : i32
        %dma_start3A_398 = tpu.memref_slice %arg7[%dma_start3A_396, %dma_start3A_397] : memref<8x80xi32, #tpu.memory_space<vmem>> -> memref<1x80xi32, #tpu.memory_space<vmem>>
        %dma_start3A_399 = tpu.memref_squeeze %dma_start3A_398 : memref<1x80xi32, #tpu.memory_space<vmem>> -> memref<80xi32, #tpu.memory_space<vmem>>
        %dma_start3A_400 = arith.constant 0 : i32
        %dma_start3A_401 = arith.constant 0 : i32
        %dma_start3A_402 = tpu.memref_slice %arg26[%dma_start3A_400, %dma_start3A_401] : memref<10240x128xf32, #tpu.memory_space<vmem_shared>> -> memref<10240x128xf32, #tpu.memory_space<vmem_shared>>
        tpu.enqueue_indirect_dma source(%arg12 : memref<80x128xf32, #tpu.memory_space<vmem>>) target(%dma_start3A_402 : memref<10240x128xf32, #tpu.memory_space<vmem_shared>>) offsets(%dma_start3A_399 : memref<80xi32, #tpu.memory_space<vmem>>) semaphore(%arg20 : memref<!tpu.dma_semaphore, #tpu.memory_space<semaphore_mem>>) {add = true}
        %dma_wait3A_403 = arith.constant 7 : i32
        %dma_wait3A_404 = arith.constant 0 : i32
        %dma_wait3A_405 = tpu.memref_slice %arg9[%dma_wait3A_403, %dma_wait3A_404] : memref<8x80xi32, #tpu.memory_space<vmem>> -> memref<1x80xi32, #tpu.memory_space<vmem>>
        %dma_wait3A_406 = tpu.memref_squeeze %dma_wait3A_405 : memref<1x80xi32, #tpu.memory_space<vmem>> -> memref<80xi32, #tpu.memory_space<vmem>>
        %dma_wait3A_407 = arith.constant 0 : i32
        %dma_wait3A_408 = arith.constant 0 : i32
        %dma_wait3A_409 = tpu.memref_slice %arg2[%dma_wait3A_407, %dma_wait3A_408] : memref<10000x128xf32, #tpu.memory_space<hbm>> -> memref<10000x128xf32, #tpu.memory_space<hbm>>
        tpu.wait_indirect_dma semaphore(%arg17 : memref<!tpu.dma_semaphore, #tpu.memory_space<semaphore_mem>>) src(%dma_wait3A_409 : memref<10000x128xf32, #tpu.memory_space<hbm>>) dst(%arg13 : memref<80x128xf32, #tpu.memory_space<vmem>>)
        %dma_start3A_410 = arith.constant 7 : i32
        %dma_start3A_411 = arith.constant 0 : i32
        %dma_start3A_412 = tpu.memref_slice %arg7[%dma_start3A_410, %dma_start3A_411] : memref<8x80xi32, #tpu.memory_space<vmem>> -> memref<1x80xi32, #tpu.memory_space<vmem>>
        %dma_start3A_413 = tpu.memref_squeeze %dma_start3A_412 : memref<1x80xi32, #tpu.memory_space<vmem>> -> memref<80xi32, #tpu.memory_space<vmem>>
        %dma_start3A_414 = arith.constant 0 : i32
        %dma_start3A_415 = arith.constant 0 : i32
        %dma_start3A_416 = tpu.memref_slice %arg26[%dma_start3A_414, %dma_start3A_415] : memref<10240x128xf32, #tpu.memory_space<vmem_shared>> -> memref<10240x128xf32, #tpu.memory_space<vmem_shared>>
        tpu.enqueue_indirect_dma source(%arg13 : memref<80x128xf32, #tpu.memory_space<vmem>>) target(%dma_start3A_416 : memref<10240x128xf32, #tpu.memory_space<vmem_shared>>) offsets(%dma_start3A_413 : memref<80xi32, #tpu.memory_space<vmem>>) semaphore(%arg21 : memref<!tpu.dma_semaphore, #tpu.memory_space<semaphore_mem>>) {add = true}
      } else {
      }
      %mul3A_133 = arith.constant 8 : i32
      %mul3A_134 = arith.muli %mul3A_133, %scan3A_81 : i32
      %add3A_135 = arith.constant 1 : i32
      %add3A_136 = arith.addi %mul3A_134, %add3A_135 : i32
      %ge3A_137 = arith.constant 2 : i32
      %ge3A_138 = arith.cmpi sge, %add3A_136, %ge3A_137 : i32
      %convert_element_type3A_139 = arith.extui %ge3A_138 : i1 to i32
      %cond3A_140 = arith.constant 0 : i32
      %cond3A_141 = arith.cmpi ne, %convert_element_type3A_139, %cond3A_140 : i32
      scf.if %cond3A_141 {
        %dma_wait3A_389 = arith.constant 6 : i32
        %dma_wait3A_390 = arith.constant 0 : i32
        %dma_wait3A_391 = tpu.memref_slice %arg7[%dma_wait3A_389, %dma_wait3A_390] : memref<8x80xi32, #tpu.memory_space<vmem>> -> memref<1x80xi32, #tpu.memory_space<vmem>>
        %dma_wait3A_392 = tpu.memref_squeeze %dma_wait3A_391 : memref<1x80xi32, #tpu.memory_space<vmem>> -> memref<80xi32, #tpu.memory_space<vmem>>
        %dma_wait3A_393 = arith.constant 0 : i32
        %dma_wait3A_394 = arith.constant 0 : i32
        %dma_wait3A_395 = tpu.memref_slice %arg26[%dma_wait3A_393, %dma_wait3A_394] : memref<10240x128xf32, #tpu.memory_space<vmem_shared>> -> memref<10240x128xf32, #tpu.memory_space<vmem_shared>>
        tpu.wait_indirect_dma semaphore(%arg20 : memref<!tpu.dma_semaphore, #tpu.memory_space<semaphore_mem>>) src(%arg12 : memref<80x128xf32, #tpu.memory_space<vmem>>) dst(%dma_wait3A_395 : memref<10240x128xf32, #tpu.memory_space<vmem_shared>>)
        %dma_wait3A_396 = arith.constant 7 : i32
        %dma_wait3A_397 = arith.constant 0 : i32
        %dma_wait3A_398 = tpu.memref_slice %arg7[%dma_wait3A_396, %dma_wait3A_397] : memref<8x80xi32, #tpu.memory_space<vmem>> -> memref<1x80xi32, #tpu.memory_space<vmem>>
        %dma_wait3A_399 = tpu.memref_squeeze %dma_wait3A_398 : memref<1x80xi32, #tpu.memory_space<vmem>> -> memref<80xi32, #tpu.memory_space<vmem>>
        %dma_wait3A_400 = arith.constant 0 : i32
        %dma_wait3A_401 = arith.constant 0 : i32
        %dma_wait3A_402 = tpu.memref_slice %arg26[%dma_wait3A_400, %dma_wait3A_401] : memref<10240x128xf32, #tpu.memory_space<vmem_shared>> -> memref<10240x128xf32, #tpu.memory_space<vmem_shared>>
        tpu.wait_indirect_dma semaphore(%arg21 : memref<!tpu.dma_semaphore, #tpu.memory_space<semaphore_mem>>) src(%arg13 : memref<80x128xf32, #tpu.memory_space<vmem>>) dst(%dma_wait3A_402 : memref<10240x128xf32, #tpu.memory_space<vmem_shared>>)
      } else {
      }
      %dma_start3A_142 = arith.constant 2 : i32
      %dma_start3A_143 = arith.constant 0 : i32
      %dma_start3A_144 = tpu.memref_slice %arg8[%dma_start3A_142, %dma_start3A_143] : memref<8x80xi32, #tpu.memory_space<vmem>> -> memref<1x80xi32, #tpu.memory_space<vmem>>
      %dma_start3A_145 = tpu.memref_squeeze %dma_start3A_144 : memref<1x80xi32, #tpu.memory_space<vmem>> -> memref<80xi32, #tpu.memory_space<vmem>>
      %dma_start3A_146 = arith.constant 0 : i32
      %dma_start3A_147 = arith.constant 0 : i32
      %dma_start3A_148 = tpu.memref_slice %arg2[%dma_start3A_146, %dma_start3A_147] : memref<10000x128xf32, #tpu.memory_space<hbm>> -> memref<10000x128xf32, #tpu.memory_space<hbm>>
      tpu.enqueue_indirect_dma source(%dma_start3A_148 : memref<10000x128xf32, #tpu.memory_space<hbm>>) target(%arg12 : memref<80x128xf32, #tpu.memory_space<vmem>>) offsets(%dma_start3A_145 : memref<80xi32, #tpu.memory_space<vmem>>) semaphore(%arg16 : memref<!tpu.dma_semaphore, #tpu.memory_space<semaphore_mem>>)
      %dma_start3A_149 = arith.constant 3 : i32
      %dma_start3A_150 = arith.constant 0 : i32
      %dma_start3A_151 = tpu.memref_slice %arg8[%dma_start3A_149, %dma_start3A_150] : memref<8x80xi32, #tpu.memory_space<vmem>> -> memref<1x80xi32, #tpu.memory_space<vmem>>
      %dma_start3A_152 = tpu.memref_squeeze %dma_start3A_151 : memref<1x80xi32, #tpu.memory_space<vmem>> -> memref<80xi32, #tpu.memory_space<vmem>>
      %dma_start3A_153 = arith.constant 0 : i32
      %dma_start3A_154 = arith.constant 0 : i32
      %dma_start3A_155 = tpu.memref_slice %arg2[%dma_start3A_153, %dma_start3A_154] : memref<10000x128xf32, #tpu.memory_space<hbm>> -> memref<10000x128xf32, #tpu.memory_space<hbm>>
      tpu.enqueue_indirect_dma source(%dma_start3A_155 : memref<10000x128xf32, #tpu.memory_space<hbm>>) target(%arg13 : memref<80x128xf32, #tpu.memory_space<vmem>>) offsets(%dma_start3A_152 : memref<80xi32, #tpu.memory_space<vmem>>) semaphore(%arg17 : memref<!tpu.dma_semaphore, #tpu.memory_space<semaphore_mem>>)
      %ge3A_156 = arith.constant 1 : i32
      %ge3A_157 = arith.cmpi sge, %add3A_136, %ge3A_156 : i32
      %convert_element_type3A_158 = arith.extui %ge3A_157 : i1 to i32
      %cond3A_159 = arith.constant 0 : i32
      %cond3A_160 = arith.cmpi ne, %convert_element_type3A_158, %cond3A_159 : i32
      scf.if %cond3A_160 {
        %dma_wait3A_389 = arith.constant 0 : i32
        %dma_wait3A_390 = arith.constant 0 : i32
        %dma_wait3A_391 = tpu.memref_slice %arg8[%dma_wait3A_389, %dma_wait3A_390] : memref<8x80xi32, #tpu.memory_space<vmem>> -> memref<1x80xi32, #tpu.memory_space<vmem>>
        %dma_wait3A_392 = tpu.memref_squeeze %dma_wait3A_391 : memref<1x80xi32, #tpu.memory_space<vmem>> -> memref<80xi32, #tpu.memory_space<vmem>>
        %dma_wait3A_393 = arith.constant 0 : i32
        %dma_wait3A_394 = arith.constant 0 : i32
        %dma_wait3A_395 = tpu.memref_slice %arg2[%dma_wait3A_393, %dma_wait3A_394] : memref<10000x128xf32, #tpu.memory_space<hbm>> -> memref<10000x128xf32, #tpu.memory_space<hbm>>
        tpu.wait_indirect_dma semaphore(%arg14 : memref<!tpu.dma_semaphore, #tpu.memory_space<semaphore_mem>>) src(%dma_wait3A_395 : memref<10000x128xf32, #tpu.memory_space<hbm>>) dst(%arg10 : memref<80x128xf32, #tpu.memory_space<vmem>>)
        %dma_start3A_396 = arith.constant 0 : i32
        %dma_start3A_397 = arith.constant 0 : i32
        %dma_start3A_398 = tpu.memref_slice %arg6[%dma_start3A_396, %dma_start3A_397] : memref<8x80xi32, #tpu.memory_space<vmem>> -> memref<1x80xi32, #tpu.memory_space<vmem>>
        %dma_start3A_399 = tpu.memref_squeeze %dma_start3A_398 : memref<1x80xi32, #tpu.memory_space<vmem>> -> memref<80xi32, #tpu.memory_space<vmem>>
        %dma_start3A_400 = arith.constant 0 : i32
        %dma_start3A_401 = arith.constant 0 : i32
        %dma_start3A_402 = tpu.memref_slice %arg26[%dma_start3A_400, %dma_start3A_401] : memref<10240x128xf32, #tpu.memory_space<vmem_shared>> -> memref<10240x128xf32, #tpu.memory_space<vmem_shared>>
        tpu.enqueue_indirect_dma source(%arg10 : memref<80x128xf32, #tpu.memory_space<vmem>>) target(%dma_start3A_402 : memref<10240x128xf32, #tpu.memory_space<vmem_shared>>) offsets(%dma_start3A_399 : memref<80xi32, #tpu.memory_space<vmem>>) semaphore(%arg18 : memref<!tpu.dma_semaphore, #tpu.memory_space<semaphore_mem>>) {add = true}
        %dma_wait3A_403 = arith.constant 1 : i32
        %dma_wait3A_404 = arith.constant 0 : i32
        %dma_wait3A_405 = tpu.memref_slice %arg8[%dma_wait3A_403, %dma_wait3A_404] : memref<8x80xi32, #tpu.memory_space<vmem>> -> memref<1x80xi32, #tpu.memory_space<vmem>>
        %dma_wait3A_406 = tpu.memref_squeeze %dma_wait3A_405 : memref<1x80xi32, #tpu.memory_space<vmem>> -> memref<80xi32, #tpu.memory_space<vmem>>
        %dma_wait3A_407 = arith.constant 0 : i32
        %dma_wait3A_408 = arith.constant 0 : i32
        %dma_wait3A_409 = tpu.memref_slice %arg2[%dma_wait3A_407, %dma_wait3A_408] : memref<10000x128xf32, #tpu.memory_space<hbm>> -> memref<10000x128xf32, #tpu.memory_space<hbm>>
        tpu.wait_indirect_dma semaphore(%arg15 : memref<!tpu.dma_semaphore, #tpu.memory_space<semaphore_mem>>) src(%dma_wait3A_409 : memref<10000x128xf32, #tpu.memory_space<hbm>>) dst(%arg11 : memref<80x128xf32, #tpu.memory_space<vmem>>)
        %dma_start3A_410 = arith.constant 1 : i32
        %dma_start3A_411 = arith.constant 0 : i32
        %dma_start3A_412 = tpu.memref_slice %arg6[%dma_start3A_410, %dma_start3A_411] : memref<8x80xi32, #tpu.memory_space<vmem>> -> memref<1x80xi32, #tpu.memory_space<vmem>>
        %dma_start3A_413 = tpu.memref_squeeze %dma_start3A_412 : memref<1x80xi32, #tpu.memory_space<vmem>> -> memref<80xi32, #tpu.memory_space<vmem>>
        %dma_start3A_414 = arith.constant 0 : i32
        %dma_start3A_415 = arith.constant 0 : i32
        %dma_start3A_416 = tpu.memref_slice %arg26[%dma_start3A_414, %dma_start3A_415] : memref<10240x128xf32, #tpu.memory_space<vmem_shared>> -> memref<10240x128xf32, #tpu.memory_space<vmem_shared>>
        tpu.enqueue_indirect_dma source(%arg11 : memref<80x128xf32, #tpu.memory_space<vmem>>) target(%dma_start3A_416 : memref<10240x128xf32, #tpu.memory_space<vmem_shared>>) offsets(%dma_start3A_413 : memref<80xi32, #tpu.memory_space<vmem>>) semaphore(%arg19 : memref<!tpu.dma_semaphore, #tpu.memory_space<semaphore_mem>>) {add = true}
      } else {
      }
      %mul3A_161 = arith.constant 8 : i32
      %mul3A_162 = arith.muli %mul3A_161, %scan3A_81 : i32
      %add3A_163 = arith.constant 2 : i32
      %add3A_164 = arith.addi %mul3A_162, %add3A_163 : i32
      %ge3A_165 = arith.constant 2 : i32
      %ge3A_166 = arith.cmpi sge, %add3A_164, %ge3A_165 : i32
      %convert_element_type3A_167 = arith.extui %ge3A_166 : i1 to i32
      %cond3A_168 = arith.constant 0 : i32
      %cond3A_169 = arith.cmpi ne, %convert_element_type3A_167, %cond3A_168 : i32
      scf.if %cond3A_169 {
        %dma_wait3A_389 = arith.constant 0 : i32
        %dma_wait3A_390 = arith.constant 0 : i32
        %dma_wait3A_391 = tpu.memref_slice %arg6[%dma_wait3A_389, %dma_wait3A_390] : memref<8x80xi32, #tpu.memory_space<vmem>> -> memref<1x80xi32, #tpu.memory_space<vmem>>
        %dma_wait3A_392 = tpu.memref_squeeze %dma_wait3A_391 : memref<1x80xi32, #tpu.memory_space<vmem>> -> memref<80xi32, #tpu.memory_space<vmem>>
        %dma_wait3A_393 = arith.constant 0 : i32
        %dma_wait3A_394 = arith.constant 0 : i32
        %dma_wait3A_395 = tpu.memref_slice %arg26[%dma_wait3A_393, %dma_wait3A_394] : memref<10240x128xf32, #tpu.memory_space<vmem_shared>> -> memref<10240x128xf32, #tpu.memory_space<vmem_shared>>
        tpu.wait_indirect_dma semaphore(%arg18 : memref<!tpu.dma_semaphore, #tpu.memory_space<semaphore_mem>>) src(%arg10 : memref<80x128xf32, #tpu.memory_space<vmem>>) dst(%dma_wait3A_395 : memref<10240x128xf32, #tpu.memory_space<vmem_shared>>)
        %dma_wait3A_396 = arith.constant 1 : i32
        %dma_wait3A_397 = arith.constant 0 : i32
        %dma_wait3A_398 = tpu.memref_slice %arg6[%dma_wait3A_396, %dma_wait3A_397] : memref<8x80xi32, #tpu.memory_space<vmem>> -> memref<1x80xi32, #tpu.memory_space<vmem>>
        %dma_wait3A_399 = tpu.memref_squeeze %dma_wait3A_398 : memref<1x80xi32, #tpu.memory_space<vmem>> -> memref<80xi32, #tpu.memory_space<vmem>>
        %dma_wait3A_400 = arith.constant 0 : i32
        %dma_wait3A_401 = arith.constant 0 : i32
        %dma_wait3A_402 = tpu.memref_slice %arg26[%dma_wait3A_400, %dma_wait3A_401] : memref<10240x128xf32, #tpu.memory_space<vmem_shared>> -> memref<10240x128xf32, #tpu.memory_space<vmem_shared>>
        tpu.wait_indirect_dma semaphore(%arg19 : memref<!tpu.dma_semaphore, #tpu.memory_space<semaphore_mem>>) src(%arg11 : memref<80x128xf32, #tpu.memory_space<vmem>>) dst(%dma_wait3A_402 : memref<10240x128xf32, #tpu.memory_space<vmem_shared>>)
      } else {
      }
      %mul3A_170 = arith.constant 2 : i32
      %mul3A_171 = arith.muli %mul3A_170, %scan3A_81 : i32
      %add3A_172 = arith.constant 1 : i32
      %add3A_173 = arith.addi %mul3A_171, %add3A_172 : i32
      %mul3A_174 = arith.constant 8 : i32
      %mul3A_175 = arith.muli %add3A_173, %mul3A_174 : i32
      %mul3A_176 = arith.constant 8 : i32
      %mul3A_177 = arith.muli %add3A_173, %mul3A_176 : i32
      %dma_start3A_178 = arith.constant 0 : i32
      %dma_start3A_179 = arith.constant 0 : i32
      %dma_start3A_180 = tpu.memref_slice %arg3[%dma_start3A_178, %add3A, %mul3A_175, %dma_start3A_179] : memref<2x32x64x80xi32, #tpu.memory_space<hbm>> -> memref<1x1x8x80xi32, #tpu.memory_space<hbm>>
      %dma_start3A_181 = tpu.memref_squeeze %dma_start3A_180 : memref<1x1x8x80xi32, #tpu.memory_space<hbm>> -> memref<8x80xi32, #tpu.memory_space<hbm>>
      %dma_start3A_182 = arith.constant 0 : i32
      %dma_start3A_183 = tpu.memref_slice %arg3[%dma_start3A_178, %add3A, %mul3A_175, %dma_start3A_182] : memref<2x32x64x80xi32, #tpu.memory_space<hbm>> -> memref<1x1x8x80xi32, #tpu.memory_space<hbm>>
      %dma_start3A_184 = tpu.memref_squeeze %dma_start3A_183 : memref<1x1x8x80xi32, #tpu.memory_space<hbm>> -> memref<8x80xi32, #tpu.memory_space<hbm>>
      tpu.enqueue_dma source(%dma_start3A_184 : memref<8x80xi32, #tpu.memory_space<hbm>>) target(%arg7 : memref<8x80xi32, #tpu.memory_space<vmem>>) target_semaphore(%arg24 : memref<!tpu.dma_semaphore, #tpu.memory_space<semaphore_mem>>)
      %dma_start3A_185 = arith.constant 1 : i32
      %dma_start3A_186 = arith.constant 0 : i32
      %dma_start3A_187 = tpu.memref_slice %arg3[%dma_start3A_185, %add3A, %mul3A_177, %dma_start3A_186] : memref<2x32x64x80xi32, #tpu.memory_space<hbm>> -> memref<1x1x8x80xi32, #tpu.memory_space<hbm>>
      %dma_start3A_188 = tpu.memref_squeeze %dma_start3A_187 : memref<1x1x8x80xi32, #tpu.memory_space<hbm>> -> memref<8x80xi32, #tpu.memory_space<hbm>>
      %dma_start3A_189 = arith.constant 0 : i32
      %dma_start3A_190 = tpu.memref_slice %arg3[%dma_start3A_185, %add3A, %mul3A_177, %dma_start3A_189] : memref<2x32x64x80xi32, #tpu.memory_space<hbm>> -> memref<1x1x8x80xi32, #tpu.memory_space<hbm>>
      %dma_start3A_191 = tpu.memref_squeeze %dma_start3A_190 : memref<1x1x8x80xi32, #tpu.memory_space<hbm>> -> memref<8x80xi32, #tpu.memory_space<hbm>>
      tpu.enqueue_dma source(%dma_start3A_191 : memref<8x80xi32, #tpu.memory_space<hbm>>) target(%arg9 : memref<8x80xi32, #tpu.memory_space<vmem>>) target_semaphore(%arg25 : memref<!tpu.dma_semaphore, #tpu.memory_space<semaphore_mem>>)
      %dma_start3A_192 = arith.constant 4 : i32
      %dma_start3A_193 = arith.constant 0 : i32
      %dma_start3A_194 = tpu.memref_slice %arg8[%dma_start3A_192, %dma_start3A_193] : memref<8x80xi32, #tpu.memory_space<vmem>> -> memref<1x80xi32, #tpu.memory_space<vmem>>
      %dma_start3A_195 = tpu.memref_squeeze %dma_start3A_194 : memref<1x80xi32, #tpu.memory_space<vmem>> -> memref<80xi32, #tpu.memory_space<vmem>>
      %dma_start3A_196 = arith.constant 0 : i32
      %dma_start3A_197 = arith.constant 0 : i32
      %dma_start3A_198 = tpu.memref_slice %arg2[%dma_start3A_196, %dma_start3A_197] : memref<10000x128xf32, #tpu.memory_space<hbm>> -> memref<10000x128xf32, #tpu.memory_space<hbm>>
      tpu.enqueue_indirect_dma source(%dma_start3A_198 : memref<10000x128xf32, #tpu.memory_space<hbm>>) target(%arg10 : memref<80x128xf32, #tpu.memory_space<vmem>>) offsets(%dma_start3A_195 : memref<80xi32, #tpu.memory_space<vmem>>) semaphore(%arg14 : memref<!tpu.dma_semaphore, #tpu.memory_space<semaphore_mem>>)
      %dma_start3A_199 = arith.constant 5 : i32
      %dma_start3A_200 = arith.constant 0 : i32
      %dma_start3A_201 = tpu.memref_slice %arg8[%dma_start3A_199, %dma_start3A_200] : memref<8x80xi32, #tpu.memory_space<vmem>> -> memref<1x80xi32, #tpu.memory_space<vmem>>
      %dma_start3A_202 = tpu.memref_squeeze %dma_start3A_201 : memref<1x80xi32, #tpu.memory_space<vmem>> -> memref<80xi32, #tpu.memory_space<vmem>>
      %dma_start3A_203 = arith.constant 0 : i32
      %dma_start3A_204 = arith.constant 0 : i32
      %dma_start3A_205 = tpu.memref_slice %arg2[%dma_start3A_203, %dma_start3A_204] : memref<10000x128xf32, #tpu.memory_space<hbm>> -> memref<10000x128xf32, #tpu.memory_space<hbm>>
      tpu.enqueue_indirect_dma source(%dma_start3A_205 : memref<10000x128xf32, #tpu.memory_space<hbm>>) target(%arg11 : memref<80x128xf32, #tpu.memory_space<vmem>>) offsets(%dma_start3A_202 : memref<80xi32, #tpu.memory_space<vmem>>) semaphore(%arg15 : memref<!tpu.dma_semaphore, #tpu.memory_space<semaphore_mem>>)
      %ge3A_206 = arith.constant 1 : i32
      %ge3A_207 = arith.cmpi sge, %add3A_164, %ge3A_206 : i32
      %convert_element_type3A_208 = arith.extui %ge3A_207 : i1 to i32
      %cond3A_209 = arith.constant 0 : i32
      %cond3A_210 = arith.cmpi ne, %convert_element_type3A_208, %cond3A_209 : i32
      scf.if %cond3A_210 {
        %dma_wait3A_389 = arith.constant 2 : i32
        %dma_wait3A_390 = arith.constant 0 : i32
        %dma_wait3A_391 = tpu.memref_slice %arg8[%dma_wait3A_389, %dma_wait3A_390] : memref<8x80xi32, #tpu.memory_space<vmem>> -> memref<1x80xi32, #tpu.memory_space<vmem>>
        %dma_wait3A_392 = tpu.memref_squeeze %dma_wait3A_391 : memref<1x80xi32, #tpu.memory_space<vmem>> -> memref<80xi32, #tpu.memory_space<vmem>>
        %dma_wait3A_393 = arith.constant 0 : i32
        %dma_wait3A_394 = arith.constant 0 : i32
        %dma_wait3A_395 = tpu.memref_slice %arg2[%dma_wait3A_393, %dma_wait3A_394] : memref<10000x128xf32, #tpu.memory_space<hbm>> -> memref<10000x128xf32, #tpu.memory_space<hbm>>
        tpu.wait_indirect_dma semaphore(%arg16 : memref<!tpu.dma_semaphore, #tpu.memory_space<semaphore_mem>>) src(%dma_wait3A_395 : memref<10000x128xf32, #tpu.memory_space<hbm>>) dst(%arg12 : memref<80x128xf32, #tpu.memory_space<vmem>>)
        %dma_start3A_396 = arith.constant 2 : i32
        %dma_start3A_397 = arith.constant 0 : i32
        %dma_start3A_398 = tpu.memref_slice %arg6[%dma_start3A_396, %dma_start3A_397] : memref<8x80xi32, #tpu.memory_space<vmem>> -> memref<1x80xi32, #tpu.memory_space<vmem>>
        %dma_start3A_399 = tpu.memref_squeeze %dma_start3A_398 : memref<1x80xi32, #tpu.memory_space<vmem>> -> memref<80xi32, #tpu.memory_space<vmem>>
        %dma_start3A_400 = arith.constant 0 : i32
        %dma_start3A_401 = arith.constant 0 : i32
        %dma_start3A_402 = tpu.memref_slice %arg26[%dma_start3A_400, %dma_start3A_401] : memref<10240x128xf32, #tpu.memory_space<vmem_shared>> -> memref<10240x128xf32, #tpu.memory_space<vmem_shared>>
        tpu.enqueue_indirect_dma source(%arg12 : memref<80x128xf32, #tpu.memory_space<vmem>>) target(%dma_start3A_402 : memref<10240x128xf32, #tpu.memory_space<vmem_shared>>) offsets(%dma_start3A_399 : memref<80xi32, #tpu.memory_space<vmem>>) semaphore(%arg20 : memref<!tpu.dma_semaphore, #tpu.memory_space<semaphore_mem>>) {add = true}
        %dma_wait3A_403 = arith.constant 3 : i32
        %dma_wait3A_404 = arith.constant 0 : i32
        %dma_wait3A_405 = tpu.memref_slice %arg8[%dma_wait3A_403, %dma_wait3A_404] : memref<8x80xi32, #tpu.memory_space<vmem>> -> memref<1x80xi32, #tpu.memory_space<vmem>>
        %dma_wait3A_406 = tpu.memref_squeeze %dma_wait3A_405 : memref<1x80xi32, #tpu.memory_space<vmem>> -> memref<80xi32, #tpu.memory_space<vmem>>
        %dma_wait3A_407 = arith.constant 0 : i32
        %dma_wait3A_408 = arith.constant 0 : i32
        %dma_wait3A_409 = tpu.memref_slice %arg2[%dma_wait3A_407, %dma_wait3A_408] : memref<10000x128xf32, #tpu.memory_space<hbm>> -> memref<10000x128xf32, #tpu.memory_space<hbm>>
        tpu.wait_indirect_dma semaphore(%arg17 : memref<!tpu.dma_semaphore, #tpu.memory_space<semaphore_mem>>) src(%dma_wait3A_409 : memref<10000x128xf32, #tpu.memory_space<hbm>>) dst(%arg13 : memref<80x128xf32, #tpu.memory_space<vmem>>)
        %dma_start3A_410 = arith.constant 3 : i32
        %dma_start3A_411 = arith.constant 0 : i32
        %dma_start3A_412 = tpu.memref_slice %arg6[%dma_start3A_410, %dma_start3A_411] : memref<8x80xi32, #tpu.memory_space<vmem>> -> memref<1x80xi32, #tpu.memory_space<vmem>>
        %dma_start3A_413 = tpu.memref_squeeze %dma_start3A_412 : memref<1x80xi32, #tpu.memory_space<vmem>> -> memref<80xi32, #tpu.memory_space<vmem>>
        %dma_start3A_414 = arith.constant 0 : i32
        %dma_start3A_415 = arith.constant 0 : i32
        %dma_start3A_416 = tpu.memref_slice %arg26[%dma_start3A_414, %dma_start3A_415] : memref<10240x128xf32, #tpu.memory_space<vmem_shared>> -> memref<10240x128xf32, #tpu.memory_space<vmem_shared>>
        tpu.enqueue_indirect_dma source(%arg13 : memref<80x128xf32, #tpu.memory_space<vmem>>) target(%dma_start3A_416 : memref<10240x128xf32, #tpu.memory_space<vmem_shared>>) offsets(%dma_start3A_413 : memref<80xi32, #tpu.memory_space<vmem>>) semaphore(%arg21 : memref<!tpu.dma_semaphore, #tpu.memory_space<semaphore_mem>>) {add = true}
      } else {
      }
      %mul3A_211 = arith.constant 8 : i32
      %mul3A_212 = arith.muli %mul3A_211, %scan3A_81 : i32
      %add3A_213 = arith.constant 3 : i32
      %add3A_214 = arith.addi %mul3A_212, %add3A_213 : i32
      %ge3A_215 = arith.constant 2 : i32
      %ge3A_216 = arith.cmpi sge, %add3A_214, %ge3A_215 : i32
      %convert_element_type3A_217 = arith.extui %ge3A_216 : i1 to i32
      %cond3A_218 = arith.constant 0 : i32
      %cond3A_219 = arith.cmpi ne, %convert_element_type3A_217, %cond3A_218 : i32
      scf.if %cond3A_219 {
        %dma_wait3A_389 = arith.constant 2 : i32
        %dma_wait3A_390 = arith.constant 0 : i32
        %dma_wait3A_391 = tpu.memref_slice %arg6[%dma_wait3A_389, %dma_wait3A_390] : memref<8x80xi32, #tpu.memory_space<vmem>> -> memref<1x80xi32, #tpu.memory_space<vmem>>
        %dma_wait3A_392 = tpu.memref_squeeze %dma_wait3A_391 : memref<1x80xi32, #tpu.memory_space<vmem>> -> memref<80xi32, #tpu.memory_space<vmem>>
        %dma_wait3A_393 = arith.constant 0 : i32
        %dma_wait3A_394 = arith.constant 0 : i32
        %dma_wait3A_395 = tpu.memref_slice %arg26[%dma_wait3A_393, %dma_wait3A_394] : memref<10240x128xf32, #tpu.memory_space<vmem_shared>> -> memref<10240x128xf32, #tpu.memory_space<vmem_shared>>
        tpu.wait_indirect_dma semaphore(%arg20 : memref<!tpu.dma_semaphore, #tpu.memory_space<semaphore_mem>>) src(%arg12 : memref<80x128xf32, #tpu.memory_space<vmem>>) dst(%dma_wait3A_395 : memref<10240x128xf32, #tpu.memory_space<vmem_shared>>)
        %dma_wait3A_396 = arith.constant 3 : i32
        %dma_wait3A_397 = arith.constant 0 : i32
        %dma_wait3A_398 = tpu.memref_slice %arg6[%dma_wait3A_396, %dma_wait3A_397] : memref<8x80xi32, #tpu.memory_space<vmem>> -> memref<1x80xi32, #tpu.memory_space<vmem>>
        %dma_wait3A_399 = tpu.memref_squeeze %dma_wait3A_398 : memref<1x80xi32, #tpu.memory_space<vmem>> -> memref<80xi32, #tpu.memory_space<vmem>>
        %dma_wait3A_400 = arith.constant 0 : i32
        %dma_wait3A_401 = arith.constant 0 : i32
        %dma_wait3A_402 = tpu.memref_slice %arg26[%dma_wait3A_400, %dma_wait3A_401] : memref<10240x128xf32, #tpu.memory_space<vmem_shared>> -> memref<10240x128xf32, #tpu.memory_space<vmem_shared>>
        tpu.wait_indirect_dma semaphore(%arg21 : memref<!tpu.dma_semaphore, #tpu.memory_space<semaphore_mem>>) src(%arg13 : memref<80x128xf32, #tpu.memory_space<vmem>>) dst(%dma_wait3A_402 : memref<10240x128xf32, #tpu.memory_space<vmem_shared>>)
      } else {
      }
      %dma_start3A_220 = arith.constant 6 : i32
      %dma_start3A_221 = arith.constant 0 : i32
      %dma_start3A_222 = tpu.memref_slice %arg8[%dma_start3A_220, %dma_start3A_221] : memref<8x80xi32, #tpu.memory_space<vmem>> -> memref<1x80xi32, #tpu.memory_space<vmem>>
      %dma_start3A_223 = tpu.memref_squeeze %dma_start3A_222 : memref<1x80xi32, #tpu.memory_space<vmem>> -> memref<80xi32, #tpu.memory_space<vmem>>
      %dma_start3A_224 = arith.constant 0 : i32
      %dma_start3A_225 = arith.constant 0 : i32
      %dma_start3A_226 = tpu.memref_slice %arg2[%dma_start3A_224, %dma_start3A_225] : memref<10000x128xf32, #tpu.memory_space<hbm>> -> memref<10000x128xf32, #tpu.memory_space<hbm>>
      tpu.enqueue_indirect_dma source(%dma_start3A_226 : memref<10000x128xf32, #tpu.memory_space<hbm>>) target(%arg12 : memref<80x128xf32, #tpu.memory_space<vmem>>) offsets(%dma_start3A_223 : memref<80xi32, #tpu.memory_space<vmem>>) semaphore(%arg16 : memref<!tpu.dma_semaphore, #tpu.memory_space<semaphore_mem>>)
      %dma_start3A_227 = arith.constant 7 : i32
      %dma_start3A_228 = arith.constant 0 : i32
      %dma_start3A_229 = tpu.memref_slice %arg8[%dma_start3A_227, %dma_start3A_228] : memref<8x80xi32, #tpu.memory_space<vmem>> -> memref<1x80xi32, #tpu.memory_space<vmem>>
      %dma_start3A_230 = tpu.memref_squeeze %dma_start3A_229 : memref<1x80xi32, #tpu.memory_space<vmem>> -> memref<80xi32, #tpu.memory_space<vmem>>
      %dma_start3A_231 = arith.constant 0 : i32
      %dma_start3A_232 = arith.constant 0 : i32
      %dma_start3A_233 = tpu.memref_slice %arg2[%dma_start3A_231, %dma_start3A_232] : memref<10000x128xf32, #tpu.memory_space<hbm>> -> memref<10000x128xf32, #tpu.memory_space<hbm>>
      tpu.enqueue_indirect_dma source(%dma_start3A_233 : memref<10000x128xf32, #tpu.memory_space<hbm>>) target(%arg13 : memref<80x128xf32, #tpu.memory_space<vmem>>) offsets(%dma_start3A_230 : memref<80xi32, #tpu.memory_space<vmem>>) semaphore(%arg17 : memref<!tpu.dma_semaphore, #tpu.memory_space<semaphore_mem>>)
      %ge3A_234 = arith.constant 1 : i32
      %ge3A_235 = arith.cmpi sge, %add3A_214, %ge3A_234 : i32
      %convert_element_type3A_236 = arith.extui %ge3A_235 : i1 to i32
      %cond3A_237 = arith.constant 0 : i32
      %cond3A_238 = arith.cmpi ne, %convert_element_type3A_236, %cond3A_237 : i32
      scf.if %cond3A_238 {
        %dma_wait3A_389 = arith.constant 4 : i32
        %dma_wait3A_390 = arith.constant 0 : i32
        %dma_wait3A_391 = tpu.memref_slice %arg8[%dma_wait3A_389, %dma_wait3A_390] : memref<8x80xi32, #tpu.memory_space<vmem>> -> memref<1x80xi32, #tpu.memory_space<vmem>>
        %dma_wait3A_392 = tpu.memref_squeeze %dma_wait3A_391 : memref<1x80xi32, #tpu.memory_space<vmem>> -> memref<80xi32, #tpu.memory_space<vmem>>
        %dma_wait3A_393 = arith.constant 0 : i32
        %dma_wait3A_394 = arith.constant 0 : i32
        %dma_wait3A_395 = tpu.memref_slice %arg2[%dma_wait3A_393, %dma_wait3A_394] : memref<10000x128xf32, #tpu.memory_space<hbm>> -> memref<10000x128xf32, #tpu.memory_space<hbm>>
        tpu.wait_indirect_dma semaphore(%arg14 : memref<!tpu.dma_semaphore, #tpu.memory_space<semaphore_mem>>) src(%dma_wait3A_395 : memref<10000x128xf32, #tpu.memory_space<hbm>>) dst(%arg10 : memref<80x128xf32, #tpu.memory_space<vmem>>)
        %dma_start3A_396 = arith.constant 4 : i32
        %dma_start3A_397 = arith.constant 0 : i32
        %dma_start3A_398 = tpu.memref_slice %arg6[%dma_start3A_396, %dma_start3A_397] : memref<8x80xi32, #tpu.memory_space<vmem>> -> memref<1x80xi32, #tpu.memory_space<vmem>>
        %dma_start3A_399 = tpu.memref_squeeze %dma_start3A_398 : memref<1x80xi32, #tpu.memory_space<vmem>> -> memref<80xi32, #tpu.memory_space<vmem>>
        %dma_start3A_400 = arith.constant 0 : i32
        %dma_start3A_401 = arith.constant 0 : i32
        %dma_start3A_402 = tpu.memref_slice %arg26[%dma_start3A_400, %dma_start3A_401] : memref<10240x128xf32, #tpu.memory_space<vmem_shared>> -> memref<10240x128xf32, #tpu.memory_space<vmem_shared>>
        tpu.enqueue_indirect_dma source(%arg10 : memref<80x128xf32, #tpu.memory_space<vmem>>) target(%dma_start3A_402 : memref<10240x128xf32, #tpu.memory_space<vmem_shared>>) offsets(%dma_start3A_399 : memref<80xi32, #tpu.memory_space<vmem>>) semaphore(%arg18 : memref<!tpu.dma_semaphore, #tpu.memory_space<semaphore_mem>>) {add = true}
        %dma_wait3A_403 = arith.constant 5 : i32
        %dma_wait3A_404 = arith.constant 0 : i32
        %dma_wait3A_405 = tpu.memref_slice %arg8[%dma_wait3A_403, %dma_wait3A_404] : memref<8x80xi32, #tpu.memory_space<vmem>> -> memref<1x80xi32, #tpu.memory_space<vmem>>
        %dma_wait3A_406 = tpu.memref_squeeze %dma_wait3A_405 : memref<1x80xi32, #tpu.memory_space<vmem>> -> memref<80xi32, #tpu.memory_space<vmem>>
        %dma_wait3A_407 = arith.constant 0 : i32
        %dma_wait3A_408 = arith.constant 0 : i32
        %dma_wait3A_409 = tpu.memref_slice %arg2[%dma_wait3A_407, %dma_wait3A_408] : memref<10000x128xf32, #tpu.memory_space<hbm>> -> memref<10000x128xf32, #tpu.memory_space<hbm>>
        tpu.wait_indirect_dma semaphore(%arg15 : memref<!tpu.dma_semaphore, #tpu.memory_space<semaphore_mem>>) src(%dma_wait3A_409 : memref<10000x128xf32, #tpu.memory_space<hbm>>) dst(%arg11 : memref<80x128xf32, #tpu.memory_space<vmem>>)
        %dma_start3A_410 = arith.constant 5 : i32
        %dma_start3A_411 = arith.constant 0 : i32
        %dma_start3A_412 = tpu.memref_slice %arg6[%dma_start3A_410, %dma_start3A_411] : memref<8x80xi32, #tpu.memory_space<vmem>> -> memref<1x80xi32, #tpu.memory_space<vmem>>
        %dma_start3A_413 = tpu.memref_squeeze %dma_start3A_412 : memref<1x80xi32, #tpu.memory_space<vmem>> -> memref<80xi32, #tpu.memory_space<vmem>>
        %dma_start3A_414 = arith.constant 0 : i32
        %dma_start3A_415 = arith.constant 0 : i32
        %dma_start3A_416 = tpu.memref_slice %arg26[%dma_start3A_414, %dma_start3A_415] : memref<10240x128xf32, #tpu.memory_space<vmem_shared>> -> memref<10240x128xf32, #tpu.memory_space<vmem_shared>>
        tpu.enqueue_indirect_dma source(%arg11 : memref<80x128xf32, #tpu.memory_space<vmem>>) target(%dma_start3A_416 : memref<10240x128xf32, #tpu.memory_space<vmem_shared>>) offsets(%dma_start3A_413 : memref<80xi32, #tpu.memory_space<vmem>>) semaphore(%arg19 : memref<!tpu.dma_semaphore, #tpu.memory_space<semaphore_mem>>) {add = true}
      } else {
      }
      %mul3A_239 = arith.constant 8 : i32
      %mul3A_240 = arith.muli %mul3A_239, %scan3A_81 : i32
      %add3A_241 = arith.constant 4 : i32
      %add3A_242 = arith.addi %mul3A_240, %add3A_241 : i32
      %ge3A_243 = arith.constant 2 : i32
      %ge3A_244 = arith.cmpi sge, %add3A_242, %ge3A_243 : i32
      %convert_element_type3A_245 = arith.extui %ge3A_244 : i1 to i32
      %cond3A_246 = arith.constant 0 : i32
      %cond3A_247 = arith.cmpi ne, %convert_element_type3A_245, %cond3A_246 : i32
      scf.if %cond3A_247 {
        %dma_wait3A_389 = arith.constant 4 : i32
        %dma_wait3A_390 = arith.constant 0 : i32
        %dma_wait3A_391 = tpu.memref_slice %arg6[%dma_wait3A_389, %dma_wait3A_390] : memref<8x80xi32, #tpu.memory_space<vmem>> -> memref<1x80xi32, #tpu.memory_space<vmem>>
        %dma_wait3A_392 = tpu.memref_squeeze %dma_wait3A_391 : memref<1x80xi32, #tpu.memory_space<vmem>> -> memref<80xi32, #tpu.memory_space<vmem>>
        %dma_wait3A_393 = arith.constant 0 : i32
        %dma_wait3A_394 = arith.constant 0 : i32
        %dma_wait3A_395 = tpu.memref_slice %arg26[%dma_wait3A_393, %dma_wait3A_394] : memref<10240x128xf32, #tpu.memory_space<vmem_shared>> -> memref<10240x128xf32, #tpu.memory_space<vmem_shared>>
        tpu.wait_indirect_dma semaphore(%arg18 : memref<!tpu.dma_semaphore, #tpu.memory_space<semaphore_mem>>) src(%arg10 : memref<80x128xf32, #tpu.memory_space<vmem>>) dst(%dma_wait3A_395 : memref<10240x128xf32, #tpu.memory_space<vmem_shared>>)
        %dma_wait3A_396 = arith.constant 5 : i32
        %dma_wait3A_397 = arith.constant 0 : i32
        %dma_wait3A_398 = tpu.memref_slice %arg6[%dma_wait3A_396, %dma_wait3A_397] : memref<8x80xi32, #tpu.memory_space<vmem>> -> memref<1x80xi32, #tpu.memory_space<vmem>>
        %dma_wait3A_399 = tpu.memref_squeeze %dma_wait3A_398 : memref<1x80xi32, #tpu.memory_space<vmem>> -> memref<80xi32, #tpu.memory_space<vmem>>
        %dma_wait3A_400 = arith.constant 0 : i32
        %dma_wait3A_401 = arith.constant 0 : i32
        %dma_wait3A_402 = tpu.memref_slice %arg26[%dma_wait3A_400, %dma_wait3A_401] : memref<10240x128xf32, #tpu.memory_space<vmem_shared>> -> memref<10240x128xf32, #tpu.memory_space<vmem_shared>>
        tpu.wait_indirect_dma semaphore(%arg19 : memref<!tpu.dma_semaphore, #tpu.memory_space<semaphore_mem>>) src(%arg11 : memref<80x128xf32, #tpu.memory_space<vmem>>) dst(%dma_wait3A_402 : memref<10240x128xf32, #tpu.memory_space<vmem_shared>>)
      } else {
      }
      %mul3A_248 = arith.constant 2 : i32
      %mul3A_249 = arith.muli %mul3A_248, %scan3A_81 : i32
      %add3A_250 = arith.constant 1 : i32
      %add3A_251 = arith.addi %mul3A_249, %add3A_250 : i32
      %mul3A_252 = arith.constant 8 : i32
      %mul3A_253 = arith.muli %add3A_251, %mul3A_252 : i32
      %mul3A_254 = arith.constant 8 : i32
      %mul3A_255 = arith.muli %add3A_251, %mul3A_254 : i32
      %dma_wait3A_256 = arith.constant 0 : i32
      %dma_wait3A_257 = arith.constant 0 : i32
      %dma_wait3A_258 = tpu.memref_slice %arg3[%dma_wait3A_256, %add3A, %mul3A_253, %dma_wait3A_257] : memref<2x32x64x80xi32, #tpu.memory_space<hbm>> -> memref<1x1x8x80xi32, #tpu.memory_space<hbm>>
      %dma_wait3A_259 = tpu.memref_squeeze %dma_wait3A_258 : memref<1x1x8x80xi32, #tpu.memory_space<hbm>> -> memref<8x80xi32, #tpu.memory_space<hbm>>
      %dma_wait3A_260 = arith.constant 0 : i32
      %dma_wait3A_261 = tpu.memref_slice %arg3[%dma_wait3A_256, %add3A, %mul3A_253, %dma_wait3A_260] : memref<2x32x64x80xi32, #tpu.memory_space<hbm>> -> memref<1x1x8x80xi32, #tpu.memory_space<hbm>>
      %dma_wait3A_262 = tpu.memref_squeeze %dma_wait3A_261 : memref<1x1x8x80xi32, #tpu.memory_space<hbm>> -> memref<8x80xi32, #tpu.memory_space<hbm>>
      tpu.wait_dma2 semaphore(%arg24 : memref<!tpu.dma_semaphore, #tpu.memory_space<semaphore_mem>>) src(%dma_wait3A_262 : memref<8x80xi32, #tpu.memory_space<hbm>>) dst(%arg7 : memref<8x80xi32, #tpu.memory_space<vmem>>)
      %mul3A_263 = arith.constant 2 : i32
      %mul3A_264 = arith.muli %mul3A_263, %scan3A_81 : i32
      %add3A_265 = arith.constant 1 : i32
      %add3A_266 = arith.addi %mul3A_264, %add3A_265 : i32
      %mul3A_267 = arith.constant 8 : i32
      %mul3A_268 = arith.muli %add3A_266, %mul3A_267 : i32
      %mul3A_269 = arith.constant 8 : i32
      %mul3A_270 = arith.muli %add3A_266, %mul3A_269 : i32
      %dma_wait3A_271 = arith.constant 1 : i32
      %dma_wait3A_272 = arith.constant 0 : i32
      %dma_wait3A_273 = tpu.memref_slice %arg3[%dma_wait3A_271, %add3A, %mul3A_270, %dma_wait3A_272] : memref<2x32x64x80xi32, #tpu.memory_space<hbm>> -> memref<1x1x8x80xi32, #tpu.memory_space<hbm>>
      %dma_wait3A_274 = tpu.memref_squeeze %dma_wait3A_273 : memref<1x1x8x80xi32, #tpu.memory_space<hbm>> -> memref<8x80xi32, #tpu.memory_space<hbm>>
      %dma_wait3A_275 = arith.constant 0 : i32
      %dma_wait3A_276 = tpu.memref_slice %arg3[%dma_wait3A_271, %add3A, %mul3A_270, %dma_wait3A_275] : memref<2x32x64x80xi32, #tpu.memory_space<hbm>> -> memref<1x1x8x80xi32, #tpu.memory_space<hbm>>
      %dma_wait3A_277 = tpu.memref_squeeze %dma_wait3A_276 : memref<1x1x8x80xi32, #tpu.memory_space<hbm>> -> memref<8x80xi32, #tpu.memory_space<hbm>>
      tpu.wait_dma2 semaphore(%arg25 : memref<!tpu.dma_semaphore, #tpu.memory_space<semaphore_mem>>) src(%dma_wait3A_277 : memref<8x80xi32, #tpu.memory_space<hbm>>) dst(%arg9 : memref<8x80xi32, #tpu.memory_space<vmem>>)
      %dma_start3A_278 = arith.constant 0 : i32
      %dma_start3A_279 = arith.constant 0 : i32
      %dma_start3A_280 = tpu.memref_slice %arg9[%dma_start3A_278, %dma_start3A_279] : memref<8x80xi32, #tpu.memory_space<vmem>> -> memref<1x80xi32, #tpu.memory_space<vmem>>
      %dma_start3A_281 = tpu.memref_squeeze %dma_start3A_280 : memref<1x80xi32, #tpu.memory_space<vmem>> -> memref<80xi32, #tpu.memory_space<vmem>>
      %dma_start3A_282 = arith.constant 0 : i32
      %dma_start3A_283 = arith.constant 0 : i32
      %dma_start3A_284 = tpu.memref_slice %arg2[%dma_start3A_282, %dma_start3A_283] : memref<10000x128xf32, #tpu.memory_space<hbm>> -> memref<10000x128xf32, #tpu.memory_space<hbm>>
      tpu.enqueue_indirect_dma source(%dma_start3A_284 : memref<10000x128xf32, #tpu.memory_space<hbm>>) target(%arg10 : memref<80x128xf32, #tpu.memory_space<vmem>>) offsets(%dma_start3A_281 : memref<80xi32, #tpu.memory_space<vmem>>) semaphore(%arg14 : memref<!tpu.dma_semaphore, #tpu.memory_space<semaphore_mem>>)
      %dma_start3A_285 = arith.constant 1 : i32
      %dma_start3A_286 = arith.constant 0 : i32
      %dma_start3A_287 = tpu.memref_slice %arg9[%dma_start3A_285, %dma_start3A_286] : memref<8x80xi32, #tpu.memory_space<vmem>> -> memref<1x80xi32, #tpu.memory_space<vmem>>
      %dma_start3A_288 = tpu.memref_squeeze %dma_start3A_287 : memref<1x80xi32, #tpu.memory_space<vmem>> -> memref<80xi32, #tpu.memory_space<vmem>>
      %dma_start3A_289 = arith.constant 0 : i32
      %dma_start3A_290 = arith.constant 0 : i32
      %dma_start3A_291 = tpu.memref_slice %arg2[%dma_start3A_289, %dma_start3A_290] : memref<10000x128xf32, #tpu.memory_space<hbm>> -> memref<10000x128xf32, #tpu.memory_space<hbm>>
      tpu.enqueue_indirect_dma source(%dma_start3A_291 : memref<10000x128xf32, #tpu.memory_space<hbm>>) target(%arg11 : memref<80x128xf32, #tpu.memory_space<vmem>>) offsets(%dma_start3A_288 : memref<80xi32, #tpu.memory_space<vmem>>) semaphore(%arg15 : memref<!tpu.dma_semaphore, #tpu.memory_space<semaphore_mem>>)
      %ge3A_292 = arith.constant 1 : i32
      %ge3A_293 = arith.cmpi sge, %add3A_242, %ge3A_292 : i32
      %convert_element_type3A_294 = arith.extui %ge3A_293 : i1 to i32
      %cond3A_295 = arith.constant 0 : i32
      %cond3A_296 = arith.cmpi ne, %convert_element_type3A_294, %cond3A_295 : i32
      scf.if %cond3A_296 {
        %dma_wait3A_389 = arith.constant 6 : i32
        %dma_wait3A_390 = arith.constant 0 : i32
        %dma_wait3A_391 = tpu.memref_slice %arg8[%dma_wait3A_389, %dma_wait3A_390] : memref<8x80xi32, #tpu.memory_space<vmem>> -> memref<1x80xi32, #tpu.memory_space<vmem>>
        %dma_wait3A_392 = tpu.memref_squeeze %dma_wait3A_391 : memref<1x80xi32, #tpu.memory_space<vmem>> -> memref<80xi32, #tpu.memory_space<vmem>>
        %dma_wait3A_393 = arith.constant 0 : i32
        %dma_wait3A_394 = arith.constant 0 : i32
        %dma_wait3A_395 = tpu.memref_slice %arg2[%dma_wait3A_393, %dma_wait3A_394] : memref<10000x128xf32, #tpu.memory_space<hbm>> -> memref<10000x128xf32, #tpu.memory_space<hbm>>
        tpu.wait_indirect_dma semaphore(%arg16 : memref<!tpu.dma_semaphore, #tpu.memory_space<semaphore_mem>>) src(%dma_wait3A_395 : memref<10000x128xf32, #tpu.memory_space<hbm>>) dst(%arg12 : memref<80x128xf32, #tpu.memory_space<vmem>>)
        %dma_start3A_396 = arith.constant 6 : i32
        %dma_start3A_397 = arith.constant 0 : i32
        %dma_start3A_398 = tpu.memref_slice %arg6[%dma_start3A_396, %dma_start3A_397] : memref<8x80xi32, #tpu.memory_space<vmem>> -> memref<1x80xi32, #tpu.memory_space<vmem>>
        %dma_start3A_399 = tpu.memref_squeeze %dma_start3A_398 : memref<1x80xi32, #tpu.memory_space<vmem>> -> memref<80xi32, #tpu.memory_space<vmem>>
        %dma_start3A_400 = arith.constant 0 : i32
        %dma_start3A_401 = arith.constant 0 : i32
        %dma_start3A_402 = tpu.memref_slice %arg26[%dma_start3A_400, %dma_start3A_401] : memref<10240x128xf32, #tpu.memory_space<vmem_shared>> -> memref<10240x128xf32, #tpu.memory_space<vmem_shared>>
        tpu.enqueue_indirect_dma source(%arg12 : memref<80x128xf32, #tpu.memory_space<vmem>>) target(%dma_start3A_402 : memref<10240x128xf32, #tpu.memory_space<vmem_shared>>) offsets(%dma_start3A_399 : memref<80xi32, #tpu.memory_space<vmem>>) semaphore(%arg20 : memref<!tpu.dma_semaphore, #tpu.memory_space<semaphore_mem>>) {add = true}
        %dma_wait3A_403 = arith.constant 7 : i32
        %dma_wait3A_404 = arith.constant 0 : i32
        %dma_wait3A_405 = tpu.memref_slice %arg8[%dma_wait3A_403, %dma_wait3A_404] : memref<8x80xi32, #tpu.memory_space<vmem>> -> memref<1x80xi32, #tpu.memory_space<vmem>>
        %dma_wait3A_406 = tpu.memref_squeeze %dma_wait3A_405 : memref<1x80xi32, #tpu.memory_space<vmem>> -> memref<80xi32, #tpu.memory_space<vmem>>
        %dma_wait3A_407 = arith.constant 0 : i32
        %dma_wait3A_408 = arith.constant 0 : i32
        %dma_wait3A_409 = tpu.memref_slice %arg2[%dma_wait3A_407, %dma_wait3A_408] : memref<10000x128xf32, #tpu.memory_space<hbm>> -> memref<10000x128xf32, #tpu.memory_space<hbm>>
        tpu.wait_indirect_dma semaphore(%arg17 : memref<!tpu.dma_semaphore, #tpu.memory_space<semaphore_mem>>) src(%dma_wait3A_409 : memref<10000x128xf32, #tpu.memory_space<hbm>>) dst(%arg13 : memref<80x128xf32, #tpu.memory_space<vmem>>)
        %dma_start3A_410 = arith.constant 7 : i32
        %dma_start3A_411 = arith.constant 0 : i32
        %dma_start3A_412 = tpu.memref_slice %arg6[%dma_start3A_410, %dma_start3A_411] : memref<8x80xi32, #tpu.memory_space<vmem>> -> memref<1x80xi32, #tpu.memory_space<vmem>>
        %dma_start3A_413 = tpu.memref_squeeze %dma_start3A_412 : memref<1x80xi32, #tpu.memory_space<vmem>> -> memref<80xi32, #tpu.memory_space<vmem>>
        %dma_start3A_414 = arith.constant 0 : i32
        %dma_start3A_415 = arith.constant 0 : i32
        %dma_start3A_416 = tpu.memref_slice %arg26[%dma_start3A_414, %dma_start3A_415] : memref<10240x128xf32, #tpu.memory_space<vmem_shared>> -> memref<10240x128xf32, #tpu.memory_space<vmem_shared>>
        tpu.enqueue_indirect_dma source(%arg13 : memref<80x128xf32, #tpu.memory_space<vmem>>) target(%dma_start3A_416 : memref<10240x128xf32, #tpu.memory_space<vmem_shared>>) offsets(%dma_start3A_413 : memref<80xi32, #tpu.memory_space<vmem>>) semaphore(%arg21 : memref<!tpu.dma_semaphore, #tpu.memory_space<semaphore_mem>>) {add = true}
      } else {
      }
      %mul3A_297 = arith.constant 8 : i32
      %mul3A_298 = arith.muli %mul3A_297, %scan3A_81 : i32
      %add3A_299 = arith.constant 5 : i32
      %add3A_300 = arith.addi %mul3A_298, %add3A_299 : i32
      %ge3A_301 = arith.constant 2 : i32
      %ge3A_302 = arith.cmpi sge, %add3A_300, %ge3A_301 : i32
      %convert_element_type3A_303 = arith.extui %ge3A_302 : i1 to i32
      %cond3A_304 = arith.constant 0 : i32
      %cond3A_305 = arith.cmpi ne, %convert_element_type3A_303, %cond3A_304 : i32
      scf.if %cond3A_305 {
        %dma_wait3A_389 = arith.constant 6 : i32
        %dma_wait3A_390 = arith.constant 0 : i32
        %dma_wait3A_391 = tpu.memref_slice %arg6[%dma_wait3A_389, %dma_wait3A_390] : memref<8x80xi32, #tpu.memory_space<vmem>> -> memref<1x80xi32, #tpu.memory_space<vmem>>
        %dma_wait3A_392 = tpu.memref_squeeze %dma_wait3A_391 : memref<1x80xi32, #tpu.memory_space<vmem>> -> memref<80xi32, #tpu.memory_space<vmem>>
        %dma_wait3A_393 = arith.constant 0 : i32
        %dma_wait3A_394 = arith.constant 0 : i32
        %dma_wait3A_395 = tpu.memref_slice %arg26[%dma_wait3A_393, %dma_wait3A_394] : memref<10240x128xf32, #tpu.memory_space<vmem_shared>> -> memref<10240x128xf32, #tpu.memory_space<vmem_shared>>
        tpu.wait_indirect_dma semaphore(%arg20 : memref<!tpu.dma_semaphore, #tpu.memory_space<semaphore_mem>>) src(%arg12 : memref<80x128xf32, #tpu.memory_space<vmem>>) dst(%dma_wait3A_395 : memref<10240x128xf32, #tpu.memory_space<vmem_shared>>)
        %dma_wait3A_396 = arith.constant 7 : i32
        %dma_wait3A_397 = arith.constant 0 : i32
        %dma_wait3A_398 = tpu.memref_slice %arg6[%dma_wait3A_396, %dma_wait3A_397] : memref<8x80xi32, #tpu.memory_space<vmem>> -> memref<1x80xi32, #tpu.memory_space<vmem>>
        %dma_wait3A_399 = tpu.memref_squeeze %dma_wait3A_398 : memref<1x80xi32, #tpu.memory_space<vmem>> -> memref<80xi32, #tpu.memory_space<vmem>>
        %dma_wait3A_400 = arith.constant 0 : i32
        %dma_wait3A_401 = arith.constant 0 : i32
        %dma_wait3A_402 = tpu.memref_slice %arg26[%dma_wait3A_400, %dma_wait3A_401] : memref<10240x128xf32, #tpu.memory_space<vmem_shared>> -> memref<10240x128xf32, #tpu.memory_space<vmem_shared>>
        tpu.wait_indirect_dma semaphore(%arg21 : memref<!tpu.dma_semaphore, #tpu.memory_space<semaphore_mem>>) src(%arg13 : memref<80x128xf32, #tpu.memory_space<vmem>>) dst(%dma_wait3A_402 : memref<10240x128xf32, #tpu.memory_space<vmem_shared>>)
      } else {
      }
      %dma_start3A_306 = arith.constant 2 : i32
      %dma_start3A_307 = arith.constant 0 : i32
      %dma_start3A_308 = tpu.memref_slice %arg9[%dma_start3A_306, %dma_start3A_307] : memref<8x80xi32, #tpu.memory_space<vmem>> -> memref<1x80xi32, #tpu.memory_space<vmem>>
      %dma_start3A_309 = tpu.memref_squeeze %dma_start3A_308 : memref<1x80xi32, #tpu.memory_space<vmem>> -> memref<80xi32, #tpu.memory_space<vmem>>
      %dma_start3A_310 = arith.constant 0 : i32
      %dma_start3A_311 = arith.constant 0 : i32
      %dma_start3A_312 = tpu.memref_slice %arg2[%dma_start3A_310, %dma_start3A_311] : memref<10000x128xf32, #tpu.memory_space<hbm>> -> memref<10000x128xf32, #tpu.memory_space<hbm>>
      tpu.enqueue_indirect_dma source(%dma_start3A_312 : memref<10000x128xf32, #tpu.memory_space<hbm>>) target(%arg12 : memref<80x128xf32, #tpu.memory_space<vmem>>) offsets(%dma_start3A_309 : memref<80xi32, #tpu.memory_space<vmem>>) semaphore(%arg16 : memref<!tpu.dma_semaphore, #tpu.memory_space<semaphore_mem>>)
      %dma_start3A_313 = arith.constant 3 : i32
      %dma_start3A_314 = arith.constant 0 : i32
      %dma_start3A_315 = tpu.memref_slice %arg9[%dma_start3A_313, %dma_start3A_314] : memref<8x80xi32, #tpu.memory_space<vmem>> -> memref<1x80xi32, #tpu.memory_space<vmem>>
      %dma_start3A_316 = tpu.memref_squeeze %dma_start3A_315 : memref<1x80xi32, #tpu.memory_space<vmem>> -> memref<80xi32, #tpu.memory_space<vmem>>
      %dma_start3A_317 = arith.constant 0 : i32
      %dma_start3A_318 = arith.constant 0 : i32
      %dma_start3A_319 = tpu.memref_slice %arg2[%dma_start3A_317, %dma_start3A_318] : memref<10000x128xf32, #tpu.memory_space<hbm>> -> memref<10000x128xf32, #tpu.memory_space<hbm>>
      tpu.enqueue_indirect_dma source(%dma_start3A_319 : memref<10000x128xf32, #tpu.memory_space<hbm>>) target(%arg13 : memref<80x128xf32, #tpu.memory_space<vmem>>) offsets(%dma_start3A_316 : memref<80xi32, #tpu.memory_space<vmem>>) semaphore(%arg17 : memref<!tpu.dma_semaphore, #tpu.memory_space<semaphore_mem>>)
      %ge3A_320 = arith.constant 1 : i32
      %ge3A_321 = arith.cmpi sge, %add3A_300, %ge3A_320 : i32
      %convert_element_type3A_322 = arith.extui %ge3A_321 : i1 to i32
      %cond3A_323 = arith.constant 0 : i32
      %cond3A_324 = arith.cmpi ne, %convert_element_type3A_322, %cond3A_323 : i32
      scf.if %cond3A_324 {
        %dma_wait3A_389 = arith.constant 0 : i32
        %dma_wait3A_390 = arith.constant 0 : i32
        %dma_wait3A_391 = tpu.memref_slice %arg9[%dma_wait3A_389, %dma_wait3A_390] : memref<8x80xi32, #tpu.memory_space<vmem>> -> memref<1x80xi32, #tpu.memory_space<vmem>>
        %dma_wait3A_392 = tpu.memref_squeeze %dma_wait3A_391 : memref<1x80xi32, #tpu.memory_space<vmem>> -> memref<80xi32, #tpu.memory_space<vmem>>
        %dma_wait3A_393 = arith.constant 0 : i32
        %dma_wait3A_394 = arith.constant 0 : i32
        %dma_wait3A_395 = tpu.memref_slice %arg2[%dma_wait3A_393, %dma_wait3A_394] : memref<10000x128xf32, #tpu.memory_space<hbm>> -> memref<10000x128xf32, #tpu.memory_space<hbm>>
        tpu.wait_indirect_dma semaphore(%arg14 : memref<!tpu.dma_semaphore, #tpu.memory_space<semaphore_mem>>) src(%dma_wait3A_395 : memref<10000x128xf32, #tpu.memory_space<hbm>>) dst(%arg10 : memref<80x128xf32, #tpu.memory_space<vmem>>)
        %dma_start3A_396 = arith.constant 0 : i32
        %dma_start3A_397 = arith.constant 0 : i32
        %dma_start3A_398 = tpu.memref_slice %arg7[%dma_start3A_396, %dma_start3A_397] : memref<8x80xi32, #tpu.memory_space<vmem>> -> memref<1x80xi32, #tpu.memory_space<vmem>>
        %dma_start3A_399 = tpu.memref_squeeze %dma_start3A_398 : memref<1x80xi32, #tpu.memory_space<vmem>> -> memref<80xi32, #tpu.memory_space<vmem>>
        %dma_start3A_400 = arith.constant 0 : i32
        %dma_start3A_401 = arith.constant 0 : i32
        %dma_start3A_402 = tpu.memref_slice %arg26[%dma_start3A_400, %dma_start3A_401] : memref<10240x128xf32, #tpu.memory_space<vmem_shared>> -> memref<10240x128xf32, #tpu.memory_space<vmem_shared>>
        tpu.enqueue_indirect_dma source(%arg10 : memref<80x128xf32, #tpu.memory_space<vmem>>) target(%dma_start3A_402 : memref<10240x128xf32, #tpu.memory_space<vmem_shared>>) offsets(%dma_start3A_399 : memref<80xi32, #tpu.memory_space<vmem>>) semaphore(%arg18 : memref<!tpu.dma_semaphore, #tpu.memory_space<semaphore_mem>>) {add = true}
        %dma_wait3A_403 = arith.constant 1 : i32
        %dma_wait3A_404 = arith.constant 0 : i32
        %dma_wait3A_405 = tpu.memref_slice %arg9[%dma_wait3A_403, %dma_wait3A_404] : memref<8x80xi32, #tpu.memory_space<vmem>> -> memref<1x80xi32, #tpu.memory_space<vmem>>
        %dma_wait3A_406 = tpu.memref_squeeze %dma_wait3A_405 : memref<1x80xi32, #tpu.memory_space<vmem>> -> memref<80xi32, #tpu.memory_space<vmem>>
        %dma_wait3A_407 = arith.constant 0 : i32
        %dma_wait3A_408 = arith.constant 0 : i32
        %dma_wait3A_409 = tpu.memref_slice %arg2[%dma_wait3A_407, %dma_wait3A_408] : memref<10000x128xf32, #tpu.memory_space<hbm>> -> memref<10000x128xf32, #tpu.memory_space<hbm>>
        tpu.wait_indirect_dma semaphore(%arg15 : memref<!tpu.dma_semaphore, #tpu.memory_space<semaphore_mem>>) src(%dma_wait3A_409 : memref<10000x128xf32, #tpu.memory_space<hbm>>) dst(%arg11 : memref<80x128xf32, #tpu.memory_space<vmem>>)
        %dma_start3A_410 = arith.constant 1 : i32
        %dma_start3A_411 = arith.constant 0 : i32
        %dma_start3A_412 = tpu.memref_slice %arg7[%dma_start3A_410, %dma_start3A_411] : memref<8x80xi32, #tpu.memory_space<vmem>> -> memref<1x80xi32, #tpu.memory_space<vmem>>
        %dma_start3A_413 = tpu.memref_squeeze %dma_start3A_412 : memref<1x80xi32, #tpu.memory_space<vmem>> -> memref<80xi32, #tpu.memory_space<vmem>>
        %dma_start3A_414 = arith.constant 0 : i32
        %dma_start3A_415 = arith.constant 0 : i32
        %dma_start3A_416 = tpu.memref_slice %arg26[%dma_start3A_414, %dma_start3A_415] : memref<10240x128xf32, #tpu.memory_space<vmem_shared>> -> memref<10240x128xf32, #tpu.memory_space<vmem_shared>>
        tpu.enqueue_indirect_dma source(%arg11 : memref<80x128xf32, #tpu.memory_space<vmem>>) target(%dma_start3A_416 : memref<10240x128xf32, #tpu.memory_space<vmem_shared>>) offsets(%dma_start3A_413 : memref<80xi32, #tpu.memory_space<vmem>>) semaphore(%arg19 : memref<!tpu.dma_semaphore, #tpu.memory_space<semaphore_mem>>) {add = true}
      } else {
      }
      %mul3A_325 = arith.constant 8 : i32
      %mul3A_326 = arith.muli %mul3A_325, %scan3A_81 : i32
      %add3A_327 = arith.constant 6 : i32
      %add3A_328 = arith.addi %mul3A_326, %add3A_327 : i32
      %ge3A_329 = arith.constant 2 : i32
      %ge3A_330 = arith.cmpi sge, %add3A_328, %ge3A_329 : i32
      %convert_element_type3A_331 = arith.extui %ge3A_330 : i1 to i32
      %cond3A_332 = arith.constant 0 : i32
      %cond3A_333 = arith.cmpi ne, %convert_element_type3A_331, %cond3A_332 : i32
      scf.if %cond3A_333 {
        %dma_wait3A_389 = arith.constant 0 : i32
        %dma_wait3A_390 = arith.constant 0 : i32
        %dma_wait3A_391 = tpu.memref_slice %arg7[%dma_wait3A_389, %dma_wait3A_390] : memref<8x80xi32, #tpu.memory_space<vmem>> -> memref<1x80xi32, #tpu.memory_space<vmem>>
        %dma_wait3A_392 = tpu.memref_squeeze %dma_wait3A_391 : memref<1x80xi32, #tpu.memory_space<vmem>> -> memref<80xi32, #tpu.memory_space<vmem>>
        %dma_wait3A_393 = arith.constant 0 : i32
        %dma_wait3A_394 = arith.constant 0 : i32
        %dma_wait3A_395 = tpu.memref_slice %arg26[%dma_wait3A_393, %dma_wait3A_394] : memref<10240x128xf32, #tpu.memory_space<vmem_shared>> -> memref<10240x128xf32, #tpu.memory_space<vmem_shared>>
        tpu.wait_indirect_dma semaphore(%arg18 : memref<!tpu.dma_semaphore, #tpu.memory_space<semaphore_mem>>) src(%arg10 : memref<80x128xf32, #tpu.memory_space<vmem>>) dst(%dma_wait3A_395 : memref<10240x128xf32, #tpu.memory_space<vmem_shared>>)
        %dma_wait3A_396 = arith.constant 1 : i32
        %dma_wait3A_397 = arith.constant 0 : i32
        %dma_wait3A_398 = tpu.memref_slice %arg7[%dma_wait3A_396, %dma_wait3A_397] : memref<8x80xi32, #tpu.memory_space<vmem>> -> memref<1x80xi32, #tpu.memory_space<vmem>>
        %dma_wait3A_399 = tpu.memref_squeeze %dma_wait3A_398 : memref<1x80xi32, #tpu.memory_space<vmem>> -> memref<80xi32, #tpu.memory_space<vmem>>
        %dma_wait3A_400 = arith.constant 0 : i32
        %dma_wait3A_401 = arith.constant 0 : i32
        %dma_wait3A_402 = tpu.memref_slice %arg26[%dma_wait3A_400, %dma_wait3A_401] : memref<10240x128xf32, #tpu.memory_space<vmem_shared>> -> memref<10240x128xf32, #tpu.memory_space<vmem_shared>>
        tpu.wait_indirect_dma semaphore(%arg19 : memref<!tpu.dma_semaphore, #tpu.memory_space<semaphore_mem>>) src(%arg11 : memref<80x128xf32, #tpu.memory_space<vmem>>) dst(%dma_wait3A_402 : memref<10240x128xf32, #tpu.memory_space<vmem_shared>>)
      } else {
      }
      %mul3A_334 = arith.constant 2 : i32
      %mul3A_335 = arith.muli %mul3A_334, %scan3A_81 : i32
      %add3A_336 = arith.constant 2 : i32
      %add3A_337 = arith.addi %mul3A_335, %add3A_336 : i32
      %lt3A = arith.constant 8 : i32
      %lt3A_338 = arith.cmpi slt, %add3A_337, %lt3A : i32
      %convert_element_type3A_339 = arith.extui %lt3A_338 : i1 to i32
      %cond3A_340 = arith.constant 0 : i32
      %cond3A_341 = arith.cmpi ne, %convert_element_type3A_339, %cond3A_340 : i32
      scf.if %cond3A_341 {
        %mul3A_389 = arith.constant 2 : i32
        %mul3A_390 = arith.muli %mul3A_389, %scan3A_81 : i32
        %add3A_391 = arith.constant 2 : i32
        %add3A_392 = arith.addi %mul3A_390, %add3A_391 : i32
        %mul3A_393 = arith.constant 8 : i32
        %mul3A_394 = arith.muli %add3A_392, %mul3A_393 : i32
        %mul3A_395 = arith.constant 8 : i32
        %mul3A_396 = arith.muli %add3A_392, %mul3A_395 : i32
        %dma_start3A_397 = arith.constant 0 : i32
        %dma_start3A_398 = arith.constant 0 : i32
        %dma_start3A_399 = tpu.memref_slice %arg3[%dma_start3A_397, %add3A, %mul3A_394, %dma_start3A_398] : memref<2x32x64x80xi32, #tpu.memory_space<hbm>> -> memref<1x1x8x80xi32, #tpu.memory_space<hbm>>
        %dma_start3A_400 = tpu.memref_squeeze %dma_start3A_399 : memref<1x1x8x80xi32, #tpu.memory_space<hbm>> -> memref<8x80xi32, #tpu.memory_space<hbm>>
        %dma_start3A_401 = arith.constant 0 : i32
        %dma_start3A_402 = tpu.memref_slice %arg3[%dma_start3A_397, %add3A, %mul3A_394, %dma_start3A_401] : memref<2x32x64x80xi32, #tpu.memory_space<hbm>> -> memref<1x1x8x80xi32, #tpu.memory_space<hbm>>
        %dma_start3A_403 = tpu.memref_squeeze %dma_start3A_402 : memref<1x1x8x80xi32, #tpu.memory_space<hbm>> -> memref<8x80xi32, #tpu.memory_space<hbm>>
        tpu.enqueue_dma source(%dma_start3A_403 : memref<8x80xi32, #tpu.memory_space<hbm>>) target(%arg6 : memref<8x80xi32, #tpu.memory_space<vmem>>) target_semaphore(%arg22 : memref<!tpu.dma_semaphore, #tpu.memory_space<semaphore_mem>>)
        %dma_start3A_404 = arith.constant 1 : i32
        %dma_start3A_405 = arith.constant 0 : i32
        %dma_start3A_406 = tpu.memref_slice %arg3[%dma_start3A_404, %add3A, %mul3A_396, %dma_start3A_405] : memref<2x32x64x80xi32, #tpu.memory_space<hbm>> -> memref<1x1x8x80xi32, #tpu.memory_space<hbm>>
        %dma_start3A_407 = tpu.memref_squeeze %dma_start3A_406 : memref<1x1x8x80xi32, #tpu.memory_space<hbm>> -> memref<8x80xi32, #tpu.memory_space<hbm>>
        %dma_start3A_408 = arith.constant 0 : i32
        %dma_start3A_409 = tpu.memref_slice %arg3[%dma_start3A_404, %add3A, %mul3A_396, %dma_start3A_408] : memref<2x32x64x80xi32, #tpu.memory_space<hbm>> -> memref<1x1x8x80xi32, #tpu.memory_space<hbm>>
        %dma_start3A_410 = tpu.memref_squeeze %dma_start3A_409 : memref<1x1x8x80xi32, #tpu.memory_space<hbm>> -> memref<8x80xi32, #tpu.memory_space<hbm>>
        tpu.enqueue_dma source(%dma_start3A_410 : memref<8x80xi32, #tpu.memory_space<hbm>>) target(%arg8 : memref<8x80xi32, #tpu.memory_space<vmem>>) target_semaphore(%arg23 : memref<!tpu.dma_semaphore, #tpu.memory_space<semaphore_mem>>)
      } else {
      }
      %dma_start3A_342 = arith.constant 4 : i32
      %dma_start3A_343 = arith.constant 0 : i32
      %dma_start3A_344 = tpu.memref_slice %arg9[%dma_start3A_342, %dma_start3A_343] : memref<8x80xi32, #tpu.memory_space<vmem>> -> memref<1x80xi32, #tpu.memory_space<vmem>>
      %dma_start3A_345 = tpu.memref_squeeze %dma_start3A_344 : memref<1x80xi32, #tpu.memory_space<vmem>> -> memref<80xi32, #tpu.memory_space<vmem>>
      %dma_start3A_346 = arith.constant 0 : i32
      %dma_start3A_347 = arith.constant 0 : i32
      %dma_start3A_348 = tpu.memref_slice %arg2[%dma_start3A_346, %dma_start3A_347] : memref<10000x128xf32, #tpu.memory_space<hbm>> -> memref<10000x128xf32, #tpu.memory_space<hbm>>
      tpu.enqueue_indirect_dma source(%dma_start3A_348 : memref<10000x128xf32, #tpu.memory_space<hbm>>) target(%arg10 : memref<80x128xf32, #tpu.memory_space<vmem>>) offsets(%dma_start3A_345 : memref<80xi32, #tpu.memory_space<vmem>>) semaphore(%arg14 : memref<!tpu.dma_semaphore, #tpu.memory_space<semaphore_mem>>)
      %dma_start3A_349 = arith.constant 5 : i32
      %dma_start3A_350 = arith.constant 0 : i32
      %dma_start3A_351 = tpu.memref_slice %arg9[%dma_start3A_349, %dma_start3A_350] : memref<8x80xi32, #tpu.memory_space<vmem>> -> memref<1x80xi32, #tpu.memory_space<vmem>>
      %dma_start3A_352 = tpu.memref_squeeze %dma_start3A_351 : memref<1x80xi32, #tpu.memory_space<vmem>> -> memref<80xi32, #tpu.memory_space<vmem>>
      %dma_start3A_353 = arith.constant 0 : i32
      %dma_start3A_354 = arith.constant 0 : i32
      %dma_start3A_355 = tpu.memref_slice %arg2[%dma_start3A_353, %dma_start3A_354] : memref<10000x128xf32, #tpu.memory_space<hbm>> -> memref<10000x128xf32, #tpu.memory_space<hbm>>
      tpu.enqueue_indirect_dma source(%dma_start3A_355 : memref<10000x128xf32, #tpu.memory_space<hbm>>) target(%arg11 : memref<80x128xf32, #tpu.memory_space<vmem>>) offsets(%dma_start3A_352 : memref<80xi32, #tpu.memory_space<vmem>>) semaphore(%arg15 : memref<!tpu.dma_semaphore, #tpu.memory_space<semaphore_mem>>)
      %ge3A_356 = arith.constant 1 : i32
      %ge3A_357 = arith.cmpi sge, %add3A_328, %ge3A_356 : i32
      %convert_element_type3A_358 = arith.extui %ge3A_357 : i1 to i32
      %cond3A_359 = arith.constant 0 : i32
      %cond3A_360 = arith.cmpi ne, %convert_element_type3A_358, %cond3A_359 : i32
      scf.if %cond3A_360 {
        %dma_wait3A_389 = arith.constant 2 : i32
        %dma_wait3A_390 = arith.constant 0 : i32
        %dma_wait3A_391 = tpu.memref_slice %arg9[%dma_wait3A_389, %dma_wait3A_390] : memref<8x80xi32, #tpu.memory_space<vmem>> -> memref<1x80xi32, #tpu.memory_space<vmem>>
        %dma_wait3A_392 = tpu.memref_squeeze %dma_wait3A_391 : memref<1x80xi32, #tpu.memory_space<vmem>> -> memref<80xi32, #tpu.memory_space<vmem>>
        %dma_wait3A_393 = arith.constant 0 : i32
        %dma_wait3A_394 = arith.constant 0 : i32
        %dma_wait3A_395 = tpu.memref_slice %arg2[%dma_wait3A_393, %dma_wait3A_394] : memref<10000x128xf32, #tpu.memory_space<hbm>> -> memref<10000x128xf32, #tpu.memory_space<hbm>>
        tpu.wait_indirect_dma semaphore(%arg16 : memref<!tpu.dma_semaphore, #tpu.memory_space<semaphore_mem>>) src(%dma_wait3A_395 : memref<10000x128xf32, #tpu.memory_space<hbm>>) dst(%arg12 : memref<80x128xf32, #tpu.memory_space<vmem>>)
        %dma_start3A_396 = arith.constant 2 : i32
        %dma_start3A_397 = arith.constant 0 : i32
        %dma_start3A_398 = tpu.memref_slice %arg7[%dma_start3A_396, %dma_start3A_397] : memref<8x80xi32, #tpu.memory_space<vmem>> -> memref<1x80xi32, #tpu.memory_space<vmem>>
        %dma_start3A_399 = tpu.memref_squeeze %dma_start3A_398 : memref<1x80xi32, #tpu.memory_space<vmem>> -> memref<80xi32, #tpu.memory_space<vmem>>
        %dma_start3A_400 = arith.constant 0 : i32
        %dma_start3A_401 = arith.constant 0 : i32
        %dma_start3A_402 = tpu.memref_slice %arg26[%dma_start3A_400, %dma_start3A_401] : memref<10240x128xf32, #tpu.memory_space<vmem_shared>> -> memref<10240x128xf32, #tpu.memory_space<vmem_shared>>
        tpu.enqueue_indirect_dma source(%arg12 : memref<80x128xf32, #tpu.memory_space<vmem>>) target(%dma_start3A_402 : memref<10240x128xf32, #tpu.memory_space<vmem_shared>>) offsets(%dma_start3A_399 : memref<80xi32, #tpu.memory_space<vmem>>) semaphore(%arg20 : memref<!tpu.dma_semaphore, #tpu.memory_space<semaphore_mem>>) {add = true}
        %dma_wait3A_403 = arith.constant 3 : i32
        %dma_wait3A_404 = arith.constant 0 : i32
        %dma_wait3A_405 = tpu.memref_slice %arg9[%dma_wait3A_403, %dma_wait3A_404] : memref<8x80xi32, #tpu.memory_space<vmem>> -> memref<1x80xi32, #tpu.memory_space<vmem>>
        %dma_wait3A_406 = tpu.memref_squeeze %dma_wait3A_405 : memref<1x80xi32, #tpu.memory_space<vmem>> -> memref<80xi32, #tpu.memory_space<vmem>>
        %dma_wait3A_407 = arith.constant 0 : i32
        %dma_wait3A_408 = arith.constant 0 : i32
        %dma_wait3A_409 = tpu.memref_slice %arg2[%dma_wait3A_407, %dma_wait3A_408] : memref<10000x128xf32, #tpu.memory_space<hbm>> -> memref<10000x128xf32, #tpu.memory_space<hbm>>
        tpu.wait_indirect_dma semaphore(%arg17 : memref<!tpu.dma_semaphore, #tpu.memory_space<semaphore_mem>>) src(%dma_wait3A_409 : memref<10000x128xf32, #tpu.memory_space<hbm>>) dst(%arg13 : memref<80x128xf32, #tpu.memory_space<vmem>>)
        %dma_start3A_410 = arith.constant 3 : i32
        %dma_start3A_411 = arith.constant 0 : i32
        %dma_start3A_412 = tpu.memref_slice %arg7[%dma_start3A_410, %dma_start3A_411] : memref<8x80xi32, #tpu.memory_space<vmem>> -> memref<1x80xi32, #tpu.memory_space<vmem>>
        %dma_start3A_413 = tpu.memref_squeeze %dma_start3A_412 : memref<1x80xi32, #tpu.memory_space<vmem>> -> memref<80xi32, #tpu.memory_space<vmem>>
        %dma_start3A_414 = arith.constant 0 : i32
        %dma_start3A_415 = arith.constant 0 : i32
        %dma_start3A_416 = tpu.memref_slice %arg26[%dma_start3A_414, %dma_start3A_415] : memref<10240x128xf32, #tpu.memory_space<vmem_shared>> -> memref<10240x128xf32, #tpu.memory_space<vmem_shared>>
        tpu.enqueue_indirect_dma source(%arg13 : memref<80x128xf32, #tpu.memory_space<vmem>>) target(%dma_start3A_416 : memref<10240x128xf32, #tpu.memory_space<vmem_shared>>) offsets(%dma_start3A_413 : memref<80xi32, #tpu.memory_space<vmem>>) semaphore(%arg21 : memref<!tpu.dma_semaphore, #tpu.memory_space<semaphore_mem>>) {add = true}
      } else {
      }
      %mul3A_361 = arith.constant 8 : i32
      %mul3A_362 = arith.muli %mul3A_361, %scan3A_81 : i32
      %add3A_363 = arith.constant 7 : i32
      %add3A_364 = arith.addi %mul3A_362, %add3A_363 : i32
      %ge3A_365 = arith.constant 2 : i32
      %ge3A_366 = arith.cmpi sge, %add3A_364, %ge3A_365 : i32
      %convert_element_type3A_367 = arith.extui %ge3A_366 : i1 to i32
      %cond3A_368 = arith.constant 0 : i32
      %cond3A_369 = arith.cmpi ne, %convert_element_type3A_367, %cond3A_368 : i32
      scf.if %cond3A_369 {
        %dma_wait3A_389 = arith.constant 2 : i32
        %dma_wait3A_390 = arith.constant 0 : i32
        %dma_wait3A_391 = tpu.memref_slice %arg7[%dma_wait3A_389, %dma_wait3A_390] : memref<8x80xi32, #tpu.memory_space<vmem>> -> memref<1x80xi32, #tpu.memory_space<vmem>>
        %dma_wait3A_392 = tpu.memref_squeeze %dma_wait3A_391 : memref<1x80xi32, #tpu.memory_space<vmem>> -> memref<80xi32, #tpu.memory_space<vmem>>
        %dma_wait3A_393 = arith.constant 0 : i32
        %dma_wait3A_394 = arith.constant 0 : i32
        %dma_wait3A_395 = tpu.memref_slice %arg26[%dma_wait3A_393, %dma_wait3A_394] : memref<10240x128xf32, #tpu.memory_space<vmem_shared>> -> memref<10240x128xf32, #tpu.memory_space<vmem_shared>>
        tpu.wait_indirect_dma semaphore(%arg20 : memref<!tpu.dma_semaphore, #tpu.memory_space<semaphore_mem>>) src(%arg12 : memref<80x128xf32, #tpu.memory_space<vmem>>) dst(%dma_wait3A_395 : memref<10240x128xf32, #tpu.memory_space<vmem_shared>>)
        %dma_wait3A_396 = arith.constant 3 : i32
        %dma_wait3A_397 = arith.constant 0 : i32
        %dma_wait3A_398 = tpu.memref_slice %arg7[%dma_wait3A_396, %dma_wait3A_397] : memref<8x80xi32, #tpu.memory_space<vmem>> -> memref<1x80xi32, #tpu.memory_space<vmem>>
        %dma_wait3A_399 = tpu.memref_squeeze %dma_wait3A_398 : memref<1x80xi32, #tpu.memory_space<vmem>> -> memref<80xi32, #tpu.memory_space<vmem>>
        %dma_wait3A_400 = arith.constant 0 : i32
        %dma_wait3A_401 = arith.constant 0 : i32
        %dma_wait3A_402 = tpu.memref_slice %arg26[%dma_wait3A_400, %dma_wait3A_401] : memref<10240x128xf32, #tpu.memory_space<vmem_shared>> -> memref<10240x128xf32, #tpu.memory_space<vmem_shared>>
        tpu.wait_indirect_dma semaphore(%arg21 : memref<!tpu.dma_semaphore, #tpu.memory_space<semaphore_mem>>) src(%arg13 : memref<80x128xf32, #tpu.memory_space<vmem>>) dst(%dma_wait3A_402 : memref<10240x128xf32, #tpu.memory_space<vmem_shared>>)
      } else {
      }
      %dma_start3A_370 = arith.constant 6 : i32
      %dma_start3A_371 = arith.constant 0 : i32
      %dma_start3A_372 = tpu.memref_slice %arg9[%dma_start3A_370, %dma_start3A_371] : memref<8x80xi32, #tpu.memory_space<vmem>> -> memref<1x80xi32, #tpu.memory_space<vmem>>
      %dma_start3A_373 = tpu.memref_squeeze %dma_start3A_372 : memref<1x80xi32, #tpu.memory_space<vmem>> -> memref<80xi32, #tpu.memory_space<vmem>>
      %dma_start3A_374 = arith.constant 0 : i32
      %dma_start3A_375 = arith.constant 0 : i32
      %dma_start3A_376 = tpu.memref_slice %arg2[%dma_start3A_374, %dma_start3A_375] : memref<10000x128xf32, #tpu.memory_space<hbm>> -> memref<10000x128xf32, #tpu.memory_space<hbm>>
      tpu.enqueue_indirect_dma source(%dma_start3A_376 : memref<10000x128xf32, #tpu.memory_space<hbm>>) target(%arg12 : memref<80x128xf32, #tpu.memory_space<vmem>>) offsets(%dma_start3A_373 : memref<80xi32, #tpu.memory_space<vmem>>) semaphore(%arg16 : memref<!tpu.dma_semaphore, #tpu.memory_space<semaphore_mem>>)
      %dma_start3A_377 = arith.constant 7 : i32
      %dma_start3A_378 = arith.constant 0 : i32
      %dma_start3A_379 = tpu.memref_slice %arg9[%dma_start3A_377, %dma_start3A_378] : memref<8x80xi32, #tpu.memory_space<vmem>> -> memref<1x80xi32, #tpu.memory_space<vmem>>
      %dma_start3A_380 = tpu.memref_squeeze %dma_start3A_379 : memref<1x80xi32, #tpu.memory_space<vmem>> -> memref<80xi32, #tpu.memory_space<vmem>>
      %dma_start3A_381 = arith.constant 0 : i32
      %dma_start3A_382 = arith.constant 0 : i32
      %dma_start3A_383 = tpu.memref_slice %arg2[%dma_start3A_381, %dma_start3A_382] : memref<10000x128xf32, #tpu.memory_space<hbm>> -> memref<10000x128xf32, #tpu.memory_space<hbm>>
      tpu.enqueue_indirect_dma source(%dma_start3A_383 : memref<10000x128xf32, #tpu.memory_space<hbm>>) target(%arg13 : memref<80x128xf32, #tpu.memory_space<vmem>>) offsets(%dma_start3A_380 : memref<80xi32, #tpu.memory_space<vmem>>) semaphore(%arg17 : memref<!tpu.dma_semaphore, #tpu.memory_space<semaphore_mem>>)
      %ge3A_384 = arith.constant 1 : i32
      %ge3A_385 = arith.cmpi sge, %add3A_364, %ge3A_384 : i32
      %convert_element_type3A_386 = arith.extui %ge3A_385 : i1 to i32
      %cond3A_387 = arith.constant 0 : i32
      %cond3A_388 = arith.cmpi ne, %convert_element_type3A_386, %cond3A_387 : i32
      scf.if %cond3A_388 {
        %dma_wait3A_389 = arith.constant 4 : i32
        %dma_wait3A_390 = arith.constant 0 : i32
        %dma_wait3A_391 = tpu.memref_slice %arg9[%dma_wait3A_389, %dma_wait3A_390] : memref<8x80xi32, #tpu.memory_space<vmem>> -> memref<1x80xi32, #tpu.memory_space<vmem>>
        %dma_wait3A_392 = tpu.memref_squeeze %dma_wait3A_391 : memref<1x80xi32, #tpu.memory_space<vmem>> -> memref<80xi32, #tpu.memory_space<vmem>>
        %dma_wait3A_393 = arith.constant 0 : i32
        %dma_wait3A_394 = arith.constant 0 : i32
        %dma_wait3A_395 = tpu.memref_slice %arg2[%dma_wait3A_393, %dma_wait3A_394] : memref<10000x128xf32, #tpu.memory_space<hbm>> -> memref<10000x128xf32, #tpu.memory_space<hbm>>
        tpu.wait_indirect_dma semaphore(%arg14 : memref<!tpu.dma_semaphore, #tpu.memory_space<semaphore_mem>>) src(%dma_wait3A_395 : memref<10000x128xf32, #tpu.memory_space<hbm>>) dst(%arg10 : memref<80x128xf32, #tpu.memory_space<vmem>>)
        %dma_start3A_396 = arith.constant 4 : i32
        %dma_start3A_397 = arith.constant 0 : i32
        %dma_start3A_398 = tpu.memref_slice %arg7[%dma_start3A_396, %dma_start3A_397] : memref<8x80xi32, #tpu.memory_space<vmem>> -> memref<1x80xi32, #tpu.memory_space<vmem>>
        %dma_start3A_399 = tpu.memref_squeeze %dma_start3A_398 : memref<1x80xi32, #tpu.memory_space<vmem>> -> memref<80xi32, #tpu.memory_space<vmem>>
        %dma_start3A_400 = arith.constant 0 : i32
        %dma_start3A_401 = arith.constant 0 : i32
        %dma_start3A_402 = tpu.memref_slice %arg26[%dma_start3A_400, %dma_start3A_401] : memref<10240x128xf32, #tpu.memory_space<vmem_shared>> -> memref<10240x128xf32, #tpu.memory_space<vmem_shared>>
        tpu.enqueue_indirect_dma source(%arg10 : memref<80x128xf32, #tpu.memory_space<vmem>>) target(%dma_start3A_402 : memref<10240x128xf32, #tpu.memory_space<vmem_shared>>) offsets(%dma_start3A_399 : memref<80xi32, #tpu.memory_space<vmem>>) semaphore(%arg18 : memref<!tpu.dma_semaphore, #tpu.memory_space<semaphore_mem>>) {add = true}
        %dma_wait3A_403 = arith.constant 5 : i32
        %dma_wait3A_404 = arith.constant 0 : i32
        %dma_wait3A_405 = tpu.memref_slice %arg9[%dma_wait3A_403, %dma_wait3A_404] : memref<8x80xi32, #tpu.memory_space<vmem>> -> memref<1x80xi32, #tpu.memory_space<vmem>>
        %dma_wait3A_406 = tpu.memref_squeeze %dma_wait3A_405 : memref<1x80xi32, #tpu.memory_space<vmem>> -> memref<80xi32, #tpu.memory_space<vmem>>
        %dma_wait3A_407 = arith.constant 0 : i32
        %dma_wait3A_408 = arith.constant 0 : i32
        %dma_wait3A_409 = tpu.memref_slice %arg2[%dma_wait3A_407, %dma_wait3A_408] : memref<10000x128xf32, #tpu.memory_space<hbm>> -> memref<10000x128xf32, #tpu.memory_space<hbm>>
        tpu.wait_indirect_dma semaphore(%arg15 : memref<!tpu.dma_semaphore, #tpu.memory_space<semaphore_mem>>) src(%dma_wait3A_409 : memref<10000x128xf32, #tpu.memory_space<hbm>>) dst(%arg11 : memref<80x128xf32, #tpu.memory_space<vmem>>)
        %dma_start3A_410 = arith.constant 5 : i32
        %dma_start3A_411 = arith.constant 0 : i32
        %dma_start3A_412 = tpu.memref_slice %arg7[%dma_start3A_410, %dma_start3A_411] : memref<8x80xi32, #tpu.memory_space<vmem>> -> memref<1x80xi32, #tpu.memory_space<vmem>>
        %dma_start3A_413 = tpu.memref_squeeze %dma_start3A_412 : memref<1x80xi32, #tpu.memory_space<vmem>> -> memref<80xi32, #tpu.memory_space<vmem>>
        %dma_start3A_414 = arith.constant 0 : i32
        %dma_start3A_415 = arith.constant 0 : i32
        %dma_start3A_416 = tpu.memref_slice %arg26[%dma_start3A_414, %dma_start3A_415] : memref<10240x128xf32, #tpu.memory_space<vmem_shared>> -> memref<10240x128xf32, #tpu.memory_space<vmem_shared>>
        tpu.enqueue_indirect_dma source(%arg11 : memref<80x128xf32, #tpu.memory_space<vmem>>) target(%dma_start3A_416 : memref<10240x128xf32, #tpu.memory_space<vmem_shared>>) offsets(%dma_start3A_413 : memref<80xi32, #tpu.memory_space<vmem>>) semaphore(%arg19 : memref<!tpu.dma_semaphore, #tpu.memory_space<semaphore_mem>>) {add = true}
      } else {
      }
    }
    %scan3A_24 = arith.constant 4 : i32
    %dma_wait3A = arith.constant 4 : i32
    %dma_wait3A_25 = arith.constant 0 : i32
    %dma_wait3A_26 = tpu.memref_slice %arg7[%dma_wait3A, %dma_wait3A_25] : memref<8x80xi32, #tpu.memory_space<vmem>> -> memref<1x80xi32, #tpu.memory_space<vmem>>
    %dma_wait3A_27 = tpu.memref_squeeze %dma_wait3A_26 : memref<1x80xi32, #tpu.memory_space<vmem>> -> memref<80xi32, #tpu.memory_space<vmem>>
    %dma_wait3A_28 = arith.constant 0 : i32
    %dma_wait3A_29 = arith.constant 0 : i32
    %dma_wait3A_30 = tpu.memref_slice %arg26[%dma_wait3A_28, %dma_wait3A_29] : memref<10240x128xf32, #tpu.memory_space<vmem_shared>> -> memref<10240x128xf32, #tpu.memory_space<vmem_shared>>
    tpu.wait_indirect_dma semaphore(%arg18 : memref<!tpu.dma_semaphore, #tpu.memory_space<semaphore_mem>>) src(%arg10 : memref<80x128xf32, #tpu.memory_space<vmem>>) dst(%dma_wait3A_30 : memref<10240x128xf32, #tpu.memory_space<vmem_shared>>)
    %dma_wait3A_31 = arith.constant 5 : i32
    %dma_wait3A_32 = arith.constant 0 : i32
    %dma_wait3A_33 = tpu.memref_slice %arg7[%dma_wait3A_31, %dma_wait3A_32] : memref<8x80xi32, #tpu.memory_space<vmem>> -> memref<1x80xi32, #tpu.memory_space<vmem>>
    %dma_wait3A_34 = tpu.memref_squeeze %dma_wait3A_33 : memref<1x80xi32, #tpu.memory_space<vmem>> -> memref<80xi32, #tpu.memory_space<vmem>>
    %dma_wait3A_35 = arith.constant 0 : i32
    %dma_wait3A_36 = arith.constant 0 : i32
    %dma_wait3A_37 = tpu.memref_slice %arg26[%dma_wait3A_35, %dma_wait3A_36] : memref<10240x128xf32, #tpu.memory_space<vmem_shared>> -> memref<10240x128xf32, #tpu.memory_space<vmem_shared>>
    tpu.wait_indirect_dma semaphore(%arg19 : memref<!tpu.dma_semaphore, #tpu.memory_space<semaphore_mem>>) src(%arg11 : memref<80x128xf32, #tpu.memory_space<vmem>>) dst(%dma_wait3A_37 : memref<10240x128xf32, #tpu.memory_space<vmem_shared>>)
    %dma_wait3A_38 = arith.constant 6 : i32
    %dma_wait3A_39 = arith.constant 0 : i32
    %dma_wait3A_40 = tpu.memref_slice %arg9[%dma_wait3A_38, %dma_wait3A_39] : memref<8x80xi32, #tpu.memory_space<vmem>> -> memref<1x80xi32, #tpu.memory_space<vmem>>
    %dma_wait3A_41 = tpu.memref_squeeze %dma_wait3A_40 : memref<1x80xi32, #tpu.memory_space<vmem>> -> memref<80xi32, #tpu.memory_space<vmem>>
    %dma_wait3A_42 = arith.constant 0 : i32
    %dma_wait3A_43 = arith.constant 0 : i32
    %dma_wait3A_44 = tpu.memref_slice %arg2[%dma_wait3A_42, %dma_wait3A_43] : memref<10000x128xf32, #tpu.memory_space<hbm>> -> memref<10000x128xf32, #tpu.memory_space<hbm>>
    tpu.wait_indirect_dma semaphore(%arg16 : memref<!tpu.dma_semaphore, #tpu.memory_space<semaphore_mem>>) src(%dma_wait3A_44 : memref<10000x128xf32, #tpu.memory_space<hbm>>) dst(%arg12 : memref<80x128xf32, #tpu.memory_space<vmem>>)
    %dma_start3A_45 = arith.constant 6 : i32
    %dma_start3A_46 = arith.constant 0 : i32
    %dma_start3A_47 = tpu.memref_slice %arg7[%dma_start3A_45, %dma_start3A_46] : memref<8x80xi32, #tpu.memory_space<vmem>> -> memref<1x80xi32, #tpu.memory_space<vmem>>
    %dma_start3A_48 = tpu.memref_squeeze %dma_start3A_47 : memref<1x80xi32, #tpu.memory_space<vmem>> -> memref<80xi32, #tpu.memory_space<vmem>>
    %dma_start3A_49 = arith.constant 0 : i32
    %dma_start3A_50 = arith.constant 0 : i32
    %dma_start3A_51 = tpu.memref_slice %arg26[%dma_start3A_49, %dma_start3A_50] : memref<10240x128xf32, #tpu.memory_space<vmem_shared>> -> memref<10240x128xf32, #tpu.memory_space<vmem_shared>>
    tpu.enqueue_indirect_dma source(%arg12 : memref<80x128xf32, #tpu.memory_space<vmem>>) target(%dma_start3A_51 : memref<10240x128xf32, #tpu.memory_space<vmem_shared>>) offsets(%dma_start3A_48 : memref<80xi32, #tpu.memory_space<vmem>>) semaphore(%arg20 : memref<!tpu.dma_semaphore, #tpu.memory_space<semaphore_mem>>) {add = true}
    %dma_wait3A_52 = arith.constant 7 : i32
    %dma_wait3A_53 = arith.constant 0 : i32
    %dma_wait3A_54 = tpu.memref_slice %arg9[%dma_wait3A_52, %dma_wait3A_53] : memref<8x80xi32, #tpu.memory_space<vmem>> -> memref<1x80xi32, #tpu.memory_space<vmem>>
    %dma_wait3A_55 = tpu.memref_squeeze %dma_wait3A_54 : memref<1x80xi32, #tpu.memory_space<vmem>> -> memref<80xi32, #tpu.memory_space<vmem>>
    %dma_wait3A_56 = arith.constant 0 : i32
    %dma_wait3A_57 = arith.constant 0 : i32
    %dma_wait3A_58 = tpu.memref_slice %arg2[%dma_wait3A_56, %dma_wait3A_57] : memref<10000x128xf32, #tpu.memory_space<hbm>> -> memref<10000x128xf32, #tpu.memory_space<hbm>>
    tpu.wait_indirect_dma semaphore(%arg17 : memref<!tpu.dma_semaphore, #tpu.memory_space<semaphore_mem>>) src(%dma_wait3A_58 : memref<10000x128xf32, #tpu.memory_space<hbm>>) dst(%arg13 : memref<80x128xf32, #tpu.memory_space<vmem>>)
    %dma_start3A_59 = arith.constant 7 : i32
    %dma_start3A_60 = arith.constant 0 : i32
    %dma_start3A_61 = tpu.memref_slice %arg7[%dma_start3A_59, %dma_start3A_60] : memref<8x80xi32, #tpu.memory_space<vmem>> -> memref<1x80xi32, #tpu.memory_space<vmem>>
    %dma_start3A_62 = tpu.memref_squeeze %dma_start3A_61 : memref<1x80xi32, #tpu.memory_space<vmem>> -> memref<80xi32, #tpu.memory_space<vmem>>
    %dma_start3A_63 = arith.constant 0 : i32
    %dma_start3A_64 = arith.constant 0 : i32
    %dma_start3A_65 = tpu.memref_slice %arg26[%dma_start3A_63, %dma_start3A_64] : memref<10240x128xf32, #tpu.memory_space<vmem_shared>> -> memref<10240x128xf32, #tpu.memory_space<vmem_shared>>
    tpu.enqueue_indirect_dma source(%arg13 : memref<80x128xf32, #tpu.memory_space<vmem>>) target(%dma_start3A_65 : memref<10240x128xf32, #tpu.memory_space<vmem_shared>>) offsets(%dma_start3A_62 : memref<80xi32, #tpu.memory_space<vmem>>) semaphore(%arg21 : memref<!tpu.dma_semaphore, #tpu.memory_space<semaphore_mem>>) {add = true}
    %dma_wait3A_66 = arith.constant 6 : i32
    %dma_wait3A_67 = arith.constant 0 : i32
    %dma_wait3A_68 = tpu.memref_slice %arg7[%dma_wait3A_66, %dma_wait3A_67] : memref<8x80xi32, #tpu.memory_space<vmem>> -> memref<1x80xi32, #tpu.memory_space<vmem>>
    %dma_wait3A_69 = tpu.memref_squeeze %dma_wait3A_68 : memref<1x80xi32, #tpu.memory_space<vmem>> -> memref<80xi32, #tpu.memory_space<vmem>>
    %dma_wait3A_70 = arith.constant 0 : i32
    %dma_wait3A_71 = arith.constant 0 : i32
    %dma_wait3A_72 = tpu.memref_slice %arg26[%dma_wait3A_70, %dma_wait3A_71] : memref<10240x128xf32, #tpu.memory_space<vmem_shared>> -> memref<10240x128xf32, #tpu.memory_space<vmem_shared>>
    tpu.wait_indirect_dma semaphore(%arg20 : memref<!tpu.dma_semaphore, #tpu.memory_space<semaphore_mem>>) src(%arg12 : memref<80x128xf32, #tpu.memory_space<vmem>>) dst(%dma_wait3A_72 : memref<10240x128xf32, #tpu.memory_space<vmem_shared>>)
    %dma_wait3A_73 = arith.constant 7 : i32
    %dma_wait3A_74 = arith.constant 0 : i32
    %dma_wait3A_75 = tpu.memref_slice %arg7[%dma_wait3A_73, %dma_wait3A_74] : memref<8x80xi32, #tpu.memory_space<vmem>> -> memref<1x80xi32, #tpu.memory_space<vmem>>
    %dma_wait3A_76 = tpu.memref_squeeze %dma_wait3A_75 : memref<1x80xi32, #tpu.memory_space<vmem>> -> memref<80xi32, #tpu.memory_space<vmem>>
    %dma_wait3A_77 = arith.constant 0 : i32
    %dma_wait3A_78 = arith.constant 0 : i32
    %dma_wait3A_79 = tpu.memref_slice %arg26[%dma_wait3A_77, %dma_wait3A_78] : memref<10240x128xf32, #tpu.memory_space<vmem_shared>> -> memref<10240x128xf32, #tpu.memory_space<vmem_shared>>
    tpu.wait_indirect_dma semaphore(%arg21 : memref<!tpu.dma_semaphore, #tpu.memory_space<semaphore_mem>>) src(%arg13 : memref<80x128xf32, #tpu.memory_space<vmem>>) dst(%dma_wait3A_79 : memref<10240x128xf32, #tpu.memory_space<vmem_shared>>)
    %barrier3A_80 = arith.constant 0 : index
    tpu.barrier barrier_id(%barrier3A_80)
    "tpu.region"() ({
      %run_scoped3A = tpu.sem_alloc : memref<!tpu.dma_semaphore, #tpu.memory_space<semaphore_mem>>
      %dma_start3A_81 = arith.constant 0 : i32
      %dma_start3A_82 = tpu.memref_slice %arg5[%arg0, %mul3A_2, %dma_start3A_81] : memref<2x10240x128xf32, #tpu.memory_space<hbm>> -> memref<1x640x128xf32, #tpu.memory_space<hbm>>
      %dma_start3A_83 = tpu.memref_squeeze %dma_start3A_82 : memref<1x640x128xf32, #tpu.memory_space<hbm>> -> memref<640x128xf32, #tpu.memory_space<hbm>>
      %dma_start3A_84 = arith.constant 0 : i32
      %dma_start3A_85 = tpu.memref_slice %arg26[%mul3A_2, %dma_start3A_84] : memref<10240x128xf32, #tpu.memory_space<vmem_shared>> -> memref<640x128xf32, #tpu.memory_space<vmem_shared>>
      tpu.enqueue_dma source(%dma_start3A_85 : memref<640x128xf32, #tpu.memory_space<vmem_shared>>) target(%dma_start3A_83 : memref<640x128xf32, #tpu.memory_space<hbm>>) target_semaphore(%run_scoped3A : memref<!tpu.dma_semaphore, #tpu.memory_space<semaphore_mem>>)
      %dma_wait3A_86 = arith.constant 0 : i32
      %dma_wait3A_87 = tpu.memref_slice %arg5[%arg0, %mul3A_2, %dma_wait3A_86] : memref<2x10240x128xf32, #tpu.memory_space<hbm>> -> memref<1x640x128xf32, #tpu.memory_space<hbm>>
      %dma_wait3A_88 = tpu.memref_squeeze %dma_wait3A_87 : memref<1x640x128xf32, #tpu.memory_space<hbm>> -> memref<640x128xf32, #tpu.memory_space<hbm>>
      %dma_wait3A_89 = arith.constant 0 : i32
      %dma_wait3A_90 = tpu.memref_slice %arg26[%mul3A_2, %dma_wait3A_89] : memref<10240x128xf32, #tpu.memory_space<vmem_shared>> -> memref<640x128xf32, #tpu.memory_space<vmem_shared>>
      tpu.wait_dma2 semaphore(%run_scoped3A : memref<!tpu.dma_semaphore, #tpu.memory_space<semaphore_mem>>) src(%dma_wait3A_90 : memref<640x128xf32, #tpu.memory_space<vmem_shared>>) dst(%dma_wait3A_88 : memref<640x128xf32, #tpu.memory_space<hbm>>)
      tpu.yield
    }) : () -> ()
    return
  }
}

module attributes {stable_mosaic.version = 14 : i64} {
  func.func @_mm_body(%arg0: i32, %arg1: memref<2000x256xf32, #tpu.memory_space<vmem>>, %arg2: memref<256x128xf32, #tpu.memory_space<vmem>>, %arg3: memref<2000x128xf32, #tpu.memory_space<vmem>>) attributes {dimension_semantics = [#tpu.dimension_semantics<arbitrary>], iteration_bounds = array<i64: 5>, scalar_prefetch = 0 : i64, scratch_operands = 0 : i64, tpu.core_type = #tpu.core_type<tc>, window_params = [{transform_indices = @transform_0, window_bounds = array<i64: 2000, 256>}, {pipeline_mode = #tpu.pipeline_mode<synchronous>, transform_indices = @transform_1, window_bounds = array<i64: 256, 128>}, {transform_indices = @transform_2, window_bounds = array<i64: 2000, 128>}]} {
    %get3A = arith.constant 0 : index
    %get3A_0 = arith.constant 0 : index
    %get3A_1 = vector.load %arg1[%get3A, %get3A_0] : memref<2000x256xf32, #tpu.memory_space<vmem>>, vector<2000x256xf32>
    %get3A_2 = arith.constant 0 : index
    %get3A_3 = arith.constant 0 : index
    %get3A_4 = vector.load %arg2[%get3A_2, %get3A_3] : memref<256x128xf32, #tpu.memory_space<vmem>>, vector<256x128xf32>
    %dot_general3A = arith.constant dense<0.000000e+00> : vector<2000x128xf32>
    %dot_general3A_5 = tpu.matmul %get3A_1, %get3A_4, %dot_general3A {dimension_numbers = #tpu.dot_dimension_numbers<[1], [0], [0], [1], [0, 0, 1, 1], [], []>, transpose_lhs_hint = false} : vector<2000x256xf32>, vector<256x128xf32>, vector<2000x128xf32> -> vector<2000x128xf32>
    %swap3A = arith.constant 0 : index
    %swap3A_6 = arith.constant 0 : index
    %swap3A_7 = vector.load %arg3[%swap3A, %swap3A_6] : memref<2000x128xf32, #tpu.memory_space<vmem>>, vector<2000x128xf32>
    tpu.vector_store %arg3[%swap3A, %swap3A_6], %dot_general3A_5 {strides = array<i32>} : memref<2000x128xf32, #tpu.memory_space<vmem>>, vector<2000x128xf32>,
    return
  }
  func.func @transform_0(%arg0: i32) -> (i32, i32) {
    %c0_i32 = arith.constant 0 : i32
    %c0_i32_0 = arith.constant 0 : i32
    return %arg0, %c0_i32 : i32, i32
  }
  func.func @transform_1(%arg0: i32) -> (i32, i32) {
    %c0_i32 = arith.constant 0 : i32
    %c0_i32_0 = arith.constant 0 : i32
    %c0_i32_1 = arith.constant 0 : i32
    return %c0_i32, %c0_i32_0 : i32, i32
  }
  func.func @transform_2(%arg0: i32) -> (i32, i32) {
    %c0_i32 = arith.constant 0 : i32
    %c0_i32_0 = arith.constant 0 : i32
    return %arg0, %c0_i32 : i32, i32
  }
}

module attributes {stable_mosaic.version = 14 : i64} {
  func.func @_elu_mm_body(%arg0: i32, %arg1: memref<2x2000x128xf32, #tpu.memory_space<vmem>>, %arg2: memref<128x128xf32, #tpu.memory_space<vmem>>, %arg3: memref<2000x128xf32, #tpu.memory_space<vmem>>) attributes {dimension_semantics = [#tpu.dimension_semantics<arbitrary>], iteration_bounds = array<i64: 5>, scalar_prefetch = 0 : i64, scratch_operands = 0 : i64, tpu.core_type = #tpu.core_type<tc>, window_params = [{transform_indices = @transform_0, window_bounds = array<i64: 2, 2000, 128>}, {pipeline_mode = #tpu.pipeline_mode<synchronous>, transform_indices = @transform_1, window_bounds = array<i64: 128, 128>}, {transform_indices = @transform_2, window_bounds = array<i64: 2000, 128>}]} {
    %get3A = arith.constant 0 : index
    %get3A_0 = arith.constant 0 : index
    %get3A_1 = arith.constant 0 : index
    %get3A_2 = vector.load %arg1[%get3A, %get3A_0, %get3A_1] : memref<2x2000x128xf32, #tpu.memory_space<vmem>>, vector<1x2000x128xf32>
    %get3A_3 = vector.shape_cast %get3A_2 : vector<1x2000x128xf32> to vector<2000x128xf32>
    %get3A_4 = arith.constant 1 : index
    %get3A_5 = arith.constant 0 : index
    %get3A_6 = arith.constant 0 : index
    %get3A_7 = vector.load %arg1[%get3A_4, %get3A_5, %get3A_6] : memref<2x2000x128xf32, #tpu.memory_space<vmem>>, vector<1x2000x128xf32>
    %get3A_8 = vector.shape_cast %get3A_7 : vector<1x2000x128xf32> to vector<2000x128xf32>
    %add3A = arith.addf %get3A_3, %get3A_8 : vector<2000x128xf32>
    %gt3A = arith.constant 0.000000e+00 : f32
    %gt3A_9 = vector.broadcast %gt3A : f32 to vector<2000x128xf32>
    %gt3A_10 = arith.cmpf ogt, %add3A, %gt3A_9 : vector<2000x128xf32>
    %exp3A = math.exp %add3A : vector<2000x128xf32>
    %sub3A = arith.constant 1.000000e+00 : f32
    %sub3A_11 = vector.broadcast %sub3A : f32 to vector<2000x128xf32>
    %sub3A_12 = arith.subf %exp3A, %sub3A_11 : vector<2000x128xf32>
    %select_n3A = arith.select %gt3A_10, %add3A, %sub3A_12 : vector<2000x128xi1>, vector<2000x128xf32>
    %get3A_13 = arith.constant 0 : index
    %get3A_14 = arith.constant 0 : index
    %get3A_15 = vector.load %arg2[%get3A_13, %get3A_14] : memref<128x128xf32, #tpu.memory_space<vmem>>, vector<128x128xf32>
    %dot_general3A = arith.constant dense<0.000000e+00> : vector<2000x128xf32>
    %dot_general3A_16 = tpu.matmul %select_n3A, %get3A_15, %dot_general3A {dimension_numbers = #tpu.dot_dimension_numbers<[1], [0], [0], [1], [0, 0, 1, 1], [], []>, transpose_lhs_hint = false} : vector<2000x128xf32>, vector<128x128xf32>, vector<2000x128xf32> -> vector<2000x128xf32>
    %swap3A = arith.constant 0 : index
    %swap3A_17 = arith.constant 0 : index
    %swap3A_18 = vector.load %arg3[%swap3A, %swap3A_17] : memref<2000x128xf32, #tpu.memory_space<vmem>>, vector<2000x128xf32>
    tpu.vector_store %arg3[%swap3A, %swap3A_17], %dot_general3A_16 {strides = array<i32>} : memref<2000x128xf32, #tpu.memory_space<vmem>>, vector<2000x128xf32>,
    return
  }
  func.func @transform_0(%arg0: i32) -> (i32, i32, i32) {
    %c0_i32 = arith.constant 0 : i32
    %c0_i32_0 = arith.constant 0 : i32
    %c0_i32_1 = arith.constant 0 : i32
    return %c0_i32, %arg0, %c0_i32_0 : i32, i32, i32
  }
  func.func @transform_1(%arg0: i32) -> (i32, i32) {
    %c0_i32 = arith.constant 0 : i32
    %c0_i32_0 = arith.constant 0 : i32
    %c0_i32_1 = arith.constant 0 : i32
    return %c0_i32, %c0_i32_0 : i32, i32
  }
  func.func @transform_2(%arg0: i32) -> (i32, i32) {
    %c0_i32 = arith.constant 0 : i32
    %c0_i32_0 = arith.constant 0 : i32
    return %arg0, %c0_i32 : i32, i32
  }
}

module attributes {stable_mosaic.version = 14 : i64} {
  func.func @_final_body(%arg0: i32, %arg1: memref<2x2000x128xf32, #tpu.memory_space<vmem>>, %arg2: memref<2000x64xf32, #tpu.memory_space<vmem>>) attributes {dimension_semantics = [#tpu.dimension_semantics<arbitrary>], iteration_bounds = array<i64: 5>, scalar_prefetch = 0 : i64, scratch_operands = 0 : i64, tpu.core_type = #tpu.core_type<tc>, window_params = [{transform_indices = @transform_0, window_bounds = array<i64: 2, 2000, 128>}, {transform_indices = @transform_1, window_bounds = array<i64: 2000, 64>}]} {
    %get3A = arith.constant 0 : index
    %get3A_0 = arith.constant 0 : index
    %get3A_1 = arith.constant 0 : index
    %get3A_2 = vector.load %arg1[%get3A, %get3A_0, %get3A_1] : memref<2x2000x128xf32, #tpu.memory_space<vmem>>, vector<1x2000x64xf32>
    %get3A_3 = vector.shape_cast %get3A_2 : vector<1x2000x64xf32> to vector<2000x64xf32>
    %get3A_4 = arith.constant 1 : index
    %get3A_5 = arith.constant 0 : index
    %get3A_6 = arith.constant 0 : index
    %get3A_7 = vector.load %arg1[%get3A_4, %get3A_5, %get3A_6] : memref<2x2000x128xf32, #tpu.memory_space<vmem>>, vector<1x2000x64xf32>
    %get3A_8 = vector.shape_cast %get3A_7 : vector<1x2000x64xf32> to vector<2000x64xf32>
    %add3A = arith.addf %get3A_3, %get3A_8 : vector<2000x64xf32>
    %gt3A = arith.constant 0.000000e+00 : f32
    %gt3A_9 = vector.broadcast %gt3A : f32 to vector<2000x64xf32>
    %gt3A_10 = arith.cmpf ogt, %add3A, %gt3A_9 : vector<2000x64xf32>
    %exp3A = math.exp %add3A : vector<2000x64xf32>
    %sub3A = arith.constant 1.000000e+00 : f32
    %sub3A_11 = vector.broadcast %sub3A : f32 to vector<2000x64xf32>
    %sub3A_12 = arith.subf %exp3A, %sub3A_11 : vector<2000x64xf32>
    %select_n3A = arith.select %gt3A_10, %add3A, %sub3A_12 : vector<2000x64xi1>, vector<2000x64xf32>
    %reduce_max3A = arith.constant dense<0xFF800000> : vector<2000xf32>
    %reduce_max3A_13 = vector.multi_reduction <maximumf>, %select_n3A, %reduce_max3A [1] : vector<2000x64xf32> to vector<2000xf32>
    %broadcast_in_dim3A = vector.shape_cast %reduce_max3A_13 : vector<2000xf32> to vector<2000x1xf32>
    %sub3A_14 = vector.broadcast %broadcast_in_dim3A : vector<2000x1xf32> to vector<2000x64xf32>
    %sub3A_15 = arith.subf %select_n3A, %sub3A_14 : vector<2000x64xf32>
    %exp3A_16 = math.exp %sub3A_15 : vector<2000x64xf32>
    %reduce_sum3A = arith.constant dense<0.000000e+00> : vector<2000xf32>
    %reduce_sum3A_17 = vector.multi_reduction <add>, %exp3A_16, %reduce_sum3A [1] : vector<2000x64xf32> to vector<2000xf32>
    %broadcast_in_dim3A_18 = vector.shape_cast %reduce_sum3A_17 : vector<2000xf32> to vector<2000x1xf32>
    %log3A = math.log %broadcast_in_dim3A_18 : vector<2000x1xf32>
    %add3A_19 = arith.addf %broadcast_in_dim3A, %log3A : vector<2000x1xf32>
    %sub3A_20 = vector.broadcast %add3A_19 : vector<2000x1xf32> to vector<2000x64xf32>
    %sub3A_21 = arith.subf %select_n3A, %sub3A_20 : vector<2000x64xf32>
    %swap3A = arith.constant 0 : index
    %swap3A_22 = arith.constant 0 : index
    %swap3A_23 = vector.load %arg2[%swap3A, %swap3A_22] : memref<2000x64xf32, #tpu.memory_space<vmem>>, vector<2000x64xf32>
    tpu.vector_store %arg2[%swap3A, %swap3A_22], %sub3A_21 {strides = array<i32>} : memref<2000x64xf32, #tpu.memory_space<vmem>>, vector<2000x64xf32>,
    return
  }
  func.func @transform_0(%arg0: i32) -> (i32, i32, i32) {
    %c0_i32 = arith.constant 0 : i32
    %c0_i32_0 = arith.constant 0 : i32
    %c0_i32_1 = arith.constant 0 : i32
    return %c0_i32, %arg0, %c0_i32_0 : i32, i32, i32
  }
  func.func @transform_1(%arg0: i32) -> (i32, i32) {
    %c0_i32 = arith.constant 0 : i32
    %c0_i32_0 = arith.constant 0 : i32
    return %arg0, %c0_i32 : i32, i32
  }
}

</mosaic_0001>

<sc_bundles>
// kernel: kernel.12.cloned.1.call-start
scs
__scs_entry_jumppad:
0x0: {  	(pc) =	sbr.rel $0x88, $3  }
0x1: {  	(tag) =	ssettag $0x0;
	lr =	simm.s32 $0x1  }
0x2: {  	[smem:$0x3F9C] =	sst lr;
	_ =	strace $0xD0000000  }
0x3: {  	_ = 	snop  }
0x4: {  	_ = 	snop  }
0x5: {  	_ = 	snop  }
0x6: {  	_ = 	snop  }
0x7: {  	_ = 	snop  }
__scs_overlays_trampoline_lowered:
0x8: {  	[smem:$0x3FAB] =	sst s0  }
0x9: {  	[smem:$0x3FAC] =	sst s1  }
0xa: {  	[smem:$0x3FAD] =	sst s2  }
0xb: {  	[smem:$0x3FAE] =	sst s3  }
0xc: {  	[smem:$0x3FAF] =	sst s4  }
0xd: {  	[smem:$0x3FB0] =	sst s5  }
0xe: {  	[smem:$0x3FB1] =	sst s6  }
0xf: {  	[smem:$0x3FB2] =	sst s7  }
0x10: {  	[smem:$0x3FB3] =	sst s8  }
0x11: {  	[smem:$0x3FB4] =	sst s9;
	s0 =	simm.s32 @!p0 $0x0  }
0x12: {  	s1 =	sld [smem:$0x3F9A];
	s0 =	simm.s32 @p0 $0x1  }
0x13: {  	[smem:$0x3FB5] =	sst s0;
	s0 =	simm.s32 @!p1 $0x0  }
0x14: {  	s2 =	sld [smem:$0x3F99];
	s0 =	simm.s32 @p1 $0x1  }
0x15: {  	[smem:$0x3FB6] =	sst s0;
	s0 =	simm.s32 @!p2 $0x0  }
0x16: {  	s3 =	sld [smem:$0x3FDB];
	s0 =	simm.s32 @p2 $0x1  }
0x17: {  	s4 =	simm.s32 $0x1BF5;
	[smem:$0x3FB8] =	sst s0  }
0x18: {  	s0 =	sld [smem:$0x3F9B];
	_ =	swait.ge [sflag:s4], $0x0  }
0x19: {  	s7 =	sld [smem:$0x3F9C]  }
0x1a: {  	s8 =	sadd.s32 $0xFFFFE003, lr  }
0x1b: {  	s9 =	sadd.s32 $0xFFFFFEF7, lr;
	s5 =	simm.s32 $0xFFFFFFFF;
	p2 =	slt.u32 s8, $0xFFFFF086  }
0x1c: {  	p1 =	slt.u32 s9, $0xF7A;
	s5 =	simm.s32 @!p2 $0x0  }
0x1d: {  	s5 =	simm.s32 @p1 $0x1;
	p0 =	seq.s32 s7, s2  }
0x1e: {  	s7 =	smul.u32 @!p0 $0xF7A, s2;
	p2 =	seq.s32 @!p0 s5, $0x0  }
0x1f: {  	s9 =	smul.u32 $0xF7A, s1;
	s8 =	simm.s32 @!p0 $0x1BF5;
	p2 =	por !p2, p0  }
0x20: {  	[sflag:s8] =	ssyncset.s32 @!p0 $0xFFFFF086;
	s6 =	sadd.s32 @!p0 s3, s7;
	s7 =	simm.s32 @!p0 $0x108  }
0x21: {  	s3 =	sadd.s32 s3, s9;
	s6 =	sadd.s32 @!p0 $0x88, s6;
	s7 =	simm.s32 @p2 $0x1082  }
0x22: {  	[simem:s7], [sflag:s8] =	dma.local @!p0 [hbm:s6], $0xF7A  }
0x23: {  	s9 =	sor.u32 $0xD0000000, s2;
	s6 =	simm.s32 $0x108;
	_ =	swait.ge @!p0 [sflag:s8], $0x0  }
0x24: {  	s3 =	sadd.s32 $0x88, s3;
	s6 =	simm.s32 @!p1 $0x1082;
	[sflag:s4] =	ssyncset.s32 $0xFFFFF086  }
0x25: {  	[simem:s6], [sflag:s4] =	dma.local [hbm:s3], $0xF7A  }
0x26: {  	[smem:$0x3F9C] =	sst s1;
	(tag) =	ssettag s2;
	_ =	strace s9  }
0x27: {  	s1 =	sld [smem:$0x3FAC]  }
0x28: {  	s2 =	sld [smem:$0x3FAD]  }
0x29: {  	s4 =	sld [smem:$0x3FAF]  }
0x2a: {  	p0 =	seq.s32 s5, $0x0;
	s5 =	sld [smem:$0x3FB0]  }
0x2b: {  	s6 =	sld [smem:$0x3FB1]  }
0x2c: {  	s7 =	sld [smem:$0x3FB2]  }
0x2d: {  	s3 =	simm.s32 $0x108;
	s8 =	sld [smem:$0x3FB3]  }
0x2e: {  	s3 =	simm.s32 @!p0 $0x1082;
	s9 =	sld [smem:$0x3FB4]  }
0x2f: {  	lr =	sadd.s32 s0, s3;
	s0 =	sld [smem:$0x3FAB]  }
0x30: {  	s3 =	sld [smem:$0x3FAE]  }
0x31: {  	[smem:$0x3FB7] =	sst s10  }
0x32: {  	s10 =	sld [smem:$0x3FB5];
	_ =	sdelay $0x3  }
0x33: {  	p0 =	seq.s32 s10, $0x1;
	s10 =	sld [smem:$0x3FB7];
	_ =	sdelay $0x3  }
0x34: {  	[smem:$0x3FB7] =	sst s10  }
0x35: {  	s10 =	sld [smem:$0x3FB6];
	_ =	sdelay $0x3  }
0x36: {  	p1 =	seq.s32 s10, $0x1;
	s10 =	sld [smem:$0x3FB7];
	_ =	sdelay $0x3  }
0x37: {  	[smem:$0x3FB7] =	sst s10  }
0x38: {  	s10 =	sld [smem:$0x3FB8]  }
0x39: {  	_ = 	snop;
	(pc) =	sbr.ind lr, $3  }
0x3a: {  	_ = 	snop  }
0x3b: {  	_ = 	snop  }
0x3c: {  	p2 =	seq.s32 s10, $0x1;
	s10 =	sld [smem:$0x3FB7]  }
0x3d: {  	_ =	shalt  }
0x3e: {  	_ =	shalt  }
0x3f: {  	_ =	shalt  }
0x40: {  	_ =	shalt  }
0x41: {  	_ =	shalt  }
0x42: {  	_ =	shalt  }
0x43: {  	_ =	shalt  }
0x44: {  	_ =	shalt  }
0x45: {  	_ =	shalt  }
0x46: {  	_ =	shalt  }
0x47: {  	_ =	shalt  }
0x48: {  	_ =	shalt  }
0x49: {  	_ =	shalt  }
0x4a: {  	_ =	shalt  }
0x4b: {  	_ =	shalt  }
0x4c: {  	_ =	shalt  }
0x4d: {  	_ =	shalt  }
0x4e: {  	_ =	shalt  }
0x4f: {  	_ =	shalt  }
0x50: {  	_ =	shalt  }
0x51: {  	_ =	shalt  }
0x52: {  	_ =	shalt  }
0x53: {  	_ =	shalt  }
0x54: {  	_ =	shalt  }
0x55: {  	_ =	shalt  }
0x56: {  	_ =	shalt  }
0x57: {  	_ =	shalt  }
0x58: {  	_ =	shalt  }
0x59: {  	_ =	shalt  }
0x5a: {  	_ =	shalt  }
0x5b: {  	_ =	shalt  }
0x5c: {  	_ =	shalt  }
0x5d: {  	_ =	shalt  }
0x5e: {  	_ =	shalt  }
0x5f: {  	_ =	shalt  }
0x60: {  	_ =	shalt  }
0x61: {  	_ =	shalt  }
0x62: {  	_ =	shalt  }
0x63: {  	_ =	shalt  }
0x64: {  	_ =	shalt  }
0x65: {  	_ =	shalt  }
0x66: {  	_ =	shalt  }
0x67: {  	_ =	shalt  }
0x68: {  	_ =	shalt  }
0x69: {  	_ =	shalt  }
0x6a: {  	_ =	shalt  }
0x6b: {  	_ =	shalt  }
0x6c: {  	_ =	shalt  }
0x6d: {  	_ =	shalt  }
0x6e: {  	_ =	shalt  }
0x6f: {  	_ =	shalt  }
0x70: {  	_ =	shalt  }
0x71: {  	_ =	shalt  }
0x72: {  	_ =	shalt  }
0x73: {  	_ =	shalt  }
0x74: {  	_ =	shalt  }
0x75: {  	_ =	shalt  }
0x76: {  	_ =	shalt  }
0x77: {  	_ =	shalt  }
0x78: {  	_ =	shalt  }
0x79: {  	_ =	shalt  }
0x7a: {  	_ =	shalt  }
0x7b: {  	_ =	shalt  }
0x7c: {  	_ =	shalt  }
0x7d: {  	_ =	shalt  }
0x7e: {  	_ =	shalt  }
0x7f: {  	_ =	shalt  }
0x80: {  	_ =	shalt  }
0x81: {  	_ =	shalt  }
0x82: {  	_ =	shalt  }
0x83: {  	_ =	shalt  }
0x84: {  	_ =	shalt  }
0x85: {  	_ =	shalt  }
0x86: {  	_ =	shalt  }
0x87: {  	_ =	shalt  }
.Lfunc_end0:
.L_simem_size_0:
called_computation.1_lowered:
.L_overlay_start_0:
0x88: {  	s2 =	sld [smem:$0x3FD9]  }
0x89: {  	s3 =	sld [smem:$0x3FFE];
	_ =	sdelay $0x1  }
0x8a: {  	s1 =	srdreg.scid  }
0x8b: {  	s0 =	sand.u32 $0x1, s1  }
0x8c: {  	s17 =	sshll.u32 s0, $0xA;
	s2 =	sadd.s32 s3, s2  }
0x8d: {  	s2 =	sadd.s32 s2, s17  }
0x8e: {  	[smem:$0x3FC3] =	sst s2  }
0x8f: {  	_ = 	snop  }
0x90: {  	s2 =	sld [smem:$0x3FD0];
	(tm) =	ssettm $0x1  }
0x91: {  	s18 =	sld [smem:$0x3FFB];
	_ =	sdelay $0x3  }
0x92: {  	_ =	strace s18  }
0x93: {  	s3 =	sld [smem:$0x3FFC];
	_ =	sdelay $0x3  }
0x94: {  	_ =	strace s3  }
0x95: {  	s3 =	sld [smem:$0x3FFD];
	_ =	sdelay $0x3  }
0x96: {  	_ =	strace s3  }
0x97: {  	_ =	strace $0x8FFFFFFF  }
0x98: {  	s19 =	sld [smem:$0x3FDB];
	_ =	sdelay $0x1  }
0x99: {  	s4 =	simm.s32 $_scs_section_size  }
0x9a: {  	s5 =	simm.s32 $_size__tile_overlayer_lowered;
	s6 =	simm.s32 $_tile_overlayer_lowered  }
0x9b: {  	s22 =	simm.s32 $0x1BFF;
	s21 =	sshll.u32 s6, $0x1;
	s3 =	sadd.s32 s4, s19  }
0x9c: {  	s7 =	simm.s32 $0x0;
	s20 =	sshll.u32 s5, $0x1;
	s5 =	sadd.s32 s21, s3  }
0x9d: {  	[timem:s7], [sflag:s22] =	dma.local [hbm:s5], s20  }
0x9e: {  	_ =	swait.ge [sflag:s22], s20  }
0x9f: {  	s4 =	ssub.s32 $0x0, s20;
	[sflag:s22] =	ssyncset.done $0x0  }
0xa0: {  	[sflag:s22] =	ssyncadd.s32 s4;
	_ =	sdelay $0x1  }
0xa1: {  	s23 =	simm.s32 $0x1B8B  }
0xa2: {  	_ =	swait.ge [sflag:s23], $0x1  }
0xa3: {  	[sflag:s23] =	ssyncset.done $0x0  }
0xa4: {  	s25 =	simm.s32 $0x1B8E;
	s24 =	sld [smem:$0x3FFE];
	[sflag:s23] =	ssyncadd.s32 $0xFFFFFFFF  }
0xa5: {  	s26 =	simm.s32 $execute0_lowered;
	[smem:$0x3FD2] =	sst s25  }
0xa6: {  	s5 =	sshll.u32 s26, $0x1;
	_ =	strace $0x80000049;
	[dreg:$0x1] =	wrdreg $0xFFFFFFFF  }
0xa7: {  	s28 =	simm.s32 $_size_execute0_lowered;
	s3 =	sadd.s32 s3, s5;
	[dreg:$0x0] =	wrdreg $0x0  }
0xa8: {  	s5 =	sshll.u32 s28, $0x1;
	[dreg:$0x2] =	wrdreg s3  }
0xa9: {  	[dreg:$0x3] =	wrdreg s5  }
0xaa: {  	[dreg:$0x4] =	wrdreg $0xC0  }
0xab: {  	_ =	task [dreg:s7], $0x5FFFF  }
0xac: {  	[dreg:$0x1] =	wrdreg $0xFFFFFFFF  }
0xad: {  	[dreg:$0x0] =	wrdreg $0x60  }
0xae: {  	[dreg:$0x2] =	wrdreg s24  }
0xaf: {  	[dreg:$0x3] =	wrdreg s2  }
0xb0: {  	[dreg:$0x4] =	wrdreg $0xB0000  }
0xb1: {  	[dreg:$0x5] =	wrdreg $0x9  }
0xb2: {  	_ =	task.clear_ibuf [dreg:s7], $0x6FFFF;
	_ =	strace $0x90000049  }
0xb3: {  	s29 =	simm.s32 $0x9;
	_ =	strace $0x8000004B  }
0xb4: {  	_ =	swait.ge [sflag:s29], $0x1  }
0xb5: {  	[sflag:s29] =	ssyncadd.s32 $0xFFFFFFFF  }
0xb6: {  	_ =	strace $0x9000004B  }
0xb7: {  	_ =	sfence  }
0xb8: {  	s30 =	sld [smem:$0x0];
	_ =	sdelay $0x2  }
0xb9: {  	s31 =	sshll.u32 s1, $0xD;
	s1 =	sshrl.u32 s1, $0x2  }
0xba: {  	s3 =	sand.u32 $0x4000, s31;
	s1 =	sadd.s32 s1, s30  }
0xbb: {  	s0 =	sor.u32 s3, s0;
	s1 =	sshll.u32 s1, $0x11  }
0xbc: {  	s0 =	sor.u32 s1, s0  }
0xbd: {  	s0 =	sadd.s32 $0x8F2B, s0  }
0xbe: {  	[sflag:s0] =	ssyncadd.remote.s32 $0x1  }
0xbf: {  	_ =	sfence.sel $0xFFFF  }
0xc0: {  	[dreg:$0x0] =	wrdreg $0xFFFFFFFF;
	(pc) =	sbr.abs _section_cstart, $3  }
0xc1: {  	[dreg:$0x1] =	wrdreg $0xFFFFFFFF  }
0xc2: {  	_ =	task.clear_ibuf [dreg:s7], $0x2FFFF;
	_ =	strace $0x9FFFFFFF  }
0xc3: {  	(tm) =	ssettm $0x7FFFFFFF  }
tec
execute0_lowered:
.L_overlay_start_1:
0x0: {  	(tag) =	ssettag $0x1  }
0x1: {  	s0 =	rddreg [dreg:$0x0]  }
0x2: {  	s2 =	rddreg [dreg:$0x1]  }
0x3: {  	s1 =	rddreg [dreg:$0x2];
	s3 =	simm.s32 $0x0  }
0x4: {  	s4 =	srdreg.scid;
	s10 =	stileid.u32;
	s13 =	simm.s32 $0x900  }
0x5: {  	s15 =	simm.s32 $0x980;
	[smem:$0x7FF] =	sst s3;
	s9 =	sadd.s32 $0x29200, s0  }
0x6: {  	s17 =	simm.s32 $0x80;
	_ =	strace $0x8000004A;
	[dreg:$0x1f] =	wrdreg s9  }
0x7: {  	s18 =	simm.s32 $0xA00;
	s20 =	simm.s32 $0xA80;
	[dreg:$0x6] =	wrdreg s13  }
0x8: {  	s21 =	simm.s32 $0x100;
	s23 =	simm.s32 $0x180;
	[dreg:$0x7] =	wrdreg s15  }
0x9: {  	s24 =	simm.s32 $0xB00;
	s25 =	simm.s32 $0xB80;
	[dreg:$0x8] =	wrdreg s17  }
0xa: {  	s28 =	simm.s32 $0x7;
	s29 =	simm.s32 $0x8;
	[dreg:$0x9] =	wrdreg s18  }
0xb: {  	s30 =	simm.s32 $0xB;
	s31 =	simm.s32 $0xC;
	[dreg:$0xa] =	wrdreg s20  }
0xc: {  	s5 =	sand.u32 $0x1, s4;
	s8 =	smul.u32 $0x14000, s10;
	[dreg:$0xb] =	wrdreg s21  }
0xd: {  	s7 =	sshll.u32 s10, $0xD;
	s16 =	smul.u32 $0x50000, s10;
	[dreg:$0xc] =	wrdreg s23  }
0xe: {  	s22 =	sshll.u32 s10, $0x6;
	s10 =	simm.s32 $0x280;
	[dreg:$0xd] =	wrdreg s24  }
0xf: {  	s6 =	smul.u32 $0x140000, s5;
	s4 =	sshll.u32 s5, $0x11;
	[dreg:$0xe] =	wrdreg s25  }
0x10: {  	s5 =	ssub.s32 $0x2, s5;
	[dreg:$0x10] =	wrdreg s10;
	s15 =	simm.s32 $0x380  }
0x11: {  	s17 =	simm.s32 $0xD80;
	s18 =	simm.s32 $0x480;
	s20 =	simm.s32 $0xE80  }
0x12: {  	s21 =	simm.s32 $0x500;
	s23 =	simm.s32 $0xF00;
	[dreg:$0x13] =	wrdreg s15  }
0x13: {  	s24 =	simm.s32 $0xF80;
	s25 =	simm.s32 $0x600;
	[dreg:$0x15] =	wrdreg s17  }
0x14: {  	s7 =	sor.u32 s7, s4;
	s4 =	sadd.s32 $0x2000, s0;
	[dreg:$0x16] =	wrdreg s18  }
0x15: {  	s14 =	sshrl.u32 s5, $0x1;
	s19 =	sshrl.u32 s16, $0x2;
	[dreg:$0x18] =	wrdreg s20  }
0x16: {  	s16 =	simm.s32 $0xD00;
	s15 =	simm.s32 $0x6000;
	[dreg:$0x19] =	wrdreg s21  }
0x17: {  	s17 =	simm.s32 $0x1;
	s18 =	simm.s32 $0x1000;
	[dreg:$0x1b] =	wrdreg s23  }
0x18: {  	s20 =	simm.s32 $0x3800;
	s21 =	simm.s32 $0x5;
	[dreg:$0x1c] =	wrdreg s24  }
0x19: {  	[dreg:$0x1d] =	wrdreg s25;
	s23 =	simm.s32 $0x400;
	s24 =	simm.s32 $0xC00  }
0x1a: {  	s25 =	simm.s32 $0x3;
	s26 =	sor.u32 $0x800, s7;
	s6 =	sadd.s32 s8, s6  }
0x1b: {  	s11 =	sor.u32 $0x40800, s7;
	s5 =	ssub.s32 s5, s14;
	s7 =	sshrl.u32 s7, $0x3  }
0x1c: {  	s14 =	simm.s32 $0x300;
	[dreg:$0x14] =	wrdreg s16;
	s9 =	sshrl.u32 s26, $0x3  }
0x1d: {  	s6 =	sshrl.u32 s6, $0x3;
	s26 =	simm.s32 $0x200;
	[dreg:$0x12] =	wrdreg s14  }
0x1e: {  	s13 =	smax.u32 s5, $0x1;
	s8 =	sadd.s32 s9, s2;
	[dreg:$0xf] =	wrdreg s26  }
0x1f: {  	s9 =	sshrl.u32 s11, $0x3;
	s0 =	sadd.s32 s6, s0;
	[smem:$0x7FC] =	sst s13  }
0x20: {  	s11 =	sadd.s32 s19, s1;
	s19 =	simm.s32 $0xE00;
	[dreg:$0x4] =	wrdreg s8  }
0x21: {  	s6 =	sor.u32 $0x1C0D, s22;
	s22 =	simm.s32 $0x580;
	[dreg:$0x17] =	wrdreg s19  }
0x22: {  	s16 =	simm.s32 $0x8800;
	s26 =	simm.s32 $0x680;
	[dreg:$0x1a] =	wrdreg s22  }
0x23: {  	s7 =	sadd.s32 s7, s2;
	s12 =	sadd.s32 s9, s2;
	[dreg:$0x1e] =	wrdreg s26  }
0x24: {  	s14 =	simm.s32 $0x50;
	s9 =	sadd.s32 $0x8000, s7;
	[dreg:$0x5] =	wrdreg s12  }
0x25: {  	s13 =	simm.s32 $0x0;
	s0 =	sadd.s32 $0x2BA00, s0;
	[smem:$0x7FA] =	sst s9  }
0x26: {  	s2 =	sshrl.u32 s11, $0x3;
	s19 =	simm.s32 $0x2;
	[smem:$0x7FB] =	sst s0  }
0x27: {  	s22 =	simm.s32 $0x6;
	s12 =	simm.s32 $0xC80;
	[smem:$0x7FD] =	sst s2  }
0x28: {  	s26 =	simm.s32 $0x4;
	[dreg:$0x11] =	wrdreg s12;
	s12 =	simm.s32 $0xD  }
.LBB2_1:
0x29: {  	s0 =	rddreg [dreg:$0x1f]  }
0x2a: {  	[spmem:s2], [sflag:s6] =	dma.local [hbm:s0], $0x2800  }
0x2b: {  	_ =	swait.ge [sflag:s12], $0x2800  }
0x2c: {  	[sflag:s12] =	ssyncset.done $0x0  }
0x2d: {  	[sflag:s12] =	ssyncadd.s32 $0xFFFFD800  }
0x2e: {  	p0 =	por $0x1, $0x1;
	[bflag:$0x0] =	sbarrier.arrive $0xFFFF  }
0x2f: {  	s11 =	smov.u32 s6;
	p0 =	por p0, p0;
	s6 =	sld [smem:$0x7FA]  }
0x30: {  	[tilespmem:s3], [sflag:$0x9] =	stream.linear.gather [hbm4b:s7+s3], $0x400, $0x38;
	[tilespmem:$0x1F000] =	vst v63  }
0x31: {  	s8 =	simm.s32 $0x800;
	s0 =	simm.s32 @p0 $0x9  }
0x32: {  	[tilespmem:s8], [sflag:$0xA] =	stream.linear.gather [hbm4b:s6+s3], $0x400, $0x38;
	[tilespmem:$0x1F000] =	vst v63  }
0x33: {  	_ =	swait.ge @p0 [sflag:s0], $0x400  }
0x34: {  	[sflag:s0] =	ssyncset.done @p0 $0x0  }
0x35: {  	[sflag:s0] =	ssyncadd.s32 @p0 $0xFFFFFC00;
	s0 =	simm.s32 @p0 $0xA  }
0x36: {  	_ =	swait.ge @p0 [sflag:s0], $0x400  }
0x37: {  	s2 =	simm.s32 @p0 $0x1000;
	[sflag:s0] =	ssyncset.done @p0 $0x0  }
0x38: {  	s5 =	simm.s32 @p0 $0x800;
	[sflag:s0] =	ssyncadd.s32 @p0 $0xFFFFFC00;
	s0 =	simm.s32 @p0 $0x50  }
0x39: {  	[tilespmem:s2], [sflag:$0x1] =	stream.indirect.gather @p0 [hbm4b:s4+s0], $0x80, s5, s0, $0xb8;
	[tilespmem:$0x1F000] =	vst v63  }
0x3a: {  	s8 =	simm.s32 @!p0 $0x5;
	s2 =	simm.s32 @p0 $0x880;
	s5 =	simm.s32 @p0 $0x3800  }
0x3b: {  	[tilespmem:s5], [sflag:$0x2] =	stream.indirect.gather @p0 [hbm4b:s4+s0], $0x80, s2, s0, $0xb8;
	[tilespmem:$0x1F000] =	vst v63  }
0x3c: {  	_ =	swait.ge @!p0 [sflag:s8], $0x2800  }
0x3d: {  	[sflag:s8] =	ssyncset.done @!p0 $0x0  }
0x3e: {  	s0 =	simm.s32 @!p0 $0x6;
	[sflag:s8] =	ssyncadd.s32 @!p0 $0xFFFFD800  }
0x3f: {  	_ =	swait.ge @!p0 [sflag:s0], $0x2800  }
0x40: {  	[sflag:s0] =	ssyncset.done @!p0 $0x0  }
0x41: {  	[sflag:s0] =	ssyncadd.s32 @!p0 $0xFFFFD800;
	s0 =	simm.s32 @!p0 $0x9  }
0x42: {  	_ =	swait.ge @!p0 [sflag:s0], $0x400  }
0x43: {  	[sflag:s0] =	ssyncset.done @!p0 $0x0  }
0x44: {  	[sflag:s0] =	ssyncadd.s32 @!p0 $0xFFFFFC00;
	s0 =	simm.s32 @!p0 $0xA  }
0x45: {  	_ =	swait.ge @!p0 [sflag:s0], $0x400  }
0x46: {  	s2 =	simm.s32 @!p0 $0x1000;
	[sflag:s0] =	ssyncset.done @!p0 $0x0  }
0x47: {  	s5 =	simm.s32 @!p0 $0x800;
	[sflag:s0] =	ssyncadd.s32 @!p0 $0xFFFFFC00;
	s0 =	simm.s32 @!p0 $0x50  }
0x48: {  	[tilespmem:s2], [sflag:$0x1] =	stream.indirect.gather @!p0 [hbm4b:s4+s0], $0x80, s5, s0, $0xb8;
	[tilespmem:$0x1F000] =	vst v63  }
0x49: {  	s8 =	simm.s32 @!p0 $0x3;
	s2 =	simm.s32 @!p0 $0x880;
	s5 =	simm.s32 @!p0 $0x3800  }
0x4a: {  	[tilespmem:s5], [sflag:$0x2] =	stream.indirect.gather @!p0 [hbm4b:s4+s0], $0x80, s2, s0, $0xb8;
	[tilespmem:$0x1F000] =	vst v63  }
0x4b: {  	_ =	swait.ge @!p0 [sflag:s8], $0x2800  }
0x4c: {  	s2 =	simm.s32 @!p0 $0x4;
	[sflag:s8] =	ssyncset.done @!p0 $0x0  }
0x4d: {  	s5 =	simm.s32 @!p0 $0x700;
	[sflag:s8] =	ssyncadd.s32 @!p0 $0xFFFFD800;
	s8 =	simm.s32 @!p0 $0x6000  }
0x4e: {  	[spmem:s1] =	stream.indirect.scatter.add.f32 @!p0 [tilespmem:s8], [sflag:$0x7], $0x80, s5, s0, $0xb8;
	[tilespmem:$0x1F000] =	vst v63  }
0x4f: {  	_ =	swait.ge @!p0 [sflag:s2], $0x2800  }
0x50: {  	s5 =	simm.s32 @!p0 $0x7;
	[sflag:s2] =	ssyncset.done @!p0 $0x0  }
0x51: {  	s8 =	simm.s32 @!p0 $0x8800;
	[sflag:s2] =	ssyncadd.s32 @!p0 $0xFFFFD800;
	s2 =	simm.s32 @!p0 $0x780  }
0x52: {  	[spmem:s1] =	stream.indirect.scatter.add.f32 @!p0 [tilespmem:s8], [sflag:$0x8], $0x80, s2, s0, $0xb8;
	[tilespmem:$0x1F000] =	vst v63  }
0x53: {  	_ =	swait.ge @!p0 [sflag:s5], $0x2800  }
0x54: {  	[sflag:s5] =	ssyncset.done @!p0 $0x0  }
0x55: {  	s0 =	simm.s32 @!p0 $0x8;
	[sflag:s5] =	ssyncadd.s32 @!p0 $0xFFFFD800  }
0x56: {  	_ =	swait.ge @!p0 [sflag:s0], $0x2800  }
0x57: {  	[sflag:s0] =	ssyncset.done @!p0 $0x0  }
0x58: {  	s9 =	rddreg [dreg:$0x6];
	[sflag:s0] =	ssyncadd.s32 @!p0 $0xFFFFD800  }
0x59: {  	[tilespmem:s15], [sflag:$0x3] =	stream.indirect.gather [hbm4b:s4+s14], $0x80, s9, s14, $0xb8;
	[tilespmem:$0x1F000] =	vst v63  }
0x5a: {  	s10 =	rddreg [dreg:$0x7]  }
0x5b: {  	[tilespmem:s16], [sflag:$0x4] =	stream.indirect.gather [hbm4b:s4+s14], $0x80, s10, s14, $0xb8;
	[tilespmem:$0x1F000] =	vst v63  }
0x5c: {  	_ =	swait.ge [sflag:s17], $0x2800  }
0x5d: {  	[sflag:s17] =	ssyncset.done $0x0  }
0x5e: {  	[sflag:s17] =	ssyncadd.s32 $0xFFFFD800  }
0x5f: {  	[spmem:s1] =	stream.indirect.scatter.add.f32 [tilespmem:s18], [sflag:$0x5], $0x80, s3, s14, $0xb8;
	[tilespmem:$0x1F000] =	vst v63  }
0x60: {  	_ =	swait.ge [sflag:s19], $0x2800  }
0x61: {  	[sflag:s19] =	ssyncset.done $0x0  }
0x62: {  	s2 =	rddreg [dreg:$0x8];
	[sflag:s19] =	ssyncadd.s32 $0xFFFFD800  }
0x63: {  	[spmem:s1] =	stream.indirect.scatter.add.f32 [tilespmem:s20], [sflag:$0x6], $0x80, s2, s14, $0xb8;
	[tilespmem:$0x1F000] =	vst v63  }
0x64: {  	_ =	swait.ge [sflag:s21], $0x2800  }
0x65: {  	[sflag:s21] =	ssyncset.done $0x0  }
0x66: {  	[sflag:s21] =	ssyncadd.s32 $0xFFFFD800  }
0x67: {  	_ =	swait.ge [sflag:s22], $0x2800  }
0x68: {  	s5 =	sadd.s32 $0x0, s7;
	[sflag:s22] =	ssyncset.done $0x0  }
0x69: {  	s6 =	sadd.s32 $0x80, s5;
	[sflag:s22] =	ssyncadd.s32 $0xFFFFD800  }
0x6a: {  	[tilespmem:s23], [sflag:$0xB] =	stream.linear.gather [hbm4b:s6+s3], $0x400, $0x38;
	[tilespmem:$0x1F000] =	vst v63  }
0x6b: {  	s0 =	sadd.s32 $0x8080, s5  }
0x6c: {  	[tilespmem:s24], [sflag:$0xC] =	stream.linear.gather [hbm4b:s0+s3], $0x400, $0x38;
	[tilespmem:$0x1F000] =	vst v63  }
0x6d: {  	s8 =	rddreg [dreg:$0x9]  }
0x6e: {  	[tilespmem:s18], [sflag:$0x1] =	stream.indirect.gather [hbm4b:s4+s14], $0x80, s8, s14, $0xb8;
	[tilespmem:$0x1F000] =	vst v63  }
0x6f: {  	s9 =	rddreg [dreg:$0xa]  }
0x70: {  	[tilespmem:s20], [sflag:$0x2] =	stream.indirect.gather [hbm4b:s4+s14], $0x80, s9, s14, $0xb8;
	[tilespmem:$0x1F000] =	vst v63  }
0x71: {  	_ =	swait.ge [sflag:s25], $0x2800  }
0x72: {  	[sflag:s25] =	ssyncset.done $0x0  }
0x73: {  	s10 =	rddreg [dreg:$0xb];
	[sflag:s25] =	ssyncadd.s32 $0xFFFFD800  }
0x74: {  	[spmem:s1] =	stream.indirect.scatter.add.f32 [tilespmem:s15], [sflag:$0x7], $0x80, s10, s14, $0xb8;
	[tilespmem:$0x1F000] =	vst v63  }
0x75: {  	_ =	swait.ge [sflag:s26], $0x2800  }
0x76: {  	[sflag:s26] =	ssyncset.done $0x0  }
0x77: {  	s2 =	rddreg [dreg:$0xc];
	[sflag:s26] =	ssyncadd.s32 $0xFFFFD800  }
0x78: {  	[spmem:s1] =	stream.indirect.scatter.add.f32 [tilespmem:s16], [sflag:$0x8], $0x80, s2, s14, $0xb8;
	[tilespmem:$0x1F000] =	vst v63  }
0x79: {  	_ =	swait.ge [sflag:s28], $0x2800  }
0x7a: {  	[sflag:s28] =	ssyncset.done $0x0  }
0x7b: {  	[sflag:s28] =	ssyncadd.s32 $0xFFFFD800  }
0x7c: {  	_ =	swait.ge [sflag:s29], $0x2800  }
0x7d: {  	[sflag:s29] =	ssyncset.done $0x0  }
0x7e: {  	s5 =	rddreg [dreg:$0xd];
	[sflag:s29] =	ssyncadd.s32 $0xFFFFD800  }
0x7f: {  	[tilespmem:s15], [sflag:$0x3] =	stream.indirect.gather [hbm4b:s4+s14], $0x80, s5, s14, $0xb8;
	[tilespmem:$0x1F000] =	vst v63  }
0x80: {  	s6 =	rddreg [dreg:$0xe]  }
0x81: {  	[tilespmem:s16], [sflag:$0x4] =	stream.indirect.gather [hbm4b:s4+s14], $0x80, s6, s14, $0xb8;
	[tilespmem:$0x1F000] =	vst v63  }
0x82: {  	_ =	swait.ge [sflag:s17], $0x2800  }
0x83: {  	[sflag:s17] =	ssyncset.done $0x0  }
0x84: {  	s8 =	rddreg [dreg:$0xf];
	[sflag:s17] =	ssyncadd.s32 $0xFFFFD800  }
0x85: {  	[spmem:s1] =	stream.indirect.scatter.add.f32 [tilespmem:s18], [sflag:$0x5], $0x80, s8, s14, $0xb8;
	[tilespmem:$0x1F000] =	vst v63  }
0x86: {  	_ =	swait.ge [sflag:s19], $0x2800  }
0x87: {  	[sflag:s19] =	ssyncset.done $0x0  }
0x88: {  	s9 =	rddreg [dreg:$0x10];
	[sflag:s19] =	ssyncadd.s32 $0xFFFFD800  }
0x89: {  	[spmem:s1] =	stream.indirect.scatter.add.f32 [tilespmem:s20], [sflag:$0x6], $0x80, s9, s14, $0xb8;
	[tilespmem:$0x1F000] =	vst v63  }
0x8a: {  	_ =	swait.ge [sflag:s21], $0x2800  }
0x8b: {  	[sflag:s21] =	ssyncset.done $0x0  }
0x8c: {  	[sflag:s21] =	ssyncadd.s32 $0xFFFFD800  }
0x8d: {  	_ =	swait.ge [sflag:s22], $0x2800  }
0x8e: {  	[sflag:s22] =	ssyncset.done $0x0  }
0x8f: {  	[sflag:s22] =	ssyncadd.s32 $0xFFFFD800  }
0x90: {  	_ =	swait.ge [sflag:s30], $0x400  }
0x91: {  	[sflag:s30] =	ssyncset.done $0x0  }
0x92: {  	[sflag:s30] =	ssyncadd.s32 $0xFFFFFC00  }
0x93: {  	_ =	swait.ge [sflag:s31], $0x400  }
0x94: {  	[sflag:s31] =	ssyncset.done $0x0  }
0x95: {  	[sflag:s31] =	ssyncadd.s32 $0xFFFFFC00  }
0x96: {  	[tilespmem:s18], [sflag:$0x1] =	stream.indirect.gather [hbm4b:s4+s14], $0x80, s24, s14, $0xb8;
	[tilespmem:$0x1F000] =	vst v63  }
0x97: {  	s10 =	rddreg [dreg:$0x11]  }
0x98: {  	[tilespmem:s20], [sflag:$0x2] =	stream.indirect.gather [hbm4b:s4+s14], $0x80, s10, s14, $0xb8;
	[tilespmem:$0x1F000] =	vst v63  }
0x99: {  	_ =	swait.ge [sflag:s25], $0x2800  }
0x9a: {  	[sflag:s25] =	ssyncset.done $0x0  }
0x9b: {  	s2 =	rddreg [dreg:$0x12];
	[sflag:s25] =	ssyncadd.s32 $0xFFFFD800  }
0x9c: {  	[spmem:s1] =	stream.indirect.scatter.add.f32 [tilespmem:s15], [sflag:$0x7], $0x80, s2, s14, $0xb8;
	[tilespmem:$0x1F000] =	vst v63  }
0x9d: {  	_ =	swait.ge [sflag:s26], $0x2800  }
0x9e: {  	[sflag:s26] =	ssyncset.done $0x0  }
0x9f: {  	s5 =	rddreg [dreg:$0x13];
	[sflag:s26] =	ssyncadd.s32 $0xFFFFD800  }
0xa0: {  	[spmem:s1] =	stream.indirect.scatter.add.f32 [tilespmem:s16], [sflag:$0x8], $0x80, s5, s14, $0xb8;
	[tilespmem:$0x1F000] =	vst v63  }
0xa1: {  	_ =	swait.ge [sflag:s28], $0x2800  }
0xa2: {  	[sflag:s28] =	ssyncset.done $0x0  }
0xa3: {  	[sflag:s28] =	ssyncadd.s32 $0xFFFFD800  }
0xa4: {  	_ =	swait.ge [sflag:s29], $0x2800  }
0xa5: {  	[sflag:s29] =	ssyncset.done $0x0  }
0xa6: {  	s6 =	rddreg [dreg:$0x14];
	[sflag:s29] =	ssyncadd.s32 $0xFFFFD800  }
0xa7: {  	[tilespmem:s15], [sflag:$0x3] =	stream.indirect.gather [hbm4b:s4+s14], $0x80, s6, s14, $0xb8;
	[tilespmem:$0x1F000] =	vst v63  }
0xa8: {  	s8 =	rddreg [dreg:$0x15]  }
0xa9: {  	[tilespmem:s16], [sflag:$0x4] =	stream.indirect.gather [hbm4b:s4+s14], $0x80, s8, s14, $0xb8;
	[tilespmem:$0x1F000] =	vst v63  }
0xaa: {  	_ =	swait.ge [sflag:s17], $0x2800  }
0xab: {  	[sflag:s17] =	ssyncset.done $0x0  }
0xac: {  	[sflag:s17] =	ssyncadd.s32 $0xFFFFD800  }
0xad: {  	[spmem:s1] =	stream.indirect.scatter.add.f32 [tilespmem:s18], [sflag:$0x5], $0x80, s23, s14, $0xb8;
	[tilespmem:$0x1F000] =	vst v63  }
0xae: {  	_ =	swait.ge [sflag:s19], $0x2800  }
0xaf: {  	[sflag:s19] =	ssyncset.done $0x0  }
0xb0: {  	s9 =	rddreg [dreg:$0x16];
	[sflag:s19] =	ssyncadd.s32 $0xFFFFD800  }
0xb1: {  	[spmem:s1] =	stream.indirect.scatter.add.f32 [tilespmem:s20], [sflag:$0x6], $0x80, s9, s14, $0xb8;
	[tilespmem:$0x1F000] =	vst v63  }
0xb2: {  	_ =	swait.ge [sflag:s21], $0x2800  }
0xb3: {  	[sflag:s21] =	ssyncset.done $0x0  }
0xb4: {  	[sflag:s21] =	ssyncadd.s32 $0xFFFFD800  }
0xb5: {  	p0 =	por $0x0, $0x0;
	_ =	swait.ge [sflag:s22], $0x2800  }
0xb6: {  	s5 =	simm.s32 @!p0 $0x0;
	s0 =	rddreg [dreg:$0x4];
	[sflag:s22] =	ssyncset.done $0x0  }
0xb7: {  	s2 =	rddreg [dreg:$0x5];
	[sflag:s22] =	ssyncadd.s32 $0xFFFFD800;
	s0 =	sadd.s32 @!p0 $0x0, s0  }
0xb8: {  	[tilespmem:s5], [sflag:$0x9] =	stream.linear.gather @!p0 [hbm4b:s0+s5], $0x400, $0x38;
	[tilespmem:$0x1F000] =	vst v63  }
0xb9: {  	s0 =	sadd.s32 @!p0 $0x0, s2;
	s2 =	simm.s32 @!p0 $0x800  }
0xba: {  	[tilespmem:s2], [sflag:$0xA] =	stream.linear.gather @!p0 [hbm4b:s0+s5], $0x400, $0x38;
	[tilespmem:$0x1F000] =	vst v63  }
0xbb: {  	s10 =	rddreg [dreg:$0x17]  }
0xbc: {  	[tilespmem:s18], [sflag:$0x1] =	stream.indirect.gather [hbm4b:s4+s14], $0x80, s10, s14, $0xb8;
	[tilespmem:$0x1F000] =	vst v63  }
0xbd: {  	s2 =	rddreg [dreg:$0x18]  }
0xbe: {  	[tilespmem:s20], [sflag:$0x2] =	stream.indirect.gather [hbm4b:s4+s14], $0x80, s2, s14, $0xb8;
	[tilespmem:$0x1F000] =	vst v63  }
0xbf: {  	_ =	swait.ge [sflag:s25], $0x2800  }
0xc0: {  	[sflag:s25] =	ssyncset.done $0x0  }
0xc1: {  	s5 =	rddreg [dreg:$0x19];
	[sflag:s25] =	ssyncadd.s32 $0xFFFFD800  }
0xc2: {  	[spmem:s1] =	stream.indirect.scatter.add.f32 [tilespmem:s15], [sflag:$0x7], $0x80, s5, s14, $0xb8;
	[tilespmem:$0x1F000] =	vst v63  }
0xc3: {  	_ =	swait.ge [sflag:s26], $0x2800  }
0xc4: {  	[sflag:s26] =	ssyncset.done $0x0  }
0xc5: {  	s6 =	rddreg [dreg:$0x1a];
	[sflag:s26] =	ssyncadd.s32 $0xFFFFD800  }
0xc6: {  	[spmem:s1] =	stream.indirect.scatter.add.f32 [tilespmem:s16], [sflag:$0x8], $0x80, s6, s14, $0xb8;
	[tilespmem:$0x1F000] =	vst v63  }
0xc7: {  	_ =	swait.ge [sflag:s28], $0x2800  }
0xc8: {  	[sflag:s28] =	ssyncset.done $0x0  }
0xc9: {  	[sflag:s28] =	ssyncadd.s32 $0xFFFFD800  }
0xca: {  	_ =	swait.ge [sflag:s29], $0x2800  }
0xcb: {  	[sflag:s29] =	ssyncset.done $0x0  }
0xcc: {  	s8 =	rddreg [dreg:$0x1b];
	[sflag:s29] =	ssyncadd.s32 $0xFFFFD800  }
0xcd: {  	[tilespmem:s15], [sflag:$0x3] =	stream.indirect.gather [hbm4b:s4+s14], $0x80, s8, s14, $0xb8;
	[tilespmem:$0x1F000] =	vst v63  }
0xce: {  	s9 =	rddreg [dreg:$0x1c]  }
0xcf: {  	[tilespmem:s16], [sflag:$0x4] =	stream.indirect.gather [hbm4b:s4+s14], $0x80, s9, s14, $0xb8;
	[tilespmem:$0x1F000] =	vst v63  }
0xd0: {  	_ =	swait.ge [sflag:s17], $0x2800  }
0xd1: {  	[sflag:s17] =	ssyncset.done $0x0  }
0xd2: {  	s10 =	rddreg [dreg:$0x1d];
	[sflag:s17] =	ssyncadd.s32 $0xFFFFD800  }
0xd3: {  	[spmem:s1] =	stream.indirect.scatter.add.f32 [tilespmem:s18], [sflag:$0x5], $0x80, s10, s14, $0xb8;
	[tilespmem:$0x1F000] =	vst v63  }
0xd4: {  	p6 =	por $0x0, $0x0;
	_ =	swait.ge [sflag:s19], $0x2800  }
0xd5: {  	s0 =	simm.s32 $0x100;
	p0 =	por p6, p6;
	[sflag:s19] =	ssyncset.done $0x0  }
0xd6: {  	s2 =	simm.s32 $0x200;
	s5 =	rddreg [dreg:$0x1e];
	[sflag:s19] =	ssyncadd.s32 $0xFFFFD800  }
.LBB2_2:
0xd7: {  	[spmem:s1] =	stream.indirect.scatter.add.f32 [tilespmem:s20], [sflag:$0x6], $0x80, s5, s14, $0xb8;
	[tilespmem:$0x1F000] =	vst v63  }
0xd8: {  	s8 =	simm.s32 @p0 $0x9  }
0xd9: {  	_ =	swait.ge @p0 [sflag:s8], $0x400  }
0xda: {  	[sflag:s8] =	ssyncset.done @p0 $0x0  }
0xdb: {  	[sflag:s8] =	ssyncadd.s32 @p0 $0xFFFFFC00;
	s8 =	simm.s32 @p0 $0xA  }
0xdc: {  	_ =	swait.ge @p0 [sflag:s8], $0x400  }
0xdd: {  	s9 =	simm.s32 @p0 $0x1000;
	[sflag:s8] =	ssyncset.done @p0 $0x0  }
0xde: {  	s10 =	simm.s32 @p0 $0x800;
	[sflag:s8] =	ssyncadd.s32 @p0 $0xFFFFFC00;
	s8 =	simm.s32 @p0 $0x50  }
0xdf: {  	[tilespmem:s9], [sflag:$0x1] =	stream.indirect.gather @p0 [hbm4b:s4+s8], $0x80, s10, s8, $0xb8;
	[tilespmem:$0x1F000] =	vst v63  }
0xe0: {  	s6 =	simm.s32 @!p0 $0x5;
	s9 =	simm.s32 @p0 $0x880;
	s10 =	simm.s32 @p0 $0x3800  }
0xe1: {  	[tilespmem:s10], [sflag:$0x2] =	stream.indirect.gather @p0 [hbm4b:s4+s8], $0x80, s9, s8, $0xb8;
	[tilespmem:$0x1F000] =	vst v63  }
0xe2: {  	_ =	swait.ge @!p0 [sflag:s6], $0x2800  }
0xe3: {  	[sflag:s6] =	ssyncset.done @!p0 $0x0  }
0xe4: {  	[sflag:s6] =	ssyncadd.s32 @!p0 $0xFFFFD800;
	s6 =	simm.s32 @!p0 $0x6  }
0xe5: {  	_ =	swait.ge @!p0 [sflag:s6], $0x2800  }
0xe6: {  	[sflag:s6] =	ssyncset.done @!p0 $0x0  }
0xe7: {  	[sflag:s6] =	ssyncadd.s32 @!p0 $0xFFFFD800;
	s6 =	simm.s32 @!p0 $0x9  }
0xe8: {  	_ =	swait.ge @!p0 [sflag:s6], $0x400  }
0xe9: {  	[sflag:s6] =	ssyncset.done @!p0 $0x0  }
0xea: {  	[sflag:s6] =	ssyncadd.s32 @!p0 $0xFFFFFC00;
	s6 =	simm.s32 @!p0 $0xA  }
0xeb: {  	_ =	swait.ge @!p0 [sflag:s6], $0x400  }
0xec: {  	s8 =	simm.s32 @!p0 $0x1000;
	[sflag:s6] =	ssyncset.done @!p0 $0x0  }
0xed: {  	s9 =	simm.s32 @!p0 $0x800;
	[sflag:s6] =	ssyncadd.s32 @!p0 $0xFFFFFC00;
	s6 =	simm.s32 @!p0 $0x50  }
0xee: {  	[tilespmem:s8], [sflag:$0x1] =	stream.indirect.gather @!p0 [hbm4b:s4+s6], $0x80, s9, s6, $0xb8;
	[tilespmem:$0x1F000] =	vst v63  }
0xef: {  	s10 =	simm.s32 @!p0 $0x3;
	s8 =	simm.s32 @!p0 $0x880;
	s9 =	simm.s32 @!p0 $0x3800  }
0xf0: {  	[tilespmem:s9], [sflag:$0x2] =	stream.indirect.gather @!p0 [hbm4b:s4+s6], $0x80, s8, s6, $0xb8;
	[tilespmem:$0x1F000] =	vst v63  }
0xf1: {  	_ =	swait.ge @!p0 [sflag:s10], $0x2800  }
0xf2: {  	s8 =	simm.s32 @!p0 $0x4;
	[sflag:s10] =	ssyncset.done @!p0 $0x0  }
0xf3: {  	s9 =	simm.s32 @!p0 $0x700;
	[sflag:s10] =	ssyncadd.s32 @!p0 $0xFFFFD800;
	s10 =	simm.s32 @!p0 $0x6000  }
0xf4: {  	[spmem:s1] =	stream.indirect.scatter.add.f32 @!p0 [tilespmem:s10], [sflag:$0x7], $0x80, s9, s6, $0xb8;
	[tilespmem:$0x1F000] =	vst v63  }
0xf5: {  	_ =	swait.ge @!p0 [sflag:s8], $0x2800  }
0xf6: {  	s9 =	simm.s32 @!p0 $0x7;
	[sflag:s8] =	ssyncset.done @!p0 $0x0  }
0xf7: {  	s10 =	simm.s32 @!p0 $0x8800;
	[sflag:s8] =	ssyncadd.s32 @!p0 $0xFFFFD800;
	s8 =	simm.s32 @!p0 $0x780  }
0xf8: {  	[spmem:s1] =	stream.indirect.scatter.add.f32 @!p0 [tilespmem:s10], [sflag:$0x8], $0x80, s8, s6, $0xb8;
	[tilespmem:$0x1F000] =	vst v63  }
0xf9: {  	_ =	swait.ge @!p0 [sflag:s9], $0x2800  }
0xfa: {  	[sflag:s9] =	ssyncset.done @!p0 $0x0  }
0xfb: {  	s6 =	simm.s32 @!p0 $0x8;
	[sflag:s9] =	ssyncadd.s32 @!p0 $0xFFFFD800  }
0xfc: {  	_ =	swait.ge @!p0 [sflag:s6], $0x2800  }
0xfd: {  	[sflag:s6] =	ssyncset.done @!p0 $0x0  }
0xfe: {  	s9 =	rddreg [dreg:$0x6];
	[sflag:s6] =	ssyncadd.s32 @!p0 $0xFFFFD800  }
0xff: {  	[tilespmem:s15], [sflag:$0x3] =	stream.indirect.gather [hbm4b:s4+s14], $0x80, s9, s14, $0xb8;
	[tilespmem:$0x1F000] =	vst v63  }
0x100: {  	s10 =	rddreg [dreg:$0x7]  }
0x101: {  	[tilespmem:s16], [sflag:$0x4] =	stream.indirect.gather [hbm4b:s4+s14], $0x80, s10, s14, $0xb8;
	[tilespmem:$0x1F000] =	vst v63  }
0x102: {  	_ =	swait.ge [sflag:s17], $0x2800  }
0x103: {  	[sflag:s17] =	ssyncset.done $0x0  }
0x104: {  	[sflag:s17] =	ssyncadd.s32 $0xFFFFD800  }
0x105: {  	[spmem:s1] =	stream.indirect.scatter.add.f32 [tilespmem:s18], [sflag:$0x5], $0x80, s3, s14, $0xb8;
	[tilespmem:$0x1F000] =	vst v63  }
0x106: {  	_ =	swait.ge [sflag:s19], $0x2800  }
0x107: {  	[sflag:s19] =	ssyncset.done $0x0  }
0x108: {  	s8 =	rddreg [dreg:$0x8];
	[sflag:s19] =	ssyncadd.s32 $0xFFFFD800  }
0x109: {  	[spmem:s1] =	stream.indirect.scatter.add.f32 [tilespmem:s20], [sflag:$0x6], $0x80, s8, s14, $0xb8;
	[tilespmem:$0x1F000] =	vst v63  }
0x10a: {  	_ =	swait.ge [sflag:s21], $0x2800  }
0x10b: {  	[sflag:s21] =	ssyncset.done $0x0  }
0x10c: {  	[sflag:s21] =	ssyncadd.s32 $0xFFFFD800  }
0x10d: {  	_ =	swait.ge [sflag:s22], $0x2800  }
0x10e: {  	s9 =	sadd.s32 s0, s7;
	[sflag:s22] =	ssyncset.done $0x0  }
0x10f: {  	s10 =	sadd.s32 $0x80, s9;
	[sflag:s22] =	ssyncadd.s32 $0xFFFFD800  }
0x110: {  	[tilespmem:s23], [sflag:$0xB] =	stream.linear.gather [hbm4b:s10+s3], $0x400, $0x38;
	[tilespmem:$0x1F000] =	vst v63  }
0x111: {  	s6 =	sadd.s32 $0x8080, s9  }
0x112: {  	[tilespmem:s24], [sflag:$0xC] =	stream.linear.gather [hbm4b:s6+s3], $0x400, $0x38;
	[tilespmem:$0x1F000] =	vst v63  }
0x113: {  	s9 =	rddreg [dreg:$0x9]  }
0x114: {  	[tilespmem:s18], [sflag:$0x1] =	stream.indirect.gather [hbm4b:s4+s14], $0x80, s9, s14, $0xb8;
	[tilespmem:$0x1F000] =	vst v63  }
0x115: {  	s10 =	rddreg [dreg:$0xa]  }
0x116: {  	[tilespmem:s20], [sflag:$0x2] =	stream.indirect.gather [hbm4b:s4+s14], $0x80, s10, s14, $0xb8;
	[tilespmem:$0x1F000] =	vst v63  }
0x117: {  	_ =	swait.ge [sflag:s25], $0x2800  }
0x118: {  	[sflag:s25] =	ssyncset.done $0x0  }
0x119: {  	s9 =	rddreg [dreg:$0xb];
	[sflag:s25] =	ssyncadd.s32 $0xFFFFD800  }
0x11a: {  	[spmem:s1] =	stream.indirect.scatter.add.f32 [tilespmem:s15], [sflag:$0x7], $0x80, s9, s14, $0xb8;
	[tilespmem:$0x1F000] =	vst v63  }
0x11b: {  	_ =	swait.ge [sflag:s26], $0x2800  }
0x11c: {  	[sflag:s26] =	ssyncset.done $0x0  }
0x11d: {  	s10 =	rddreg [dreg:$0xc];
	[sflag:s26] =	ssyncadd.s32 $0xFFFFD800  }
0x11e: {  	[spmem:s1] =	stream.indirect.scatter.add.f32 [tilespmem:s16], [sflag:$0x8], $0x80, s10, s14, $0xb8;
	[tilespmem:$0x1F000] =	vst v63  }
0x11f: {  	_ =	swait.ge [sflag:s28], $0x2800  }
0x120: {  	[sflag:s28] =	ssyncset.done $0x0  }
0x121: {  	[sflag:s28] =	ssyncadd.s32 $0xFFFFD800  }
0x122: {  	_ =	swait.ge [sflag:s29], $0x2800  }
0x123: {  	[sflag:s29] =	ssyncset.done $0x0  }
0x124: {  	s8 =	rddreg [dreg:$0xd];
	[sflag:s29] =	ssyncadd.s32 $0xFFFFD800  }
0x125: {  	[tilespmem:s15], [sflag:$0x3] =	stream.indirect.gather [hbm4b:s4+s14], $0x80, s8, s14, $0xb8;
	[tilespmem:$0x1F000] =	vst v63  }
0x126: {  	s9 =	rddreg [dreg:$0xe]  }
0x127: {  	[tilespmem:s16], [sflag:$0x4] =	stream.indirect.gather [hbm4b:s4+s14], $0x80, s9, s14, $0xb8;
	[tilespmem:$0x1F000] =	vst v63  }
0x128: {  	_ =	swait.ge [sflag:s17], $0x2800  }
0x129: {  	[sflag:s17] =	ssyncset.done $0x0  }
0x12a: {  	s10 =	rddreg [dreg:$0xf];
	[sflag:s17] =	ssyncadd.s32 $0xFFFFD800  }
0x12b: {  	[spmem:s1] =	stream.indirect.scatter.add.f32 [tilespmem:s18], [sflag:$0x5], $0x80, s10, s14, $0xb8;
	[tilespmem:$0x1F000] =	vst v63  }
0x12c: {  	_ =	swait.ge [sflag:s19], $0x2800  }
0x12d: {  	[sflag:s19] =	ssyncset.done $0x0  }
0x12e: {  	s8 =	rddreg [dreg:$0x10];
	[sflag:s19] =	ssyncadd.s32 $0xFFFFD800  }
0x12f: {  	[spmem:s1] =	stream.indirect.scatter.add.f32 [tilespmem:s20], [sflag:$0x6], $0x80, s8, s14, $0xb8;
	[tilespmem:$0x1F000] =	vst v63  }
0x130: {  	_ =	swait.ge [sflag:s21], $0x2800  }
0x131: {  	[sflag:s21] =	ssyncset.done $0x0  }
0x132: {  	[sflag:s21] =	ssyncadd.s32 $0xFFFFD800  }
0x133: {  	_ =	swait.ge [sflag:s22], $0x2800  }
0x134: {  	[sflag:s22] =	ssyncset.done $0x0  }
0x135: {  	[sflag:s22] =	ssyncadd.s32 $0xFFFFD800  }
0x136: {  	_ =	swait.ge [sflag:s30], $0x400  }
0x137: {  	[sflag:s30] =	ssyncset.done $0x0  }
0x138: {  	[sflag:s30] =	ssyncadd.s32 $0xFFFFFC00  }
0x139: {  	_ =	swait.ge [sflag:s31], $0x400  }
0x13a: {  	[sflag:s31] =	ssyncset.done $0x0  }
0x13b: {  	[sflag:s31] =	ssyncadd.s32 $0xFFFFFC00  }
0x13c: {  	[tilespmem:s18], [sflag:$0x1] =	stream.indirect.gather [hbm4b:s4+s14], $0x80, s24, s14, $0xb8;
	[tilespmem:$0x1F000] =	vst v63  }
0x13d: {  	s9 =	rddreg [dreg:$0x11]  }
0x13e: {  	[tilespmem:s20], [sflag:$0x2] =	stream.indirect.gather [hbm4b:s4+s14], $0x80, s9, s14, $0xb8;
	[tilespmem:$0x1F000] =	vst v63  }
0x13f: {  	_ =	swait.ge [sflag:s25], $0x2800  }
0x140: {  	[sflag:s25] =	ssyncset.done $0x0  }
0x141: {  	s10 =	rddreg [dreg:$0x12];
	[sflag:s25] =	ssyncadd.s32 $0xFFFFD800  }
0x142: {  	[spmem:s1] =	stream.indirect.scatter.add.f32 [tilespmem:s15], [sflag:$0x7], $0x80, s10, s14, $0xb8;
	[tilespmem:$0x1F000] =	vst v63  }
0x143: {  	_ =	swait.ge [sflag:s26], $0x2800  }
0x144: {  	[sflag:s26] =	ssyncset.done $0x0  }
0x145: {  	s8 =	rddreg [dreg:$0x13];
	[sflag:s26] =	ssyncadd.s32 $0xFFFFD800  }
0x146: {  	[spmem:s1] =	stream.indirect.scatter.add.f32 [tilespmem:s16], [sflag:$0x8], $0x80, s8, s14, $0xb8;
	[tilespmem:$0x1F000] =	vst v63  }
0x147: {  	_ =	swait.ge [sflag:s28], $0x2800  }
0x148: {  	[sflag:s28] =	ssyncset.done $0x0  }
0x149: {  	[sflag:s28] =	ssyncadd.s32 $0xFFFFD800  }
0x14a: {  	_ =	swait.ge [sflag:s29], $0x2800  }
0x14b: {  	[sflag:s29] =	ssyncset.done $0x0  }
0x14c: {  	s9 =	rddreg [dreg:$0x14];
	[sflag:s29] =	ssyncadd.s32 $0xFFFFD800  }
0x14d: {  	[tilespmem:s15], [sflag:$0x3] =	stream.indirect.gather [hbm4b:s4+s14], $0x80, s9, s14, $0xb8;
	[tilespmem:$0x1F000] =	vst v63  }
0x14e: {  	s10 =	rddreg [dreg:$0x15]  }
0x14f: {  	[tilespmem:s16], [sflag:$0x4] =	stream.indirect.gather [hbm4b:s4+s14], $0x80, s10, s14, $0xb8;
	[tilespmem:$0x1F000] =	vst v63  }
0x150: {  	_ =	swait.ge [sflag:s17], $0x2800  }
0x151: {  	[sflag:s17] =	ssyncset.done $0x0  }
0x152: {  	[sflag:s17] =	ssyncadd.s32 $0xFFFFD800  }
0x153: {  	[spmem:s1] =	stream.indirect.scatter.add.f32 [tilespmem:s18], [sflag:$0x5], $0x80, s23, s14, $0xb8;
	[tilespmem:$0x1F000] =	vst v63  }
0x154: {  	_ =	swait.ge [sflag:s19], $0x2800  }
0x155: {  	[sflag:s19] =	ssyncset.done $0x0  }
0x156: {  	s9 =	rddreg [dreg:$0x16];
	[sflag:s19] =	ssyncadd.s32 $0xFFFFD800  }
0x157: {  	[spmem:s1] =	stream.indirect.scatter.add.f32 [tilespmem:s20], [sflag:$0x6], $0x80, s9, s14, $0xb8;
	[tilespmem:$0x1F000] =	vst v63  }
0x158: {  	_ =	swait.ge [sflag:s21], $0x2800  }
0x159: {  	s5 =	smov.u32 s2;
	[sflag:s21] =	ssyncset.done $0x0  }
0x15a: {  	p2 =	seq.s32 s5, $0x0;
	[sflag:s21] =	ssyncadd.s32 $0xFFFFD800  }
0x15b: {  	p0 =	por p2, p2;
	p2 =	seq.s32 s0, $0x300;
	_ =	swait.ge [sflag:s22], $0x2800  }
0x15c: {  	s9 =	simm.s32 @!p2 $0x0;
	s6 =	rddreg [dreg:$0x4];
	[sflag:s22] =	ssyncset.done $0x0  }
0x15d: {  	s8 =	rddreg [dreg:$0x5];
	[sflag:s22] =	ssyncadd.s32 $0xFFFFD800;
	s6 =	sadd.s32 @!p2 s0, s6  }
0x15e: {  	[tilespmem:s9], [sflag:$0x9] =	stream.linear.gather @!p2 [hbm4b:s6+s9], $0x400, $0x38;
	[tilespmem:$0x1F000] =	vst v63  }
0x15f: {  	s0 =	sadd.s32 @!p2 s0, s8;
	s6 =	simm.s32 @!p2 $0x800  }
0x160: {  	[tilespmem:s6], [sflag:$0xA] =	stream.linear.gather @!p2 [hbm4b:s0+s9], $0x400, $0x38;
	[tilespmem:$0x1F000] =	vst v63  }
0x161: {  	s10 =	rddreg [dreg:$0x17]  }
0x162: {  	[tilespmem:s18], [sflag:$0x1] =	stream.indirect.gather [hbm4b:s4+s14], $0x80, s10, s14, $0xb8;
	[tilespmem:$0x1F000] =	vst v63  }
0x163: {  	s9 =	rddreg [dreg:$0x18]  }
0x164: {  	[tilespmem:s20], [sflag:$0x2] =	stream.indirect.gather [hbm4b:s4+s14], $0x80, s9, s14, $0xb8;
	[tilespmem:$0x1F000] =	vst v63  }
0x165: {  	_ =	swait.ge [sflag:s25], $0x2800  }
0x166: {  	[sflag:s25] =	ssyncset.done $0x0  }
0x167: {  	s10 =	rddreg [dreg:$0x19];
	[sflag:s25] =	ssyncadd.s32 $0xFFFFD800  }
0x168: {  	[spmem:s1] =	stream.indirect.scatter.add.f32 [tilespmem:s15], [sflag:$0x7], $0x80, s10, s14, $0xb8;
	[tilespmem:$0x1F000] =	vst v63  }
0x169: {  	_ =	swait.ge [sflag:s26], $0x2800  }
0x16a: {  	[sflag:s26] =	ssyncset.done $0x0  }
0x16b: {  	s6 =	rddreg [dreg:$0x1a];
	[sflag:s26] =	ssyncadd.s32 $0xFFFFD800  }
0x16c: {  	[spmem:s1] =	stream.indirect.scatter.add.f32 [tilespmem:s16], [sflag:$0x8], $0x80, s6, s14, $0xb8;
	[tilespmem:$0x1F000] =	vst v63  }
0x16d: {  	_ =	swait.ge [sflag:s28], $0x2800  }
0x16e: {  	[sflag:s28] =	ssyncset.done $0x0  }
0x16f: {  	[sflag:s28] =	ssyncadd.s32 $0xFFFFD800  }
0x170: {  	_ =	swait.ge [sflag:s29], $0x2800  }
0x171: {  	[sflag:s29] =	ssyncset.done $0x0  }
0x172: {  	s8 =	rddreg [dreg:$0x1b];
	[sflag:s29] =	ssyncadd.s32 $0xFFFFD800  }
0x173: {  	[tilespmem:s15], [sflag:$0x3] =	stream.indirect.gather [hbm4b:s4+s14], $0x80, s8, s14, $0xb8;
	[tilespmem:$0x1F000] =	vst v63  }
0x174: {  	s9 =	rddreg [dreg:$0x1c]  }
0x175: {  	[tilespmem:s16], [sflag:$0x4] =	stream.indirect.gather [hbm4b:s4+s14], $0x80, s9, s14, $0xb8;
	[tilespmem:$0x1F000] =	vst v63  }
0x176: {  	s2 =	sadd.s32 $0x100, s2;
	_ =	swait.ge [sflag:s17], $0x2800  }
0x177: {  	p1 =	sne.s32 s2, $0x400;
	[sflag:s17] =	ssyncset.done $0x0  }
.Ltmp0:
0x178: {  	s10 =	rddreg [dreg:$0x1d];
	[sflag:s17] =	ssyncadd.s32 $0xFFFFD800;
	(pc) =	sbr.rel @p1 .LBB2_2-.Ltmp0, $4  }
0x179: {  	[spmem:s1] =	stream.indirect.scatter.add.f32 [tilespmem:s18], [sflag:$0x5], $0x80, s10, s14, $0xb8;
	[tilespmem:$0x1F000] =	vst v63  }
0x17a: {  	_ =	swait.ge [sflag:s19], $0x2800  }
0x17b: {  	[sflag:s19] =	ssyncset.done $0x0  }
0x17c: {  	s0 =	smov.u32 s5;
	s5 =	rddreg [dreg:$0x1e];
	[sflag:s19] =	ssyncadd.s32 $0xFFFFD800  }
0x17d: {  	[spmem:s1] =	stream.indirect.scatter.add.f32 [tilespmem:s20], [sflag:$0x6], $0x80, s5, s14, $0xb8;
	[tilespmem:$0x1F000] =	vst v63  }
0x17e: {  	s2 =	simm.s32 @p0 $0x9  }
0x17f: {  	_ =	swait.ge @p0 [sflag:s2], $0x400  }
0x180: {  	[sflag:s2] =	ssyncset.done @p0 $0x0  }
0x181: {  	[sflag:s2] =	ssyncadd.s32 @p0 $0xFFFFFC00;
	s2 =	simm.s32 @p0 $0xA  }
0x182: {  	_ =	swait.ge @p0 [sflag:s2], $0x400  }
0x183: {  	s5 =	simm.s32 @p0 $0x1000;
	[sflag:s2] =	ssyncset.done @p0 $0x0  }
0x184: {  	s6 =	simm.s32 @p0 $0x800;
	[sflag:s2] =	ssyncadd.s32 @p0 $0xFFFFFC00;
	s2 =	simm.s32 @p0 $0x50  }
0x185: {  	[tilespmem:s5], [sflag:$0x1] =	stream.indirect.gather @p0 [hbm4b:s4+s2], $0x80, s6, s2, $0xb8;
	[tilespmem:$0x1F000] =	vst v63  }
0x186: {  	s5 =	simm.s32 @p0 $0x880;
	s6 =	simm.s32 @p0 $0x3800  }
0x187: {  	[tilespmem:s6], [sflag:$0x2] =	stream.indirect.gather @p0 [hbm4b:s4+s2], $0x80, s5, s2, $0xb8;
	[tilespmem:$0x1F000] =	vst v63  }
0x188: {  	s2 =	simm.s32 @!p0 $0x5  }
0x189: {  	_ =	swait.ge @!p0 [sflag:s2], $0x2800  }
0x18a: {  	[sflag:s2] =	ssyncset.done @!p0 $0x0  }
0x18b: {  	[sflag:s2] =	ssyncadd.s32 @!p0 $0xFFFFD800;
	s2 =	simm.s32 @!p0 $0x6  }
0x18c: {  	_ =	swait.ge @!p0 [sflag:s2], $0x2800  }
0x18d: {  	[sflag:s2] =	ssyncset.done @!p0 $0x0  }
0x18e: {  	[sflag:s2] =	ssyncadd.s32 @!p0 $0xFFFFD800;
	s2 =	simm.s32 @!p0 $0x9  }
0x18f: {  	_ =	swait.ge @!p0 [sflag:s2], $0x400  }
0x190: {  	[sflag:s2] =	ssyncset.done @!p0 $0x0  }
0x191: {  	[sflag:s2] =	ssyncadd.s32 @!p0 $0xFFFFFC00;
	s2 =	simm.s32 @!p0 $0xA  }
0x192: {  	_ =	swait.ge @!p0 [sflag:s2], $0x400  }
0x193: {  	s5 =	simm.s32 @!p0 $0x1000;
	[sflag:s2] =	ssyncset.done @!p0 $0x0  }
0x194: {  	s6 =	simm.s32 @!p0 $0x800;
	[sflag:s2] =	ssyncadd.s32 @!p0 $0xFFFFFC00;
	s2 =	simm.s32 @!p0 $0x50  }
0x195: {  	[tilespmem:s5], [sflag:$0x1] =	stream.indirect.gather @!p0 [hbm4b:s4+s2], $0x80, s6, s2, $0xb8;
	[tilespmem:$0x1F000] =	vst v63  }
0x196: {  	s5 =	simm.s32 @!p0 $0x880;
	s6 =	simm.s32 @!p0 $0x3800  }
0x197: {  	[tilespmem:s6], [sflag:$0x2] =	stream.indirect.gather @!p0 [hbm4b:s4+s2], $0x80, s5, s2, $0xb8;
	[tilespmem:$0x1F000] =	vst v63  }
0x198: {  	s5 =	simm.s32 @!p0 $0x3  }
0x199: {  	_ =	swait.ge @!p0 [sflag:s5], $0x2800  }
0x19a: {  	[sflag:s5] =	ssyncset.done @!p0 $0x0  }
0x19b: {  	s6 =	simm.s32 @!p0 $0x6000;
	[sflag:s5] =	ssyncadd.s32 @!p0 $0xFFFFD800;
	s5 =	simm.s32 @!p0 $0x700  }
0x19c: {  	[spmem:s1] =	stream.indirect.scatter.add.f32 @!p0 [tilespmem:s6], [sflag:$0x7], $0x80, s5, s2, $0xb8;
	[tilespmem:$0x1F000] =	vst v63  }
0x19d: {  	s5 =	simm.s32 @!p0 $0x4  }
0x19e: {  	_ =	swait.ge @!p0 [sflag:s5], $0x2800  }
0x19f: {  	[sflag:s5] =	ssyncset.done @!p0 $0x0  }
0x1a0: {  	s6 =	simm.s32 @!p0 $0x8800;
	[sflag:s5] =	ssyncadd.s32 @!p0 $0xFFFFD800;
	s5 =	simm.s32 @!p0 $0x780  }
0x1a1: {  	[spmem:s1] =	stream.indirect.scatter.add.f32 @!p0 [tilespmem:s6], [sflag:$0x8], $0x80, s5, s2, $0xb8;
	[tilespmem:$0x1F000] =	vst v63  }
0x1a2: {  	s2 =	simm.s32 @!p0 $0x7  }
0x1a3: {  	_ =	swait.ge @!p0 [sflag:s2], $0x2800  }
0x1a4: {  	[sflag:s2] =	ssyncset.done @!p0 $0x0  }
0x1a5: {  	[sflag:s2] =	ssyncadd.s32 @!p0 $0xFFFFD800;
	s2 =	simm.s32 @!p0 $0x8  }
0x1a6: {  	_ =	swait.ge @!p0 [sflag:s2], $0x2800  }
0x1a7: {  	[sflag:s2] =	ssyncset.done @!p0 $0x0  }
0x1a8: {  	s9 =	rddreg [dreg:$0x6];
	[sflag:s2] =	ssyncadd.s32 @!p0 $0xFFFFD800  }
0x1a9: {  	[tilespmem:s15], [sflag:$0x3] =	stream.indirect.gather [hbm4b:s4+s14], $0x80, s9, s14, $0xb8;
	[tilespmem:$0x1F000] =	vst v63  }
0x1aa: {  	s10 =	rddreg [dreg:$0x7]  }
0x1ab: {  	[tilespmem:s16], [sflag:$0x4] =	stream.indirect.gather [hbm4b:s4+s14], $0x80, s10, s14, $0xb8;
	[tilespmem:$0x1F000] =	vst v63  }
0x1ac: {  	_ =	swait.ge [sflag:s17], $0x2800  }
0x1ad: {  	[sflag:s17] =	ssyncset.done $0x0  }
0x1ae: {  	[sflag:s17] =	ssyncadd.s32 $0xFFFFD800  }
0x1af: {  	[spmem:s1] =	stream.indirect.scatter.add.f32 [tilespmem:s18], [sflag:$0x5], $0x80, s3, s14, $0xb8;
	[tilespmem:$0x1F000] =	vst v63  }
0x1b0: {  	_ =	swait.ge [sflag:s19], $0x2800  }
0x1b1: {  	[sflag:s19] =	ssyncset.done $0x0  }
0x1b2: {  	s5 =	rddreg [dreg:$0x8];
	[sflag:s19] =	ssyncadd.s32 $0xFFFFD800  }
0x1b3: {  	[spmem:s1] =	stream.indirect.scatter.add.f32 [tilespmem:s20], [sflag:$0x6], $0x80, s5, s14, $0xb8;
	[tilespmem:$0x1F000] =	vst v63  }
0x1b4: {  	_ =	swait.ge [sflag:s21], $0x2800  }
0x1b5: {  	[sflag:s21] =	ssyncset.done $0x0  }
0x1b6: {  	[sflag:s21] =	ssyncadd.s32 $0xFFFFD800  }
0x1b7: {  	_ =	swait.ge [sflag:s22], $0x2800  }
0x1b8: {  	s6 =	sadd.s32 s0, s7;
	[sflag:s22] =	ssyncset.done $0x0  }
0x1b9: {  	s8 =	sadd.s32 $0x80, s6;
	[sflag:s22] =	ssyncadd.s32 $0xFFFFD800  }
0x1ba: {  	[tilespmem:s23], [sflag:$0xB] =	stream.linear.gather [hbm4b:s8+s3], $0x400, $0x38;
	[tilespmem:$0x1F000] =	vst v63  }
0x1bb: {  	s2 =	sadd.s32 $0x8080, s6  }
0x1bc: {  	[tilespmem:s24], [sflag:$0xC] =	stream.linear.gather [hbm4b:s2+s3], $0x400, $0x38;
	[tilespmem:$0x1F000] =	vst v63  }
0x1bd: {  	s9 =	rddreg [dreg:$0x9]  }
0x1be: {  	[tilespmem:s18], [sflag:$0x1] =	stream.indirect.gather [hbm4b:s4+s14], $0x80, s9, s14, $0xb8;
	[tilespmem:$0x1F000] =	vst v63  }
0x1bf: {  	s10 =	rddreg [dreg:$0xa]  }
0x1c0: {  	[tilespmem:s20], [sflag:$0x2] =	stream.indirect.gather [hbm4b:s4+s14], $0x80, s10, s14, $0xb8;
	[tilespmem:$0x1F000] =	vst v63  }
0x1c1: {  	_ =	swait.ge [sflag:s25], $0x2800  }
0x1c2: {  	[sflag:s25] =	ssyncset.done $0x0  }
0x1c3: {  	s6 =	rddreg [dreg:$0xb];
	[sflag:s25] =	ssyncadd.s32 $0xFFFFD800  }
0x1c4: {  	[spmem:s1] =	stream.indirect.scatter.add.f32 [tilespmem:s15], [sflag:$0x7], $0x80, s6, s14, $0xb8;
	[tilespmem:$0x1F000] =	vst v63  }
0x1c5: {  	_ =	swait.ge [sflag:s26], $0x2800  }
0x1c6: {  	[sflag:s26] =	ssyncset.done $0x0  }
0x1c7: {  	s8 =	rddreg [dreg:$0xc];
	[sflag:s26] =	ssyncadd.s32 $0xFFFFD800  }
0x1c8: {  	[spmem:s1] =	stream.indirect.scatter.add.f32 [tilespmem:s16], [sflag:$0x8], $0x80, s8, s14, $0xb8;
	[tilespmem:$0x1F000] =	vst v63  }
0x1c9: {  	_ =	swait.ge [sflag:s28], $0x2800  }
0x1ca: {  	[sflag:s28] =	ssyncset.done $0x0  }
0x1cb: {  	[sflag:s28] =	ssyncadd.s32 $0xFFFFD800  }
0x1cc: {  	_ =	swait.ge [sflag:s29], $0x2800  }
0x1cd: {  	[sflag:s29] =	ssyncset.done $0x0  }
0x1ce: {  	s9 =	rddreg [dreg:$0xd];
	[sflag:s29] =	ssyncadd.s32 $0xFFFFD800  }
0x1cf: {  	[tilespmem:s15], [sflag:$0x3] =	stream.indirect.gather [hbm4b:s4+s14], $0x80, s9, s14, $0xb8;
	[tilespmem:$0x1F000] =	vst v63  }
0x1d0: {  	s10 =	rddreg [dreg:$0xe]  }
0x1d1: {  	[tilespmem:s16], [sflag:$0x4] =	stream.indirect.gather [hbm4b:s4+s14], $0x80, s10, s14, $0xb8;
	[tilespmem:$0x1F000] =	vst v63  }
0x1d2: {  	_ =	swait.ge [sflag:s17], $0x2800  }
0x1d3: {  	[sflag:s17] =	ssyncset.done $0x0  }
0x1d4: {  	s6 =	rddreg [dreg:$0xf];
	[sflag:s17] =	ssyncadd.s32 $0xFFFFD800  }
0x1d5: {  	[spmem:s1] =	stream.indirect.scatter.add.f32 [tilespmem:s18], [sflag:$0x5], $0x80, s6, s14, $0xb8;
	[tilespmem:$0x1F000] =	vst v63  }
0x1d6: {  	_ =	swait.ge [sflag:s19], $0x2800  }
0x1d7: {  	[sflag:s19] =	ssyncset.done $0x0  }
0x1d8: {  	s8 =	rddreg [dreg:$0x10];
	[sflag:s19] =	ssyncadd.s32 $0xFFFFD800  }
0x1d9: {  	[spmem:s1] =	stream.indirect.scatter.add.f32 [tilespmem:s20], [sflag:$0x6], $0x80, s8, s14, $0xb8;
	[tilespmem:$0x1F000] =	vst v63  }
0x1da: {  	_ =	swait.ge [sflag:s21], $0x2800  }
0x1db: {  	[sflag:s21] =	ssyncset.done $0x0  }
0x1dc: {  	[sflag:s21] =	ssyncadd.s32 $0xFFFFD800  }
0x1dd: {  	_ =	swait.ge [sflag:s22], $0x2800  }
0x1de: {  	[sflag:s22] =	ssyncset.done $0x0  }
0x1df: {  	[sflag:s22] =	ssyncadd.s32 $0xFFFFD800  }
0x1e0: {  	_ =	swait.ge [sflag:s30], $0x400  }
0x1e1: {  	[sflag:s30] =	ssyncset.done $0x0  }
0x1e2: {  	[sflag:s30] =	ssyncadd.s32 $0xFFFFFC00  }
0x1e3: {  	_ =	swait.ge [sflag:s31], $0x400  }
0x1e4: {  	[sflag:s31] =	ssyncset.done $0x0  }
0x1e5: {  	[sflag:s31] =	ssyncadd.s32 $0xFFFFFC00  }
0x1e6: {  	[tilespmem:s18], [sflag:$0x1] =	stream.indirect.gather [hbm4b:s4+s14], $0x80, s24, s14, $0xb8;
	[tilespmem:$0x1F000] =	vst v63  }
0x1e7: {  	s9 =	rddreg [dreg:$0x11]  }
0x1e8: {  	[tilespmem:s20], [sflag:$0x2] =	stream.indirect.gather [hbm4b:s4+s14], $0x80, s9, s14, $0xb8;
	[tilespmem:$0x1F000] =	vst v63  }
0x1e9: {  	_ =	swait.ge [sflag:s25], $0x2800  }
0x1ea: {  	[sflag:s25] =	ssyncset.done $0x0  }
0x1eb: {  	s10 =	rddreg [dreg:$0x12];
	[sflag:s25] =	ssyncadd.s32 $0xFFFFD800  }
0x1ec: {  	[spmem:s1] =	stream.indirect.scatter.add.f32 [tilespmem:s15], [sflag:$0x7], $0x80, s10, s14, $0xb8;
	[tilespmem:$0x1F000] =	vst v63  }
0x1ed: {  	_ =	swait.ge [sflag:s26], $0x2800  }
0x1ee: {  	[sflag:s26] =	ssyncset.done $0x0  }
0x1ef: {  	s5 =	rddreg [dreg:$0x13];
	[sflag:s26] =	ssyncadd.s32 $0xFFFFD800  }
0x1f0: {  	[spmem:s1] =	stream.indirect.scatter.add.f32 [tilespmem:s16], [sflag:$0x8], $0x80, s5, s14, $0xb8;
	[tilespmem:$0x1F000] =	vst v63  }
0x1f1: {  	_ =	swait.ge [sflag:s28], $0x2800  }
0x1f2: {  	[sflag:s28] =	ssyncset.done $0x0  }
0x1f3: {  	[sflag:s28] =	ssyncadd.s32 $0xFFFFD800  }
0x1f4: {  	_ =	swait.ge [sflag:s29], $0x2800  }
0x1f5: {  	[sflag:s29] =	ssyncset.done $0x0  }
0x1f6: {  	s6 =	rddreg [dreg:$0x14];
	[sflag:s29] =	ssyncadd.s32 $0xFFFFD800  }
0x1f7: {  	[tilespmem:s15], [sflag:$0x3] =	stream.indirect.gather [hbm4b:s4+s14], $0x80, s6, s14, $0xb8;
	[tilespmem:$0x1F000] =	vst v63  }
0x1f8: {  	s8 =	rddreg [dreg:$0x15]  }
0x1f9: {  	[tilespmem:s16], [sflag:$0x4] =	stream.indirect.gather [hbm4b:s4+s14], $0x80, s8, s14, $0xb8;
	[tilespmem:$0x1F000] =	vst v63  }
0x1fa: {  	_ =	swait.ge [sflag:s17], $0x2800  }
0x1fb: {  	[sflag:s17] =	ssyncset.done $0x0  }
0x1fc: {  	[sflag:s17] =	ssyncadd.s32 $0xFFFFD800  }
0x1fd: {  	[spmem:s1] =	stream.indirect.scatter.add.f32 [tilespmem:s18], [sflag:$0x5], $0x80, s23, s14, $0xb8;
	[tilespmem:$0x1F000] =	vst v63  }
0x1fe: {  	_ =	swait.ge [sflag:s19], $0x2800  }
0x1ff: {  	[sflag:s19] =	ssyncset.done $0x0  }
0x200: {  	s9 =	rddreg [dreg:$0x16];
	[sflag:s19] =	ssyncadd.s32 $0xFFFFD800  }
0x201: {  	[spmem:s1] =	stream.indirect.scatter.add.f32 [tilespmem:s20], [sflag:$0x6], $0x80, s9, s14, $0xb8;
	[tilespmem:$0x1F000] =	vst v63  }
0x202: {  	_ =	swait.ge [sflag:s21], $0x2800  }
0x203: {  	[sflag:s21] =	ssyncset.done $0x0  }
0x204: {  	[sflag:s21] =	ssyncadd.s32 $0xFFFFD800  }
0x205: {  	p0 =	seq.s32 s0, $0x300;
	_ =	swait.ge [sflag:s22], $0x2800  }
0x206: {  	s6 =	simm.s32 @!p0 $0x0;
	s2 =	rddreg [dreg:$0x4];
	[sflag:s22] =	ssyncset.done $0x0  }
0x207: {  	s5 =	rddreg [dreg:$0x5];
	[sflag:s22] =	ssyncadd.s32 $0xFFFFD800;
	s2 =	sadd.s32 @!p0 s0, s2  }
0x208: {  	[tilespmem:s6], [sflag:$0x9] =	stream.linear.gather @!p0 [hbm4b:s2+s6], $0x400, $0x38;
	[tilespmem:$0x1F000] =	vst v63  }
0x209: {  	s0 =	sadd.s32 @!p0 s0, s5;
	s2 =	simm.s32 @!p0 $0x800  }
0x20a: {  	[tilespmem:s2], [sflag:$0xA] =	stream.linear.gather @!p0 [hbm4b:s0+s6], $0x400, $0x38;
	[tilespmem:$0x1F000] =	vst v63  }
0x20b: {  	s10 =	rddreg [dreg:$0x17]  }
0x20c: {  	[tilespmem:s18], [sflag:$0x1] =	stream.indirect.gather [hbm4b:s4+s14], $0x80, s10, s14, $0xb8;
	[tilespmem:$0x1F000] =	vst v63  }
0x20d: {  	s2 =	rddreg [dreg:$0x18]  }
0x20e: {  	[tilespmem:s20], [sflag:$0x2] =	stream.indirect.gather [hbm4b:s4+s14], $0x80, s2, s14, $0xb8;
	[tilespmem:$0x1F000] =	vst v63  }
0x20f: {  	_ =	swait.ge [sflag:s25], $0x2800  }
0x210: {  	[sflag:s25] =	ssyncset.done $0x0  }
0x211: {  	s6 =	rddreg [dreg:$0x19];
	[sflag:s25] =	ssyncadd.s32 $0xFFFFD800  }
0x212: {  	[spmem:s1] =	stream.indirect.scatter.add.f32 [tilespmem:s15], [sflag:$0x7], $0x80, s6, s14, $0xb8;
	[tilespmem:$0x1F000] =	vst v63  }
0x213: {  	_ =	swait.ge [sflag:s26], $0x2800  }
0x214: {  	[sflag:s26] =	ssyncset.done $0x0  }
0x215: {  	s8 =	rddreg [dreg:$0x1a];
	[sflag:s26] =	ssyncadd.s32 $0xFFFFD800  }
0x216: {  	[spmem:s1] =	stream.indirect.scatter.add.f32 [tilespmem:s16], [sflag:$0x8], $0x80, s8, s14, $0xb8;
	[tilespmem:$0x1F000] =	vst v63  }
0x217: {  	_ =	swait.ge [sflag:s28], $0x2800  }
0x218: {  	[sflag:s28] =	ssyncset.done $0x0  }
0x219: {  	[sflag:s28] =	ssyncadd.s32 $0xFFFFD800  }
0x21a: {  	_ =	swait.ge [sflag:s29], $0x2800  }
0x21b: {  	[sflag:s29] =	ssyncset.done $0x0  }
0x21c: {  	s9 =	rddreg [dreg:$0x1b];
	[sflag:s29] =	ssyncadd.s32 $0xFFFFD800  }
0x21d: {  	[tilespmem:s15], [sflag:$0x3] =	stream.indirect.gather [hbm4b:s4+s14], $0x80, s9, s14, $0xb8;
	[tilespmem:$0x1F000] =	vst v63  }
0x21e: {  	s10 =	rddreg [dreg:$0x1c]  }
0x21f: {  	[tilespmem:s16], [sflag:$0x4] =	stream.indirect.gather [hbm4b:s4+s14], $0x80, s10, s14, $0xb8;
	[tilespmem:$0x1F000] =	vst v63  }
0x220: {  	_ =	swait.ge [sflag:s17], $0x2800  }
0x221: {  	[sflag:s17] =	ssyncset.done $0x0  }
0x222: {  	s5 =	rddreg [dreg:$0x1d];
	[sflag:s17] =	ssyncadd.s32 $0xFFFFD800  }
0x223: {  	[spmem:s1] =	stream.indirect.scatter.add.f32 [tilespmem:s18], [sflag:$0x5], $0x80, s5, s14, $0xb8;
	[tilespmem:$0x1F000] =	vst v63  }
0x224: {  	_ =	swait.ge [sflag:s19], $0x2800  }
0x225: {  	[sflag:s19] =	ssyncset.done $0x0  }
0x226: {  	s6 =	rddreg [dreg:$0x1e];
	[sflag:s19] =	ssyncadd.s32 $0xFFFFD800  }
0x227: {  	[spmem:s1] =	stream.indirect.scatter.add.f32 [tilespmem:s20], [sflag:$0x6], $0x80, s6, s14, $0xb8;
	[tilespmem:$0x1F000] =	vst v63  }
0x228: {  	_ =	swait.ge [sflag:s21], $0x2800  }
0x229: {  	[sflag:s21] =	ssyncset.done $0x0  }
0x22a: {  	[sflag:s21] =	ssyncadd.s32 $0xFFFFD800  }
0x22b: {  	_ =	swait.ge [sflag:s22], $0x2800  }
0x22c: {  	[sflag:s22] =	ssyncset.done $0x0  }
0x22d: {  	[sflag:s22] =	ssyncadd.s32 $0xFFFFD800  }
0x22e: {  	_ =	swait.ge [sflag:s25], $0x2800  }
0x22f: {  	[sflag:s25] =	ssyncset.done $0x0  }
0x230: {  	s8 =	simm.s32 $0x700;
	[sflag:s25] =	ssyncadd.s32 $0xFFFFD800  }
0x231: {  	[spmem:s1] =	stream.indirect.scatter.add.f32 [tilespmem:s15], [sflag:$0x7], $0x80, s8, s14, $0xb8;
	[tilespmem:$0x1F000] =	vst v63  }
0x232: {  	_ =	swait.ge [sflag:s26], $0x2800  }
0x233: {  	[sflag:s26] =	ssyncset.done $0x0  }
0x234: {  	s9 =	simm.s32 $0x780;
	[sflag:s26] =	ssyncadd.s32 $0xFFFFD800  }
0x235: {  	[spmem:s1] =	stream.indirect.scatter.add.f32 [tilespmem:s16], [sflag:$0x8], $0x80, s9, s14, $0xb8;
	[tilespmem:$0x1F000] =	vst v63  }
0x236: {  	_ =	swait.ge [sflag:s28], $0x2800  }
0x237: {  	[sflag:s28] =	ssyncset.done $0x0  }
0x238: {  	[sflag:s28] =	ssyncadd.s32 $0xFFFFD800  }
0x239: {  	_ =	swait.ge [sflag:s29], $0x2800  }
0x23a: {  	[sflag:s29] =	ssyncset.done $0x0  }
0x23b: {  	[sflag:s29] =	ssyncadd.s32 $0xFFFFD800  }
0x23c: {  	[bflag:$0x0] =	sbarrier.arrive $0xFFFF  }
0x23d: {  	s10 =	sld [smem:$0x7FB]  }
0x23e: {  	s2 =	sld [smem:$0x7FD];
	_ =	sdelay $0x2  }
0x23f: {  	[hbm:s10], [sflag:s11] =	dma.local [spmem:s2], $0x2800  }
0x240: {  	_ =	swait.ge [sflag:s12], $0x2800  }
0x241: {  	s6 =	smov.u32 s11;
	s11 =	sld [smem:$0x7FC];
	_ =	sdelay $0x1  }
0x242: {  	s13 =	sadd.s32 $0x1, s13  }
0x243: {  	p0 =	sne.s32 s13, s11  }
.Ltmp1:
0x244: {  	_ = 	snop;
	(pc) =	sbr.rel @p0 .LBB2_1-.Ltmp1, $3  }
0x245: {  	_ =	sdelay $0x1  }
0x246: {  	[sflag:s12] =	ssyncset.done $0x0  }
0x247: {  	[sflag:s12] =	ssyncadd.s32 $0xFFFFD800  }
0x248: {  	_ =	sfence.sel $0x180000  }
0x249: {  	[bflag:$0x0] =	sbarrier.arrive $0xFFFF  }
0x24a: {  	_ =	strace $0x9000004A  }
0x24b: {  	s0 =	stileid.u32;
	[bflag:$0x2] =	sbarrier.arrive $0xFFFF  }
0x24c: {  	p0 =	sne.s32 s0, $0x0;
	s0 =	rddreg [dreg:$0x3]  }
0x24d: {  	s0 =	sadd.s32 @!p0 $0x100000, s0  }
0x24e: {  	[sflag:s0] =	ssyncadd.tile.s32 @!p0 $0x1;
	_ =	shalt  }
.Lfunc_end2:
_tile_overlayer_lowered:
.L_overlay_start_2:
0x24f: {  	(tag) =	ssettag $0x2  }
0x250: {  	s0 =	rddreg [dreg:$0x0];
	s2 =	stileid.u32  }
0x251: {  	s1 =	rddreg [dreg:$0x1];
	p0 =	sne.s32 s2, $0x0  }
0x252: {  	s3 =	rddreg [dreg:$0x2];
	[bflag:$0x3] =	sbarrier.arrive $0xFFFF;
	s2 =	simm.s32 @!p0 $0x1C0D  }
0x253: {  	[timem:s3], [sflag:s2] =	dma.local @!p0 [hbm:s0], s1  }
0x254: {  	s0 =	simm.s32 @!p0 $0xD  }
0x255: {  	_ =	swait.ge @!p0 [sflag:s0], s1  }
0x256: {  	s1 =	ssub.s32 @!p0 $0x0, s1;
	[sflag:s0] =	ssyncset.done @!p0 $0x0  }
0x257: {  	[sflag:s0] =	ssyncadd.s32 @!p0 s1  }
0x258: {  	[bflag:$0x3] =	sbarrier.arrive $0xFFFF  }
0x259: {  	_ =	shalt  }

// kernel: kernel.15.cloned.1.call-start
scs
__scs_entry_jumppad:
0x0: {  	(pc) =	sbr.rel $0x88, $3  }
0x1: {  	(tag) =	ssettag $0x0;
	lr =	simm.s32 $0x1  }
0x2: {  	[smem:$0x3F9C] =	sst lr;
	_ =	strace $0xD0000000  }
0x3: {  	_ = 	snop  }
0x4: {  	_ = 	snop  }
0x5: {  	_ = 	snop  }
0x6: {  	_ = 	snop  }
0x7: {  	_ = 	snop  }
__scs_overlays_trampoline_lowered:
0x8: {  	[smem:$0x3FAB] =	sst s0  }
0x9: {  	[smem:$0x3FAC] =	sst s1  }
0xa: {  	[smem:$0x3FAD] =	sst s2  }
0xb: {  	[smem:$0x3FAE] =	sst s3  }
0xc: {  	[smem:$0x3FAF] =	sst s4  }
0xd: {  	[smem:$0x3FB0] =	sst s5  }
0xe: {  	[smem:$0x3FB1] =	sst s6  }
0xf: {  	[smem:$0x3FB2] =	sst s7  }
0x10: {  	[smem:$0x3FB3] =	sst s8  }
0x11: {  	[smem:$0x3FB4] =	sst s9;
	s0 =	simm.s32 @!p0 $0x0  }
0x12: {  	s1 =	sld [smem:$0x3F9A];
	s0 =	simm.s32 @p0 $0x1  }
0x13: {  	[smem:$0x3FB5] =	sst s0;
	s0 =	simm.s32 @!p1 $0x0  }
0x14: {  	s2 =	sld [smem:$0x3F99];
	s0 =	simm.s32 @p1 $0x1  }
0x15: {  	[smem:$0x3FB6] =	sst s0;
	s0 =	simm.s32 @!p2 $0x0  }
0x16: {  	s3 =	sld [smem:$0x3FDB];
	s0 =	simm.s32 @p2 $0x1  }
0x17: {  	s4 =	simm.s32 $0x1BF5;
	[smem:$0x3FB8] =	sst s0  }
0x18: {  	s0 =	sld [smem:$0x3F9B];
	_ =	swait.ge [sflag:s4], $0x0  }
0x19: {  	s7 =	sld [smem:$0x3F9C]  }
0x1a: {  	s8 =	sadd.s32 $0xFFFFE003, lr  }
0x1b: {  	s9 =	sadd.s32 $0xFFFFFEF7, lr;
	s5 =	simm.s32 $0xFFFFFFFF;
	p2 =	slt.u32 s8, $0xFFFFF086  }
0x1c: {  	p1 =	slt.u32 s9, $0xF7A;
	s5 =	simm.s32 @!p2 $0x0  }
0x1d: {  	s5 =	simm.s32 @p1 $0x1;
	p0 =	seq.s32 s7, s2  }
0x1e: {  	s7 =	smul.u32 @!p0 $0xF7A, s2;
	p2 =	seq.s32 @!p0 s5, $0x0  }
0x1f: {  	s9 =	smul.u32 $0xF7A, s1;
	s8 =	simm.s32 @!p0 $0x1BF5;
	p2 =	por !p2, p0  }
0x20: {  	[sflag:s8] =	ssyncset.s32 @!p0 $0xFFFFF086;
	s6 =	sadd.s32 @!p0 s3, s7;
	s7 =	simm.s32 @!p0 $0x108  }
0x21: {  	s3 =	sadd.s32 s3, s9;
	s6 =	sadd.s32 @!p0 $0x88, s6;
	s7 =	simm.s32 @p2 $0x1082  }
0x22: {  	[simem:s7], [sflag:s8] =	dma.local @!p0 [hbm:s6], $0xF7A  }
0x23: {  	s9 =	sor.u32 $0xD0000000, s2;
	s6 =	simm.s32 $0x108;
	_ =	swait.ge @!p0 [sflag:s8], $0x0  }
0x24: {  	s3 =	sadd.s32 $0x88, s3;
	s6 =	simm.s32 @!p1 $0x1082;
	[sflag:s4] =	ssyncset.s32 $0xFFFFF086  }
0x25: {  	[simem:s6], [sflag:s4] =	dma.local [hbm:s3], $0xF7A  }
0x26: {  	[smem:$0x3F9C] =	sst s1;
	(tag) =	ssettag s2;
	_ =	strace s9  }
0x27: {  	s1 =	sld [smem:$0x3FAC]  }
0x28: {  	s2 =	sld [smem:$0x3FAD]  }
0x29: {  	s4 =	sld [smem:$0x3FAF]  }
0x2a: {  	p0 =	seq.s32 s5, $0x0;
	s5 =	sld [smem:$0x3FB0]  }
0x2b: {  	s6 =	sld [smem:$0x3FB1]  }
0x2c: {  	s7 =	sld [smem:$0x3FB2]  }
0x2d: {  	s3 =	simm.s32 $0x108;
	s8 =	sld [smem:$0x3FB3]  }
0x2e: {  	s3 =	simm.s32 @!p0 $0x1082;
	s9 =	sld [smem:$0x3FB4]  }
0x2f: {  	lr =	sadd.s32 s0, s3;
	s0 =	sld [smem:$0x3FAB]  }
0x30: {  	s3 =	sld [smem:$0x3FAE]  }
0x31: {  	[smem:$0x3FB7] =	sst s10  }
0x32: {  	s10 =	sld [smem:$0x3FB5];
	_ =	sdelay $0x3  }
0x33: {  	p0 =	seq.s32 s10, $0x1;
	s10 =	sld [smem:$0x3FB7];
	_ =	sdelay $0x3  }
0x34: {  	[smem:$0x3FB7] =	sst s10  }
0x35: {  	s10 =	sld [smem:$0x3FB6];
	_ =	sdelay $0x3  }
0x36: {  	p1 =	seq.s32 s10, $0x1;
	s10 =	sld [smem:$0x3FB7];
	_ =	sdelay $0x3  }
0x37: {  	[smem:$0x3FB7] =	sst s10  }
0x38: {  	s10 =	sld [smem:$0x3FB8]  }
0x39: {  	_ = 	snop;
	(pc) =	sbr.ind lr, $3  }
0x3a: {  	_ = 	snop  }
0x3b: {  	_ = 	snop  }
0x3c: {  	p2 =	seq.s32 s10, $0x1;
	s10 =	sld [smem:$0x3FB7]  }
0x3d: {  	_ =	shalt  }
0x3e: {  	_ =	shalt  }
0x3f: {  	_ =	shalt  }
0x40: {  	_ =	shalt  }
0x41: {  	_ =	shalt  }
0x42: {  	_ =	shalt  }
0x43: {  	_ =	shalt  }
0x44: {  	_ =	shalt  }
0x45: {  	_ =	shalt  }
0x46: {  	_ =	shalt  }
0x47: {  	_ =	shalt  }
0x48: {  	_ =	shalt  }
0x49: {  	_ =	shalt  }
0x4a: {  	_ =	shalt  }
0x4b: {  	_ =	shalt  }
0x4c: {  	_ =	shalt  }
0x4d: {  	_ =	shalt  }
0x4e: {  	_ =	shalt  }
0x4f: {  	_ =	shalt  }
0x50: {  	_ =	shalt  }
0x51: {  	_ =	shalt  }
0x52: {  	_ =	shalt  }
0x53: {  	_ =	shalt  }
0x54: {  	_ =	shalt  }
0x55: {  	_ =	shalt  }
0x56: {  	_ =	shalt  }
0x57: {  	_ =	shalt  }
0x58: {  	_ =	shalt  }
0x59: {  	_ =	shalt  }
0x5a: {  	_ =	shalt  }
0x5b: {  	_ =	shalt  }
0x5c: {  	_ =	shalt  }
0x5d: {  	_ =	shalt  }
0x5e: {  	_ =	shalt  }
0x5f: {  	_ =	shalt  }
0x60: {  	_ =	shalt  }
0x61: {  	_ =	shalt  }
0x62: {  	_ =	shalt  }
0x63: {  	_ =	shalt  }
0x64: {  	_ =	shalt  }
0x65: {  	_ =	shalt  }
0x66: {  	_ =	shalt  }
0x67: {  	_ =	shalt  }
0x68: {  	_ =	shalt  }
0x69: {  	_ =	shalt  }
0x6a: {  	_ =	shalt  }
0x6b: {  	_ =	shalt  }
0x6c: {  	_ =	shalt  }
0x6d: {  	_ =	shalt  }
0x6e: {  	_ =	shalt  }
0x6f: {  	_ =	shalt  }
0x70: {  	_ =	shalt  }
0x71: {  	_ =	shalt  }
0x72: {  	_ =	shalt  }
0x73: {  	_ =	shalt  }
0x74: {  	_ =	shalt  }
0x75: {  	_ =	shalt  }
0x76: {  	_ =	shalt  }
0x77: {  	_ =	shalt  }
0x78: {  	_ =	shalt  }
0x79: {  	_ =	shalt  }
0x7a: {  	_ =	shalt  }
0x7b: {  	_ =	shalt  }
0x7c: {  	_ =	shalt  }
0x7d: {  	_ =	shalt  }
0x7e: {  	_ =	shalt  }
0x7f: {  	_ =	shalt  }
0x80: {  	_ =	shalt  }
0x81: {  	_ =	shalt  }
0x82: {  	_ =	shalt  }
0x83: {  	_ =	shalt  }
0x84: {  	_ =	shalt  }
0x85: {  	_ =	shalt  }
0x86: {  	_ =	shalt  }
0x87: {  	_ =	shalt  }
.Lfunc_end0:
.L_simem_size_0:
called_computation.2_lowered:
.L_overlay_start_0:
0x88: {  	s2 =	sld [smem:$0x3FD9]  }
0x89: {  	s3 =	sld [smem:$0x3FFE];
	_ =	sdelay $0x1  }
0x8a: {  	s1 =	srdreg.scid  }
0x8b: {  	s0 =	sand.u32 $0x1, s1  }
0x8c: {  	s17 =	sshll.u32 s0, $0xA;
	s2 =	sadd.s32 s3, s2  }
0x8d: {  	s2 =	sadd.s32 s2, s17  }
0x8e: {  	[smem:$0x3FC3] =	sst s2  }
0x8f: {  	_ = 	snop  }
0x90: {  	s2 =	sld [smem:$0x3FD0];
	(tm) =	ssettm $0x1  }
0x91: {  	s18 =	sld [smem:$0x3FFB];
	_ =	sdelay $0x3  }
0x92: {  	_ =	strace s18  }
0x93: {  	s3 =	sld [smem:$0x3FFC];
	_ =	sdelay $0x3  }
0x94: {  	_ =	strace s3  }
0x95: {  	s3 =	sld [smem:$0x3FFD];
	_ =	sdelay $0x3  }
0x96: {  	_ =	strace s3  }
0x97: {  	_ =	strace $0x8FFFFFFF  }
0x98: {  	s19 =	sld [smem:$0x3FDB];
	_ =	sdelay $0x1  }
0x99: {  	s4 =	simm.s32 $_scs_section_size  }
0x9a: {  	s5 =	simm.s32 $_size__tile_overlayer_lowered;
	s6 =	simm.s32 $_tile_overlayer_lowered  }
0x9b: {  	s22 =	simm.s32 $0x1BFF;
	s21 =	sshll.u32 s6, $0x1;
	s3 =	sadd.s32 s4, s19  }
0x9c: {  	s7 =	simm.s32 $0x0;
	s20 =	sshll.u32 s5, $0x1;
	s5 =	sadd.s32 s21, s3  }
0x9d: {  	[timem:s7], [sflag:s22] =	dma.local [hbm:s5], s20  }
0x9e: {  	_ =	swait.ge [sflag:s22], s20  }
0x9f: {  	s4 =	ssub.s32 $0x0, s20;
	[sflag:s22] =	ssyncset.done $0x0  }
0xa0: {  	[sflag:s22] =	ssyncadd.s32 s4;
	_ =	sdelay $0x1  }
0xa1: {  	s23 =	simm.s32 $0x1B8B  }
0xa2: {  	_ =	swait.ge [sflag:s23], $0x1  }
0xa3: {  	[sflag:s23] =	ssyncset.done $0x0  }
0xa4: {  	s25 =	simm.s32 $0x1B8E;
	s24 =	sld [smem:$0x3FFE];
	[sflag:s23] =	ssyncadd.s32 $0xFFFFFFFF  }
0xa5: {  	s26 =	simm.s32 $execute0_lowered;
	[smem:$0x3FD2] =	sst s25  }
0xa6: {  	s5 =	sshll.u32 s26, $0x1;
	_ =	strace $0x8000004C;
	[dreg:$0x1] =	wrdreg $0xFFFFFFFF  }
0xa7: {  	s28 =	simm.s32 $_size_execute0_lowered;
	s3 =	sadd.s32 s3, s5;
	[dreg:$0x0] =	wrdreg $0x0  }
0xa8: {  	s5 =	sshll.u32 s28, $0x1;
	[dreg:$0x2] =	wrdreg s3  }
0xa9: {  	[dreg:$0x3] =	wrdreg s5  }
0xaa: {  	[dreg:$0x4] =	wrdreg $0xC0  }
0xab: {  	_ =	task [dreg:s7], $0x5FFFF  }
0xac: {  	[dreg:$0x1] =	wrdreg $0xFFFFFFFF  }
0xad: {  	[dreg:$0x0] =	wrdreg $0x60  }
0xae: {  	[dreg:$0x2] =	wrdreg s24  }
0xaf: {  	[dreg:$0x3] =	wrdreg s2  }
0xb0: {  	[dreg:$0x4] =	wrdreg $0xB0000  }
0xb1: {  	[dreg:$0x5] =	wrdreg $0x9  }
0xb2: {  	_ =	task.clear_ibuf [dreg:s7], $0x6FFFF;
	_ =	strace $0x9000004C  }
0xb3: {  	s29 =	simm.s32 $0x9;
	_ =	strace $0x8000004E  }
0xb4: {  	_ =	swait.ge [sflag:s29], $0x1  }
0xb5: {  	[sflag:s29] =	ssyncadd.s32 $0xFFFFFFFF  }
0xb6: {  	_ =	strace $0x9000004E  }
0xb7: {  	_ =	sfence  }
0xb8: {  	s30 =	sld [smem:$0x0];
	_ =	sdelay $0x2  }
0xb9: {  	s31 =	sshll.u32 s1, $0xD;
	s1 =	sshrl.u32 s1, $0x2  }
0xba: {  	s3 =	sand.u32 $0x4000, s31;
	s1 =	sadd.s32 s1, s30  }
0xbb: {  	s0 =	sor.u32 s3, s0;
	s1 =	sshll.u32 s1, $0x11  }
0xbc: {  	s0 =	sor.u32 s1, s0  }
0xbd: {  	s0 =	sadd.s32 $0x8F2B, s0  }
0xbe: {  	[sflag:s0] =	ssyncadd.remote.s32 $0x1  }
0xbf: {  	_ =	sfence.sel $0xFFFF  }
0xc0: {  	[dreg:$0x0] =	wrdreg $0xFFFFFFFF;
	(pc) =	sbr.abs _section_cstart, $3  }
0xc1: {  	[dreg:$0x1] =	wrdreg $0xFFFFFFFF  }
0xc2: {  	_ =	task.clear_ibuf [dreg:s7], $0x2FFFF;
	_ =	strace $0x9FFFFFFF  }
0xc3: {  	(tm) =	ssettm $0x7FFFFFFF  }
tec
execute0_lowered:
.L_overlay_start_1:
0x0: {  	(tag) =	ssettag $0x1  }
0x1: {  	s0 =	rddreg [dreg:$0x0]  }
0x2: {  	s2 =	rddreg [dreg:$0x1]  }
0x3: {  	s1 =	rddreg [dreg:$0x2];
	s3 =	simm.s32 $0x0  }
0x4: {  	s4 =	srdreg.scid;
	s10 =	stileid.u32;
	s13 =	simm.s32 $0x900  }
0x5: {  	s15 =	simm.s32 $0x980;
	[smem:$0x7FF] =	sst s3;
	s9 =	sadd.s32 $0x29200, s0  }
0x6: {  	s17 =	simm.s32 $0x80;
	_ =	strace $0x8000004D;
	[dreg:$0x1f] =	wrdreg s9  }
0x7: {  	s18 =	simm.s32 $0xA00;
	s20 =	simm.s32 $0xA80;
	[dreg:$0x6] =	wrdreg s13  }
0x8: {  	s21 =	simm.s32 $0x100;
	s23 =	simm.s32 $0x180;
	[dreg:$0x7] =	wrdreg s15  }
0x9: {  	s24 =	simm.s32 $0xB00;
	s25 =	simm.s32 $0xB80;
	[dreg:$0x8] =	wrdreg s17  }
0xa: {  	s28 =	simm.s32 $0x7;
	s29 =	simm.s32 $0x8;
	[dreg:$0x9] =	wrdreg s18  }
0xb: {  	s30 =	simm.s32 $0xB;
	s31 =	simm.s32 $0xC;
	[dreg:$0xa] =	wrdreg s20  }
0xc: {  	s5 =	sand.u32 $0x1, s4;
	s8 =	smul.u32 $0x14000, s10;
	[dreg:$0xb] =	wrdreg s21  }
0xd: {  	s7 =	sshll.u32 s10, $0xD;
	s16 =	smul.u32 $0x50000, s10;
	[dreg:$0xc] =	wrdreg s23  }
0xe: {  	s22 =	sshll.u32 s10, $0x6;
	s10 =	simm.s32 $0x280;
	[dreg:$0xd] =	wrdreg s24  }
0xf: {  	s6 =	smul.u32 $0x140000, s5;
	s4 =	sshll.u32 s5, $0x11;
	[dreg:$0xe] =	wrdreg s25  }
0x10: {  	s5 =	ssub.s32 $0x2, s5;
	[dreg:$0x10] =	wrdreg s10;
	s15 =	simm.s32 $0x380  }
0x11: {  	s17 =	simm.s32 $0xD80;
	s18 =	simm.s32 $0x480;
	s20 =	simm.s32 $0xE80  }
0x12: {  	s21 =	simm.s32 $0x500;
	s23 =	simm.s32 $0xF00;
	[dreg:$0x13] =	wrdreg s15  }
0x13: {  	s24 =	simm.s32 $0xF80;
	s25 =	simm.s32 $0x600;
	[dreg:$0x15] =	wrdreg s17  }
0x14: {  	s7 =	sor.u32 s7, s4;
	s4 =	sadd.s32 $0x2000, s0;
	[dreg:$0x16] =	wrdreg s18  }
0x15: {  	s14 =	sshrl.u32 s5, $0x1;
	s19 =	sshrl.u32 s16, $0x2;
	[dreg:$0x18] =	wrdreg s20  }
0x16: {  	s16 =	simm.s32 $0xD00;
	s15 =	simm.s32 $0x6000;
	[dreg:$0x19] =	wrdreg s21  }
0x17: {  	s17 =	simm.s32 $0x1;
	s18 =	simm.s32 $0x1000;
	[dreg:$0x1b] =	wrdreg s23  }
0x18: {  	s20 =	simm.s32 $0x3800;
	s21 =	simm.s32 $0x5;
	[dreg:$0x1c] =	wrdreg s24  }
0x19: {  	[dreg:$0x1d] =	wrdreg s25;
	s23 =	simm.s32 $0x400;
	s24 =	simm.s32 $0xC00  }
0x1a: {  	s25 =	simm.s32 $0x3;
	s26 =	sor.u32 $0x800, s7;
	s6 =	sadd.s32 s8, s6  }
0x1b: {  	s11 =	sor.u32 $0x40800, s7;
	s5 =	ssub.s32 s5, s14;
	s7 =	sshrl.u32 s7, $0x3  }
0x1c: {  	s14 =	simm.s32 $0x300;
	[dreg:$0x14] =	wrdreg s16;
	s9 =	sshrl.u32 s26, $0x3  }
0x1d: {  	s6 =	sshrl.u32 s6, $0x3;
	s26 =	simm.s32 $0x200;
	[dreg:$0x12] =	wrdreg s14  }
0x1e: {  	s13 =	smax.u32 s5, $0x1;
	s8 =	sadd.s32 s9, s2;
	[dreg:$0xf] =	wrdreg s26  }
0x1f: {  	s9 =	sshrl.u32 s11, $0x3;
	s0 =	sadd.s32 s6, s0;
	[smem:$0x7FC] =	sst s13  }
0x20: {  	s11 =	sadd.s32 s19, s1;
	s19 =	simm.s32 $0xE00;
	[dreg:$0x4] =	wrdreg s8  }
0x21: {  	s6 =	sor.u32 $0x1C0D, s22;
	s22 =	simm.s32 $0x580;
	[dreg:$0x17] =	wrdreg s19  }
0x22: {  	s16 =	simm.s32 $0x8800;
	s26 =	simm.s32 $0x680;
	[dreg:$0x1a] =	wrdreg s22  }
0x23: {  	s7 =	sadd.s32 s7, s2;
	s12 =	sadd.s32 s9, s2;
	[dreg:$0x1e] =	wrdreg s26  }
0x24: {  	s14 =	simm.s32 $0x50;
	s9 =	sadd.s32 $0x8000, s7;
	[dreg:$0x5] =	wrdreg s12  }
0x25: {  	s13 =	simm.s32 $0x0;
	s0 =	sadd.s32 $0x2BA00, s0;
	[smem:$0x7FA] =	sst s9  }
0x26: {  	s2 =	sshrl.u32 s11, $0x3;
	s19 =	simm.s32 $0x2;
	[smem:$0x7FB] =	sst s0  }
0x27: {  	s22 =	simm.s32 $0x6;
	s12 =	simm.s32 $0xC80;
	[smem:$0x7FD] =	sst s2  }
0x28: {  	s26 =	simm.s32 $0x4;
	[dreg:$0x11] =	wrdreg s12;
	s12 =	simm.s32 $0xD  }
.LBB2_1:
0x29: {  	s0 =	rddreg [dreg:$0x1f]  }
0x2a: {  	[spmem:s2], [sflag:s6] =	dma.local [hbm:s0], $0x2800  }
0x2b: {  	_ =	swait.ge [sflag:s12], $0x2800  }
0x2c: {  	[sflag:s12] =	ssyncset.done $0x0  }
0x2d: {  	[sflag:s12] =	ssyncadd.s32 $0xFFFFD800  }
0x2e: {  	p0 =	por $0x1, $0x1;
	[bflag:$0x0] =	sbarrier.arrive $0xFFFF  }
0x2f: {  	s11 =	smov.u32 s6;
	p0 =	por p0, p0;
	s6 =	sld [smem:$0x7FA]  }
0x30: {  	[tilespmem:s3], [sflag:$0x9] =	stream.linear.gather [hbm4b:s7+s3], $0x400, $0x38;
	[tilespmem:$0x1F000] =	vst v63  }
0x31: {  	s8 =	simm.s32 $0x800;
	s0 =	simm.s32 @p0 $0x9  }
0x32: {  	[tilespmem:s8], [sflag:$0xA] =	stream.linear.gather [hbm4b:s6+s3], $0x400, $0x38;
	[tilespmem:$0x1F000] =	vst v63  }
0x33: {  	_ =	swait.ge @p0 [sflag:s0], $0x400  }
0x34: {  	[sflag:s0] =	ssyncset.done @p0 $0x0  }
0x35: {  	[sflag:s0] =	ssyncadd.s32 @p0 $0xFFFFFC00;
	s0 =	simm.s32 @p0 $0xA  }
0x36: {  	_ =	swait.ge @p0 [sflag:s0], $0x400  }
0x37: {  	s2 =	simm.s32 @p0 $0x1000;
	[sflag:s0] =	ssyncset.done @p0 $0x0  }
0x38: {  	s5 =	simm.s32 @p0 $0x800;
	[sflag:s0] =	ssyncadd.s32 @p0 $0xFFFFFC00;
	s0 =	simm.s32 @p0 $0x50  }
0x39: {  	[tilespmem:s2], [sflag:$0x1] =	stream.indirect.gather @p0 [hbm4b:s4+s0], $0x80, s5, s0, $0xb8;
	[tilespmem:$0x1F000] =	vst v63  }
0x3a: {  	s8 =	simm.s32 @!p0 $0x5;
	s2 =	simm.s32 @p0 $0x880;
	s5 =	simm.s32 @p0 $0x3800  }
0x3b: {  	[tilespmem:s5], [sflag:$0x2] =	stream.indirect.gather @p0 [hbm4b:s4+s0], $0x80, s2, s0, $0xb8;
	[tilespmem:$0x1F000] =	vst v63  }
0x3c: {  	_ =	swait.ge @!p0 [sflag:s8], $0x2800  }
0x3d: {  	[sflag:s8] =	ssyncset.done @!p0 $0x0  }
0x3e: {  	s0 =	simm.s32 @!p0 $0x6;
	[sflag:s8] =	ssyncadd.s32 @!p0 $0xFFFFD800  }
0x3f: {  	_ =	swait.ge @!p0 [sflag:s0], $0x2800  }
0x40: {  	[sflag:s0] =	ssyncset.done @!p0 $0x0  }
0x41: {  	[sflag:s0] =	ssyncadd.s32 @!p0 $0xFFFFD800;
	s0 =	simm.s32 @!p0 $0x9  }
0x42: {  	_ =	swait.ge @!p0 [sflag:s0], $0x400  }
0x43: {  	[sflag:s0] =	ssyncset.done @!p0 $0x0  }
0x44: {  	[sflag:s0] =	ssyncadd.s32 @!p0 $0xFFFFFC00;
	s0 =	simm.s32 @!p0 $0xA  }
0x45: {  	_ =	swait.ge @!p0 [sflag:s0], $0x400  }
0x46: {  	s2 =	simm.s32 @!p0 $0x1000;
	[sflag:s0] =	ssyncset.done @!p0 $0x0  }
0x47: {  	s5 =	simm.s32 @!p0 $0x800;
	[sflag:s0] =	ssyncadd.s32 @!p0 $0xFFFFFC00;
	s0 =	simm.s32 @!p0 $0x50  }
0x48: {  	[tilespmem:s2], [sflag:$0x1] =	stream.indirect.gather @!p0 [hbm4b:s4+s0], $0x80, s5, s0, $0xb8;
	[tilespmem:$0x1F000] =	vst v63  }
0x49: {  	s8 =	simm.s32 @!p0 $0x3;
	s2 =	simm.s32 @!p0 $0x880;
	s5 =	simm.s32 @!p0 $0x3800  }
0x4a: {  	[tilespmem:s5], [sflag:$0x2] =	stream.indirect.gather @!p0 [hbm4b:s4+s0], $0x80, s2, s0, $0xb8;
	[tilespmem:$0x1F000] =	vst v63  }
0x4b: {  	_ =	swait.ge @!p0 [sflag:s8], $0x2800  }
0x4c: {  	s2 =	simm.s32 @!p0 $0x4;
	[sflag:s8] =	ssyncset.done @!p0 $0x0  }
0x4d: {  	s5 =	simm.s32 @!p0 $0x700;
	[sflag:s8] =	ssyncadd.s32 @!p0 $0xFFFFD800;
	s8 =	simm.s32 @!p0 $0x6000  }
0x4e: {  	[spmem:s1] =	stream.indirect.scatter.add.f32 @!p0 [tilespmem:s8], [sflag:$0x7], $0x80, s5, s0, $0xb8;
	[tilespmem:$0x1F000] =	vst v63  }
0x4f: {  	_ =	swait.ge @!p0 [sflag:s2], $0x2800  }
0x50: {  	s5 =	simm.s32 @!p0 $0x7;
	[sflag:s2] =	ssyncset.done @!p0 $0x0  }
0x51: {  	s8 =	simm.s32 @!p0 $0x8800;
	[sflag:s2] =	ssyncadd.s32 @!p0 $0xFFFFD800;
	s2 =	simm.s32 @!p0 $0x780  }
0x52: {  	[spmem:s1] =	stream.indirect.scatter.add.f32 @!p0 [tilespmem:s8], [sflag:$0x8], $0x80, s2, s0, $0xb8;
	[tilespmem:$0x1F000] =	vst v63  }
0x53: {  	_ =	swait.ge @!p0 [sflag:s5], $0x2800  }
0x54: {  	[sflag:s5] =	ssyncset.done @!p0 $0x0  }
0x55: {  	s0 =	simm.s32 @!p0 $0x8;
	[sflag:s5] =	ssyncadd.s32 @!p0 $0xFFFFD800  }
0x56: {  	_ =	swait.ge @!p0 [sflag:s0], $0x2800  }
0x57: {  	[sflag:s0] =	ssyncset.done @!p0 $0x0  }
0x58: {  	s9 =	rddreg [dreg:$0x6];
	[sflag:s0] =	ssyncadd.s32 @!p0 $0xFFFFD800  }
0x59: {  	[tilespmem:s15], [sflag:$0x3] =	stream.indirect.gather [hbm4b:s4+s14], $0x80, s9, s14, $0xb8;
	[tilespmem:$0x1F000] =	vst v63  }
0x5a: {  	s10 =	rddreg [dreg:$0x7]  }
0x5b: {  	[tilespmem:s16], [sflag:$0x4] =	stream.indirect.gather [hbm4b:s4+s14], $0x80, s10, s14, $0xb8;
	[tilespmem:$0x1F000] =	vst v63  }
0x5c: {  	_ =	swait.ge [sflag:s17], $0x2800  }
0x5d: {  	[sflag:s17] =	ssyncset.done $0x0  }
0x5e: {  	[sflag:s17] =	ssyncadd.s32 $0xFFFFD800  }
0x5f: {  	[spmem:s1] =	stream.indirect.scatter.add.f32 [tilespmem:s18], [sflag:$0x5], $0x80, s3, s14, $0xb8;
	[tilespmem:$0x1F000] =	vst v63  }
0x60: {  	_ =	swait.ge [sflag:s19], $0x2800  }
0x61: {  	[sflag:s19] =	ssyncset.done $0x0  }
0x62: {  	s2 =	rddreg [dreg:$0x8];
	[sflag:s19] =	ssyncadd.s32 $0xFFFFD800  }
0x63: {  	[spmem:s1] =	stream.indirect.scatter.add.f32 [tilespmem:s20], [sflag:$0x6], $0x80, s2, s14, $0xb8;
	[tilespmem:$0x1F000] =	vst v63  }
0x64: {  	_ =	swait.ge [sflag:s21], $0x2800  }
0x65: {  	[sflag:s21] =	ssyncset.done $0x0  }
0x66: {  	[sflag:s21] =	ssyncadd.s32 $0xFFFFD800  }
0x67: {  	_ =	swait.ge [sflag:s22], $0x2800  }
0x68: {  	s5 =	sadd.s32 $0x0, s7;
	[sflag:s22] =	ssyncset.done $0x0  }
0x69: {  	s6 =	sadd.s32 $0x80, s5;
	[sflag:s22] =	ssyncadd.s32 $0xFFFFD800  }
0x6a: {  	[tilespmem:s23], [sflag:$0xB] =	stream.linear.gather [hbm4b:s6+s3], $0x400, $0x38;
	[tilespmem:$0x1F000] =	vst v63  }
0x6b: {  	s0 =	sadd.s32 $0x8080, s5  }
0x6c: {  	[tilespmem:s24], [sflag:$0xC] =	stream.linear.gather [hbm4b:s0+s3], $0x400, $0x38;
	[tilespmem:$0x1F000] =	vst v63  }
0x6d: {  	s8 =	rddreg [dreg:$0x9]  }
0x6e: {  	[tilespmem:s18], [sflag:$0x1] =	stream.indirect.gather [hbm4b:s4+s14], $0x80, s8, s14, $0xb8;
	[tilespmem:$0x1F000] =	vst v63  }
0x6f: {  	s9 =	rddreg [dreg:$0xa]  }
0x70: {  	[tilespmem:s20], [sflag:$0x2] =	stream.indirect.gather [hbm4b:s4+s14], $0x80, s9, s14, $0xb8;
	[tilespmem:$0x1F000] =	vst v63  }
0x71: {  	_ =	swait.ge [sflag:s25], $0x2800  }
0x72: {  	[sflag:s25] =	ssyncset.done $0x0  }
0x73: {  	s10 =	rddreg [dreg:$0xb];
	[sflag:s25] =	ssyncadd.s32 $0xFFFFD800  }
0x74: {  	[spmem:s1] =	stream.indirect.scatter.add.f32 [tilespmem:s15], [sflag:$0x7], $0x80, s10, s14, $0xb8;
	[tilespmem:$0x1F000] =	vst v63  }
0x75: {  	_ =	swait.ge [sflag:s26], $0x2800  }
0x76: {  	[sflag:s26] =	ssyncset.done $0x0  }
0x77: {  	s2 =	rddreg [dreg:$0xc];
	[sflag:s26] =	ssyncadd.s32 $0xFFFFD800  }
0x78: {  	[spmem:s1] =	stream.indirect.scatter.add.f32 [tilespmem:s16], [sflag:$0x8], $0x80, s2, s14, $0xb8;
	[tilespmem:$0x1F000] =	vst v63  }
0x79: {  	_ =	swait.ge [sflag:s28], $0x2800  }
0x7a: {  	[sflag:s28] =	ssyncset.done $0x0  }
0x7b: {  	[sflag:s28] =	ssyncadd.s32 $0xFFFFD800  }
0x7c: {  	_ =	swait.ge [sflag:s29], $0x2800  }
0x7d: {  	[sflag:s29] =	ssyncset.done $0x0  }
0x7e: {  	s5 =	rddreg [dreg:$0xd];
	[sflag:s29] =	ssyncadd.s32 $0xFFFFD800  }
0x7f: {  	[tilespmem:s15], [sflag:$0x3] =	stream.indirect.gather [hbm4b:s4+s14], $0x80, s5, s14, $0xb8;
	[tilespmem:$0x1F000] =	vst v63  }
0x80: {  	s6 =	rddreg [dreg:$0xe]  }
0x81: {  	[tilespmem:s16], [sflag:$0x4] =	stream.indirect.gather [hbm4b:s4+s14], $0x80, s6, s14, $0xb8;
	[tilespmem:$0x1F000] =	vst v63  }
0x82: {  	_ =	swait.ge [sflag:s17], $0x2800  }
0x83: {  	[sflag:s17] =	ssyncset.done $0x0  }
0x84: {  	s8 =	rddreg [dreg:$0xf];
	[sflag:s17] =	ssyncadd.s32 $0xFFFFD800  }
0x85: {  	[spmem:s1] =	stream.indirect.scatter.add.f32 [tilespmem:s18], [sflag:$0x5], $0x80, s8, s14, $0xb8;
	[tilespmem:$0x1F000] =	vst v63  }
0x86: {  	_ =	swait.ge [sflag:s19], $0x2800  }
0x87: {  	[sflag:s19] =	ssyncset.done $0x0  }
0x88: {  	s9 =	rddreg [dreg:$0x10];
	[sflag:s19] =	ssyncadd.s32 $0xFFFFD800  }
0x89: {  	[spmem:s1] =	stream.indirect.scatter.add.f32 [tilespmem:s20], [sflag:$0x6], $0x80, s9, s14, $0xb8;
	[tilespmem:$0x1F000] =	vst v63  }
0x8a: {  	_ =	swait.ge [sflag:s21], $0x2800  }
0x8b: {  	[sflag:s21] =	ssyncset.done $0x0  }
0x8c: {  	[sflag:s21] =	ssyncadd.s32 $0xFFFFD800  }
0x8d: {  	_ =	swait.ge [sflag:s22], $0x2800  }
0x8e: {  	[sflag:s22] =	ssyncset.done $0x0  }
0x8f: {  	[sflag:s22] =	ssyncadd.s32 $0xFFFFD800  }
0x90: {  	_ =	swait.ge [sflag:s30], $0x400  }
0x91: {  	[sflag:s30] =	ssyncset.done $0x0  }
0x92: {  	[sflag:s30] =	ssyncadd.s32 $0xFFFFFC00  }
0x93: {  	_ =	swait.ge [sflag:s31], $0x400  }
0x94: {  	[sflag:s31] =	ssyncset.done $0x0  }
0x95: {  	[sflag:s31] =	ssyncadd.s32 $0xFFFFFC00  }
0x96: {  	[tilespmem:s18], [sflag:$0x1] =	stream.indirect.gather [hbm4b:s4+s14], $0x80, s24, s14, $0xb8;
	[tilespmem:$0x1F000] =	vst v63  }
0x97: {  	s10 =	rddreg [dreg:$0x11]  }
0x98: {  	[tilespmem:s20], [sflag:$0x2] =	stream.indirect.gather [hbm4b:s4+s14], $0x80, s10, s14, $0xb8;
	[tilespmem:$0x1F000] =	vst v63  }
0x99: {  	_ =	swait.ge [sflag:s25], $0x2800  }
0x9a: {  	[sflag:s25] =	ssyncset.done $0x0  }
0x9b: {  	s2 =	rddreg [dreg:$0x12];
	[sflag:s25] =	ssyncadd.s32 $0xFFFFD800  }
0x9c: {  	[spmem:s1] =	stream.indirect.scatter.add.f32 [tilespmem:s15], [sflag:$0x7], $0x80, s2, s14, $0xb8;
	[tilespmem:$0x1F000] =	vst v63  }
0x9d: {  	_ =	swait.ge [sflag:s26], $0x2800  }
0x9e: {  	[sflag:s26] =	ssyncset.done $0x0  }
0x9f: {  	s5 =	rddreg [dreg:$0x13];
	[sflag:s26] =	ssyncadd.s32 $0xFFFFD800  }
0xa0: {  	[spmem:s1] =	stream.indirect.scatter.add.f32 [tilespmem:s16], [sflag:$0x8], $0x80, s5, s14, $0xb8;
	[tilespmem:$0x1F000] =	vst v63  }
0xa1: {  	_ =	swait.ge [sflag:s28], $0x2800  }
0xa2: {  	[sflag:s28] =	ssyncset.done $0x0  }
0xa3: {  	[sflag:s28] =	ssyncadd.s32 $0xFFFFD800  }
0xa4: {  	_ =	swait.ge [sflag:s29], $0x2800  }
0xa5: {  	[sflag:s29] =	ssyncset.done $0x0  }
0xa6: {  	s6 =	rddreg [dreg:$0x14];
	[sflag:s29] =	ssyncadd.s32 $0xFFFFD800  }
0xa7: {  	[tilespmem:s15], [sflag:$0x3] =	stream.indirect.gather [hbm4b:s4+s14], $0x80, s6, s14, $0xb8;
	[tilespmem:$0x1F000] =	vst v63  }
0xa8: {  	s8 =	rddreg [dreg:$0x15]  }
0xa9: {  	[tilespmem:s16], [sflag:$0x4] =	stream.indirect.gather [hbm4b:s4+s14], $0x80, s8, s14, $0xb8;
	[tilespmem:$0x1F000] =	vst v63  }
0xaa: {  	_ =	swait.ge [sflag:s17], $0x2800  }
0xab: {  	[sflag:s17] =	ssyncset.done $0x0  }
0xac: {  	[sflag:s17] =	ssyncadd.s32 $0xFFFFD800  }
0xad: {  	[spmem:s1] =	stream.indirect.scatter.add.f32 [tilespmem:s18], [sflag:$0x5], $0x80, s23, s14, $0xb8;
	[tilespmem:$0x1F000] =	vst v63  }
0xae: {  	_ =	swait.ge [sflag:s19], $0x2800  }
0xaf: {  	[sflag:s19] =	ssyncset.done $0x0  }
0xb0: {  	s9 =	rddreg [dreg:$0x16];
	[sflag:s19] =	ssyncadd.s32 $0xFFFFD800  }
0xb1: {  	[spmem:s1] =	stream.indirect.scatter.add.f32 [tilespmem:s20], [sflag:$0x6], $0x80, s9, s14, $0xb8;
	[tilespmem:$0x1F000] =	vst v63  }
0xb2: {  	_ =	swait.ge [sflag:s21], $0x2800  }
0xb3: {  	[sflag:s21] =	ssyncset.done $0x0  }
0xb4: {  	[sflag:s21] =	ssyncadd.s32 $0xFFFFD800  }
0xb5: {  	p0 =	por $0x0, $0x0;
	_ =	swait.ge [sflag:s22], $0x2800  }
0xb6: {  	s5 =	simm.s32 @!p0 $0x0;
	s0 =	rddreg [dreg:$0x4];
	[sflag:s22] =	ssyncset.done $0x0  }
0xb7: {  	s2 =	rddreg [dreg:$0x5];
	[sflag:s22] =	ssyncadd.s32 $0xFFFFD800;
	s0 =	sadd.s32 @!p0 $0x0, s0  }
0xb8: {  	[tilespmem:s5], [sflag:$0x9] =	stream.linear.gather @!p0 [hbm4b:s0+s5], $0x400, $0x38;
	[tilespmem:$0x1F000] =	vst v63  }
0xb9: {  	s0 =	sadd.s32 @!p0 $0x0, s2;
	s2 =	simm.s32 @!p0 $0x800  }
0xba: {  	[tilespmem:s2], [sflag:$0xA] =	stream.linear.gather @!p0 [hbm4b:s0+s5], $0x400, $0x38;
	[tilespmem:$0x1F000] =	vst v63  }
0xbb: {  	s10 =	rddreg [dreg:$0x17]  }
0xbc: {  	[tilespmem:s18], [sflag:$0x1] =	stream.indirect.gather [hbm4b:s4+s14], $0x80, s10, s14, $0xb8;
	[tilespmem:$0x1F000] =	vst v63  }
0xbd: {  	s2 =	rddreg [dreg:$0x18]  }
0xbe: {  	[tilespmem:s20], [sflag:$0x2] =	stream.indirect.gather [hbm4b:s4+s14], $0x80, s2, s14, $0xb8;
	[tilespmem:$0x1F000] =	vst v63  }
0xbf: {  	_ =	swait.ge [sflag:s25], $0x2800  }
0xc0: {  	[sflag:s25] =	ssyncset.done $0x0  }
0xc1: {  	s5 =	rddreg [dreg:$0x19];
	[sflag:s25] =	ssyncadd.s32 $0xFFFFD800  }
0xc2: {  	[spmem:s1] =	stream.indirect.scatter.add.f32 [tilespmem:s15], [sflag:$0x7], $0x80, s5, s14, $0xb8;
	[tilespmem:$0x1F000] =	vst v63  }
0xc3: {  	_ =	swait.ge [sflag:s26], $0x2800  }
0xc4: {  	[sflag:s26] =	ssyncset.done $0x0  }
0xc5: {  	s6 =	rddreg [dreg:$0x1a];
	[sflag:s26] =	ssyncadd.s32 $0xFFFFD800  }
0xc6: {  	[spmem:s1] =	stream.indirect.scatter.add.f32 [tilespmem:s16], [sflag:$0x8], $0x80, s6, s14, $0xb8;
	[tilespmem:$0x1F000] =	vst v63  }
0xc7: {  	_ =	swait.ge [sflag:s28], $0x2800  }
0xc8: {  	[sflag:s28] =	ssyncset.done $0x0  }
0xc9: {  	[sflag:s28] =	ssyncadd.s32 $0xFFFFD800  }
0xca: {  	_ =	swait.ge [sflag:s29], $0x2800  }
0xcb: {  	[sflag:s29] =	ssyncset.done $0x0  }
0xcc: {  	s8 =	rddreg [dreg:$0x1b];
	[sflag:s29] =	ssyncadd.s32 $0xFFFFD800  }
0xcd: {  	[tilespmem:s15], [sflag:$0x3] =	stream.indirect.gather [hbm4b:s4+s14], $0x80, s8, s14, $0xb8;
	[tilespmem:$0x1F000] =	vst v63  }
0xce: {  	s9 =	rddreg [dreg:$0x1c]  }
0xcf: {  	[tilespmem:s16], [sflag:$0x4] =	stream.indirect.gather [hbm4b:s4+s14], $0x80, s9, s14, $0xb8;
	[tilespmem:$0x1F000] =	vst v63  }
0xd0: {  	_ =	swait.ge [sflag:s17], $0x2800  }
0xd1: {  	[sflag:s17] =	ssyncset.done $0x0  }
0xd2: {  	s10 =	rddreg [dreg:$0x1d];
	[sflag:s17] =	ssyncadd.s32 $0xFFFFD800  }
0xd3: {  	[spmem:s1] =	stream.indirect.scatter.add.f32 [tilespmem:s18], [sflag:$0x5], $0x80, s10, s14, $0xb8;
	[tilespmem:$0x1F000] =	vst v63  }
0xd4: {  	p6 =	por $0x0, $0x0;
	_ =	swait.ge [sflag:s19], $0x2800  }
0xd5: {  	s0 =	simm.s32 $0x100;
	p0 =	por p6, p6;
	[sflag:s19] =	ssyncset.done $0x0  }
0xd6: {  	s2 =	simm.s32 $0x200;
	s5 =	rddreg [dreg:$0x1e];
	[sflag:s19] =	ssyncadd.s32 $0xFFFFD800  }
.LBB2_2:
0xd7: {  	[spmem:s1] =	stream.indirect.scatter.add.f32 [tilespmem:s20], [sflag:$0x6], $0x80, s5, s14, $0xb8;
	[tilespmem:$0x1F000] =	vst v63  }
0xd8: {  	s8 =	simm.s32 @p0 $0x9  }
0xd9: {  	_ =	swait.ge @p0 [sflag:s8], $0x400  }
0xda: {  	[sflag:s8] =	ssyncset.done @p0 $0x0  }
0xdb: {  	[sflag:s8] =	ssyncadd.s32 @p0 $0xFFFFFC00;
	s8 =	simm.s32 @p0 $0xA  }
0xdc: {  	_ =	swait.ge @p0 [sflag:s8], $0x400  }
0xdd: {  	s9 =	simm.s32 @p0 $0x1000;
	[sflag:s8] =	ssyncset.done @p0 $0x0  }
0xde: {  	s10 =	simm.s32 @p0 $0x800;
	[sflag:s8] =	ssyncadd.s32 @p0 $0xFFFFFC00;
	s8 =	simm.s32 @p0 $0x50  }
0xdf: {  	[tilespmem:s9], [sflag:$0x1] =	stream.indirect.gather @p0 [hbm4b:s4+s8], $0x80, s10, s8, $0xb8;
	[tilespmem:$0x1F000] =	vst v63  }
0xe0: {  	s6 =	simm.s32 @!p0 $0x5;
	s9 =	simm.s32 @p0 $0x880;
	s10 =	simm.s32 @p0 $0x3800  }
0xe1: {  	[tilespmem:s10], [sflag:$0x2] =	stream.indirect.gather @p0 [hbm4b:s4+s8], $0x80, s9, s8, $0xb8;
	[tilespmem:$0x1F000] =	vst v63  }
0xe2: {  	_ =	swait.ge @!p0 [sflag:s6], $0x2800  }
0xe3: {  	[sflag:s6] =	ssyncset.done @!p0 $0x0  }
0xe4: {  	[sflag:s6] =	ssyncadd.s32 @!p0 $0xFFFFD800;
	s6 =	simm.s32 @!p0 $0x6  }
0xe5: {  	_ =	swait.ge @!p0 [sflag:s6], $0x2800  }
0xe6: {  	[sflag:s6] =	ssyncset.done @!p0 $0x0  }
0xe7: {  	[sflag:s6] =	ssyncadd.s32 @!p0 $0xFFFFD800;
	s6 =	simm.s32 @!p0 $0x9  }
0xe8: {  	_ =	swait.ge @!p0 [sflag:s6], $0x400  }
0xe9: {  	[sflag:s6] =	ssyncset.done @!p0 $0x0  }
0xea: {  	[sflag:s6] =	ssyncadd.s32 @!p0 $0xFFFFFC00;
	s6 =	simm.s32 @!p0 $0xA  }
0xeb: {  	_ =	swait.ge @!p0 [sflag:s6], $0x400  }
0xec: {  	s8 =	simm.s32 @!p0 $0x1000;
	[sflag:s6] =	ssyncset.done @!p0 $0x0  }
0xed: {  	s9 =	simm.s32 @!p0 $0x800;
	[sflag:s6] =	ssyncadd.s32 @!p0 $0xFFFFFC00;
	s6 =	simm.s32 @!p0 $0x50  }
0xee: {  	[tilespmem:s8], [sflag:$0x1] =	stream.indirect.gather @!p0 [hbm4b:s4+s6], $0x80, s9, s6, $0xb8;
	[tilespmem:$0x1F000] =	vst v63  }
0xef: {  	s10 =	simm.s32 @!p0 $0x3;
	s8 =	simm.s32 @!p0 $0x880;
	s9 =	simm.s32 @!p0 $0x3800  }
0xf0: {  	[tilespmem:s9], [sflag:$0x2] =	stream.indirect.gather @!p0 [hbm4b:s4+s6], $0x80, s8, s6, $0xb8;
	[tilespmem:$0x1F000] =	vst v63  }
0xf1: {  	_ =	swait.ge @!p0 [sflag:s10], $0x2800  }
0xf2: {  	s8 =	simm.s32 @!p0 $0x4;
	[sflag:s10] =	ssyncset.done @!p0 $0x0  }
0xf3: {  	s9 =	simm.s32 @!p0 $0x700;
	[sflag:s10] =	ssyncadd.s32 @!p0 $0xFFFFD800;
	s10 =	simm.s32 @!p0 $0x6000  }
0xf4: {  	[spmem:s1] =	stream.indirect.scatter.add.f32 @!p0 [tilespmem:s10], [sflag:$0x7], $0x80, s9, s6, $0xb8;
	[tilespmem:$0x1F000] =	vst v63  }
0xf5: {  	_ =	swait.ge @!p0 [sflag:s8], $0x2800  }
0xf6: {  	s9 =	simm.s32 @!p0 $0x7;
	[sflag:s8] =	ssyncset.done @!p0 $0x0  }
0xf7: {  	s10 =	simm.s32 @!p0 $0x8800;
	[sflag:s8] =	ssyncadd.s32 @!p0 $0xFFFFD800;
	s8 =	simm.s32 @!p0 $0x780  }
0xf8: {  	[spmem:s1] =	stream.indirect.scatter.add.f32 @!p0 [tilespmem:s10], [sflag:$0x8], $0x80, s8, s6, $0xb8;
	[tilespmem:$0x1F000] =	vst v63  }
0xf9: {  	_ =	swait.ge @!p0 [sflag:s9], $0x2800  }
0xfa: {  	[sflag:s9] =	ssyncset.done @!p0 $0x0  }
0xfb: {  	s6 =	simm.s32 @!p0 $0x8;
	[sflag:s9] =	ssyncadd.s32 @!p0 $0xFFFFD800  }
0xfc: {  	_ =	swait.ge @!p0 [sflag:s6], $0x2800  }
0xfd: {  	[sflag:s6] =	ssyncset.done @!p0 $0x0  }
0xfe: {  	s9 =	rddreg [dreg:$0x6];
	[sflag:s6] =	ssyncadd.s32 @!p0 $0xFFFFD800  }
0xff: {  	[tilespmem:s15], [sflag:$0x3] =	stream.indirect.gather [hbm4b:s4+s14], $0x80, s9, s14, $0xb8;
	[tilespmem:$0x1F000] =	vst v63  }
0x100: {  	s10 =	rddreg [dreg:$0x7]  }
0x101: {  	[tilespmem:s16], [sflag:$0x4] =	stream.indirect.gather [hbm4b:s4+s14], $0x80, s10, s14, $0xb8;
	[tilespmem:$0x1F000] =	vst v63  }
0x102: {  	_ =	swait.ge [sflag:s17], $0x2800  }
0x103: {  	[sflag:s17] =	ssyncset.done $0x0  }
0x104: {  	[sflag:s17] =	ssyncadd.s32 $0xFFFFD800  }
0x105: {  	[spmem:s1] =	stream.indirect.scatter.add.f32 [tilespmem:s18], [sflag:$0x5], $0x80, s3, s14, $0xb8;
	[tilespmem:$0x1F000] =	vst v63  }
0x106: {  	_ =	swait.ge [sflag:s19], $0x2800  }
0x107: {  	[sflag:s19] =	ssyncset.done $0x0  }
0x108: {  	s8 =	rddreg [dreg:$0x8];
	[sflag:s19] =	ssyncadd.s32 $0xFFFFD800  }
0x109: {  	[spmem:s1] =	stream.indirect.scatter.add.f32 [tilespmem:s20], [sflag:$0x6], $0x80, s8, s14, $0xb8;
	[tilespmem:$0x1F000] =	vst v63  }
0x10a: {  	_ =	swait.ge [sflag:s21], $0x2800  }
0x10b: {  	[sflag:s21] =	ssyncset.done $0x0  }
0x10c: {  	[sflag:s21] =	ssyncadd.s32 $0xFFFFD800  }
0x10d: {  	_ =	swait.ge [sflag:s22], $0x2800  }
0x10e: {  	s9 =	sadd.s32 s0, s7;
	[sflag:s22] =	ssyncset.done $0x0  }
0x10f: {  	s10 =	sadd.s32 $0x80, s9;
	[sflag:s22] =	ssyncadd.s32 $0xFFFFD800  }
0x110: {  	[tilespmem:s23], [sflag:$0xB] =	stream.linear.gather [hbm4b:s10+s3], $0x400, $0x38;
	[tilespmem:$0x1F000] =	vst v63  }
0x111: {  	s6 =	sadd.s32 $0x8080, s9  }
0x112: {  	[tilespmem:s24], [sflag:$0xC] =	stream.linear.gather [hbm4b:s6+s3], $0x400, $0x38;
	[tilespmem:$0x1F000] =	vst v63  }
0x113: {  	s9 =	rddreg [dreg:$0x9]  }
0x114: {  	[tilespmem:s18], [sflag:$0x1] =	stream.indirect.gather [hbm4b:s4+s14], $0x80, s9, s14, $0xb8;
	[tilespmem:$0x1F000] =	vst v63  }
0x115: {  	s10 =	rddreg [dreg:$0xa]  }
0x116: {  	[tilespmem:s20], [sflag:$0x2] =	stream.indirect.gather [hbm4b:s4+s14], $0x80, s10, s14, $0xb8;
	[tilespmem:$0x1F000] =	vst v63  }
0x117: {  	_ =	swait.ge [sflag:s25], $0x2800  }
0x118: {  	[sflag:s25] =	ssyncset.done $0x0  }
0x119: {  	s9 =	rddreg [dreg:$0xb];
	[sflag:s25] =	ssyncadd.s32 $0xFFFFD800  }
0x11a: {  	[spmem:s1] =	stream.indirect.scatter.add.f32 [tilespmem:s15], [sflag:$0x7], $0x80, s9, s14, $0xb8;
	[tilespmem:$0x1F000] =	vst v63  }
0x11b: {  	_ =	swait.ge [sflag:s26], $0x2800  }
0x11c: {  	[sflag:s26] =	ssyncset.done $0x0  }
0x11d: {  	s10 =	rddreg [dreg:$0xc];
	[sflag:s26] =	ssyncadd.s32 $0xFFFFD800  }
0x11e: {  	[spmem:s1] =	stream.indirect.scatter.add.f32 [tilespmem:s16], [sflag:$0x8], $0x80, s10, s14, $0xb8;
	[tilespmem:$0x1F000] =	vst v63  }
0x11f: {  	_ =	swait.ge [sflag:s28], $0x2800  }
0x120: {  	[sflag:s28] =	ssyncset.done $0x0  }
0x121: {  	[sflag:s28] =	ssyncadd.s32 $0xFFFFD800  }
0x122: {  	_ =	swait.ge [sflag:s29], $0x2800  }
0x123: {  	[sflag:s29] =	ssyncset.done $0x0  }
0x124: {  	s8 =	rddreg [dreg:$0xd];
	[sflag:s29] =	ssyncadd.s32 $0xFFFFD800  }
0x125: {  	[tilespmem:s15], [sflag:$0x3] =	stream.indirect.gather [hbm4b:s4+s14], $0x80, s8, s14, $0xb8;
	[tilespmem:$0x1F000] =	vst v63  }
0x126: {  	s9 =	rddreg [dreg:$0xe]  }
0x127: {  	[tilespmem:s16], [sflag:$0x4] =	stream.indirect.gather [hbm4b:s4+s14], $0x80, s9, s14, $0xb8;
	[tilespmem:$0x1F000] =	vst v63  }
0x128: {  	_ =	swait.ge [sflag:s17], $0x2800  }
0x129: {  	[sflag:s17] =	ssyncset.done $0x0  }
0x12a: {  	s10 =	rddreg [dreg:$0xf];
	[sflag:s17] =	ssyncadd.s32 $0xFFFFD800  }
0x12b: {  	[spmem:s1] =	stream.indirect.scatter.add.f32 [tilespmem:s18], [sflag:$0x5], $0x80, s10, s14, $0xb8;
	[tilespmem:$0x1F000] =	vst v63  }
0x12c: {  	_ =	swait.ge [sflag:s19], $0x2800  }
0x12d: {  	[sflag:s19] =	ssyncset.done $0x0  }
0x12e: {  	s8 =	rddreg [dreg:$0x10];
	[sflag:s19] =	ssyncadd.s32 $0xFFFFD800  }
0x12f: {  	[spmem:s1] =	stream.indirect.scatter.add.f32 [tilespmem:s20], [sflag:$0x6], $0x80, s8, s14, $0xb8;
	[tilespmem:$0x1F000] =	vst v63  }
0x130: {  	_ =	swait.ge [sflag:s21], $0x2800  }
0x131: {  	[sflag:s21] =	ssyncset.done $0x0  }
0x132: {  	[sflag:s21] =	ssyncadd.s32 $0xFFFFD800  }
0x133: {  	_ =	swait.ge [sflag:s22], $0x2800  }
0x134: {  	[sflag:s22] =	ssyncset.done $0x0  }
0x135: {  	[sflag:s22] =	ssyncadd.s32 $0xFFFFD800  }
0x136: {  	_ =	swait.ge [sflag:s30], $0x400  }
0x137: {  	[sflag:s30] =	ssyncset.done $0x0  }
0x138: {  	[sflag:s30] =	ssyncadd.s32 $0xFFFFFC00  }
0x139: {  	_ =	swait.ge [sflag:s31], $0x400  }
0x13a: {  	[sflag:s31] =	ssyncset.done $0x0  }
0x13b: {  	[sflag:s31] =	ssyncadd.s32 $0xFFFFFC00  }
0x13c: {  	[tilespmem:s18], [sflag:$0x1] =	stream.indirect.gather [hbm4b:s4+s14], $0x80, s24, s14, $0xb8;
	[tilespmem:$0x1F000] =	vst v63  }
0x13d: {  	s9 =	rddreg [dreg:$0x11]  }
0x13e: {  	[tilespmem:s20], [sflag:$0x2] =	stream.indirect.gather [hbm4b:s4+s14], $0x80, s9, s14, $0xb8;
	[tilespmem:$0x1F000] =	vst v63  }
0x13f: {  	_ =	swait.ge [sflag:s25], $0x2800  }
0x140: {  	[sflag:s25] =	ssyncset.done $0x0  }
0x141: {  	s10 =	rddreg [dreg:$0x12];
	[sflag:s25] =	ssyncadd.s32 $0xFFFFD800  }
0x142: {  	[spmem:s1] =	stream.indirect.scatter.add.f32 [tilespmem:s15], [sflag:$0x7], $0x80, s10, s14, $0xb8;
	[tilespmem:$0x1F000] =	vst v63  }
0x143: {  	_ =	swait.ge [sflag:s26], $0x2800  }
0x144: {  	[sflag:s26] =	ssyncset.done $0x0  }
0x145: {  	s8 =	rddreg [dreg:$0x13];
	[sflag:s26] =	ssyncadd.s32 $0xFFFFD800  }
0x146: {  	[spmem:s1] =	stream.indirect.scatter.add.f32 [tilespmem:s16], [sflag:$0x8], $0x80, s8, s14, $0xb8;
	[tilespmem:$0x1F000] =	vst v63  }
0x147: {  	_ =	swait.ge [sflag:s28], $0x2800  }
0x148: {  	[sflag:s28] =	ssyncset.done $0x0  }
0x149: {  	[sflag:s28] =	ssyncadd.s32 $0xFFFFD800  }
0x14a: {  	_ =	swait.ge [sflag:s29], $0x2800  }
0x14b: {  	[sflag:s29] =	ssyncset.done $0x0  }
0x14c: {  	s9 =	rddreg [dreg:$0x14];
	[sflag:s29] =	ssyncadd.s32 $0xFFFFD800  }
0x14d: {  	[tilespmem:s15], [sflag:$0x3] =	stream.indirect.gather [hbm4b:s4+s14], $0x80, s9, s14, $0xb8;
	[tilespmem:$0x1F000] =	vst v63  }
0x14e: {  	s10 =	rddreg [dreg:$0x15]  }
0x14f: {  	[tilespmem:s16], [sflag:$0x4] =	stream.indirect.gather [hbm4b:s4+s14], $0x80, s10, s14, $0xb8;
	[tilespmem:$0x1F000] =	vst v63  }
0x150: {  	_ =	swait.ge [sflag:s17], $0x2800  }
0x151: {  	[sflag:s17] =	ssyncset.done $0x0  }
0x152: {  	[sflag:s17] =	ssyncadd.s32 $0xFFFFD800  }
0x153: {  	[spmem:s1] =	stream.indirect.scatter.add.f32 [tilespmem:s18], [sflag:$0x5], $0x80, s23, s14, $0xb8;
	[tilespmem:$0x1F000] =	vst v63  }
0x154: {  	_ =	swait.ge [sflag:s19], $0x2800  }
0x155: {  	[sflag:s19] =	ssyncset.done $0x0  }
0x156: {  	s9 =	rddreg [dreg:$0x16];
	[sflag:s19] =	ssyncadd.s32 $0xFFFFD800  }
0x157: {  	[spmem:s1] =	stream.indirect.scatter.add.f32 [tilespmem:s20], [sflag:$0x6], $0x80, s9, s14, $0xb8;
	[tilespmem:$0x1F000] =	vst v63  }
0x158: {  	_ =	swait.ge [sflag:s21], $0x2800  }
0x159: {  	s5 =	smov.u32 s2;
	[sflag:s21] =	ssyncset.done $0x0  }
0x15a: {  	p2 =	seq.s32 s5, $0x0;
	[sflag:s21] =	ssyncadd.s32 $0xFFFFD800  }
0x15b: {  	p0 =	por p2, p2;
	p2 =	seq.s32 s0, $0x300;
	_ =	swait.ge [sflag:s22], $0x2800  }
0x15c: {  	s9 =	simm.s32 @!p2 $0x0;
	s6 =	rddreg [dreg:$0x4];
	[sflag:s22] =	ssyncset.done $0x0  }
0x15d: {  	s8 =	rddreg [dreg:$0x5];
	[sflag:s22] =	ssyncadd.s32 $0xFFFFD800;
	s6 =	sadd.s32 @!p2 s0, s6  }
0x15e: {  	[tilespmem:s9], [sflag:$0x9] =	stream.linear.gather @!p2 [hbm4b:s6+s9], $0x400, $0x38;
	[tilespmem:$0x1F000] =	vst v63  }
0x15f: {  	s0 =	sadd.s32 @!p2 s0, s8;
	s6 =	simm.s32 @!p2 $0x800  }
0x160: {  	[tilespmem:s6], [sflag:$0xA] =	stream.linear.gather @!p2 [hbm4b:s0+s9], $0x400, $0x38;
	[tilespmem:$0x1F000] =	vst v63  }
0x161: {  	s10 =	rddreg [dreg:$0x17]  }
0x162: {  	[tilespmem:s18], [sflag:$0x1] =	stream.indirect.gather [hbm4b:s4+s14], $0x80, s10, s14, $0xb8;
	[tilespmem:$0x1F000] =	vst v63  }
0x163: {  	s9 =	rddreg [dreg:$0x18]  }
0x164: {  	[tilespmem:s20], [sflag:$0x2] =	stream.indirect.gather [hbm4b:s4+s14], $0x80, s9, s14, $0xb8;
	[tilespmem:$0x1F000] =	vst v63  }
0x165: {  	_ =	swait.ge [sflag:s25], $0x2800  }
0x166: {  	[sflag:s25] =	ssyncset.done $0x0  }
0x167: {  	s10 =	rddreg [dreg:$0x19];
	[sflag:s25] =	ssyncadd.s32 $0xFFFFD800  }
0x168: {  	[spmem:s1] =	stream.indirect.scatter.add.f32 [tilespmem:s15], [sflag:$0x7], $0x80, s10, s14, $0xb8;
	[tilespmem:$0x1F000] =	vst v63  }
0x169: {  	_ =	swait.ge [sflag:s26], $0x2800  }
0x16a: {  	[sflag:s26] =	ssyncset.done $0x0  }
0x16b: {  	s6 =	rddreg [dreg:$0x1a];
	[sflag:s26] =	ssyncadd.s32 $0xFFFFD800  }
0x16c: {  	[spmem:s1] =	stream.indirect.scatter.add.f32 [tilespmem:s16], [sflag:$0x8], $0x80, s6, s14, $0xb8;
	[tilespmem:$0x1F000] =	vst v63  }
0x16d: {  	_ =	swait.ge [sflag:s28], $0x2800  }
0x16e: {  	[sflag:s28] =	ssyncset.done $0x0  }
0x16f: {  	[sflag:s28] =	ssyncadd.s32 $0xFFFFD800  }
0x170: {  	_ =	swait.ge [sflag:s29], $0x2800  }
0x171: {  	[sflag:s29] =	ssyncset.done $0x0  }
0x172: {  	s8 =	rddreg [dreg:$0x1b];
	[sflag:s29] =	ssyncadd.s32 $0xFFFFD800  }
0x173: {  	[tilespmem:s15], [sflag:$0x3] =	stream.indirect.gather [hbm4b:s4+s14], $0x80, s8, s14, $0xb8;
	[tilespmem:$0x1F000] =	vst v63  }
0x174: {  	s9 =	rddreg [dreg:$0x1c]  }
0x175: {  	[tilespmem:s16], [sflag:$0x4] =	stream.indirect.gather [hbm4b:s4+s14], $0x80, s9, s14, $0xb8;
	[tilespmem:$0x1F000] =	vst v63  }
0x176: {  	s2 =	sadd.s32 $0x100, s2;
	_ =	swait.ge [sflag:s17], $0x2800  }
0x177: {  	p1 =	sne.s32 s2, $0x400;
	[sflag:s17] =	ssyncset.done $0x0  }
.Ltmp0:
0x178: {  	s10 =	rddreg [dreg:$0x1d];
	[sflag:s17] =	ssyncadd.s32 $0xFFFFD800;
	(pc) =	sbr.rel @p1 .LBB2_2-.Ltmp0, $4  }
0x179: {  	[spmem:s1] =	stream.indirect.scatter.add.f32 [tilespmem:s18], [sflag:$0x5], $0x80, s10, s14, $0xb8;
	[tilespmem:$0x1F000] =	vst v63  }
0x17a: {  	_ =	swait.ge [sflag:s19], $0x2800  }
0x17b: {  	[sflag:s19] =	ssyncset.done $0x0  }
0x17c: {  	s0 =	smov.u32 s5;
	s5 =	rddreg [dreg:$0x1e];
	[sflag:s19] =	ssyncadd.s32 $0xFFFFD800  }
0x17d: {  	[spmem:s1] =	stream.indirect.scatter.add.f32 [tilespmem:s20], [sflag:$0x6], $0x80, s5, s14, $0xb8;
	[tilespmem:$0x1F000] =	vst v63  }
0x17e: {  	s2 =	simm.s32 @p0 $0x9  }
0x17f: {  	_ =	swait.ge @p0 [sflag:s2], $0x400  }
0x180: {  	[sflag:s2] =	ssyncset.done @p0 $0x0  }
0x181: {  	[sflag:s2] =	ssyncadd.s32 @p0 $0xFFFFFC00;
	s2 =	simm.s32 @p0 $0xA  }
0x182: {  	_ =	swait.ge @p0 [sflag:s2], $0x400  }
0x183: {  	s5 =	simm.s32 @p0 $0x1000;
	[sflag:s2] =	ssyncset.done @p0 $0x0  }
0x184: {  	s6 =	simm.s32 @p0 $0x800;
	[sflag:s2] =	ssyncadd.s32 @p0 $0xFFFFFC00;
	s2 =	simm.s32 @p0 $0x50  }
0x185: {  	[tilespmem:s5], [sflag:$0x1] =	stream.indirect.gather @p0 [hbm4b:s4+s2], $0x80, s6, s2, $0xb8;
	[tilespmem:$0x1F000] =	vst v63  }
0x186: {  	s5 =	simm.s32 @p0 $0x880;
	s6 =	simm.s32 @p0 $0x3800  }
0x187: {  	[tilespmem:s6], [sflag:$0x2] =	stream.indirect.gather @p0 [hbm4b:s4+s2], $0x80, s5, s2, $0xb8;
	[tilespmem:$0x1F000] =	vst v63  }
0x188: {  	s2 =	simm.s32 @!p0 $0x5  }
0x189: {  	_ =	swait.ge @!p0 [sflag:s2], $0x2800  }
0x18a: {  	[sflag:s2] =	ssyncset.done @!p0 $0x0  }
0x18b: {  	[sflag:s2] =	ssyncadd.s32 @!p0 $0xFFFFD800;
	s2 =	simm.s32 @!p0 $0x6  }
0x18c: {  	_ =	swait.ge @!p0 [sflag:s2], $0x2800  }
0x18d: {  	[sflag:s2] =	ssyncset.done @!p0 $0x0  }
0x18e: {  	[sflag:s2] =	ssyncadd.s32 @!p0 $0xFFFFD800;
	s2 =	simm.s32 @!p0 $0x9  }
0x18f: {  	_ =	swait.ge @!p0 [sflag:s2], $0x400  }
0x190: {  	[sflag:s2] =	ssyncset.done @!p0 $0x0  }
0x191: {  	[sflag:s2] =	ssyncadd.s32 @!p0 $0xFFFFFC00;
	s2 =	simm.s32 @!p0 $0xA  }
0x192: {  	_ =	swait.ge @!p0 [sflag:s2], $0x400  }
0x193: {  	s5 =	simm.s32 @!p0 $0x1000;
	[sflag:s2] =	ssyncset.done @!p0 $0x0  }
0x194: {  	s6 =	simm.s32 @!p0 $0x800;
	[sflag:s2] =	ssyncadd.s32 @!p0 $0xFFFFFC00;
	s2 =	simm.s32 @!p0 $0x50  }
0x195: {  	[tilespmem:s5], [sflag:$0x1] =	stream.indirect.gather @!p0 [hbm4b:s4+s2], $0x80, s6, s2, $0xb8;
	[tilespmem:$0x1F000] =	vst v63  }
0x196: {  	s5 =	simm.s32 @!p0 $0x880;
	s6 =	simm.s32 @!p0 $0x3800  }
0x197: {  	[tilespmem:s6], [sflag:$0x2] =	stream.indirect.gather @!p0 [hbm4b:s4+s2], $0x80, s5, s2, $0xb8;
	[tilespmem:$0x1F000] =	vst v63  }
0x198: {  	s5 =	simm.s32 @!p0 $0x3  }
0x199: {  	_ =	swait.ge @!p0 [sflag:s5], $0x2800  }
0x19a: {  	[sflag:s5] =	ssyncset.done @!p0 $0x0  }
0x19b: {  	s6 =	simm.s32 @!p0 $0x6000;
	[sflag:s5] =	ssyncadd.s32 @!p0 $0xFFFFD800;
	s5 =	simm.s32 @!p0 $0x700  }
0x19c: {  	[spmem:s1] =	stream.indirect.scatter.add.f32 @!p0 [tilespmem:s6], [sflag:$0x7], $0x80, s5, s2, $0xb8;
	[tilespmem:$0x1F000] =	vst v63  }
0x19d: {  	s5 =	simm.s32 @!p0 $0x4  }
0x19e: {  	_ =	swait.ge @!p0 [sflag:s5], $0x2800  }
0x19f: {  	[sflag:s5] =	ssyncset.done @!p0 $0x0  }
0x1a0: {  	s6 =	simm.s32 @!p0 $0x8800;
	[sflag:s5] =	ssyncadd.s32 @!p0 $0xFFFFD800;
	s5 =	simm.s32 @!p0 $0x780  }
0x1a1: {  	[spmem:s1] =	stream.indirect.scatter.add.f32 @!p0 [tilespmem:s6], [sflag:$0x8], $0x80, s5, s2, $0xb8;
	[tilespmem:$0x1F000] =	vst v63  }
0x1a2: {  	s2 =	simm.s32 @!p0 $0x7  }
0x1a3: {  	_ =	swait.ge @!p0 [sflag:s2], $0x2800  }
0x1a4: {  	[sflag:s2] =	ssyncset.done @!p0 $0x0  }
0x1a5: {  	[sflag:s2] =	ssyncadd.s32 @!p0 $0xFFFFD800;
	s2 =	simm.s32 @!p0 $0x8  }
0x1a6: {  	_ =	swait.ge @!p0 [sflag:s2], $0x2800  }
0x1a7: {  	[sflag:s2] =	ssyncset.done @!p0 $0x0  }
0x1a8: {  	s9 =	rddreg [dreg:$0x6];
	[sflag:s2] =	ssyncadd.s32 @!p0 $0xFFFFD800  }
0x1a9: {  	[tilespmem:s15], [sflag:$0x3] =	stream.indirect.gather [hbm4b:s4+s14], $0x80, s9, s14, $0xb8;
	[tilespmem:$0x1F000] =	vst v63  }
0x1aa: {  	s10 =	rddreg [dreg:$0x7]  }
0x1ab: {  	[tilespmem:s16], [sflag:$0x4] =	stream.indirect.gather [hbm4b:s4+s14], $0x80, s10, s14, $0xb8;
	[tilespmem:$0x1F000] =	vst v63  }
0x1ac: {  	_ =	swait.ge [sflag:s17], $0x2800  }
0x1ad: {  	[sflag:s17] =	ssyncset.done $0x0  }
0x1ae: {  	[sflag:s17] =	ssyncadd.s32 $0xFFFFD800  }
0x1af: {  	[spmem:s1] =	stream.indirect.scatter.add.f32 [tilespmem:s18], [sflag:$0x5], $0x80, s3, s14, $0xb8;
	[tilespmem:$0x1F000] =	vst v63  }
0x1b0: {  	_ =	swait.ge [sflag:s19], $0x2800  }
0x1b1: {  	[sflag:s19] =	ssyncset.done $0x0  }
0x1b2: {  	s5 =	rddreg [dreg:$0x8];
	[sflag:s19] =	ssyncadd.s32 $0xFFFFD800  }
0x1b3: {  	[spmem:s1] =	stream.indirect.scatter.add.f32 [tilespmem:s20], [sflag:$0x6], $0x80, s5, s14, $0xb8;
	[tilespmem:$0x1F000] =	vst v63  }
0x1b4: {  	_ =	swait.ge [sflag:s21], $0x2800  }
0x1b5: {  	[sflag:s21] =	ssyncset.done $0x0  }
0x1b6: {  	[sflag:s21] =	ssyncadd.s32 $0xFFFFD800  }
0x1b7: {  	_ =	swait.ge [sflag:s22], $0x2800  }
0x1b8: {  	s6 =	sadd.s32 s0, s7;
	[sflag:s22] =	ssyncset.done $0x0  }
0x1b9: {  	s8 =	sadd.s32 $0x80, s6;
	[sflag:s22] =	ssyncadd.s32 $0xFFFFD800  }
0x1ba: {  	[tilespmem:s23], [sflag:$0xB] =	stream.linear.gather [hbm4b:s8+s3], $0x400, $0x38;
	[tilespmem:$0x1F000] =	vst v63  }
0x1bb: {  	s2 =	sadd.s32 $0x8080, s6  }
0x1bc: {  	[tilespmem:s24], [sflag:$0xC] =	stream.linear.gather [hbm4b:s2+s3], $0x400, $0x38;
	[tilespmem:$0x1F000] =	vst v63  }
0x1bd: {  	s9 =	rddreg [dreg:$0x9]  }
0x1be: {  	[tilespmem:s18], [sflag:$0x1] =	stream.indirect.gather [hbm4b:s4+s14], $0x80, s9, s14, $0xb8;
	[tilespmem:$0x1F000] =	vst v63  }
0x1bf: {  	s10 =	rddreg [dreg:$0xa]  }
0x1c0: {  	[tilespmem:s20], [sflag:$0x2] =	stream.indirect.gather [hbm4b:s4+s14], $0x80, s10, s14, $0xb8;
	[tilespmem:$0x1F000] =	vst v63  }
0x1c1: {  	_ =	swait.ge [sflag:s25], $0x2800  }
0x1c2: {  	[sflag:s25] =	ssyncset.done $0x0  }
0x1c3: {  	s6 =	rddreg [dreg:$0xb];
	[sflag:s25] =	ssyncadd.s32 $0xFFFFD800  }
0x1c4: {  	[spmem:s1] =	stream.indirect.scatter.add.f32 [tilespmem:s15], [sflag:$0x7], $0x80, s6, s14, $0xb8;
	[tilespmem:$0x1F000] =	vst v63  }
0x1c5: {  	_ =	swait.ge [sflag:s26], $0x2800  }
0x1c6: {  	[sflag:s26] =	ssyncset.done $0x0  }
0x1c7: {  	s8 =	rddreg [dreg:$0xc];
	[sflag:s26] =	ssyncadd.s32 $0xFFFFD800  }
0x1c8: {  	[spmem:s1] =	stream.indirect.scatter.add.f32 [tilespmem:s16], [sflag:$0x8], $0x80, s8, s14, $0xb8;
	[tilespmem:$0x1F000] =	vst v63  }
0x1c9: {  	_ =	swait.ge [sflag:s28], $0x2800  }
0x1ca: {  	[sflag:s28] =	ssyncset.done $0x0  }
0x1cb: {  	[sflag:s28] =	ssyncadd.s32 $0xFFFFD800  }
0x1cc: {  	_ =	swait.ge [sflag:s29], $0x2800  }
0x1cd: {  	[sflag:s29] =	ssyncset.done $0x0  }
0x1ce: {  	s9 =	rddreg [dreg:$0xd];
	[sflag:s29] =	ssyncadd.s32 $0xFFFFD800  }
0x1cf: {  	[tilespmem:s15], [sflag:$0x3] =	stream.indirect.gather [hbm4b:s4+s14], $0x80, s9, s14, $0xb8;
	[tilespmem:$0x1F000] =	vst v63  }
0x1d0: {  	s10 =	rddreg [dreg:$0xe]  }
0x1d1: {  	[tilespmem:s16], [sflag:$0x4] =	stream.indirect.gather [hbm4b:s4+s14], $0x80, s10, s14, $0xb8;
	[tilespmem:$0x1F000] =	vst v63  }
0x1d2: {  	_ =	swait.ge [sflag:s17], $0x2800  }
0x1d3: {  	[sflag:s17] =	ssyncset.done $0x0  }
0x1d4: {  	s6 =	rddreg [dreg:$0xf];
	[sflag:s17] =	ssyncadd.s32 $0xFFFFD800  }
0x1d5: {  	[spmem:s1] =	stream.indirect.scatter.add.f32 [tilespmem:s18], [sflag:$0x5], $0x80, s6, s14, $0xb8;
	[tilespmem:$0x1F000] =	vst v63  }
0x1d6: {  	_ =	swait.ge [sflag:s19], $0x2800  }
0x1d7: {  	[sflag:s19] =	ssyncset.done $0x0  }
0x1d8: {  	s8 =	rddreg [dreg:$0x10];
	[sflag:s19] =	ssyncadd.s32 $0xFFFFD800  }
0x1d9: {  	[spmem:s1] =	stream.indirect.scatter.add.f32 [tilespmem:s20], [sflag:$0x6], $0x80, s8, s14, $0xb8;
	[tilespmem:$0x1F000] =	vst v63  }
0x1da: {  	_ =	swait.ge [sflag:s21], $0x2800  }
0x1db: {  	[sflag:s21] =	ssyncset.done $0x0  }
0x1dc: {  	[sflag:s21] =	ssyncadd.s32 $0xFFFFD800  }
0x1dd: {  	_ =	swait.ge [sflag:s22], $0x2800  }
0x1de: {  	[sflag:s22] =	ssyncset.done $0x0  }
0x1df: {  	[sflag:s22] =	ssyncadd.s32 $0xFFFFD800  }
0x1e0: {  	_ =	swait.ge [sflag:s30], $0x400  }
0x1e1: {  	[sflag:s30] =	ssyncset.done $0x0  }
0x1e2: {  	[sflag:s30] =	ssyncadd.s32 $0xFFFFFC00  }
0x1e3: {  	_ =	swait.ge [sflag:s31], $0x400  }
0x1e4: {  	[sflag:s31] =	ssyncset.done $0x0  }
0x1e5: {  	[sflag:s31] =	ssyncadd.s32 $0xFFFFFC00  }
0x1e6: {  	[tilespmem:s18], [sflag:$0x1] =	stream.indirect.gather [hbm4b:s4+s14], $0x80, s24, s14, $0xb8;
	[tilespmem:$0x1F000] =	vst v63  }
0x1e7: {  	s9 =	rddreg [dreg:$0x11]  }
0x1e8: {  	[tilespmem:s20], [sflag:$0x2] =	stream.indirect.gather [hbm4b:s4+s14], $0x80, s9, s14, $0xb8;
	[tilespmem:$0x1F000] =	vst v63  }
0x1e9: {  	_ =	swait.ge [sflag:s25], $0x2800  }
0x1ea: {  	[sflag:s25] =	ssyncset.done $0x0  }
0x1eb: {  	s10 =	rddreg [dreg:$0x12];
	[sflag:s25] =	ssyncadd.s32 $0xFFFFD800  }
0x1ec: {  	[spmem:s1] =	stream.indirect.scatter.add.f32 [tilespmem:s15], [sflag:$0x7], $0x80, s10, s14, $0xb8;
	[tilespmem:$0x1F000] =	vst v63  }
0x1ed: {  	_ =	swait.ge [sflag:s26], $0x2800  }
0x1ee: {  	[sflag:s26] =	ssyncset.done $0x0  }
0x1ef: {  	s5 =	rddreg [dreg:$0x13];
	[sflag:s26] =	ssyncadd.s32 $0xFFFFD800  }
0x1f0: {  	[spmem:s1] =	stream.indirect.scatter.add.f32 [tilespmem:s16], [sflag:$0x8], $0x80, s5, s14, $0xb8;
	[tilespmem:$0x1F000] =	vst v63  }
0x1f1: {  	_ =	swait.ge [sflag:s28], $0x2800  }
0x1f2: {  	[sflag:s28] =	ssyncset.done $0x0  }
0x1f3: {  	[sflag:s28] =	ssyncadd.s32 $0xFFFFD800  }
0x1f4: {  	_ =	swait.ge [sflag:s29], $0x2800  }
0x1f5: {  	[sflag:s29] =	ssyncset.done $0x0  }
0x1f6: {  	s6 =	rddreg [dreg:$0x14];
	[sflag:s29] =	ssyncadd.s32 $0xFFFFD800  }
0x1f7: {  	[tilespmem:s15], [sflag:$0x3] =	stream.indirect.gather [hbm4b:s4+s14], $0x80, s6, s14, $0xb8;
	[tilespmem:$0x1F000] =	vst v63  }
0x1f8: {  	s8 =	rddreg [dreg:$0x15]  }
0x1f9: {  	[tilespmem:s16], [sflag:$0x4] =	stream.indirect.gather [hbm4b:s4+s14], $0x80, s8, s14, $0xb8;
	[tilespmem:$0x1F000] =	vst v63  }
0x1fa: {  	_ =	swait.ge [sflag:s17], $0x2800  }
0x1fb: {  	[sflag:s17] =	ssyncset.done $0x0  }
0x1fc: {  	[sflag:s17] =	ssyncadd.s32 $0xFFFFD800  }
0x1fd: {  	[spmem:s1] =	stream.indirect.scatter.add.f32 [tilespmem:s18], [sflag:$0x5], $0x80, s23, s14, $0xb8;
	[tilespmem:$0x1F000] =	vst v63  }
0x1fe: {  	_ =	swait.ge [sflag:s19], $0x2800  }
0x1ff: {  	[sflag:s19] =	ssyncset.done $0x0  }
0x200: {  	s9 =	rddreg [dreg:$0x16];
	[sflag:s19] =	ssyncadd.s32 $0xFFFFD800  }
0x201: {  	[spmem:s1] =	stream.indirect.scatter.add.f32 [tilespmem:s20], [sflag:$0x6], $0x80, s9, s14, $0xb8;
	[tilespmem:$0x1F000] =	vst v63  }
0x202: {  	_ =	swait.ge [sflag:s21], $0x2800  }
0x203: {  	[sflag:s21] =	ssyncset.done $0x0  }
0x204: {  	[sflag:s21] =	ssyncadd.s32 $0xFFFFD800  }
0x205: {  	p0 =	seq.s32 s0, $0x300;
	_ =	swait.ge [sflag:s22], $0x2800  }
0x206: {  	s6 =	simm.s32 @!p0 $0x0;
	s2 =	rddreg [dreg:$0x4];
	[sflag:s22] =	ssyncset.done $0x0  }
0x207: {  	s5 =	rddreg [dreg:$0x5];
	[sflag:s22] =	ssyncadd.s32 $0xFFFFD800;
	s2 =	sadd.s32 @!p0 s0, s2  }
0x208: {  	[tilespmem:s6], [sflag:$0x9] =	stream.linear.gather @!p0 [hbm4b:s2+s6], $0x400, $0x38;
	[tilespmem:$0x1F000] =	vst v63  }
0x209: {  	s0 =	sadd.s32 @!p0 s0, s5;
	s2 =	simm.s32 @!p0 $0x800  }
0x20a: {  	[tilespmem:s2], [sflag:$0xA] =	stream.linear.gather @!p0 [hbm4b:s0+s6], $0x400, $0x38;
	[tilespmem:$0x1F000] =	vst v63  }
0x20b: {  	s10 =	rddreg [dreg:$0x17]  }
0x20c: {  	[tilespmem:s18], [sflag:$0x1] =	stream.indirect.gather [hbm4b:s4+s14], $0x80, s10, s14, $0xb8;
	[tilespmem:$0x1F000] =	vst v63  }
0x20d: {  	s2 =	rddreg [dreg:$0x18]  }
0x20e: {  	[tilespmem:s20], [sflag:$0x2] =	stream.indirect.gather [hbm4b:s4+s14], $0x80, s2, s14, $0xb8;
	[tilespmem:$0x1F000] =	vst v63  }
0x20f: {  	_ =	swait.ge [sflag:s25], $0x2800  }
0x210: {  	[sflag:s25] =	ssyncset.done $0x0  }
0x211: {  	s6 =	rddreg [dreg:$0x19];
	[sflag:s25] =	ssyncadd.s32 $0xFFFFD800  }
0x212: {  	[spmem:s1] =	stream.indirect.scatter.add.f32 [tilespmem:s15], [sflag:$0x7], $0x80, s6, s14, $0xb8;
	[tilespmem:$0x1F000] =	vst v63  }
0x213: {  	_ =	swait.ge [sflag:s26], $0x2800  }
0x214: {  	[sflag:s26] =	ssyncset.done $0x0  }
0x215: {  	s8 =	rddreg [dreg:$0x1a];
	[sflag:s26] =	ssyncadd.s32 $0xFFFFD800  }
0x216: {  	[spmem:s1] =	stream.indirect.scatter.add.f32 [tilespmem:s16], [sflag:$0x8], $0x80, s8, s14, $0xb8;
	[tilespmem:$0x1F000] =	vst v63  }
0x217: {  	_ =	swait.ge [sflag:s28], $0x2800  }
0x218: {  	[sflag:s28] =	ssyncset.done $0x0  }
0x219: {  	[sflag:s28] =	ssyncadd.s32 $0xFFFFD800  }
0x21a: {  	_ =	swait.ge [sflag:s29], $0x2800  }
0x21b: {  	[sflag:s29] =	ssyncset.done $0x0  }
0x21c: {  	s9 =	rddreg [dreg:$0x1b];
	[sflag:s29] =	ssyncadd.s32 $0xFFFFD800  }
0x21d: {  	[tilespmem:s15], [sflag:$0x3] =	stream.indirect.gather [hbm4b:s4+s14], $0x80, s9, s14, $0xb8;
	[tilespmem:$0x1F000] =	vst v63  }
0x21e: {  	s10 =	rddreg [dreg:$0x1c]  }
0x21f: {  	[tilespmem:s16], [sflag:$0x4] =	stream.indirect.gather [hbm4b:s4+s14], $0x80, s10, s14, $0xb8;
	[tilespmem:$0x1F000] =	vst v63  }
0x220: {  	_ =	swait.ge [sflag:s17], $0x2800  }
0x221: {  	[sflag:s17] =	ssyncset.done $0x0  }
0x222: {  	s5 =	rddreg [dreg:$0x1d];
	[sflag:s17] =	ssyncadd.s32 $0xFFFFD800  }
0x223: {  	[spmem:s1] =	stream.indirect.scatter.add.f32 [tilespmem:s18], [sflag:$0x5], $0x80, s5, s14, $0xb8;
	[tilespmem:$0x1F000] =	vst v63  }
0x224: {  	_ =	swait.ge [sflag:s19], $0x2800  }
0x225: {  	[sflag:s19] =	ssyncset.done $0x0  }
0x226: {  	s6 =	rddreg [dreg:$0x1e];
	[sflag:s19] =	ssyncadd.s32 $0xFFFFD800  }
0x227: {  	[spmem:s1] =	stream.indirect.scatter.add.f32 [tilespmem:s20], [sflag:$0x6], $0x80, s6, s14, $0xb8;
	[tilespmem:$0x1F000] =	vst v63  }
0x228: {  	_ =	swait.ge [sflag:s21], $0x2800  }
0x229: {  	[sflag:s21] =	ssyncset.done $0x0  }
0x22a: {  	[sflag:s21] =	ssyncadd.s32 $0xFFFFD800  }
0x22b: {  	_ =	swait.ge [sflag:s22], $0x2800  }
0x22c: {  	[sflag:s22] =	ssyncset.done $0x0  }
0x22d: {  	[sflag:s22] =	ssyncadd.s32 $0xFFFFD800  }
0x22e: {  	_ =	swait.ge [sflag:s25], $0x2800  }
0x22f: {  	[sflag:s25] =	ssyncset.done $0x0  }
0x230: {  	s8 =	simm.s32 $0x700;
	[sflag:s25] =	ssyncadd.s32 $0xFFFFD800  }
0x231: {  	[spmem:s1] =	stream.indirect.scatter.add.f32 [tilespmem:s15], [sflag:$0x7], $0x80, s8, s14, $0xb8;
	[tilespmem:$0x1F000] =	vst v63  }
0x232: {  	_ =	swait.ge [sflag:s26], $0x2800  }
0x233: {  	[sflag:s26] =	ssyncset.done $0x0  }
0x234: {  	s9 =	simm.s32 $0x780;
	[sflag:s26] =	ssyncadd.s32 $0xFFFFD800  }
0x235: {  	[spmem:s1] =	stream.indirect.scatter.add.f32 [tilespmem:s16], [sflag:$0x8], $0x80, s9, s14, $0xb8;
	[tilespmem:$0x1F000] =	vst v63  }
0x236: {  	_ =	swait.ge [sflag:s28], $0x2800  }
0x237: {  	[sflag:s28] =	ssyncset.done $0x0  }
0x238: {  	[sflag:s28] =	ssyncadd.s32 $0xFFFFD800  }
0x239: {  	_ =	swait.ge [sflag:s29], $0x2800  }
0x23a: {  	[sflag:s29] =	ssyncset.done $0x0  }
0x23b: {  	[sflag:s29] =	ssyncadd.s32 $0xFFFFD800  }
0x23c: {  	[bflag:$0x0] =	sbarrier.arrive $0xFFFF  }
0x23d: {  	s10 =	sld [smem:$0x7FB]  }
0x23e: {  	s2 =	sld [smem:$0x7FD];
	_ =	sdelay $0x2  }
0x23f: {  	[hbm:s10], [sflag:s11] =	dma.local [spmem:s2], $0x2800  }
0x240: {  	_ =	swait.ge [sflag:s12], $0x2800  }
0x241: {  	s6 =	smov.u32 s11;
	s11 =	sld [smem:$0x7FC];
	_ =	sdelay $0x1  }
0x242: {  	s13 =	sadd.s32 $0x1, s13  }
0x243: {  	p0 =	sne.s32 s13, s11  }
.Ltmp1:
0x244: {  	_ = 	snop;
	(pc) =	sbr.rel @p0 .LBB2_1-.Ltmp1, $3  }
0x245: {  	_ =	sdelay $0x1  }
0x246: {  	[sflag:s12] =	ssyncset.done $0x0  }
0x247: {  	[sflag:s12] =	ssyncadd.s32 $0xFFFFD800  }
0x248: {  	_ =	sfence.sel $0x180000  }
0x249: {  	[bflag:$0x0] =	sbarrier.arrive $0xFFFF  }
0x24a: {  	_ =	strace $0x9000004D  }
0x24b: {  	s0 =	stileid.u32;
	[bflag:$0x2] =	sbarrier.arrive $0xFFFF  }
0x24c: {  	p0 =	sne.s32 s0, $0x0;
	s0 =	rddreg [dreg:$0x3]  }
0x24d: {  	s0 =	sadd.s32 @!p0 $0x100000, s0  }
0x24e: {  	[sflag:s0] =	ssyncadd.tile.s32 @!p0 $0x1;
	_ =	shalt  }
.Lfunc_end2:
_tile_overlayer_lowered:
.L_overlay_start_2:
0x24f: {  	(tag) =	ssettag $0x2  }
0x250: {  	s0 =	rddreg [dreg:$0x0];
	s2 =	stileid.u32  }
0x251: {  	s1 =	rddreg [dreg:$0x1];
	p0 =	sne.s32 s2, $0x0  }
0x252: {  	s3 =	rddreg [dreg:$0x2];
	[bflag:$0x3] =	sbarrier.arrive $0xFFFF;
	s2 =	simm.s32 @!p0 $0x1C0D  }
0x253: {  	[timem:s3], [sflag:s2] =	dma.local @!p0 [hbm:s0], s1  }
0x254: {  	s0 =	simm.s32 @!p0 $0xD  }
0x255: {  	_ =	swait.ge @!p0 [sflag:s0], s1  }
0x256: {  	s1 =	ssub.s32 @!p0 $0x0, s1;
	[sflag:s0] =	ssyncset.done @!p0 $0x0  }
0x257: {  	[sflag:s0] =	ssyncadd.s32 @!p0 s1  }
0x258: {  	[bflag:$0x3] =	sbarrier.arrive $0xFFFF  }
0x259: {  	_ =	shalt  }

// kernel: kernel.9.cloned.1.call-start
scs
__scs_entry_jumppad:
0x0: {  	(pc) =	sbr.rel $0x88, $3  }
0x1: {  	(tag) =	ssettag $0x0;
	lr =	simm.s32 $0x1  }
0x2: {  	[smem:$0x3F9C] =	sst lr;
	_ =	strace $0xD0000000  }
0x3: {  	_ = 	snop  }
0x4: {  	_ = 	snop  }
0x5: {  	_ = 	snop  }
0x6: {  	_ = 	snop  }
0x7: {  	_ = 	snop  }
__scs_overlays_trampoline_lowered:
0x8: {  	[smem:$0x3FAB] =	sst s0  }
0x9: {  	[smem:$0x3FAC] =	sst s1  }
0xa: {  	[smem:$0x3FAD] =	sst s2  }
0xb: {  	[smem:$0x3FAE] =	sst s3  }
0xc: {  	[smem:$0x3FAF] =	sst s4  }
0xd: {  	[smem:$0x3FB0] =	sst s5  }
0xe: {  	[smem:$0x3FB1] =	sst s6  }
0xf: {  	[smem:$0x3FB2] =	sst s7  }
0x10: {  	[smem:$0x3FB3] =	sst s8  }
0x11: {  	[smem:$0x3FB4] =	sst s9;
	s0 =	simm.s32 @!p0 $0x0  }
0x12: {  	s1 =	sld [smem:$0x3F9A];
	s0 =	simm.s32 @p0 $0x1  }
0x13: {  	[smem:$0x3FB5] =	sst s0;
	s0 =	simm.s32 @!p1 $0x0  }
0x14: {  	s2 =	sld [smem:$0x3F99];
	s0 =	simm.s32 @p1 $0x1  }
0x15: {  	[smem:$0x3FB6] =	sst s0;
	s0 =	simm.s32 @!p2 $0x0  }
0x16: {  	s3 =	sld [smem:$0x3FDB];
	s0 =	simm.s32 @p2 $0x1  }
0x17: {  	s4 =	simm.s32 $0x1BF5;
	[smem:$0x3FB8] =	sst s0  }
0x18: {  	s0 =	sld [smem:$0x3F9B];
	_ =	swait.ge [sflag:s4], $0x0  }
0x19: {  	s7 =	sld [smem:$0x3F9C]  }
0x1a: {  	s8 =	sadd.s32 $0xFFFFE003, lr  }
0x1b: {  	s9 =	sadd.s32 $0xFFFFFEF7, lr;
	s5 =	simm.s32 $0xFFFFFFFF;
	p2 =	slt.u32 s8, $0xFFFFF086  }
0x1c: {  	p1 =	slt.u32 s9, $0xF7A;
	s5 =	simm.s32 @!p2 $0x0  }
0x1d: {  	s5 =	simm.s32 @p1 $0x1;
	p0 =	seq.s32 s7, s2  }
0x1e: {  	s7 =	smul.u32 @!p0 $0xF7A, s2;
	p2 =	seq.s32 @!p0 s5, $0x0  }
0x1f: {  	s9 =	smul.u32 $0xF7A, s1;
	s8 =	simm.s32 @!p0 $0x1BF5;
	p2 =	por !p2, p0  }
0x20: {  	[sflag:s8] =	ssyncset.s32 @!p0 $0xFFFFF086;
	s6 =	sadd.s32 @!p0 s3, s7;
	s7 =	simm.s32 @!p0 $0x108  }
0x21: {  	s3 =	sadd.s32 s3, s9;
	s6 =	sadd.s32 @!p0 $0x88, s6;
	s7 =	simm.s32 @p2 $0x1082  }
0x22: {  	[simem:s7], [sflag:s8] =	dma.local @!p0 [hbm:s6], $0xF7A  }
0x23: {  	s9 =	sor.u32 $0xD0000000, s2;
	s6 =	simm.s32 $0x108;
	_ =	swait.ge @!p0 [sflag:s8], $0x0  }
0x24: {  	s3 =	sadd.s32 $0x88, s3;
	s6 =	simm.s32 @!p1 $0x1082;
	[sflag:s4] =	ssyncset.s32 $0xFFFFF086  }
0x25: {  	[simem:s6], [sflag:s4] =	dma.local [hbm:s3], $0xF7A  }
0x26: {  	[smem:$0x3F9C] =	sst s1;
	(tag) =	ssettag s2;
	_ =	strace s9  }
0x27: {  	s1 =	sld [smem:$0x3FAC]  }
0x28: {  	s2 =	sld [smem:$0x3FAD]  }
0x29: {  	s4 =	sld [smem:$0x3FAF]  }
0x2a: {  	p0 =	seq.s32 s5, $0x0;
	s5 =	sld [smem:$0x3FB0]  }
0x2b: {  	s6 =	sld [smem:$0x3FB1]  }
0x2c: {  	s7 =	sld [smem:$0x3FB2]  }
0x2d: {  	s3 =	simm.s32 $0x108;
	s8 =	sld [smem:$0x3FB3]  }
0x2e: {  	s3 =	simm.s32 @!p0 $0x1082;
	s9 =	sld [smem:$0x3FB4]  }
0x2f: {  	lr =	sadd.s32 s0, s3;
	s0 =	sld [smem:$0x3FAB]  }
0x30: {  	s3 =	sld [smem:$0x3FAE]  }
0x31: {  	[smem:$0x3FB7] =	sst s10  }
0x32: {  	s10 =	sld [smem:$0x3FB5];
	_ =	sdelay $0x3  }
0x33: {  	p0 =	seq.s32 s10, $0x1;
	s10 =	sld [smem:$0x3FB7];
	_ =	sdelay $0x3  }
0x34: {  	[smem:$0x3FB7] =	sst s10  }
0x35: {  	s10 =	sld [smem:$0x3FB6];
	_ =	sdelay $0x3  }
0x36: {  	p1 =	seq.s32 s10, $0x1;
	s10 =	sld [smem:$0x3FB7];
	_ =	sdelay $0x3  }
0x37: {  	[smem:$0x3FB7] =	sst s10  }
0x38: {  	s10 =	sld [smem:$0x3FB8]  }
0x39: {  	_ = 	snop;
	(pc) =	sbr.ind lr, $3  }
0x3a: {  	_ = 	snop  }
0x3b: {  	_ = 	snop  }
0x3c: {  	p2 =	seq.s32 s10, $0x1;
	s10 =	sld [smem:$0x3FB7]  }
0x3d: {  	_ =	shalt  }
0x3e: {  	_ =	shalt  }
0x3f: {  	_ =	shalt  }
0x40: {  	_ =	shalt  }
0x41: {  	_ =	shalt  }
0x42: {  	_ =	shalt  }
0x43: {  	_ =	shalt  }
0x44: {  	_ =	shalt  }
0x45: {  	_ =	shalt  }
0x46: {  	_ =	shalt  }
0x47: {  	_ =	shalt  }
0x48: {  	_ =	shalt  }
0x49: {  	_ =	shalt  }
0x4a: {  	_ =	shalt  }
0x4b: {  	_ =	shalt  }
0x4c: {  	_ =	shalt  }
0x4d: {  	_ =	shalt  }
0x4e: {  	_ =	shalt  }
0x4f: {  	_ =	shalt  }
0x50: {  	_ =	shalt  }
0x51: {  	_ =	shalt  }
0x52: {  	_ =	shalt  }
0x53: {  	_ =	shalt  }
0x54: {  	_ =	shalt  }
0x55: {  	_ =	shalt  }
0x56: {  	_ =	shalt  }
0x57: {  	_ =	shalt  }
0x58: {  	_ =	shalt  }
0x59: {  	_ =	shalt  }
0x5a: {  	_ =	shalt  }
0x5b: {  	_ =	shalt  }
0x5c: {  	_ =	shalt  }
0x5d: {  	_ =	shalt  }
0x5e: {  	_ =	shalt  }
0x5f: {  	_ =	shalt  }
0x60: {  	_ =	shalt  }
0x61: {  	_ =	shalt  }
0x62: {  	_ =	shalt  }
0x63: {  	_ =	shalt  }
0x64: {  	_ =	shalt  }
0x65: {  	_ =	shalt  }
0x66: {  	_ =	shalt  }
0x67: {  	_ =	shalt  }
0x68: {  	_ =	shalt  }
0x69: {  	_ =	shalt  }
0x6a: {  	_ =	shalt  }
0x6b: {  	_ =	shalt  }
0x6c: {  	_ =	shalt  }
0x6d: {  	_ =	shalt  }
0x6e: {  	_ =	shalt  }
0x6f: {  	_ =	shalt  }
0x70: {  	_ =	shalt  }
0x71: {  	_ =	shalt  }
0x72: {  	_ =	shalt  }
0x73: {  	_ =	shalt  }
0x74: {  	_ =	shalt  }
0x75: {  	_ =	shalt  }
0x76: {  	_ =	shalt  }
0x77: {  	_ =	shalt  }
0x78: {  	_ =	shalt  }
0x79: {  	_ =	shalt  }
0x7a: {  	_ =	shalt  }
0x7b: {  	_ =	shalt  }
0x7c: {  	_ =	shalt  }
0x7d: {  	_ =	shalt  }
0x7e: {  	_ =	shalt  }
0x7f: {  	_ =	shalt  }
0x80: {  	_ =	shalt  }
0x81: {  	_ =	shalt  }
0x82: {  	_ =	shalt  }
0x83: {  	_ =	shalt  }
0x84: {  	_ =	shalt  }
0x85: {  	_ =	shalt  }
0x86: {  	_ =	shalt  }
0x87: {  	_ =	shalt  }
.Lfunc_end0:
.L_simem_size_0:
called_computation_lowered:
.L_overlay_start_0:
0x88: {  	s2 =	sld [smem:$0x3FD9]  }
0x89: {  	s3 =	sld [smem:$0x3FFE];
	_ =	sdelay $0x1  }
0x8a: {  	s1 =	srdreg.scid  }
0x8b: {  	s0 =	sand.u32 $0x1, s1  }
0x8c: {  	s17 =	sshll.u32 s0, $0xA;
	s2 =	sadd.s32 s3, s2  }
0x8d: {  	s2 =	sadd.s32 s2, s17  }
0x8e: {  	[smem:$0x3FC3] =	sst s2  }
0x8f: {  	_ = 	snop  }
0x90: {  	s2 =	sld [smem:$0x3FD0];
	(tm) =	ssettm $0x1  }
0x91: {  	s18 =	sld [smem:$0x3FFB];
	_ =	sdelay $0x3  }
0x92: {  	_ =	strace s18  }
0x93: {  	s3 =	sld [smem:$0x3FFC];
	_ =	sdelay $0x3  }
0x94: {  	_ =	strace s3  }
0x95: {  	s3 =	sld [smem:$0x3FFD];
	_ =	sdelay $0x3  }
0x96: {  	_ =	strace s3  }
0x97: {  	_ =	strace $0x8FFFFFFF  }
0x98: {  	s19 =	sld [smem:$0x3FDB];
	_ =	sdelay $0x1  }
0x99: {  	s4 =	simm.s32 $_scs_section_size  }
0x9a: {  	s5 =	simm.s32 $_size__tile_overlayer_lowered;
	s6 =	simm.s32 $_tile_overlayer_lowered  }
0x9b: {  	s22 =	simm.s32 $0x1BFF;
	s21 =	sshll.u32 s6, $0x1;
	s3 =	sadd.s32 s4, s19  }
0x9c: {  	s7 =	simm.s32 $0x0;
	s20 =	sshll.u32 s5, $0x1;
	s5 =	sadd.s32 s21, s3  }
0x9d: {  	[timem:s7], [sflag:s22] =	dma.local [hbm:s5], s20  }
0x9e: {  	_ =	swait.ge [sflag:s22], s20  }
0x9f: {  	s4 =	ssub.s32 $0x0, s20;
	[sflag:s22] =	ssyncset.done $0x0  }
0xa0: {  	[sflag:s22] =	ssyncadd.s32 s4;
	_ =	sdelay $0x1  }
0xa1: {  	s23 =	simm.s32 $0x1B8B  }
0xa2: {  	_ =	swait.ge [sflag:s23], $0x1  }
0xa3: {  	[sflag:s23] =	ssyncset.done $0x0  }
0xa4: {  	s25 =	simm.s32 $0x1B8E;
	s24 =	sld [smem:$0x3FFE];
	[sflag:s23] =	ssyncadd.s32 $0xFFFFFFFF  }
0xa5: {  	s26 =	simm.s32 $execute0_lowered;
	[smem:$0x3FD2] =	sst s25  }
0xa6: {  	s5 =	sshll.u32 s26, $0x1;
	_ =	strace $0x80000046;
	[dreg:$0x1] =	wrdreg $0xFFFFFFFF  }
0xa7: {  	s28 =	simm.s32 $_size_execute0_lowered;
	s3 =	sadd.s32 s3, s5;
	[dreg:$0x0] =	wrdreg $0x0  }
0xa8: {  	s5 =	sshll.u32 s28, $0x1;
	[dreg:$0x2] =	wrdreg s3  }
0xa9: {  	[dreg:$0x3] =	wrdreg s5  }
0xaa: {  	[dreg:$0x4] =	wrdreg $0xC0  }
0xab: {  	_ =	task [dreg:s7], $0x5FFFF  }
0xac: {  	[dreg:$0x1] =	wrdreg $0xFFFFFFFF  }
0xad: {  	[dreg:$0x0] =	wrdreg $0x60  }
0xae: {  	[dreg:$0x2] =	wrdreg s24  }
0xaf: {  	[dreg:$0x3] =	wrdreg s2  }
0xb0: {  	[dreg:$0x4] =	wrdreg $0xB0000  }
0xb1: {  	[dreg:$0x5] =	wrdreg $0x9  }
0xb2: {  	_ =	task.clear_ibuf [dreg:s7], $0x6FFFF;
	_ =	strace $0x90000046  }
0xb3: {  	s29 =	simm.s32 $0x9;
	_ =	strace $0x80000048  }
0xb4: {  	_ =	swait.ge [sflag:s29], $0x1  }
0xb5: {  	[sflag:s29] =	ssyncadd.s32 $0xFFFFFFFF  }
0xb6: {  	_ =	strace $0x90000048  }
0xb7: {  	_ =	sfence  }
0xb8: {  	s30 =	sld [smem:$0x0];
	_ =	sdelay $0x2  }
0xb9: {  	s31 =	sshll.u32 s1, $0xD;
	s1 =	sshrl.u32 s1, $0x2  }
0xba: {  	s3 =	sand.u32 $0x4000, s31;
	s1 =	sadd.s32 s1, s30  }
0xbb: {  	s0 =	sor.u32 s3, s0;
	s1 =	sshll.u32 s1, $0x11  }
0xbc: {  	s0 =	sor.u32 s1, s0  }
0xbd: {  	s0 =	sadd.s32 $0x8F2B, s0  }
0xbe: {  	[sflag:s0] =	ssyncadd.remote.s32 $0x1  }
0xbf: {  	_ =	sfence.sel $0xFFFF  }
0xc0: {  	[dreg:$0x0] =	wrdreg $0xFFFFFFFF;
	(pc) =	sbr.abs _section_cstart, $3  }
0xc1: {  	[dreg:$0x1] =	wrdreg $0xFFFFFFFF  }
0xc2: {  	_ =	task.clear_ibuf [dreg:s7], $0x2FFFF;
	_ =	strace $0x9FFFFFFF  }
0xc3: {  	(tm) =	ssettm $0x7FFFFFFF  }
tec
execute0_lowered:
.L_overlay_start_1:
0x0: {  	(tag) =	ssettag $0x1  }
0x1: {  	s0 =	rddreg [dreg:$0x0]  }
0x2: {  	s2 =	rddreg [dreg:$0x1]  }
0x3: {  	s1 =	rddreg [dreg:$0x2];
	s3 =	simm.s32 $0x0  }
0x4: {  	s4 =	srdreg.scid;
	s10 =	stileid.u32;
	s13 =	simm.s32 $0x900  }
0x5: {  	s15 =	simm.s32 $0x980;
	[smem:$0x7FF] =	sst s3;
	s9 =	sadd.s32 $0x29200, s0  }
0x6: {  	s17 =	simm.s32 $0x80;
	_ =	strace $0x80000047;
	[dreg:$0x1f] =	wrdreg s9  }
0x7: {  	s18 =	simm.s32 $0xA00;
	s20 =	simm.s32 $0xA80;
	[dreg:$0x6] =	wrdreg s13  }
0x8: {  	s21 =	simm.s32 $0x100;
	s23 =	simm.s32 $0x180;
	[dreg:$0x7] =	wrdreg s15  }
0x9: {  	s24 =	simm.s32 $0xB00;
	s25 =	simm.s32 $0xB80;
	[dreg:$0x8] =	wrdreg s17  }
0xa: {  	s28 =	simm.s32 $0x7;
	s29 =	simm.s32 $0x8;
	[dreg:$0x9] =	wrdreg s18  }
0xb: {  	s30 =	simm.s32 $0xB;
	s31 =	simm.s32 $0xC;
	[dreg:$0xa] =	wrdreg s20  }
0xc: {  	s5 =	sand.u32 $0x1, s4;
	s8 =	smul.u32 $0x14000, s10;
	[dreg:$0xb] =	wrdreg s21  }
0xd: {  	s7 =	sshll.u32 s10, $0xD;
	s16 =	smul.u32 $0x50000, s10;
	[dreg:$0xc] =	wrdreg s23  }
0xe: {  	s22 =	sshll.u32 s10, $0x6;
	s10 =	simm.s32 $0x280;
	[dreg:$0xd] =	wrdreg s24  }
0xf: {  	s6 =	smul.u32 $0x140000, s5;
	s4 =	sshll.u32 s5, $0x11;
	[dreg:$0xe] =	wrdreg s25  }
0x10: {  	s5 =	ssub.s32 $0x2, s5;
	[dreg:$0x10] =	wrdreg s10;
	s15 =	simm.s32 $0x380  }
0x11: {  	s17 =	simm.s32 $0xD80;
	s18 =	simm.s32 $0x480;
	s20 =	simm.s32 $0xE80  }
0x12: {  	s21 =	simm.s32 $0x500;
	s23 =	simm.s32 $0xF00;
	[dreg:$0x13] =	wrdreg s15  }
0x13: {  	s24 =	simm.s32 $0xF80;
	s25 =	simm.s32 $0x600;
	[dreg:$0x15] =	wrdreg s17  }
0x14: {  	s7 =	sor.u32 s7, s4;
	s4 =	sadd.s32 $0x2000, s0;
	[dreg:$0x16] =	wrdreg s18  }
0x15: {  	s14 =	sshrl.u32 s5, $0x1;
	s19 =	sshrl.u32 s16, $0x2;
	[dreg:$0x18] =	wrdreg s20  }
0x16: {  	s16 =	simm.s32 $0xD00;
	s15 =	simm.s32 $0x6000;
	[dreg:$0x19] =	wrdreg s21  }
0x17: {  	s17 =	simm.s32 $0x1;
	s18 =	simm.s32 $0x1000;
	[dreg:$0x1b] =	wrdreg s23  }
0x18: {  	s20 =	simm.s32 $0x3800;
	s21 =	simm.s32 $0x5;
	[dreg:$0x1c] =	wrdreg s24  }
0x19: {  	[dreg:$0x1d] =	wrdreg s25;
	s23 =	simm.s32 $0x400;
	s24 =	simm.s32 $0xC00  }
0x1a: {  	s25 =	simm.s32 $0x3;
	s26 =	sor.u32 $0x800, s7;
	s6 =	sadd.s32 s8, s6  }
0x1b: {  	s11 =	sor.u32 $0x40800, s7;
	s5 =	ssub.s32 s5, s14;
	s7 =	sshrl.u32 s7, $0x3  }
0x1c: {  	s14 =	simm.s32 $0x300;
	[dreg:$0x14] =	wrdreg s16;
	s9 =	sshrl.u32 s26, $0x3  }
0x1d: {  	s6 =	sshrl.u32 s6, $0x3;
	s26 =	simm.s32 $0x200;
	[dreg:$0x12] =	wrdreg s14  }
0x1e: {  	s13 =	smax.u32 s5, $0x1;
	s8 =	sadd.s32 s9, s2;
	[dreg:$0xf] =	wrdreg s26  }
0x1f: {  	s9 =	sshrl.u32 s11, $0x3;
	s0 =	sadd.s32 s6, s0;
	[smem:$0x7FC] =	sst s13  }
0x20: {  	s11 =	sadd.s32 s19, s1;
	s19 =	simm.s32 $0xE00;
	[dreg:$0x4] =	wrdreg s8  }
0x21: {  	s6 =	sor.u32 $0x1C0D, s22;
	s22 =	simm.s32 $0x580;
	[dreg:$0x17] =	wrdreg s19  }
0x22: {  	s16 =	simm.s32 $0x8800;
	s26 =	simm.s32 $0x680;
	[dreg:$0x1a] =	wrdreg s22  }
0x23: {  	s7 =	sadd.s32 s7, s2;
	s12 =	sadd.s32 s9, s2;
	[dreg:$0x1e] =	wrdreg s26  }
0x24: {  	s14 =	simm.s32 $0x50;
	s9 =	sadd.s32 $0x8000, s7;
	[dreg:$0x5] =	wrdreg s12  }
0x25: {  	s13 =	simm.s32 $0x0;
	s0 =	sadd.s32 $0x2BA00, s0;
	[smem:$0x7FA] =	sst s9  }
0x26: {  	s2 =	sshrl.u32 s11, $0x3;
	s19 =	simm.s32 $0x2;
	[smem:$0x7FB] =	sst s0  }
0x27: {  	s22 =	simm.s32 $0x6;
	s12 =	simm.s32 $0xC80;
	[smem:$0x7FD] =	sst s2  }
0x28: {  	s26 =	simm.s32 $0x4;
	[dreg:$0x11] =	wrdreg s12;
	s12 =	simm.s32 $0xD  }
.LBB2_1:
0x29: {  	s0 =	rddreg [dreg:$0x1f]  }
0x2a: {  	[spmem:s2], [sflag:s6] =	dma.local [hbm:s0], $0x2800  }
0x2b: {  	_ =	swait.ge [sflag:s12], $0x2800  }
0x2c: {  	[sflag:s12] =	ssyncset.done $0x0  }
0x2d: {  	[sflag:s12] =	ssyncadd.s32 $0xFFFFD800  }
0x2e: {  	p0 =	por $0x1, $0x1;
	[bflag:$0x0] =	sbarrier.arrive $0xFFFF  }
0x2f: {  	s11 =	smov.u32 s6;
	p0 =	por p0, p0;
	s6 =	sld [smem:$0x7FA]  }
0x30: {  	[tilespmem:s3], [sflag:$0x9] =	stream.linear.gather [hbm4b:s7+s3], $0x400, $0x38;
	[tilespmem:$0x1F000] =	vst v63  }
0x31: {  	s8 =	simm.s32 $0x800;
	s0 =	simm.s32 @p0 $0x9  }
0x32: {  	[tilespmem:s8], [sflag:$0xA] =	stream.linear.gather [hbm4b:s6+s3], $0x400, $0x38;
	[tilespmem:$0x1F000] =	vst v63  }
0x33: {  	_ =	swait.ge @p0 [sflag:s0], $0x400  }
0x34: {  	[sflag:s0] =	ssyncset.done @p0 $0x0  }
0x35: {  	[sflag:s0] =	ssyncadd.s32 @p0 $0xFFFFFC00;
	s0 =	simm.s32 @p0 $0xA  }
0x36: {  	_ =	swait.ge @p0 [sflag:s0], $0x400  }
0x37: {  	s2 =	simm.s32 @p0 $0x1000;
	[sflag:s0] =	ssyncset.done @p0 $0x0  }
0x38: {  	s5 =	simm.s32 @p0 $0x800;
	[sflag:s0] =	ssyncadd.s32 @p0 $0xFFFFFC00;
	s0 =	simm.s32 @p0 $0x50  }
0x39: {  	[tilespmem:s2], [sflag:$0x1] =	stream.indirect.gather @p0 [hbm4b:s4+s0], $0x80, s5, s0, $0xb8;
	[tilespmem:$0x1F000] =	vst v63  }
0x3a: {  	s8 =	simm.s32 @!p0 $0x5;
	s2 =	simm.s32 @p0 $0x880;
	s5 =	simm.s32 @p0 $0x3800  }
0x3b: {  	[tilespmem:s5], [sflag:$0x2] =	stream.indirect.gather @p0 [hbm4b:s4+s0], $0x80, s2, s0, $0xb8;
	[tilespmem:$0x1F000] =	vst v63  }
0x3c: {  	_ =	swait.ge @!p0 [sflag:s8], $0x2800  }
0x3d: {  	[sflag:s8] =	ssyncset.done @!p0 $0x0  }
0x3e: {  	s0 =	simm.s32 @!p0 $0x6;
	[sflag:s8] =	ssyncadd.s32 @!p0 $0xFFFFD800  }
0x3f: {  	_ =	swait.ge @!p0 [sflag:s0], $0x2800  }
0x40: {  	[sflag:s0] =	ssyncset.done @!p0 $0x0  }
0x41: {  	[sflag:s0] =	ssyncadd.s32 @!p0 $0xFFFFD800;
	s0 =	simm.s32 @!p0 $0x9  }
0x42: {  	_ =	swait.ge @!p0 [sflag:s0], $0x400  }
0x43: {  	[sflag:s0] =	ssyncset.done @!p0 $0x0  }
0x44: {  	[sflag:s0] =	ssyncadd.s32 @!p0 $0xFFFFFC00;
	s0 =	simm.s32 @!p0 $0xA  }
0x45: {  	_ =	swait.ge @!p0 [sflag:s0], $0x400  }
0x46: {  	s2 =	simm.s32 @!p0 $0x1000;
	[sflag:s0] =	ssyncset.done @!p0 $0x0  }
0x47: {  	s5 =	simm.s32 @!p0 $0x800;
	[sflag:s0] =	ssyncadd.s32 @!p0 $0xFFFFFC00;
	s0 =	simm.s32 @!p0 $0x50  }
0x48: {  	[tilespmem:s2], [sflag:$0x1] =	stream.indirect.gather @!p0 [hbm4b:s4+s0], $0x80, s5, s0, $0xb8;
	[tilespmem:$0x1F000] =	vst v63  }
0x49: {  	s8 =	simm.s32 @!p0 $0x3;
	s2 =	simm.s32 @!p0 $0x880;
	s5 =	simm.s32 @!p0 $0x3800  }
0x4a: {  	[tilespmem:s5], [sflag:$0x2] =	stream.indirect.gather @!p0 [hbm4b:s4+s0], $0x80, s2, s0, $0xb8;
	[tilespmem:$0x1F000] =	vst v63  }
0x4b: {  	_ =	swait.ge @!p0 [sflag:s8], $0x2800  }
0x4c: {  	s2 =	simm.s32 @!p0 $0x4;
	[sflag:s8] =	ssyncset.done @!p0 $0x0  }
0x4d: {  	s5 =	simm.s32 @!p0 $0x700;
	[sflag:s8] =	ssyncadd.s32 @!p0 $0xFFFFD800;
	s8 =	simm.s32 @!p0 $0x6000  }
0x4e: {  	[spmem:s1] =	stream.indirect.scatter.add.f32 @!p0 [tilespmem:s8], [sflag:$0x7], $0x80, s5, s0, $0xb8;
	[tilespmem:$0x1F000] =	vst v63  }
0x4f: {  	_ =	swait.ge @!p0 [sflag:s2], $0x2800  }
0x50: {  	s5 =	simm.s32 @!p0 $0x7;
	[sflag:s2] =	ssyncset.done @!p0 $0x0  }
0x51: {  	s8 =	simm.s32 @!p0 $0x8800;
	[sflag:s2] =	ssyncadd.s32 @!p0 $0xFFFFD800;
	s2 =	simm.s32 @!p0 $0x780  }
0x52: {  	[spmem:s1] =	stream.indirect.scatter.add.f32 @!p0 [tilespmem:s8], [sflag:$0x8], $0x80, s2, s0, $0xb8;
	[tilespmem:$0x1F000] =	vst v63  }
0x53: {  	_ =	swait.ge @!p0 [sflag:s5], $0x2800  }
0x54: {  	[sflag:s5] =	ssyncset.done @!p0 $0x0  }
0x55: {  	s0 =	simm.s32 @!p0 $0x8;
	[sflag:s5] =	ssyncadd.s32 @!p0 $0xFFFFD800  }
0x56: {  	_ =	swait.ge @!p0 [sflag:s0], $0x2800  }
0x57: {  	[sflag:s0] =	ssyncset.done @!p0 $0x0  }
0x58: {  	s9 =	rddreg [dreg:$0x6];
	[sflag:s0] =	ssyncadd.s32 @!p0 $0xFFFFD800  }
0x59: {  	[tilespmem:s15], [sflag:$0x3] =	stream.indirect.gather [hbm4b:s4+s14], $0x80, s9, s14, $0xb8;
	[tilespmem:$0x1F000] =	vst v63  }
0x5a: {  	s10 =	rddreg [dreg:$0x7]  }
0x5b: {  	[tilespmem:s16], [sflag:$0x4] =	stream.indirect.gather [hbm4b:s4+s14], $0x80, s10, s14, $0xb8;
	[tilespmem:$0x1F000] =	vst v63  }
0x5c: {  	_ =	swait.ge [sflag:s17], $0x2800  }
0x5d: {  	[sflag:s17] =	ssyncset.done $0x0  }
0x5e: {  	[sflag:s17] =	ssyncadd.s32 $0xFFFFD800  }
0x5f: {  	[spmem:s1] =	stream.indirect.scatter.add.f32 [tilespmem:s18], [sflag:$0x5], $0x80, s3, s14, $0xb8;
	[tilespmem:$0x1F000] =	vst v63  }
0x60: {  	_ =	swait.ge [sflag:s19], $0x2800  }
0x61: {  	[sflag:s19] =	ssyncset.done $0x0  }
0x62: {  	s2 =	rddreg [dreg:$0x8];
	[sflag:s19] =	ssyncadd.s32 $0xFFFFD800  }
0x63: {  	[spmem:s1] =	stream.indirect.scatter.add.f32 [tilespmem:s20], [sflag:$0x6], $0x80, s2, s14, $0xb8;
	[tilespmem:$0x1F000] =	vst v63  }
0x64: {  	_ =	swait.ge [sflag:s21], $0x2800  }
0x65: {  	[sflag:s21] =	ssyncset.done $0x0  }
0x66: {  	[sflag:s21] =	ssyncadd.s32 $0xFFFFD800  }
0x67: {  	_ =	swait.ge [sflag:s22], $0x2800  }
0x68: {  	s5 =	sadd.s32 $0x0, s7;
	[sflag:s22] =	ssyncset.done $0x0  }
0x69: {  	s6 =	sadd.s32 $0x80, s5;
	[sflag:s22] =	ssyncadd.s32 $0xFFFFD800  }
0x6a: {  	[tilespmem:s23], [sflag:$0xB] =	stream.linear.gather [hbm4b:s6+s3], $0x400, $0x38;
	[tilespmem:$0x1F000] =	vst v63  }
0x6b: {  	s0 =	sadd.s32 $0x8080, s5  }
0x6c: {  	[tilespmem:s24], [sflag:$0xC] =	stream.linear.gather [hbm4b:s0+s3], $0x400, $0x38;
	[tilespmem:$0x1F000] =	vst v63  }
0x6d: {  	s8 =	rddreg [dreg:$0x9]  }
0x6e: {  	[tilespmem:s18], [sflag:$0x1] =	stream.indirect.gather [hbm4b:s4+s14], $0x80, s8, s14, $0xb8;
	[tilespmem:$0x1F000] =	vst v63  }
0x6f: {  	s9 =	rddreg [dreg:$0xa]  }
0x70: {  	[tilespmem:s20], [sflag:$0x2] =	stream.indirect.gather [hbm4b:s4+s14], $0x80, s9, s14, $0xb8;
	[tilespmem:$0x1F000] =	vst v63  }
0x71: {  	_ =	swait.ge [sflag:s25], $0x2800  }
0x72: {  	[sflag:s25] =	ssyncset.done $0x0  }
0x73: {  	s10 =	rddreg [dreg:$0xb];
	[sflag:s25] =	ssyncadd.s32 $0xFFFFD800  }
0x74: {  	[spmem:s1] =	stream.indirect.scatter.add.f32 [tilespmem:s15], [sflag:$0x7], $0x80, s10, s14, $0xb8;
	[tilespmem:$0x1F000] =	vst v63  }
0x75: {  	_ =	swait.ge [sflag:s26], $0x2800  }
0x76: {  	[sflag:s26] =	ssyncset.done $0x0  }
0x77: {  	s2 =	rddreg [dreg:$0xc];
	[sflag:s26] =	ssyncadd.s32 $0xFFFFD800  }
0x78: {  	[spmem:s1] =	stream.indirect.scatter.add.f32 [tilespmem:s16], [sflag:$0x8], $0x80, s2, s14, $0xb8;
	[tilespmem:$0x1F000] =	vst v63  }
0x79: {  	_ =	swait.ge [sflag:s28], $0x2800  }
0x7a: {  	[sflag:s28] =	ssyncset.done $0x0  }
0x7b: {  	[sflag:s28] =	ssyncadd.s32 $0xFFFFD800  }
0x7c: {  	_ =	swait.ge [sflag:s29], $0x2800  }
0x7d: {  	[sflag:s29] =	ssyncset.done $0x0  }
0x7e: {  	s5 =	rddreg [dreg:$0xd];
	[sflag:s29] =	ssyncadd.s32 $0xFFFFD800  }
0x7f: {  	[tilespmem:s15], [sflag:$0x3] =	stream.indirect.gather [hbm4b:s4+s14], $0x80, s5, s14, $0xb8;
	[tilespmem:$0x1F000] =	vst v63  }
0x80: {  	s6 =	rddreg [dreg:$0xe]  }
0x81: {  	[tilespmem:s16], [sflag:$0x4] =	stream.indirect.gather [hbm4b:s4+s14], $0x80, s6, s14, $0xb8;
	[tilespmem:$0x1F000] =	vst v63  }
0x82: {  	_ =	swait.ge [sflag:s17], $0x2800  }
0x83: {  	[sflag:s17] =	ssyncset.done $0x0  }
0x84: {  	s8 =	rddreg [dreg:$0xf];
	[sflag:s17] =	ssyncadd.s32 $0xFFFFD800  }
0x85: {  	[spmem:s1] =	stream.indirect.scatter.add.f32 [tilespmem:s18], [sflag:$0x5], $0x80, s8, s14, $0xb8;
	[tilespmem:$0x1F000] =	vst v63  }
0x86: {  	_ =	swait.ge [sflag:s19], $0x2800  }
0x87: {  	[sflag:s19] =	ssyncset.done $0x0  }
0x88: {  	s9 =	rddreg [dreg:$0x10];
	[sflag:s19] =	ssyncadd.s32 $0xFFFFD800  }
0x89: {  	[spmem:s1] =	stream.indirect.scatter.add.f32 [tilespmem:s20], [sflag:$0x6], $0x80, s9, s14, $0xb8;
	[tilespmem:$0x1F000] =	vst v63  }
0x8a: {  	_ =	swait.ge [sflag:s21], $0x2800  }
0x8b: {  	[sflag:s21] =	ssyncset.done $0x0  }
0x8c: {  	[sflag:s21] =	ssyncadd.s32 $0xFFFFD800  }
0x8d: {  	_ =	swait.ge [sflag:s22], $0x2800  }
0x8e: {  	[sflag:s22] =	ssyncset.done $0x0  }
0x8f: {  	[sflag:s22] =	ssyncadd.s32 $0xFFFFD800  }
0x90: {  	_ =	swait.ge [sflag:s30], $0x400  }
0x91: {  	[sflag:s30] =	ssyncset.done $0x0  }
0x92: {  	[sflag:s30] =	ssyncadd.s32 $0xFFFFFC00  }
0x93: {  	_ =	swait.ge [sflag:s31], $0x400  }
0x94: {  	[sflag:s31] =	ssyncset.done $0x0  }
0x95: {  	[sflag:s31] =	ssyncadd.s32 $0xFFFFFC00  }
0x96: {  	[tilespmem:s18], [sflag:$0x1] =	stream.indirect.gather [hbm4b:s4+s14], $0x80, s24, s14, $0xb8;
	[tilespmem:$0x1F000] =	vst v63  }
0x97: {  	s10 =	rddreg [dreg:$0x11]  }
0x98: {  	[tilespmem:s20], [sflag:$0x2] =	stream.indirect.gather [hbm4b:s4+s14], $0x80, s10, s14, $0xb8;
	[tilespmem:$0x1F000] =	vst v63  }
0x99: {  	_ =	swait.ge [sflag:s25], $0x2800  }
0x9a: {  	[sflag:s25] =	ssyncset.done $0x0  }
0x9b: {  	s2 =	rddreg [dreg:$0x12];
	[sflag:s25] =	ssyncadd.s32 $0xFFFFD800  }
0x9c: {  	[spmem:s1] =	stream.indirect.scatter.add.f32 [tilespmem:s15], [sflag:$0x7], $0x80, s2, s14, $0xb8;
	[tilespmem:$0x1F000] =	vst v63  }
0x9d: {  	_ =	swait.ge [sflag:s26], $0x2800  }
0x9e: {  	[sflag:s26] =	ssyncset.done $0x0  }
0x9f: {  	s5 =	rddreg [dreg:$0x13];
	[sflag:s26] =	ssyncadd.s32 $0xFFFFD800  }
0xa0: {  	[spmem:s1] =	stream.indirect.scatter.add.f32 [tilespmem:s16], [sflag:$0x8], $0x80, s5, s14, $0xb8;
	[tilespmem:$0x1F000] =	vst v63  }
0xa1: {  	_ =	swait.ge [sflag:s28], $0x2800  }
0xa2: {  	[sflag:s28] =	ssyncset.done $0x0  }
0xa3: {  	[sflag:s28] =	ssyncadd.s32 $0xFFFFD800  }
0xa4: {  	_ =	swait.ge [sflag:s29], $0x2800  }
0xa5: {  	[sflag:s29] =	ssyncset.done $0x0  }
0xa6: {  	s6 =	rddreg [dreg:$0x14];
	[sflag:s29] =	ssyncadd.s32 $0xFFFFD800  }
0xa7: {  	[tilespmem:s15], [sflag:$0x3] =	stream.indirect.gather [hbm4b:s4+s14], $0x80, s6, s14, $0xb8;
	[tilespmem:$0x1F000] =	vst v63  }
0xa8: {  	s8 =	rddreg [dreg:$0x15]  }
0xa9: {  	[tilespmem:s16], [sflag:$0x4] =	stream.indirect.gather [hbm4b:s4+s14], $0x80, s8, s14, $0xb8;
	[tilespmem:$0x1F000] =	vst v63  }
0xaa: {  	_ =	swait.ge [sflag:s17], $0x2800  }
0xab: {  	[sflag:s17] =	ssyncset.done $0x0  }
0xac: {  	[sflag:s17] =	ssyncadd.s32 $0xFFFFD800  }
0xad: {  	[spmem:s1] =	stream.indirect.scatter.add.f32 [tilespmem:s18], [sflag:$0x5], $0x80, s23, s14, $0xb8;
	[tilespmem:$0x1F000] =	vst v63  }
0xae: {  	_ =	swait.ge [sflag:s19], $0x2800  }
0xaf: {  	[sflag:s19] =	ssyncset.done $0x0  }
0xb0: {  	s9 =	rddreg [dreg:$0x16];
	[sflag:s19] =	ssyncadd.s32 $0xFFFFD800  }
0xb1: {  	[spmem:s1] =	stream.indirect.scatter.add.f32 [tilespmem:s20], [sflag:$0x6], $0x80, s9, s14, $0xb8;
	[tilespmem:$0x1F000] =	vst v63  }
0xb2: {  	_ =	swait.ge [sflag:s21], $0x2800  }
0xb3: {  	[sflag:s21] =	ssyncset.done $0x0  }
0xb4: {  	[sflag:s21] =	ssyncadd.s32 $0xFFFFD800  }
0xb5: {  	p0 =	por $0x0, $0x0;
	_ =	swait.ge [sflag:s22], $0x2800  }
0xb6: {  	s5 =	simm.s32 @!p0 $0x0;
	s0 =	rddreg [dreg:$0x4];
	[sflag:s22] =	ssyncset.done $0x0  }
0xb7: {  	s2 =	rddreg [dreg:$0x5];
	[sflag:s22] =	ssyncadd.s32 $0xFFFFD800;
	s0 =	sadd.s32 @!p0 $0x0, s0  }
0xb8: {  	[tilespmem:s5], [sflag:$0x9] =	stream.linear.gather @!p0 [hbm4b:s0+s5], $0x400, $0x38;
	[tilespmem:$0x1F000] =	vst v63  }
0xb9: {  	s0 =	sadd.s32 @!p0 $0x0, s2;
	s2 =	simm.s32 @!p0 $0x800  }
0xba: {  	[tilespmem:s2], [sflag:$0xA] =	stream.linear.gather @!p0 [hbm4b:s0+s5], $0x400, $0x38;
	[tilespmem:$0x1F000] =	vst v63  }
0xbb: {  	s10 =	rddreg [dreg:$0x17]  }
0xbc: {  	[tilespmem:s18], [sflag:$0x1] =	stream.indirect.gather [hbm4b:s4+s14], $0x80, s10, s14, $0xb8;
	[tilespmem:$0x1F000] =	vst v63  }
0xbd: {  	s2 =	rddreg [dreg:$0x18]  }
0xbe: {  	[tilespmem:s20], [sflag:$0x2] =	stream.indirect.gather [hbm4b:s4+s14], $0x80, s2, s14, $0xb8;
	[tilespmem:$0x1F000] =	vst v63  }
0xbf: {  	_ =	swait.ge [sflag:s25], $0x2800  }
0xc0: {  	[sflag:s25] =	ssyncset.done $0x0  }
0xc1: {  	s5 =	rddreg [dreg:$0x19];
	[sflag:s25] =	ssyncadd.s32 $0xFFFFD800  }
0xc2: {  	[spmem:s1] =	stream.indirect.scatter.add.f32 [tilespmem:s15], [sflag:$0x7], $0x80, s5, s14, $0xb8;
	[tilespmem:$0x1F000] =	vst v63  }
0xc3: {  	_ =	swait.ge [sflag:s26], $0x2800  }
0xc4: {  	[sflag:s26] =	ssyncset.done $0x0  }
0xc5: {  	s6 =	rddreg [dreg:$0x1a];
	[sflag:s26] =	ssyncadd.s32 $0xFFFFD800  }
0xc6: {  	[spmem:s1] =	stream.indirect.scatter.add.f32 [tilespmem:s16], [sflag:$0x8], $0x80, s6, s14, $0xb8;
	[tilespmem:$0x1F000] =	vst v63  }
0xc7: {  	_ =	swait.ge [sflag:s28], $0x2800  }
0xc8: {  	[sflag:s28] =	ssyncset.done $0x0  }
0xc9: {  	[sflag:s28] =	ssyncadd.s32 $0xFFFFD800  }
0xca: {  	_ =	swait.ge [sflag:s29], $0x2800  }
0xcb: {  	[sflag:s29] =	ssyncset.done $0x0  }
0xcc: {  	s8 =	rddreg [dreg:$0x1b];
	[sflag:s29] =	ssyncadd.s32 $0xFFFFD800  }
0xcd: {  	[tilespmem:s15], [sflag:$0x3] =	stream.indirect.gather [hbm4b:s4+s14], $0x80, s8, s14, $0xb8;
	[tilespmem:$0x1F000] =	vst v63  }
0xce: {  	s9 =	rddreg [dreg:$0x1c]  }
0xcf: {  	[tilespmem:s16], [sflag:$0x4] =	stream.indirect.gather [hbm4b:s4+s14], $0x80, s9, s14, $0xb8;
	[tilespmem:$0x1F000] =	vst v63  }
0xd0: {  	_ =	swait.ge [sflag:s17], $0x2800  }
0xd1: {  	[sflag:s17] =	ssyncset.done $0x0  }
0xd2: {  	s10 =	rddreg [dreg:$0x1d];
	[sflag:s17] =	ssyncadd.s32 $0xFFFFD800  }
0xd3: {  	[spmem:s1] =	stream.indirect.scatter.add.f32 [tilespmem:s18], [sflag:$0x5], $0x80, s10, s14, $0xb8;
	[tilespmem:$0x1F000] =	vst v63  }
0xd4: {  	p6 =	por $0x0, $0x0;
	_ =	swait.ge [sflag:s19], $0x2800  }
0xd5: {  	s0 =	simm.s32 $0x100;
	p0 =	por p6, p6;
	[sflag:s19] =	ssyncset.done $0x0  }
0xd6: {  	s2 =	simm.s32 $0x200;
	s5 =	rddreg [dreg:$0x1e];
	[sflag:s19] =	ssyncadd.s32 $0xFFFFD800  }
.LBB2_2:
0xd7: {  	[spmem:s1] =	stream.indirect.scatter.add.f32 [tilespmem:s20], [sflag:$0x6], $0x80, s5, s14, $0xb8;
	[tilespmem:$0x1F000] =	vst v63  }
0xd8: {  	s8 =	simm.s32 @p0 $0x9  }
0xd9: {  	_ =	swait.ge @p0 [sflag:s8], $0x400  }
0xda: {  	[sflag:s8] =	ssyncset.done @p0 $0x0  }
0xdb: {  	[sflag:s8] =	ssyncadd.s32 @p0 $0xFFFFFC00;
	s8 =	simm.s32 @p0 $0xA  }
0xdc: {  	_ =	swait.ge @p0 [sflag:s8], $0x400  }
0xdd: {  	s9 =	simm.s32 @p0 $0x1000;
	[sflag:s8] =	ssyncset.done @p0 $0x0  }
0xde: {  	s10 =	simm.s32 @p0 $0x800;
	[sflag:s8] =	ssyncadd.s32 @p0 $0xFFFFFC00;
	s8 =	simm.s32 @p0 $0x50  }
0xdf: {  	[tilespmem:s9], [sflag:$0x1] =	stream.indirect.gather @p0 [hbm4b:s4+s8], $0x80, s10, s8, $0xb8;
	[tilespmem:$0x1F000] =	vst v63  }
0xe0: {  	s6 =	simm.s32 @!p0 $0x5;
	s9 =	simm.s32 @p0 $0x880;
	s10 =	simm.s32 @p0 $0x3800  }
0xe1: {  	[tilespmem:s10], [sflag:$0x2] =	stream.indirect.gather @p0 [hbm4b:s4+s8], $0x80, s9, s8, $0xb8;
	[tilespmem:$0x1F000] =	vst v63  }
0xe2: {  	_ =	swait.ge @!p0 [sflag:s6], $0x2800  }
0xe3: {  	[sflag:s6] =	ssyncset.done @!p0 $0x0  }
0xe4: {  	[sflag:s6] =	ssyncadd.s32 @!p0 $0xFFFFD800;
	s6 =	simm.s32 @!p0 $0x6  }
0xe5: {  	_ =	swait.ge @!p0 [sflag:s6], $0x2800  }
0xe6: {  	[sflag:s6] =	ssyncset.done @!p0 $0x0  }
0xe7: {  	[sflag:s6] =	ssyncadd.s32 @!p0 $0xFFFFD800;
	s6 =	simm.s32 @!p0 $0x9  }
0xe8: {  	_ =	swait.ge @!p0 [sflag:s6], $0x400  }
0xe9: {  	[sflag:s6] =	ssyncset.done @!p0 $0x0  }
0xea: {  	[sflag:s6] =	ssyncadd.s32 @!p0 $0xFFFFFC00;
	s6 =	simm.s32 @!p0 $0xA  }
0xeb: {  	_ =	swait.ge @!p0 [sflag:s6], $0x400  }
0xec: {  	s8 =	simm.s32 @!p0 $0x1000;
	[sflag:s6] =	ssyncset.done @!p0 $0x0  }
0xed: {  	s9 =	simm.s32 @!p0 $0x800;
	[sflag:s6] =	ssyncadd.s32 @!p0 $0xFFFFFC00;
	s6 =	simm.s32 @!p0 $0x50  }
0xee: {  	[tilespmem:s8], [sflag:$0x1] =	stream.indirect.gather @!p0 [hbm4b:s4+s6], $0x80, s9, s6, $0xb8;
	[tilespmem:$0x1F000] =	vst v63  }
0xef: {  	s10 =	simm.s32 @!p0 $0x3;
	s8 =	simm.s32 @!p0 $0x880;
	s9 =	simm.s32 @!p0 $0x3800  }
0xf0: {  	[tilespmem:s9], [sflag:$0x2] =	stream.indirect.gather @!p0 [hbm4b:s4+s6], $0x80, s8, s6, $0xb8;
	[tilespmem:$0x1F000] =	vst v63  }
0xf1: {  	_ =	swait.ge @!p0 [sflag:s10], $0x2800  }
0xf2: {  	s8 =	simm.s32 @!p0 $0x4;
	[sflag:s10] =	ssyncset.done @!p0 $0x0  }
0xf3: {  	s9 =	simm.s32 @!p0 $0x700;
	[sflag:s10] =	ssyncadd.s32 @!p0 $0xFFFFD800;
	s10 =	simm.s32 @!p0 $0x6000  }
0xf4: {  	[spmem:s1] =	stream.indirect.scatter.add.f32 @!p0 [tilespmem:s10], [sflag:$0x7], $0x80, s9, s6, $0xb8;
	[tilespmem:$0x1F000] =	vst v63  }
0xf5: {  	_ =	swait.ge @!p0 [sflag:s8], $0x2800  }
0xf6: {  	s9 =	simm.s32 @!p0 $0x7;
	[sflag:s8] =	ssyncset.done @!p0 $0x0  }
0xf7: {  	s10 =	simm.s32 @!p0 $0x8800;
	[sflag:s8] =	ssyncadd.s32 @!p0 $0xFFFFD800;
	s8 =	simm.s32 @!p0 $0x780  }
0xf8: {  	[spmem:s1] =	stream.indirect.scatter.add.f32 @!p0 [tilespmem:s10], [sflag:$0x8], $0x80, s8, s6, $0xb8;
	[tilespmem:$0x1F000] =	vst v63  }
0xf9: {  	_ =	swait.ge @!p0 [sflag:s9], $0x2800  }
0xfa: {  	[sflag:s9] =	ssyncset.done @!p0 $0x0  }
0xfb: {  	s6 =	simm.s32 @!p0 $0x8;
	[sflag:s9] =	ssyncadd.s32 @!p0 $0xFFFFD800  }
0xfc: {  	_ =	swait.ge @!p0 [sflag:s6], $0x2800  }
0xfd: {  	[sflag:s6] =	ssyncset.done @!p0 $0x0  }
0xfe: {  	s9 =	rddreg [dreg:$0x6];
	[sflag:s6] =	ssyncadd.s32 @!p0 $0xFFFFD800  }
0xff: {  	[tilespmem:s15], [sflag:$0x3] =	stream.indirect.gather [hbm4b:s4+s14], $0x80, s9, s14, $0xb8;
	[tilespmem:$0x1F000] =	vst v63  }
0x100: {  	s10 =	rddreg [dreg:$0x7]  }
0x101: {  	[tilespmem:s16], [sflag:$0x4] =	stream.indirect.gather [hbm4b:s4+s14], $0x80, s10, s14, $0xb8;
	[tilespmem:$0x1F000] =	vst v63  }
0x102: {  	_ =	swait.ge [sflag:s17], $0x2800  }
0x103: {  	[sflag:s17] =	ssyncset.done $0x0  }
0x104: {  	[sflag:s17] =	ssyncadd.s32 $0xFFFFD800  }
0x105: {  	[spmem:s1] =	stream.indirect.scatter.add.f32 [tilespmem:s18], [sflag:$0x5], $0x80, s3, s14, $0xb8;
	[tilespmem:$0x1F000] =	vst v63  }
0x106: {  	_ =	swait.ge [sflag:s19], $0x2800  }
0x107: {  	[sflag:s19] =	ssyncset.done $0x0  }
0x108: {  	s8 =	rddreg [dreg:$0x8];
	[sflag:s19] =	ssyncadd.s32 $0xFFFFD800  }
0x109: {  	[spmem:s1] =	stream.indirect.scatter.add.f32 [tilespmem:s20], [sflag:$0x6], $0x80, s8, s14, $0xb8;
	[tilespmem:$0x1F000] =	vst v63  }
0x10a: {  	_ =	swait.ge [sflag:s21], $0x2800  }
0x10b: {  	[sflag:s21] =	ssyncset.done $0x0  }
0x10c: {  	[sflag:s21] =	ssyncadd.s32 $0xFFFFD800  }
0x10d: {  	_ =	swait.ge [sflag:s22], $0x2800  }
0x10e: {  	s9 =	sadd.s32 s0, s7;
	[sflag:s22] =	ssyncset.done $0x0  }
0x10f: {  	s10 =	sadd.s32 $0x80, s9;
	[sflag:s22] =	ssyncadd.s32 $0xFFFFD800  }
0x110: {  	[tilespmem:s23], [sflag:$0xB] =	stream.linear.gather [hbm4b:s10+s3], $0x400, $0x38;
	[tilespmem:$0x1F000] =	vst v63  }
0x111: {  	s6 =	sadd.s32 $0x8080, s9  }
0x112: {  	[tilespmem:s24], [sflag:$0xC] =	stream.linear.gather [hbm4b:s6+s3], $0x400, $0x38;
	[tilespmem:$0x1F000] =	vst v63  }
0x113: {  	s9 =	rddreg [dreg:$0x9]  }
0x114: {  	[tilespmem:s18], [sflag:$0x1] =	stream.indirect.gather [hbm4b:s4+s14], $0x80, s9, s14, $0xb8;
	[tilespmem:$0x1F000] =	vst v63  }
0x115: {  	s10 =	rddreg [dreg:$0xa]  }
0x116: {  	[tilespmem:s20], [sflag:$0x2] =	stream.indirect.gather [hbm4b:s4+s14], $0x80, s10, s14, $0xb8;
	[tilespmem:$0x1F000] =	vst v63  }
0x117: {  	_ =	swait.ge [sflag:s25], $0x2800  }
0x118: {  	[sflag:s25] =	ssyncset.done $0x0  }
0x119: {  	s9 =	rddreg [dreg:$0xb];
	[sflag:s25] =	ssyncadd.s32 $0xFFFFD800  }
0x11a: {  	[spmem:s1] =	stream.indirect.scatter.add.f32 [tilespmem:s15], [sflag:$0x7], $0x80, s9, s14, $0xb8;
	[tilespmem:$0x1F000] =	vst v63  }
0x11b: {  	_ =	swait.ge [sflag:s26], $0x2800  }
0x11c: {  	[sflag:s26] =	ssyncset.done $0x0  }
0x11d: {  	s10 =	rddreg [dreg:$0xc];
	[sflag:s26] =	ssyncadd.s32 $0xFFFFD800  }
0x11e: {  	[spmem:s1] =	stream.indirect.scatter.add.f32 [tilespmem:s16], [sflag:$0x8], $0x80, s10, s14, $0xb8;
	[tilespmem:$0x1F000] =	vst v63  }
0x11f: {  	_ =	swait.ge [sflag:s28], $0x2800  }
0x120: {  	[sflag:s28] =	ssyncset.done $0x0  }
0x121: {  	[sflag:s28] =	ssyncadd.s32 $0xFFFFD800  }
0x122: {  	_ =	swait.ge [sflag:s29], $0x2800  }
0x123: {  	[sflag:s29] =	ssyncset.done $0x0  }
0x124: {  	s8 =	rddreg [dreg:$0xd];
	[sflag:s29] =	ssyncadd.s32 $0xFFFFD800  }
0x125: {  	[tilespmem:s15], [sflag:$0x3] =	stream.indirect.gather [hbm4b:s4+s14], $0x80, s8, s14, $0xb8;
	[tilespmem:$0x1F000] =	vst v63  }
0x126: {  	s9 =	rddreg [dreg:$0xe]  }
0x127: {  	[tilespmem:s16], [sflag:$0x4] =	stream.indirect.gather [hbm4b:s4+s14], $0x80, s9, s14, $0xb8;
	[tilespmem:$0x1F000] =	vst v63  }
0x128: {  	_ =	swait.ge [sflag:s17], $0x2800  }
0x129: {  	[sflag:s17] =	ssyncset.done $0x0  }
0x12a: {  	s10 =	rddreg [dreg:$0xf];
	[sflag:s17] =	ssyncadd.s32 $0xFFFFD800  }
0x12b: {  	[spmem:s1] =	stream.indirect.scatter.add.f32 [tilespmem:s18], [sflag:$0x5], $0x80, s10, s14, $0xb8;
	[tilespmem:$0x1F000] =	vst v63  }
0x12c: {  	_ =	swait.ge [sflag:s19], $0x2800  }
0x12d: {  	[sflag:s19] =	ssyncset.done $0x0  }
0x12e: {  	s8 =	rddreg [dreg:$0x10];
	[sflag:s19] =	ssyncadd.s32 $0xFFFFD800  }
0x12f: {  	[spmem:s1] =	stream.indirect.scatter.add.f32 [tilespmem:s20], [sflag:$0x6], $0x80, s8, s14, $0xb8;
	[tilespmem:$0x1F000] =	vst v63  }
0x130: {  	_ =	swait.ge [sflag:s21], $0x2800  }
0x131: {  	[sflag:s21] =	ssyncset.done $0x0  }
0x132: {  	[sflag:s21] =	ssyncadd.s32 $0xFFFFD800  }
0x133: {  	_ =	swait.ge [sflag:s22], $0x2800  }
0x134: {  	[sflag:s22] =	ssyncset.done $0x0  }
0x135: {  	[sflag:s22] =	ssyncadd.s32 $0xFFFFD800  }
0x136: {  	_ =	swait.ge [sflag:s30], $0x400  }
0x137: {  	[sflag:s30] =	ssyncset.done $0x0  }
0x138: {  	[sflag:s30] =	ssyncadd.s32 $0xFFFFFC00  }
0x139: {  	_ =	swait.ge [sflag:s31], $0x400  }
0x13a: {  	[sflag:s31] =	ssyncset.done $0x0  }
0x13b: {  	[sflag:s31] =	ssyncadd.s32 $0xFFFFFC00  }
0x13c: {  	[tilespmem:s18], [sflag:$0x1] =	stream.indirect.gather [hbm4b:s4+s14], $0x80, s24, s14, $0xb8;
	[tilespmem:$0x1F000] =	vst v63  }
0x13d: {  	s9 =	rddreg [dreg:$0x11]  }
0x13e: {  	[tilespmem:s20], [sflag:$0x2] =	stream.indirect.gather [hbm4b:s4+s14], $0x80, s9, s14, $0xb8;
	[tilespmem:$0x1F000] =	vst v63  }
0x13f: {  	_ =	swait.ge [sflag:s25], $0x2800  }
0x140: {  	[sflag:s25] =	ssyncset.done $0x0  }
0x141: {  	s10 =	rddreg [dreg:$0x12];
	[sflag:s25] =	ssyncadd.s32 $0xFFFFD800  }
0x142: {  	[spmem:s1] =	stream.indirect.scatter.add.f32 [tilespmem:s15], [sflag:$0x7], $0x80, s10, s14, $0xb8;
	[tilespmem:$0x1F000] =	vst v63  }
0x143: {  	_ =	swait.ge [sflag:s26], $0x2800  }
0x144: {  	[sflag:s26] =	ssyncset.done $0x0  }
0x145: {  	s8 =	rddreg [dreg:$0x13];
	[sflag:s26] =	ssyncadd.s32 $0xFFFFD800  }
0x146: {  	[spmem:s1] =	stream.indirect.scatter.add.f32 [tilespmem:s16], [sflag:$0x8], $0x80, s8, s14, $0xb8;
	[tilespmem:$0x1F000] =	vst v63  }
0x147: {  	_ =	swait.ge [sflag:s28], $0x2800  }
0x148: {  	[sflag:s28] =	ssyncset.done $0x0  }
0x149: {  	[sflag:s28] =	ssyncadd.s32 $0xFFFFD800  }
0x14a: {  	_ =	swait.ge [sflag:s29], $0x2800  }
0x14b: {  	[sflag:s29] =	ssyncset.done $0x0  }
0x14c: {  	s9 =	rddreg [dreg:$0x14];
	[sflag:s29] =	ssyncadd.s32 $0xFFFFD800  }
0x14d: {  	[tilespmem:s15], [sflag:$0x3] =	stream.indirect.gather [hbm4b:s4+s14], $0x80, s9, s14, $0xb8;
	[tilespmem:$0x1F000] =	vst v63  }
0x14e: {  	s10 =	rddreg [dreg:$0x15]  }
0x14f: {  	[tilespmem:s16], [sflag:$0x4] =	stream.indirect.gather [hbm4b:s4+s14], $0x80, s10, s14, $0xb8;
	[tilespmem:$0x1F000] =	vst v63  }
0x150: {  	_ =	swait.ge [sflag:s17], $0x2800  }
0x151: {  	[sflag:s17] =	ssyncset.done $0x0  }
0x152: {  	[sflag:s17] =	ssyncadd.s32 $0xFFFFD800  }
0x153: {  	[spmem:s1] =	stream.indirect.scatter.add.f32 [tilespmem:s18], [sflag:$0x5], $0x80, s23, s14, $0xb8;
	[tilespmem:$0x1F000] =	vst v63  }
0x154: {  	_ =	swait.ge [sflag:s19], $0x2800  }
0x155: {  	[sflag:s19] =	ssyncset.done $0x0  }
0x156: {  	s9 =	rddreg [dreg:$0x16];
	[sflag:s19] =	ssyncadd.s32 $0xFFFFD800  }
0x157: {  	[spmem:s1] =	stream.indirect.scatter.add.f32 [tilespmem:s20], [sflag:$0x6], $0x80, s9, s14, $0xb8;
	[tilespmem:$0x1F000] =	vst v63  }
0x158: {  	_ =	swait.ge [sflag:s21], $0x2800  }
0x159: {  	s5 =	smov.u32 s2;
	[sflag:s21] =	ssyncset.done $0x0  }
0x15a: {  	p2 =	seq.s32 s5, $0x0;
	[sflag:s21] =	ssyncadd.s32 $0xFFFFD800  }
0x15b: {  	p0 =	por p2, p2;
	p2 =	seq.s32 s0, $0x300;
	_ =	swait.ge [sflag:s22], $0x2800  }
0x15c: {  	s9 =	simm.s32 @!p2 $0x0;
	s6 =	rddreg [dreg:$0x4];
	[sflag:s22] =	ssyncset.done $0x0  }
0x15d: {  	s8 =	rddreg [dreg:$0x5];
	[sflag:s22] =	ssyncadd.s32 $0xFFFFD800;
	s6 =	sadd.s32 @!p2 s0, s6  }
0x15e: {  	[tilespmem:s9], [sflag:$0x9] =	stream.linear.gather @!p2 [hbm4b:s6+s9], $0x400, $0x38;
	[tilespmem:$0x1F000] =	vst v63  }
0x15f: {  	s0 =	sadd.s32 @!p2 s0, s8;
	s6 =	simm.s32 @!p2 $0x800  }
0x160: {  	[tilespmem:s6], [sflag:$0xA] =	stream.linear.gather @!p2 [hbm4b:s0+s9], $0x400, $0x38;
	[tilespmem:$0x1F000] =	vst v63  }
0x161: {  	s10 =	rddreg [dreg:$0x17]  }
0x162: {  	[tilespmem:s18], [sflag:$0x1] =	stream.indirect.gather [hbm4b:s4+s14], $0x80, s10, s14, $0xb8;
	[tilespmem:$0x1F000] =	vst v63  }
0x163: {  	s9 =	rddreg [dreg:$0x18]  }
0x164: {  	[tilespmem:s20], [sflag:$0x2] =	stream.indirect.gather [hbm4b:s4+s14], $0x80, s9, s14, $0xb8;
	[tilespmem:$0x1F000] =	vst v63  }
0x165: {  	_ =	swait.ge [sflag:s25], $0x2800  }
0x166: {  	[sflag:s25] =	ssyncset.done $0x0  }
0x167: {  	s10 =	rddreg [dreg:$0x19];
	[sflag:s25] =	ssyncadd.s32 $0xFFFFD800  }
0x168: {  	[spmem:s1] =	stream.indirect.scatter.add.f32 [tilespmem:s15], [sflag:$0x7], $0x80, s10, s14, $0xb8;
	[tilespmem:$0x1F000] =	vst v63  }
0x169: {  	_ =	swait.ge [sflag:s26], $0x2800  }
0x16a: {  	[sflag:s26] =	ssyncset.done $0x0  }
0x16b: {  	s6 =	rddreg [dreg:$0x1a];
	[sflag:s26] =	ssyncadd.s32 $0xFFFFD800  }
0x16c: {  	[spmem:s1] =	stream.indirect.scatter.add.f32 [tilespmem:s16], [sflag:$0x8], $0x80, s6, s14, $0xb8;
	[tilespmem:$0x1F000] =	vst v63  }
0x16d: {  	_ =	swait.ge [sflag:s28], $0x2800  }
0x16e: {  	[sflag:s28] =	ssyncset.done $0x0  }
0x16f: {  	[sflag:s28] =	ssyncadd.s32 $0xFFFFD800  }
0x170: {  	_ =	swait.ge [sflag:s29], $0x2800  }
0x171: {  	[sflag:s29] =	ssyncset.done $0x0  }
0x172: {  	s8 =	rddreg [dreg:$0x1b];
	[sflag:s29] =	ssyncadd.s32 $0xFFFFD800  }
0x173: {  	[tilespmem:s15], [sflag:$0x3] =	stream.indirect.gather [hbm4b:s4+s14], $0x80, s8, s14, $0xb8;
	[tilespmem:$0x1F000] =	vst v63  }
0x174: {  	s9 =	rddreg [dreg:$0x1c]  }
0x175: {  	[tilespmem:s16], [sflag:$0x4] =	stream.indirect.gather [hbm4b:s4+s14], $0x80, s9, s14, $0xb8;
	[tilespmem:$0x1F000] =	vst v63  }
0x176: {  	s2 =	sadd.s32 $0x100, s2;
	_ =	swait.ge [sflag:s17], $0x2800  }
0x177: {  	p1 =	sne.s32 s2, $0x400;
	[sflag:s17] =	ssyncset.done $0x0  }
.Ltmp0:
0x178: {  	s10 =	rddreg [dreg:$0x1d];
	[sflag:s17] =	ssyncadd.s32 $0xFFFFD800;
	(pc) =	sbr.rel @p1 .LBB2_2-.Ltmp0, $4  }
0x179: {  	[spmem:s1] =	stream.indirect.scatter.add.f32 [tilespmem:s18], [sflag:$0x5], $0x80, s10, s14, $0xb8;
	[tilespmem:$0x1F000] =	vst v63  }
0x17a: {  	_ =	swait.ge [sflag:s19], $0x2800  }
0x17b: {  	[sflag:s19] =	ssyncset.done $0x0  }
0x17c: {  	s0 =	smov.u32 s5;
	s5 =	rddreg [dreg:$0x1e];
	[sflag:s19] =	ssyncadd.s32 $0xFFFFD800  }
0x17d: {  	[spmem:s1] =	stream.indirect.scatter.add.f32 [tilespmem:s20], [sflag:$0x6], $0x80, s5, s14, $0xb8;
	[tilespmem:$0x1F000] =	vst v63  }
0x17e: {  	s2 =	simm.s32 @p0 $0x9  }
0x17f: {  	_ =	swait.ge @p0 [sflag:s2], $0x400  }
0x180: {  	[sflag:s2] =	ssyncset.done @p0 $0x0  }
0x181: {  	[sflag:s2] =	ssyncadd.s32 @p0 $0xFFFFFC00;
	s2 =	simm.s32 @p0 $0xA  }
0x182: {  	_ =	swait.ge @p0 [sflag:s2], $0x400  }
0x183: {  	s5 =	simm.s32 @p0 $0x1000;
	[sflag:s2] =	ssyncset.done @p0 $0x0  }
0x184: {  	s6 =	simm.s32 @p0 $0x800;
	[sflag:s2] =	ssyncadd.s32 @p0 $0xFFFFFC00;
	s2 =	simm.s32 @p0 $0x50  }
0x185: {  	[tilespmem:s5], [sflag:$0x1] =	stream.indirect.gather @p0 [hbm4b:s4+s2], $0x80, s6, s2, $0xb8;
	[tilespmem:$0x1F000] =	vst v63  }
0x186: {  	s5 =	simm.s32 @p0 $0x880;
	s6 =	simm.s32 @p0 $0x3800  }
0x187: {  	[tilespmem:s6], [sflag:$0x2] =	stream.indirect.gather @p0 [hbm4b:s4+s2], $0x80, s5, s2, $0xb8;
	[tilespmem:$0x1F000] =	vst v63  }
0x188: {  	s2 =	simm.s32 @!p0 $0x5  }
0x189: {  	_ =	swait.ge @!p0 [sflag:s2], $0x2800  }
0x18a: {  	[sflag:s2] =	ssyncset.done @!p0 $0x0  }
0x18b: {  	[sflag:s2] =	ssyncadd.s32 @!p0 $0xFFFFD800;
	s2 =	simm.s32 @!p0 $0x6  }
0x18c: {  	_ =	swait.ge @!p0 [sflag:s2], $0x2800  }
0x18d: {  	[sflag:s2] =	ssyncset.done @!p0 $0x0  }
0x18e: {  	[sflag:s2] =	ssyncadd.s32 @!p0 $0xFFFFD800;
	s2 =	simm.s32 @!p0 $0x9  }
0x18f: {  	_ =	swait.ge @!p0 [sflag:s2], $0x400  }
0x190: {  	[sflag:s2] =	ssyncset.done @!p0 $0x0  }
0x191: {  	[sflag:s2] =	ssyncadd.s32 @!p0 $0xFFFFFC00;
	s2 =	simm.s32 @!p0 $0xA  }
0x192: {  	_ =	swait.ge @!p0 [sflag:s2], $0x400  }
0x193: {  	s5 =	simm.s32 @!p0 $0x1000;
	[sflag:s2] =	ssyncset.done @!p0 $0x0  }
0x194: {  	s6 =	simm.s32 @!p0 $0x800;
	[sflag:s2] =	ssyncadd.s32 @!p0 $0xFFFFFC00;
	s2 =	simm.s32 @!p0 $0x50  }
0x195: {  	[tilespmem:s5], [sflag:$0x1] =	stream.indirect.gather @!p0 [hbm4b:s4+s2], $0x80, s6, s2, $0xb8;
	[tilespmem:$0x1F000] =	vst v63  }
0x196: {  	s5 =	simm.s32 @!p0 $0x880;
	s6 =	simm.s32 @!p0 $0x3800  }
0x197: {  	[tilespmem:s6], [sflag:$0x2] =	stream.indirect.gather @!p0 [hbm4b:s4+s2], $0x80, s5, s2, $0xb8;
	[tilespmem:$0x1F000] =	vst v63  }
0x198: {  	s5 =	simm.s32 @!p0 $0x3  }
0x199: {  	_ =	swait.ge @!p0 [sflag:s5], $0x2800  }
0x19a: {  	[sflag:s5] =	ssyncset.done @!p0 $0x0  }
0x19b: {  	s6 =	simm.s32 @!p0 $0x6000;
	[sflag:s5] =	ssyncadd.s32 @!p0 $0xFFFFD800;
	s5 =	simm.s32 @!p0 $0x700  }
0x19c: {  	[spmem:s1] =	stream.indirect.scatter.add.f32 @!p0 [tilespmem:s6], [sflag:$0x7], $0x80, s5, s2, $0xb8;
	[tilespmem:$0x1F000] =	vst v63  }
0x19d: {  	s5 =	simm.s32 @!p0 $0x4  }
0x19e: {  	_ =	swait.ge @!p0 [sflag:s5], $0x2800  }
0x19f: {  	[sflag:s5] =	ssyncset.done @!p0 $0x0  }
0x1a0: {  	s6 =	simm.s32 @!p0 $0x8800;
	[sflag:s5] =	ssyncadd.s32 @!p0 $0xFFFFD800;
	s5 =	simm.s32 @!p0 $0x780  }
0x1a1: {  	[spmem:s1] =	stream.indirect.scatter.add.f32 @!p0 [tilespmem:s6], [sflag:$0x8], $0x80, s5, s2, $0xb8;
	[tilespmem:$0x1F000] =	vst v63  }
0x1a2: {  	s2 =	simm.s32 @!p0 $0x7  }
0x1a3: {  	_ =	swait.ge @!p0 [sflag:s2], $0x2800  }
0x1a4: {  	[sflag:s2] =	ssyncset.done @!p0 $0x0  }
0x1a5: {  	[sflag:s2] =	ssyncadd.s32 @!p0 $0xFFFFD800;
	s2 =	simm.s32 @!p0 $0x8  }
0x1a6: {  	_ =	swait.ge @!p0 [sflag:s2], $0x2800  }
0x1a7: {  	[sflag:s2] =	ssyncset.done @!p0 $0x0  }
0x1a8: {  	s9 =	rddreg [dreg:$0x6];
	[sflag:s2] =	ssyncadd.s32 @!p0 $0xFFFFD800  }
0x1a9: {  	[tilespmem:s15], [sflag:$0x3] =	stream.indirect.gather [hbm4b:s4+s14], $0x80, s9, s14, $0xb8;
	[tilespmem:$0x1F000] =	vst v63  }
0x1aa: {  	s10 =	rddreg [dreg:$0x7]  }
0x1ab: {  	[tilespmem:s16], [sflag:$0x4] =	stream.indirect.gather [hbm4b:s4+s14], $0x80, s10, s14, $0xb8;
	[tilespmem:$0x1F000] =	vst v63  }
0x1ac: {  	_ =	swait.ge [sflag:s17], $0x2800  }
0x1ad: {  	[sflag:s17] =	ssyncset.done $0x0  }
0x1ae: {  	[sflag:s17] =	ssyncadd.s32 $0xFFFFD800  }
0x1af: {  	[spmem:s1] =	stream.indirect.scatter.add.f32 [tilespmem:s18], [sflag:$0x5], $0x80, s3, s14, $0xb8;
	[tilespmem:$0x1F000] =	vst v63  }
0x1b0: {  	_ =	swait.ge [sflag:s19], $0x2800  }
0x1b1: {  	[sflag:s19] =	ssyncset.done $0x0  }
0x1b2: {  	s5 =	rddreg [dreg:$0x8];
	[sflag:s19] =	ssyncadd.s32 $0xFFFFD800  }
0x1b3: {  	[spmem:s1] =	stream.indirect.scatter.add.f32 [tilespmem:s20], [sflag:$0x6], $0x80, s5, s14, $0xb8;
	[tilespmem:$0x1F000] =	vst v63  }
0x1b4: {  	_ =	swait.ge [sflag:s21], $0x2800  }
0x1b5: {  	[sflag:s21] =	ssyncset.done $0x0  }
0x1b6: {  	[sflag:s21] =	ssyncadd.s32 $0xFFFFD800  }
0x1b7: {  	_ =	swait.ge [sflag:s22], $0x2800  }
0x1b8: {  	s6 =	sadd.s32 s0, s7;
	[sflag:s22] =	ssyncset.done $0x0  }
0x1b9: {  	s8 =	sadd.s32 $0x80, s6;
	[sflag:s22] =	ssyncadd.s32 $0xFFFFD800  }
0x1ba: {  	[tilespmem:s23], [sflag:$0xB] =	stream.linear.gather [hbm4b:s8+s3], $0x400, $0x38;
	[tilespmem:$0x1F000] =	vst v63  }
0x1bb: {  	s2 =	sadd.s32 $0x8080, s6  }
0x1bc: {  	[tilespmem:s24], [sflag:$0xC] =	stream.linear.gather [hbm4b:s2+s3], $0x400, $0x38;
	[tilespmem:$0x1F000] =	vst v63  }
0x1bd: {  	s9 =	rddreg [dreg:$0x9]  }
0x1be: {  	[tilespmem:s18], [sflag:$0x1] =	stream.indirect.gather [hbm4b:s4+s14], $0x80, s9, s14, $0xb8;
	[tilespmem:$0x1F000] =	vst v63  }
0x1bf: {  	s10 =	rddreg [dreg:$0xa]  }
0x1c0: {  	[tilespmem:s20], [sflag:$0x2] =	stream.indirect.gather [hbm4b:s4+s14], $0x80, s10, s14, $0xb8;
	[tilespmem:$0x1F000] =	vst v63  }
0x1c1: {  	_ =	swait.ge [sflag:s25], $0x2800  }
0x1c2: {  	[sflag:s25] =	ssyncset.done $0x0  }
0x1c3: {  	s6 =	rddreg [dreg:$0xb];
	[sflag:s25] =	ssyncadd.s32 $0xFFFFD800  }
0x1c4: {  	[spmem:s1] =	stream.indirect.scatter.add.f32 [tilespmem:s15], [sflag:$0x7], $0x80, s6, s14, $0xb8;
	[tilespmem:$0x1F000] =	vst v63  }
0x1c5: {  	_ =	swait.ge [sflag:s26], $0x2800  }
0x1c6: {  	[sflag:s26] =	ssyncset.done $0x0  }
0x1c7: {  	s8 =	rddreg [dreg:$0xc];
	[sflag:s26] =	ssyncadd.s32 $0xFFFFD800  }
0x1c8: {  	[spmem:s1] =	stream.indirect.scatter.add.f32 [tilespmem:s16], [sflag:$0x8], $0x80, s8, s14, $0xb8;
	[tilespmem:$0x1F000] =	vst v63  }
0x1c9: {  	_ =	swait.ge [sflag:s28], $0x2800  }
0x1ca: {  	[sflag:s28] =	ssyncset.done $0x0  }
0x1cb: {  	[sflag:s28] =	ssyncadd.s32 $0xFFFFD800  }
0x1cc: {  	_ =	swait.ge [sflag:s29], $0x2800  }
0x1cd: {  	[sflag:s29] =	ssyncset.done $0x0  }
0x1ce: {  	s9 =	rddreg [dreg:$0xd];
	[sflag:s29] =	ssyncadd.s32 $0xFFFFD800  }
0x1cf: {  	[tilespmem:s15], [sflag:$0x3] =	stream.indirect.gather [hbm4b:s4+s14], $0x80, s9, s14, $0xb8;
	[tilespmem:$0x1F000] =	vst v63  }
0x1d0: {  	s10 =	rddreg [dreg:$0xe]  }
0x1d1: {  	[tilespmem:s16], [sflag:$0x4] =	stream.indirect.gather [hbm4b:s4+s14], $0x80, s10, s14, $0xb8;
	[tilespmem:$0x1F000] =	vst v63  }
0x1d2: {  	_ =	swait.ge [sflag:s17], $0x2800  }
0x1d3: {  	[sflag:s17] =	ssyncset.done $0x0  }
0x1d4: {  	s6 =	rddreg [dreg:$0xf];
	[sflag:s17] =	ssyncadd.s32 $0xFFFFD800  }
0x1d5: {  	[spmem:s1] =	stream.indirect.scatter.add.f32 [tilespmem:s18], [sflag:$0x5], $0x80, s6, s14, $0xb8;
	[tilespmem:$0x1F000] =	vst v63  }
0x1d6: {  	_ =	swait.ge [sflag:s19], $0x2800  }
0x1d7: {  	[sflag:s19] =	ssyncset.done $0x0  }
0x1d8: {  	s8 =	rddreg [dreg:$0x10];
	[sflag:s19] =	ssyncadd.s32 $0xFFFFD800  }
0x1d9: {  	[spmem:s1] =	stream.indirect.scatter.add.f32 [tilespmem:s20], [sflag:$0x6], $0x80, s8, s14, $0xb8;
	[tilespmem:$0x1F000] =	vst v63  }
0x1da: {  	_ =	swait.ge [sflag:s21], $0x2800  }
0x1db: {  	[sflag:s21] =	ssyncset.done $0x0  }
0x1dc: {  	[sflag:s21] =	ssyncadd.s32 $0xFFFFD800  }
0x1dd: {  	_ =	swait.ge [sflag:s22], $0x2800  }
0x1de: {  	[sflag:s22] =	ssyncset.done $0x0  }
0x1df: {  	[sflag:s22] =	ssyncadd.s32 $0xFFFFD800  }
0x1e0: {  	_ =	swait.ge [sflag:s30], $0x400  }
0x1e1: {  	[sflag:s30] =	ssyncset.done $0x0  }
0x1e2: {  	[sflag:s30] =	ssyncadd.s32 $0xFFFFFC00  }
0x1e3: {  	_ =	swait.ge [sflag:s31], $0x400  }
0x1e4: {  	[sflag:s31] =	ssyncset.done $0x0  }
0x1e5: {  	[sflag:s31] =	ssyncadd.s32 $0xFFFFFC00  }
0x1e6: {  	[tilespmem:s18], [sflag:$0x1] =	stream.indirect.gather [hbm4b:s4+s14], $0x80, s24, s14, $0xb8;
	[tilespmem:$0x1F000] =	vst v63  }
0x1e7: {  	s9 =	rddreg [dreg:$0x11]  }
0x1e8: {  	[tilespmem:s20], [sflag:$0x2] =	stream.indirect.gather [hbm4b:s4+s14], $0x80, s9, s14, $0xb8;
	[tilespmem:$0x1F000] =	vst v63  }
0x1e9: {  	_ =	swait.ge [sflag:s25], $0x2800  }
0x1ea: {  	[sflag:s25] =	ssyncset.done $0x0  }
0x1eb: {  	s10 =	rddreg [dreg:$0x12];
	[sflag:s25] =	ssyncadd.s32 $0xFFFFD800  }
0x1ec: {  	[spmem:s1] =	stream.indirect.scatter.add.f32 [tilespmem:s15], [sflag:$0x7], $0x80, s10, s14, $0xb8;
	[tilespmem:$0x1F000] =	vst v63  }
0x1ed: {  	_ =	swait.ge [sflag:s26], $0x2800  }
0x1ee: {  	[sflag:s26] =	ssyncset.done $0x0  }
0x1ef: {  	s5 =	rddreg [dreg:$0x13];
	[sflag:s26] =	ssyncadd.s32 $0xFFFFD800  }
0x1f0: {  	[spmem:s1] =	stream.indirect.scatter.add.f32 [tilespmem:s16], [sflag:$0x8], $0x80, s5, s14, $0xb8;
	[tilespmem:$0x1F000] =	vst v63  }
0x1f1: {  	_ =	swait.ge [sflag:s28], $0x2800  }
0x1f2: {  	[sflag:s28] =	ssyncset.done $0x0  }
0x1f3: {  	[sflag:s28] =	ssyncadd.s32 $0xFFFFD800  }
0x1f4: {  	_ =	swait.ge [sflag:s29], $0x2800  }
0x1f5: {  	[sflag:s29] =	ssyncset.done $0x0  }
0x1f6: {  	s6 =	rddreg [dreg:$0x14];
	[sflag:s29] =	ssyncadd.s32 $0xFFFFD800  }
0x1f7: {  	[tilespmem:s15], [sflag:$0x3] =	stream.indirect.gather [hbm4b:s4+s14], $0x80, s6, s14, $0xb8;
	[tilespmem:$0x1F000] =	vst v63  }
0x1f8: {  	s8 =	rddreg [dreg:$0x15]  }
0x1f9: {  	[tilespmem:s16], [sflag:$0x4] =	stream.indirect.gather [hbm4b:s4+s14], $0x80, s8, s14, $0xb8;
	[tilespmem:$0x1F000] =	vst v63  }
0x1fa: {  	_ =	swait.ge [sflag:s17], $0x2800  }
0x1fb: {  	[sflag:s17] =	ssyncset.done $0x0  }
0x1fc: {  	[sflag:s17] =	ssyncadd.s32 $0xFFFFD800  }
0x1fd: {  	[spmem:s1] =	stream.indirect.scatter.add.f32 [tilespmem:s18], [sflag:$0x5], $0x80, s23, s14, $0xb8;
	[tilespmem:$0x1F000] =	vst v63  }
0x1fe: {  	_ =	swait.ge [sflag:s19], $0x2800  }
0x1ff: {  	[sflag:s19] =	ssyncset.done $0x0  }
0x200: {  	s9 =	rddreg [dreg:$0x16];
	[sflag:s19] =	ssyncadd.s32 $0xFFFFD800  }
0x201: {  	[spmem:s1] =	stream.indirect.scatter.add.f32 [tilespmem:s20], [sflag:$0x6], $0x80, s9, s14, $0xb8;
	[tilespmem:$0x1F000] =	vst v63  }
0x202: {  	_ =	swait.ge [sflag:s21], $0x2800  }
0x203: {  	[sflag:s21] =	ssyncset.done $0x0  }
0x204: {  	[sflag:s21] =	ssyncadd.s32 $0xFFFFD800  }
0x205: {  	p0 =	seq.s32 s0, $0x300;
	_ =	swait.ge [sflag:s22], $0x2800  }
0x206: {  	s6 =	simm.s32 @!p0 $0x0;
	s2 =	rddreg [dreg:$0x4];
	[sflag:s22] =	ssyncset.done $0x0  }
0x207: {  	s5 =	rddreg [dreg:$0x5];
	[sflag:s22] =	ssyncadd.s32 $0xFFFFD800;
	s2 =	sadd.s32 @!p0 s0, s2  }
0x208: {  	[tilespmem:s6], [sflag:$0x9] =	stream.linear.gather @!p0 [hbm4b:s2+s6], $0x400, $0x38;
	[tilespmem:$0x1F000] =	vst v63  }
0x209: {  	s0 =	sadd.s32 @!p0 s0, s5;
	s2 =	simm.s32 @!p0 $0x800  }
0x20a: {  	[tilespmem:s2], [sflag:$0xA] =	stream.linear.gather @!p0 [hbm4b:s0+s6], $0x400, $0x38;
	[tilespmem:$0x1F000] =	vst v63  }
0x20b: {  	s10 =	rddreg [dreg:$0x17]  }
0x20c: {  	[tilespmem:s18], [sflag:$0x1] =	stream.indirect.gather [hbm4b:s4+s14], $0x80, s10, s14, $0xb8;
	[tilespmem:$0x1F000] =	vst v63  }
0x20d: {  	s2 =	rddreg [dreg:$0x18]  }
0x20e: {  	[tilespmem:s20], [sflag:$0x2] =	stream.indirect.gather [hbm4b:s4+s14], $0x80, s2, s14, $0xb8;
	[tilespmem:$0x1F000] =	vst v63  }
0x20f: {  	_ =	swait.ge [sflag:s25], $0x2800  }
0x210: {  	[sflag:s25] =	ssyncset.done $0x0  }
0x211: {  	s6 =	rddreg [dreg:$0x19];
	[sflag:s25] =	ssyncadd.s32 $0xFFFFD800  }
0x212: {  	[spmem:s1] =	stream.indirect.scatter.add.f32 [tilespmem:s15], [sflag:$0x7], $0x80, s6, s14, $0xb8;
	[tilespmem:$0x1F000] =	vst v63  }
0x213: {  	_ =	swait.ge [sflag:s26], $0x2800  }
0x214: {  	[sflag:s26] =	ssyncset.done $0x0  }
0x215: {  	s8 =	rddreg [dreg:$0x1a];
	[sflag:s26] =	ssyncadd.s32 $0xFFFFD800  }
0x216: {  	[spmem:s1] =	stream.indirect.scatter.add.f32 [tilespmem:s16], [sflag:$0x8], $0x80, s8, s14, $0xb8;
	[tilespmem:$0x1F000] =	vst v63  }
0x217: {  	_ =	swait.ge [sflag:s28], $0x2800  }
0x218: {  	[sflag:s28] =	ssyncset.done $0x0  }
0x219: {  	[sflag:s28] =	ssyncadd.s32 $0xFFFFD800  }
0x21a: {  	_ =	swait.ge [sflag:s29], $0x2800  }
0x21b: {  	[sflag:s29] =	ssyncset.done $0x0  }
0x21c: {  	s9 =	rddreg [dreg:$0x1b];
	[sflag:s29] =	ssyncadd.s32 $0xFFFFD800  }
0x21d: {  	[tilespmem:s15], [sflag:$0x3] =	stream.indirect.gather [hbm4b:s4+s14], $0x80, s9, s14, $0xb8;
	[tilespmem:$0x1F000] =	vst v63  }
0x21e: {  	s10 =	rddreg [dreg:$0x1c]  }
0x21f: {  	[tilespmem:s16], [sflag:$0x4] =	stream.indirect.gather [hbm4b:s4+s14], $0x80, s10, s14, $0xb8;
	[tilespmem:$0x1F000] =	vst v63  }
0x220: {  	_ =	swait.ge [sflag:s17], $0x2800  }
0x221: {  	[sflag:s17] =	ssyncset.done $0x0  }
0x222: {  	s5 =	rddreg [dreg:$0x1d];
	[sflag:s17] =	ssyncadd.s32 $0xFFFFD800  }
0x223: {  	[spmem:s1] =	stream.indirect.scatter.add.f32 [tilespmem:s18], [sflag:$0x5], $0x80, s5, s14, $0xb8;
	[tilespmem:$0x1F000] =	vst v63  }
0x224: {  	_ =	swait.ge [sflag:s19], $0x2800  }
0x225: {  	[sflag:s19] =	ssyncset.done $0x0  }
0x226: {  	s6 =	rddreg [dreg:$0x1e];
	[sflag:s19] =	ssyncadd.s32 $0xFFFFD800  }
0x227: {  	[spmem:s1] =	stream.indirect.scatter.add.f32 [tilespmem:s20], [sflag:$0x6], $0x80, s6, s14, $0xb8;
	[tilespmem:$0x1F000] =	vst v63  }
0x228: {  	_ =	swait.ge [sflag:s21], $0x2800  }
0x229: {  	[sflag:s21] =	ssyncset.done $0x0  }
0x22a: {  	[sflag:s21] =	ssyncadd.s32 $0xFFFFD800  }
0x22b: {  	_ =	swait.ge [sflag:s22], $0x2800  }
0x22c: {  	[sflag:s22] =	ssyncset.done $0x0  }
0x22d: {  	[sflag:s22] =	ssyncadd.s32 $0xFFFFD800  }
0x22e: {  	_ =	swait.ge [sflag:s25], $0x2800  }
0x22f: {  	[sflag:s25] =	ssyncset.done $0x0  }
0x230: {  	s8 =	simm.s32 $0x700;
	[sflag:s25] =	ssyncadd.s32 $0xFFFFD800  }
0x231: {  	[spmem:s1] =	stream.indirect.scatter.add.f32 [tilespmem:s15], [sflag:$0x7], $0x80, s8, s14, $0xb8;
	[tilespmem:$0x1F000] =	vst v63  }
0x232: {  	_ =	swait.ge [sflag:s26], $0x2800  }
0x233: {  	[sflag:s26] =	ssyncset.done $0x0  }
0x234: {  	s9 =	simm.s32 $0x780;
	[sflag:s26] =	ssyncadd.s32 $0xFFFFD800  }
0x235: {  	[spmem:s1] =	stream.indirect.scatter.add.f32 [tilespmem:s16], [sflag:$0x8], $0x80, s9, s14, $0xb8;
	[tilespmem:$0x1F000] =	vst v63  }
0x236: {  	_ =	swait.ge [sflag:s28], $0x2800  }
0x237: {  	[sflag:s28] =	ssyncset.done $0x0  }
0x238: {  	[sflag:s28] =	ssyncadd.s32 $0xFFFFD800  }
0x239: {  	_ =	swait.ge [sflag:s29], $0x2800  }
0x23a: {  	[sflag:s29] =	ssyncset.done $0x0  }
0x23b: {  	[sflag:s29] =	ssyncadd.s32 $0xFFFFD800  }
0x23c: {  	[bflag:$0x0] =	sbarrier.arrive $0xFFFF  }
0x23d: {  	s10 =	sld [smem:$0x7FB]  }
0x23e: {  	s2 =	sld [smem:$0x7FD];
	_ =	sdelay $0x2  }
0x23f: {  	[hbm:s10], [sflag:s11] =	dma.local [spmem:s2], $0x2800  }
0x240: {  	_ =	swait.ge [sflag:s12], $0x2800  }
0x241: {  	s6 =	smov.u32 s11;
	s11 =	sld [smem:$0x7FC];
	_ =	sdelay $0x1  }
0x242: {  	s13 =	sadd.s32 $0x1, s13  }
0x243: {  	p0 =	sne.s32 s13, s11  }
.Ltmp1:
0x244: {  	_ = 	snop;
	(pc) =	sbr.rel @p0 .LBB2_1-.Ltmp1, $3  }
0x245: {  	_ =	sdelay $0x1  }
0x246: {  	[sflag:s12] =	ssyncset.done $0x0  }
0x247: {  	[sflag:s12] =	ssyncadd.s32 $0xFFFFD800  }
0x248: {  	_ =	sfence.sel $0x180000  }
0x249: {  	[bflag:$0x0] =	sbarrier.arrive $0xFFFF  }
0x24a: {  	_ =	strace $0x90000047  }
0x24b: {  	s0 =	stileid.u32;
	[bflag:$0x2] =	sbarrier.arrive $0xFFFF  }
0x24c: {  	p0 =	sne.s32 s0, $0x0;
	s0 =	rddreg [dreg:$0x3]  }
0x24d: {  	s0 =	sadd.s32 @!p0 $0x100000, s0  }
0x24e: {  	[sflag:s0] =	ssyncadd.tile.s32 @!p0 $0x1;
	_ =	shalt  }
.Lfunc_end2:
_tile_overlayer_lowered:
.L_overlay_start_2:
0x24f: {  	(tag) =	ssettag $0x2  }
0x250: {  	s0 =	rddreg [dreg:$0x0];
	s2 =	stileid.u32  }
0x251: {  	s1 =	rddreg [dreg:$0x1];
	p0 =	sne.s32 s2, $0x0  }
0x252: {  	s3 =	rddreg [dreg:$0x2];
	[bflag:$0x3] =	sbarrier.arrive $0xFFFF;
	s2 =	simm.s32 @!p0 $0x1C0D  }
0x253: {  	[timem:s3], [sflag:s2] =	dma.local @!p0 [hbm:s0], s1  }
0x254: {  	s0 =	simm.s32 @!p0 $0xD  }
0x255: {  	_ =	swait.ge @!p0 [sflag:s0], s1  }
0x256: {  	s1 =	ssub.s32 @!p0 $0x0, s1;
	[sflag:s0] =	ssyncset.done @!p0 $0x0  }
0x257: {  	[sflag:s0] =	ssyncadd.s32 @!p0 s1  }
0x258: {  	[bflag:$0x3] =	sbarrier.arrive $0xFFFF  }
0x259: {  	_ =	shalt  }

</sc_bundles>
